<compile_context>
chip_gen: v7x
topology: tpu7x:2x2x1
jax: 0.10.2.dev20260603
libtpu: 0.0.44.dev20260713+nightly
codegen_flags: <defaults>
</compile_context>

<pallas_src>
import functools

import jax
import jax.numpy as jnp
from jax import lax
from jax.experimental import pallas as pl
from jax.experimental.pallas import tpu as pltpu
from jax.experimental.pallas import tpu_sc as plsc

N_D = 5000
N_M = 5000
N = N_D + N_M
E = 320000
EMB = 128

NC = 2
NS = 16
NW = NC * NS
NP = 10112
ROWS_PER_TILE = NP // NS

CHUNK_S = 32
NCHUNK_S = 320
EPP_S = NCHUNK_S * CHUNK_S
SLOTS = 5

CHUNK_D = 88
NCHUNK_D = 116
EPP_D = NCHUNK_D * CHUNK_D
DBUF = 4

_MESH = plsc.VectorSubcoreMesh(core_axis_name="c", subcore_axis_name="s")


def _worker_ids():
  c = lax.axis_index("c")
  s = lax.axis_index("s")
  return c, s, s * NC + c


def _seg_sum(h, src3, dst3, z2):

  def body(h_hbm, src_hbm, dst_hbm, z2_hbm, agg_hbm, *rest):
    rows = rest[0:SLOTS]
    o = SLOTS
    idx_s = [rest[o + 2 * b: o + 2 * b + 2] for b in range(SLOTS)]
    o += 2 * SLOTS
    idx_d = [rest[o + 2 * b: o + 2 * b + 2] for b in range(SLOTS)]
    o += 2 * SLOTS
    acc_sh = rest[o]
    o += 1
    gsem = rest[o: o + SLOTS]
    o += SLOTS
    isem = [rest[o + 2 * b: o + 2 * b + 2] for b in range(SLOTS)]

    c, s, wid = _worker_ids()
    r0 = s * ROWS_PER_TILE

    pltpu.sync_copy(z2_hbm.at[pl.ds(r0, ROWS_PER_TILE)],
                    acc_sh.at[pl.ds(r0, ROWS_PER_TILE)])

    for b in range(SLOTS):
      for gen in range(2):
        jj = gen * SLOTS + b
        pltpu.async_copy(src_hbm.at[wid, jj], idx_s[b][gen], isem[b][gen])
        pltpu.async_copy(dst_hbm.at[wid, jj], idx_d[b][gen], isem[b][gen])
    for b in range(SLOTS):
      pltpu.make_async_copy(src_hbm.at[wid, b], idx_s[b][0],
                            isem[b][0]).wait()
      pltpu.make_async_copy(dst_hbm.at[wid, b], idx_d[b][0],
                            isem[b][0]).wait()
      pltpu.async_copy(h_hbm.at[idx_s[b][0]], rows[b], gsem[b])

    plsc.subcore_barrier()

    def pair_body(g2, carry):
      for p in range(2):
        g = g2 * 2 + p
        for b in range(SLOTS):
          j = g * SLOTS + b
          pltpu.make_async_copy(h_hbm.at[idx_s[b][p]], rows[b],
                                gsem[b]).wait()
          pltpu.sync_copy(rows[b], acc_sh.at[idx_d[b][p]], add=True)

          @pl.when(j + 2 * SLOTS < NCHUNK_S)
          def _():
            pltpu.async_copy(src_hbm.at[wid, j + 2 * SLOTS], idx_s[b][p],
                             isem[b][p])
            pltpu.async_copy(dst_hbm.at[wid, j + 2 * SLOTS], idx_d[b][p],
                             isem[b][p])

          @pl.when(j + SLOTS < NCHUNK_S)
          def _():
            pltpu.make_async_copy(src_hbm.at[wid, j + SLOTS],
                                  idx_s[b][1 - p], isem[b][1 - p]).wait()
            pltpu.make_async_copy(dst_hbm.at[wid, j + SLOTS],
                                  idx_d[b][1 - p], isem[b][1 - p]).wait()
            pltpu.async_copy(h_hbm.at[idx_s[b][1 - p]], rows[b], gsem[b])
      return carry

    lax.fori_loop(0, NCHUNK_S // (2 * SLOTS), pair_body, 0)
    plsc.subcore_barrier()

    pltpu.sync_copy(acc_sh.at[pl.ds(r0, ROWS_PER_TILE)],
                    agg_hbm.at[c, pl.ds(r0, ROWS_PER_TILE)])

  return pl.kernel(
      body,
      out_type=jax.ShapeDtypeStruct((NC, NP, EMB), jnp.float32),
      mesh=_MESH,
      scratch_types=(
          [pltpu.VMEM((CHUNK_S, EMB), jnp.float32) for _ in range(SLOTS)]
          + [pltpu.VMEM((CHUNK_S,), jnp.int32) for _ in range(2 * SLOTS)]
          + [pltpu.VMEM((CHUNK_S,), jnp.int32) for _ in range(2 * SLOTS)]
          + [pltpu.VMEM_SHARED((NP, EMB), jnp.float32)]
          + [pltpu.SemaphoreType.DMA for _ in range(SLOTS)]
          + [pltpu.SemaphoreType.DMA for _ in range(2 * SLOTS)]
      ),
  )(h, src3, dst3, z2)


def _deg_count(dst3, z2, ones):

  def body(dst_hbm, z2_hbm, ones_hbm, deg_hbm, *rest):
    idx_d = rest[0]
    ones_v = rest[1]
    acc_sh = rest[2]
    ssem = rest[3:3 + DBUF]
    c, s, wid = _worker_ids()
    r0 = s * ROWS_PER_TILE

    pltpu.sync_copy(z2_hbm.at[pl.ds(r0, ROWS_PER_TILE)],
                    acc_sh.at[pl.ds(r0, ROWS_PER_TILE)])
    pltpu.sync_copy(ones_hbm, ones_v)
    pltpu.sync_copy(dst_hbm.at[wid], idx_d)
    plsc.subcore_barrier()

    for b in range(DBUF):
      pltpu.async_copy(ones_v, acc_sh.at[idx_d.at[b]], ssem[b], add=True)

    def group_body(g, carry):
      for b in range(DBUF):
        j = g * DBUF + b
        pltpu.make_async_copy(ones_v, acc_sh.at[idx_d.at[j]], ssem[b]).wait()

        @pl.when(j + DBUF < NCHUNK_D)
        def _():
          pltpu.async_copy(ones_v, acc_sh.at[idx_d.at[j + DBUF]], ssem[b],
                           add=True)
      return carry

    lax.fori_loop(0, NCHUNK_D // DBUF, group_body, 0)
    plsc.subcore_barrier()

    pltpu.sync_copy(acc_sh.at[pl.ds(r0, ROWS_PER_TILE)],
                    deg_hbm.at[c, pl.ds(r0, ROWS_PER_TILE)])

  return pl.kernel(
      body,
      out_type=jax.ShapeDtypeStruct((NC, NP, EMB), jnp.float32),
      mesh=_MESH,
      scratch_types=(
          [pltpu.VMEM((NCHUNK_D, CHUNK_D), jnp.int32),
           pltpu.VMEM((CHUNK_D, EMB), jnp.float32),
           pltpu.VMEM_SHARED((NP, EMB), jnp.float32)]
          + [pltpu.SemaphoreType.DMA for _ in range(DBUF)]
      ),
  )(dst3, z2, ones)


def _linear(x, w, b, block_rows):
  m, k = x.shape
  _, o = w.shape

  def body(x_ref, w_ref, b_ref, o_ref):
    o_ref[...] = (
        jnp.dot(x_ref[...], w_ref[...], preferred_element_type=jnp.float32)
        + b_ref[...])

  return pl.pallas_call(
      body,
      grid=(m // block_rows,),
      in_specs=[
          pl.BlockSpec((block_rows, k), lambda i: (i, 0)),
          pl.BlockSpec((k, o), lambda i: (0, 0)),
          pl.BlockSpec((o,), lambda i: (0,)),
      ],
      out_specs=pl.BlockSpec((block_rows, o), lambda i: (i, 0)),
      out_shape=jax.ShapeDtypeStruct((m, o), jnp.float32),
  )(x, w, b)


def _sage_layer(hx, pp, degs, w_s, w_n, b, relu, block_rows=1264):
  m, k = hx.shape
  _, o = w_s.shape

  def body(h_ref, pp_ref, d_ref, ws_ref, wn_ref, b_ref, o_ref):
    recip = 1.0 / jnp.maximum(d_ref[0] + d_ref[1], 1.0)
    agg = (pp_ref[0] + pp_ref[1]) * recip
    acc = jnp.dot(h_ref[...], ws_ref[...], preferred_element_type=jnp.float32)
    acc = acc + jnp.dot(agg, wn_ref[...], preferred_element_type=jnp.float32)
    acc = acc + b_ref[...]
    if relu:
      acc = jnp.maximum(acc, 0.0)
    o_ref[...] = acc

  return pl.pallas_call(
      body,
      grid=(m // block_rows,),
      in_specs=[
          pl.BlockSpec((block_rows, k), lambda i: (i, 0)),
          pl.BlockSpec((NC, block_rows, k), lambda i: (0, i, 0)),
          pl.BlockSpec((NC, block_rows, 1), lambda i: (0, i, 0)),
          pl.BlockSpec((k, o), lambda i: (0, 0)),
          pl.BlockSpec((k, o), lambda i: (0, 0)),
          pl.BlockSpec((o,), lambda i: (0,)),
      ],
      out_specs=pl.BlockSpec((block_rows, o), lambda i: (i, 0)),
      out_shape=jax.ShapeDtypeStruct((m, o), jnp.float32),
  )(hx, pp, degs, w_s, w_n, b)


def kernel(d_features, m_features, edge_index, W_d, b_d, W_m, b_m,
           W_self1, W_neigh1, b1, W_self2, W_neigh2, b2):
  ei = edge_index.astype(jnp.int32)
  npad_s = NW * EPP_S - E
  pad_s = jnp.arange(npad_s, dtype=jnp.int32)
  src3 = jnp.concatenate([ei[0], pad_s % N]).reshape(NW, NCHUNK_S, CHUNK_S)
  dst3 = jnp.concatenate([ei[1], N + pad_s % (NP - N)]
                         ).reshape(NW, NCHUNK_S, CHUNK_S)
  npad_d = NW * EPP_D - E
  pad_d = jnp.arange(npad_d, dtype=jnp.int32)
  dst3d = jnp.concatenate([ei[1], N + pad_d % (NP - N)]
                          ).reshape(NW, NCHUNK_D, CHUNK_D)

  z2 = jnp.zeros((NP, EMB), jnp.float32)
  ones = jnp.ones((CHUNK_D, EMB), jnp.float32)

  degp = _deg_count(dst3d, z2, ones)
  degs = degp[:, :, 0:1]

  h_d = _linear(d_features, W_d, b_d, 1000)
  h_m = _linear(m_features, W_m, b_m, 1000)
  h = jnp.concatenate([h_d, h_m, jnp.zeros((NP - N, EMB), jnp.float32)],
                      axis=0)

  agg1 = _seg_sum(h, src3, dst3, z2)
  h1 = _sage_layer(h, agg1, degs, W_self1, W_neigh1, b1, True)

  agg2 = _seg_sum(h1, src3, dst3, z2)
  h2 = _sage_layer(h1, agg2, degs, W_self2, W_neigh2, b2, False)
  return h2[:N]

# --- scband reference (transcript-rebuilt; emitter-appended) ---
"""Pipeline reference for scband-graph-sencoder-86784109183557 (READ-ONLY COPY).

The authoritative reference and input builder live on the scoring server;
editing this copy changes nothing except your own understanding.
"""

import jax, jax.numpy as jnp
import numpy as np

N_D = 5000
N_M = 5000
N = N_D + N_M
E = 320000
EMB = 128
H = 128


def setup_inputs(seed: int = 0) -> dict:
    key = jax.random.key(seed)
    ks = jax.random.split(key, 16)
    d_features = jax.random.normal(ks[0], (N_D, 383), dtype=jnp.float32)
    m_features = jax.random.normal(ks[1], (N_M, 495), dtype=jnp.float32)
    edge_index = jax.random.randint(ks[2], (2, E), 0, N, dtype=jnp.int32).astype(jnp.int64)
    # learned parameters
    W_d = jax.random.normal(ks[3], (383, EMB), dtype=jnp.float32) / np.sqrt(383.0)
    b_d = jnp.zeros((EMB,), dtype=jnp.float32)
    W_m = jax.random.normal(ks[4], (495, EMB), dtype=jnp.float32) / np.sqrt(495.0)
    b_m = jnp.zeros((EMB,), dtype=jnp.float32)
    W_self1 = jax.random.normal(ks[5], (EMB, H), dtype=jnp.float32) / np.sqrt(float(EMB))
    W_neigh1 = jax.random.normal(ks[6], (EMB, H), dtype=jnp.float32) / np.sqrt(float(EMB))
    b1 = jnp.zeros((H,), dtype=jnp.float32)
    W_self2 = jax.random.normal(ks[7], (H, H), dtype=jnp.float32) / np.sqrt(float(H))
    W_neigh2 = jax.random.normal(ks[8], (H, H), dtype=jnp.float32) / np.sqrt(float(H))
    b2 = jnp.zeros((H,), dtype=jnp.float32)
    return {
        'd_features': d_features, 'm_features': m_features, 'edge_index': edge_index,
        'W_d': W_d, 'b_d': b_d, 'W_m': W_m, 'b_m': b_m,
        'W_self1': W_self1, 'W_neigh1': W_neigh1, 'b1': b1,
        'W_self2': W_self2, 'W_neigh2': W_neigh2, 'b2': b2,
    }


def reference(d_features, m_features, edge_index, W_d, b_d, W_m, b_m,
              W_self1, W_neigh1, b1, W_self2, W_neigh2, b2):
    # node embedding projections (torch.no_grad in original -> stop_gradient)
    # dropout is identity in eval mode
    h_d = d_features @ W_d + b_d
    h_m = m_features @ W_m + b_m
    h = jnp.concatenate([h_d, h_m], axis=0)  # disease nodes first, then mirna
    h = jax.lax.stop_gradient(h)

    src = edge_index[0]
    dst = edge_index[1]
    deg = jax.ops.segment_sum(jnp.ones((E,), dtype=jnp.float32), dst, num_segments=N)
    deg = jnp.maximum(deg, 1.0)

    def sage_conv(hx, Ws, Wn, b):
        # DGL SAGEConv with 'mean' aggregator: fc_self(h) + fc_neigh(mean_neigh(h))
        gathered = jnp.take(hx, src, axis=0)
        h_neigh = jax.ops.segment_sum(gathered, dst, num_segments=N) / deg[:, None]
        return hx @ Ws + h_neigh @ Wn + b

    h1 = jax.nn.relu(sage_conv(h, W_self1, W_neigh1, b1))
    h2 = sage_conv(h1, W_self2, W_neigh2, b2)
    return h2

if __name__ == "__main__":
    import jax
    _d = setup_inputs()
    print(jax.jit(kernel)(*tuple(_d.values())))

</pallas_src>

<mosaic_0001>
#map = affine_map<(d0, d1) -> (0, 0)>
#map1 = affine_map<(d0, d1) -> (0, 0, 0)>
module attributes {stable_mosaic.version = 14 : i64} {
  func.func @body(%arg0: i32, %arg1: i32, %arg2: memref<10112x128xf32, #tpu.memory_space<hbm>>, %arg3: memref<32x320x32xi32, #tpu.memory_space<hbm>>, %arg4: memref<32x320x32xi32, #tpu.memory_space<hbm>>, %arg5: memref<10112x128xf32, #tpu.memory_space<hbm>>, %arg6: memref<2x10112x128xf32, #tpu.memory_space<hbm>>, %arg7: memref<32x128xf32, #tpu.memory_space<vmem>>, %arg8: memref<32x128xf32, #tpu.memory_space<vmem>>, %arg9: memref<32x128xf32, #tpu.memory_space<vmem>>, %arg10: memref<32x128xf32, #tpu.memory_space<vmem>>, %arg11: memref<32x128xf32, #tpu.memory_space<vmem>>, %arg12: memref<32xi32, #tpu.memory_space<vmem>>, %arg13: memref<32xi32, #tpu.memory_space<vmem>>, %arg14: memref<32xi32, #tpu.memory_space<vmem>>, %arg15: memref<32xi32, #tpu.memory_space<vmem>>, %arg16: memref<32xi32, #tpu.memory_space<vmem>>, %arg17: memref<32xi32, #tpu.memory_space<vmem>>, %arg18: memref<32xi32, #tpu.memory_space<vmem>>, %arg19: memref<32xi32, #tpu.memory_space<vmem>>, %arg20: memref<32xi32, #tpu.memory_space<vmem>>, %arg21: memref<32xi32, #tpu.memory_space<vmem>>, %arg22: memref<32xi32, #tpu.memory_space<vmem>>, %arg23: memref<32xi32, #tpu.memory_space<vmem>>, %arg24: memref<32xi32, #tpu.memory_space<vmem>>, %arg25: memref<32xi32, #tpu.memory_space<vmem>>, %arg26: memref<32xi32, #tpu.memory_space<vmem>>, %arg27: memref<32xi32, #tpu.memory_space<vmem>>, %arg28: memref<32xi32, #tpu.memory_space<vmem>>, %arg29: memref<32xi32, #tpu.memory_space<vmem>>, %arg30: memref<32xi32, #tpu.memory_space<vmem>>, %arg31: memref<32xi32, #tpu.memory_space<vmem>>, %arg32: memref<10112x128xf32, #tpu.memory_space<vmem_shared>>, %arg33: memref<!tpu.dma_semaphore, #tpu.memory_space<semaphore_mem>>, %arg34: memref<!tpu.dma_semaphore, #tpu.memory_space<semaphore_mem>>, %arg35: memref<!tpu.dma_semaphore, #tpu.memory_space<semaphore_mem>>, %arg36: memref<!tpu.dma_semaphore, #tpu.memory_space<semaphore_mem>>, %arg37: memref<!tpu.dma_semaphore, #tpu.memory_space<semaphore_mem>>, %arg38: memref<!tpu.dma_semaphore, #tpu.memory_space<semaphore_mem>>, %arg39: memref<!tpu.dma_semaphore, #tpu.memory_space<semaphore_mem>>, %arg40: memref<!tpu.dma_semaphore, #tpu.memory_space<semaphore_mem>>, %arg41: memref<!tpu.dma_semaphore, #tpu.memory_space<semaphore_mem>>, %arg42: memref<!tpu.dma_semaphore, #tpu.memory_space<semaphore_mem>>, %arg43: memref<!tpu.dma_semaphore, #tpu.memory_space<semaphore_mem>>, %arg44: memref<!tpu.dma_semaphore, #tpu.memory_space<semaphore_mem>>, %arg45: memref<!tpu.dma_semaphore, #tpu.memory_space<semaphore_mem>>, %arg46: memref<!tpu.dma_semaphore, #tpu.memory_space<semaphore_mem>>, %arg47: memref<!tpu.dma_semaphore, #tpu.memory_space<semaphore_mem>>) attributes {dimension_semantics = [#tpu.dimension_semantics<core_parallel>, #tpu.dimension_semantics<subcore_parallel>], iteration_bounds = array<i64: 2, 16>, scalar_prefetch = 0 : i64, scratch_operands = 41 : i64, tpu.core_type = #tpu.core_type<sc_vector_subcore>, window_params = [{transform_indices = #map}, {transform_indices = #map1}, {transform_indices = #map1}, {transform_indices = #map}, {transform_indices = #map1}]} {
    %mul3A = arith.constant 2 : i32
    %mul3A_0 = arith.muli %arg1, %mul3A : i32
    %add3A = arith.addi %mul3A_0, %arg0 : i32
    %mul3A_1 = arith.constant 632 : i32
    %mul3A_2 = arith.muli %arg1, %mul3A_1 : i32
    "tpu.region"() ({
      %run_scoped3A = tpu.sem_alloc : memref<!tpu.dma_semaphore, #tpu.memory_space<semaphore_mem>>
      %dma_start3A_232 = arith.constant 0 : i32
      %dma_start3A_233 = tpu.memref_slice %arg32[%mul3A_2, %dma_start3A_232] : memref<10112x128xf32, #tpu.memory_space<vmem_shared>> -> memref<632x128xf32, #tpu.memory_space<vmem_shared>>
      %dma_start3A_234 = arith.constant 0 : i32
      %dma_start3A_235 = tpu.memref_slice %arg5[%mul3A_2, %dma_start3A_234] : memref<10112x128xf32, #tpu.memory_space<hbm>> -> memref<632x128xf32, #tpu.memory_space<hbm>>
      tpu.enqueue_dma source(%dma_start3A_235 : memref<632x128xf32, #tpu.memory_space<hbm>>) target(%dma_start3A_233 : memref<632x128xf32, #tpu.memory_space<vmem_shared>>) target_semaphore(%run_scoped3A : memref<!tpu.dma_semaphore, #tpu.memory_space<semaphore_mem>>)
      %dma_wait3A_236 = arith.constant 0 : i32
      %dma_wait3A_237 = tpu.memref_slice %arg32[%mul3A_2, %dma_wait3A_236] : memref<10112x128xf32, #tpu.memory_space<vmem_shared>> -> memref<632x128xf32, #tpu.memory_space<vmem_shared>>
      %dma_wait3A_238 = arith.constant 0 : i32
      %dma_wait3A_239 = tpu.memref_slice %arg5[%mul3A_2, %dma_wait3A_238] : memref<10112x128xf32, #tpu.memory_space<hbm>> -> memref<632x128xf32, #tpu.memory_space<hbm>>
      tpu.wait_dma2 semaphore(%run_scoped3A : memref<!tpu.dma_semaphore, #tpu.memory_space<semaphore_mem>>) src(%dma_wait3A_239 : memref<632x128xf32, #tpu.memory_space<hbm>>) dst(%dma_wait3A_237 : memref<632x128xf32, #tpu.memory_space<vmem_shared>>)
      tpu.yield
    }) : () -> ()
    %dma_start3A = arith.constant 0 : i32
    %dma_start3A_3 = arith.constant 0 : i32
    %dma_start3A_4 = tpu.memref_slice %arg3[%add3A, %dma_start3A, %dma_start3A_3] : memref<32x320x32xi32, #tpu.memory_space<hbm>> -> memref<1x1x32xi32, #tpu.memory_space<hbm>>
    %dma_start3A_5 = tpu.memref_squeeze %dma_start3A_4 : memref<1x1x32xi32, #tpu.memory_space<hbm>> -> memref<32xi32, #tpu.memory_space<hbm>>
    %dma_start3A_6 = arith.constant 0 : i32
    %dma_start3A_7 = tpu.memref_slice %arg3[%add3A, %dma_start3A, %dma_start3A_6] : memref<32x320x32xi32, #tpu.memory_space<hbm>> -> memref<1x1x32xi32, #tpu.memory_space<hbm>>
    %dma_start3A_8 = tpu.memref_squeeze %dma_start3A_7 : memref<1x1x32xi32, #tpu.memory_space<hbm>> -> memref<32xi32, #tpu.memory_space<hbm>>
    tpu.enqueue_dma source(%dma_start3A_8 : memref<32xi32, #tpu.memory_space<hbm>>) target(%arg12 : memref<32xi32, #tpu.memory_space<vmem>>) target_semaphore(%arg38 : memref<!tpu.dma_semaphore, #tpu.memory_space<semaphore_mem>>)
    %dma_start3A_9 = arith.constant 0 : i32
    %dma_start3A_10 = arith.constant 0 : i32
    %dma_start3A_11 = tpu.memref_slice %arg4[%add3A, %dma_start3A_9, %dma_start3A_10] : memref<32x320x32xi32, #tpu.memory_space<hbm>> -> memref<1x1x32xi32, #tpu.memory_space<hbm>>
    %dma_start3A_12 = tpu.memref_squeeze %dma_start3A_11 : memref<1x1x32xi32, #tpu.memory_space<hbm>> -> memref<32xi32, #tpu.memory_space<hbm>>
    %dma_start3A_13 = arith.constant 0 : i32
    %dma_start3A_14 = tpu.memref_slice %arg4[%add3A, %dma_start3A_9, %dma_start3A_13] : memref<32x320x32xi32, #tpu.memory_space<hbm>> -> memref<1x1x32xi32, #tpu.memory_space<hbm>>
    %dma_start3A_15 = tpu.memref_squeeze %dma_start3A_14 : memref<1x1x32xi32, #tpu.memory_space<hbm>> -> memref<32xi32, #tpu.memory_space<hbm>>
    tpu.enqueue_dma source(%dma_start3A_15 : memref<32xi32, #tpu.memory_space<hbm>>) target(%arg22 : memref<32xi32, #tpu.memory_space<vmem>>) target_semaphore(%arg38 : memref<!tpu.dma_semaphore, #tpu.memory_space<semaphore_mem>>)
    %dma_start3A_16 = arith.constant 5 : i32
    %dma_start3A_17 = arith.constant 0 : i32
    %dma_start3A_18 = tpu.memref_slice %arg3[%add3A, %dma_start3A_16, %dma_start3A_17] : memref<32x320x32xi32, #tpu.memory_space<hbm>> -> memref<1x1x32xi32, #tpu.memory_space<hbm>>
    %dma_start3A_19 = tpu.memref_squeeze %dma_start3A_18 : memref<1x1x32xi32, #tpu.memory_space<hbm>> -> memref<32xi32, #tpu.memory_space<hbm>>
    %dma_start3A_20 = arith.constant 0 : i32
    %dma_start3A_21 = tpu.memref_slice %arg3[%add3A, %dma_start3A_16, %dma_start3A_20] : memref<32x320x32xi32, #tpu.memory_space<hbm>> -> memref<1x1x32xi32, #tpu.memory_space<hbm>>
    %dma_start3A_22 = tpu.memref_squeeze %dma_start3A_21 : memref<1x1x32xi32, #tpu.memory_space<hbm>> -> memref<32xi32, #tpu.memory_space<hbm>>
    tpu.enqueue_dma source(%dma_start3A_22 : memref<32xi32, #tpu.memory_space<hbm>>) target(%arg13 : memref<32xi32, #tpu.memory_space<vmem>>) target_semaphore(%arg39 : memref<!tpu.dma_semaphore, #tpu.memory_space<semaphore_mem>>)
    %dma_start3A_23 = arith.constant 5 : i32
    %dma_start3A_24 = arith.constant 0 : i32
    %dma_start3A_25 = tpu.memref_slice %arg4[%add3A, %dma_start3A_23, %dma_start3A_24] : memref<32x320x32xi32, #tpu.memory_space<hbm>> -> memref<1x1x32xi32, #tpu.memory_space<hbm>>
    %dma_start3A_26 = tpu.memref_squeeze %dma_start3A_25 : memref<1x1x32xi32, #tpu.memory_space<hbm>> -> memref<32xi32, #tpu.memory_space<hbm>>
    %dma_start3A_27 = arith.constant 0 : i32
    %dma_start3A_28 = tpu.memref_slice %arg4[%add3A, %dma_start3A_23, %dma_start3A_27] : memref<32x320x32xi32, #tpu.memory_space<hbm>> -> memref<1x1x32xi32, #tpu.memory_space<hbm>>
    %dma_start3A_29 = tpu.memref_squeeze %dma_start3A_28 : memref<1x1x32xi32, #tpu.memory_space<hbm>> -> memref<32xi32, #tpu.memory_space<hbm>>
    tpu.enqueue_dma source(%dma_start3A_29 : memref<32xi32, #tpu.memory_space<hbm>>) target(%arg23 : memref<32xi32, #tpu.memory_space<vmem>>) target_semaphore(%arg39 : memref<!tpu.dma_semaphore, #tpu.memory_space<semaphore_mem>>)
    %dma_start3A_30 = arith.constant 1 : i32
    %dma_start3A_31 = arith.constant 0 : i32
    %dma_start3A_32 = tpu.memref_slice %arg3[%add3A, %dma_start3A_30, %dma_start3A_31] : memref<32x320x32xi32, #tpu.memory_space<hbm>> -> memref<1x1x32xi32, #tpu.memory_space<hbm>>
    %dma_start3A_33 = tpu.memref_squeeze %dma_start3A_32 : memref<1x1x32xi32, #tpu.memory_space<hbm>> -> memref<32xi32, #tpu.memory_space<hbm>>
    %dma_start3A_34 = arith.constant 0 : i32
    %dma_start3A_35 = tpu.memref_slice %arg3[%add3A, %dma_start3A_30, %dma_start3A_34] : memref<32x320x32xi32, #tpu.memory_space<hbm>> -> memref<1x1x32xi32, #tpu.memory_space<hbm>>
    %dma_start3A_36 = tpu.memref_squeeze %dma_start3A_35 : memref<1x1x32xi32, #tpu.memory_space<hbm>> -> memref<32xi32, #tpu.memory_space<hbm>>
    tpu.enqueue_dma source(%dma_start3A_36 : memref<32xi32, #tpu.memory_space<hbm>>) target(%arg14 : memref<32xi32, #tpu.memory_space<vmem>>) target_semaphore(%arg40 : memref<!tpu.dma_semaphore, #tpu.memory_space<semaphore_mem>>)
    %dma_start3A_37 = arith.constant 1 : i32
    %dma_start3A_38 = arith.constant 0 : i32
    %dma_start3A_39 = tpu.memref_slice %arg4[%add3A, %dma_start3A_37, %dma_start3A_38] : memref<32x320x32xi32, #tpu.memory_space<hbm>> -> memref<1x1x32xi32, #tpu.memory_space<hbm>>
    %dma_start3A_40 = tpu.memref_squeeze %dma_start3A_39 : memref<1x1x32xi32, #tpu.memory_space<hbm>> -> memref<32xi32, #tpu.memory_space<hbm>>
    %dma_start3A_41 = arith.constant 0 : i32
    %dma_start3A_42 = tpu.memref_slice %arg4[%add3A, %dma_start3A_37, %dma_start3A_41] : memref<32x320x32xi32, #tpu.memory_space<hbm>> -> memref<1x1x32xi32, #tpu.memory_space<hbm>>
    %dma_start3A_43 = tpu.memref_squeeze %dma_start3A_42 : memref<1x1x32xi32, #tpu.memory_space<hbm>> -> memref<32xi32, #tpu.memory_space<hbm>>
    tpu.enqueue_dma source(%dma_start3A_43 : memref<32xi32, #tpu.memory_space<hbm>>) target(%arg24 : memref<32xi32, #tpu.memory_space<vmem>>) target_semaphore(%arg40 : memref<!tpu.dma_semaphore, #tpu.memory_space<semaphore_mem>>)
    %dma_start3A_44 = arith.constant 6 : i32
    %dma_start3A_45 = arith.constant 0 : i32
    %dma_start3A_46 = tpu.memref_slice %arg3[%add3A, %dma_start3A_44, %dma_start3A_45] : memref<32x320x32xi32, #tpu.memory_space<hbm>> -> memref<1x1x32xi32, #tpu.memory_space<hbm>>
    %dma_start3A_47 = tpu.memref_squeeze %dma_start3A_46 : memref<1x1x32xi32, #tpu.memory_space<hbm>> -> memref<32xi32, #tpu.memory_space<hbm>>
    %dma_start3A_48 = arith.constant 0 : i32
    %dma_start3A_49 = tpu.memref_slice %arg3[%add3A, %dma_start3A_44, %dma_start3A_48] : memref<32x320x32xi32, #tpu.memory_space<hbm>> -> memref<1x1x32xi32, #tpu.memory_space<hbm>>
    %dma_start3A_50 = tpu.memref_squeeze %dma_start3A_49 : memref<1x1x32xi32, #tpu.memory_space<hbm>> -> memref<32xi32, #tpu.memory_space<hbm>>
    tpu.enqueue_dma source(%dma_start3A_50 : memref<32xi32, #tpu.memory_space<hbm>>) target(%arg15 : memref<32xi32, #tpu.memory_space<vmem>>) target_semaphore(%arg41 : memref<!tpu.dma_semaphore, #tpu.memory_space<semaphore_mem>>)
    %dma_start3A_51 = arith.constant 6 : i32
    %dma_start3A_52 = arith.constant 0 : i32
    %dma_start3A_53 = tpu.memref_slice %arg4[%add3A, %dma_start3A_51, %dma_start3A_52] : memref<32x320x32xi32, #tpu.memory_space<hbm>> -> memref<1x1x32xi32, #tpu.memory_space<hbm>>
    %dma_start3A_54 = tpu.memref_squeeze %dma_start3A_53 : memref<1x1x32xi32, #tpu.memory_space<hbm>> -> memref<32xi32, #tpu.memory_space<hbm>>
    %dma_start3A_55 = arith.constant 0 : i32
    %dma_start3A_56 = tpu.memref_slice %arg4[%add3A, %dma_start3A_51, %dma_start3A_55] : memref<32x320x32xi32, #tpu.memory_space<hbm>> -> memref<1x1x32xi32, #tpu.memory_space<hbm>>
    %dma_start3A_57 = tpu.memref_squeeze %dma_start3A_56 : memref<1x1x32xi32, #tpu.memory_space<hbm>> -> memref<32xi32, #tpu.memory_space<hbm>>
    tpu.enqueue_dma source(%dma_start3A_57 : memref<32xi32, #tpu.memory_space<hbm>>) target(%arg25 : memref<32xi32, #tpu.memory_space<vmem>>) target_semaphore(%arg41 : memref<!tpu.dma_semaphore, #tpu.memory_space<semaphore_mem>>)
    %dma_start3A_58 = arith.constant 2 : i32
    %dma_start3A_59 = arith.constant 0 : i32
    %dma_start3A_60 = tpu.memref_slice %arg3[%add3A, %dma_start3A_58, %dma_start3A_59] : memref<32x320x32xi32, #tpu.memory_space<hbm>> -> memref<1x1x32xi32, #tpu.memory_space<hbm>>
    %dma_start3A_61 = tpu.memref_squeeze %dma_start3A_60 : memref<1x1x32xi32, #tpu.memory_space<hbm>> -> memref<32xi32, #tpu.memory_space<hbm>>
    %dma_start3A_62 = arith.constant 0 : i32
    %dma_start3A_63 = tpu.memref_slice %arg3[%add3A, %dma_start3A_58, %dma_start3A_62] : memref<32x320x32xi32, #tpu.memory_space<hbm>> -> memref<1x1x32xi32, #tpu.memory_space<hbm>>
    %dma_start3A_64 = tpu.memref_squeeze %dma_start3A_63 : memref<1x1x32xi32, #tpu.memory_space<hbm>> -> memref<32xi32, #tpu.memory_space<hbm>>
    tpu.enqueue_dma source(%dma_start3A_64 : memref<32xi32, #tpu.memory_space<hbm>>) target(%arg16 : memref<32xi32, #tpu.memory_space<vmem>>) target_semaphore(%arg42 : memref<!tpu.dma_semaphore, #tpu.memory_space<semaphore_mem>>)
    %dma_start3A_65 = arith.constant 2 : i32
    %dma_start3A_66 = arith.constant 0 : i32
    %dma_start3A_67 = tpu.memref_slice %arg4[%add3A, %dma_start3A_65, %dma_start3A_66] : memref<32x320x32xi32, #tpu.memory_space<hbm>> -> memref<1x1x32xi32, #tpu.memory_space<hbm>>
    %dma_start3A_68 = tpu.memref_squeeze %dma_start3A_67 : memref<1x1x32xi32, #tpu.memory_space<hbm>> -> memref<32xi32, #tpu.memory_space<hbm>>
    %dma_start3A_69 = arith.constant 0 : i32
    %dma_start3A_70 = tpu.memref_slice %arg4[%add3A, %dma_start3A_65, %dma_start3A_69] : memref<32x320x32xi32, #tpu.memory_space<hbm>> -> memref<1x1x32xi32, #tpu.memory_space<hbm>>
    %dma_start3A_71 = tpu.memref_squeeze %dma_start3A_70 : memref<1x1x32xi32, #tpu.memory_space<hbm>> -> memref<32xi32, #tpu.memory_space<hbm>>
    tpu.enqueue_dma source(%dma_start3A_71 : memref<32xi32, #tpu.memory_space<hbm>>) target(%arg26 : memref<32xi32, #tpu.memory_space<vmem>>) target_semaphore(%arg42 : memref<!tpu.dma_semaphore, #tpu.memory_space<semaphore_mem>>)
    %dma_start3A_72 = arith.constant 7 : i32
    %dma_start3A_73 = arith.constant 0 : i32
    %dma_start3A_74 = tpu.memref_slice %arg3[%add3A, %dma_start3A_72, %dma_start3A_73] : memref<32x320x32xi32, #tpu.memory_space<hbm>> -> memref<1x1x32xi32, #tpu.memory_space<hbm>>
    %dma_start3A_75 = tpu.memref_squeeze %dma_start3A_74 : memref<1x1x32xi32, #tpu.memory_space<hbm>> -> memref<32xi32, #tpu.memory_space<hbm>>
    %dma_start3A_76 = arith.constant 0 : i32
    %dma_start3A_77 = tpu.memref_slice %arg3[%add3A, %dma_start3A_72, %dma_start3A_76] : memref<32x320x32xi32, #tpu.memory_space<hbm>> -> memref<1x1x32xi32, #tpu.memory_space<hbm>>
    %dma_start3A_78 = tpu.memref_squeeze %dma_start3A_77 : memref<1x1x32xi32, #tpu.memory_space<hbm>> -> memref<32xi32, #tpu.memory_space<hbm>>
    tpu.enqueue_dma source(%dma_start3A_78 : memref<32xi32, #tpu.memory_space<hbm>>) target(%arg17 : memref<32xi32, #tpu.memory_space<vmem>>) target_semaphore(%arg43 : memref<!tpu.dma_semaphore, #tpu.memory_space<semaphore_mem>>)
    %dma_start3A_79 = arith.constant 7 : i32
    %dma_start3A_80 = arith.constant 0 : i32
    %dma_start3A_81 = tpu.memref_slice %arg4[%add3A, %dma_start3A_79, %dma_start3A_80] : memref<32x320x32xi32, #tpu.memory_space<hbm>> -> memref<1x1x32xi32, #tpu.memory_space<hbm>>
    %dma_start3A_82 = tpu.memref_squeeze %dma_start3A_81 : memref<1x1x32xi32, #tpu.memory_space<hbm>> -> memref<32xi32, #tpu.memory_space<hbm>>
    %dma_start3A_83 = arith.constant 0 : i32
    %dma_start3A_84 = tpu.memref_slice %arg4[%add3A, %dma_start3A_79, %dma_start3A_83] : memref<32x320x32xi32, #tpu.memory_space<hbm>> -> memref<1x1x32xi32, #tpu.memory_space<hbm>>
    %dma_start3A_85 = tpu.memref_squeeze %dma_start3A_84 : memref<1x1x32xi32, #tpu.memory_space<hbm>> -> memref<32xi32, #tpu.memory_space<hbm>>
    tpu.enqueue_dma source(%dma_start3A_85 : memref<32xi32, #tpu.memory_space<hbm>>) target(%arg27 : memref<32xi32, #tpu.memory_space<vmem>>) target_semaphore(%arg43 : memref<!tpu.dma_semaphore, #tpu.memory_space<semaphore_mem>>)
    %dma_start3A_86 = arith.constant 3 : i32
    %dma_start3A_87 = arith.constant 0 : i32
    %dma_start3A_88 = tpu.memref_slice %arg3[%add3A, %dma_start3A_86, %dma_start3A_87] : memref<32x320x32xi32, #tpu.memory_space<hbm>> -> memref<1x1x32xi32, #tpu.memory_space<hbm>>
    %dma_start3A_89 = tpu.memref_squeeze %dma_start3A_88 : memref<1x1x32xi32, #tpu.memory_space<hbm>> -> memref<32xi32, #tpu.memory_space<hbm>>
    %dma_start3A_90 = arith.constant 0 : i32
    %dma_start3A_91 = tpu.memref_slice %arg3[%add3A, %dma_start3A_86, %dma_start3A_90] : memref<32x320x32xi32, #tpu.memory_space<hbm>> -> memref<1x1x32xi32, #tpu.memory_space<hbm>>
    %dma_start3A_92 = tpu.memref_squeeze %dma_start3A_91 : memref<1x1x32xi32, #tpu.memory_space<hbm>> -> memref<32xi32, #tpu.memory_space<hbm>>
    tpu.enqueue_dma source(%dma_start3A_92 : memref<32xi32, #tpu.memory_space<hbm>>) target(%arg18 : memref<32xi32, #tpu.memory_space<vmem>>) target_semaphore(%arg44 : memref<!tpu.dma_semaphore, #tpu.memory_space<semaphore_mem>>)
    %dma_start3A_93 = arith.constant 3 : i32
    %dma_start3A_94 = arith.constant 0 : i32
    %dma_start3A_95 = tpu.memref_slice %arg4[%add3A, %dma_start3A_93, %dma_start3A_94] : memref<32x320x32xi32, #tpu.memory_space<hbm>> -> memref<1x1x32xi32, #tpu.memory_space<hbm>>
    %dma_start3A_96 = tpu.memref_squeeze %dma_start3A_95 : memref<1x1x32xi32, #tpu.memory_space<hbm>> -> memref<32xi32, #tpu.memory_space<hbm>>
    %dma_start3A_97 = arith.constant 0 : i32
    %dma_start3A_98 = tpu.memref_slice %arg4[%add3A, %dma_start3A_93, %dma_start3A_97] : memref<32x320x32xi32, #tpu.memory_space<hbm>> -> memref<1x1x32xi32, #tpu.memory_space<hbm>>
    %dma_start3A_99 = tpu.memref_squeeze %dma_start3A_98 : memref<1x1x32xi32, #tpu.memory_space<hbm>> -> memref<32xi32, #tpu.memory_space<hbm>>
    tpu.enqueue_dma source(%dma_start3A_99 : memref<32xi32, #tpu.memory_space<hbm>>) target(%arg28 : memref<32xi32, #tpu.memory_space<vmem>>) target_semaphore(%arg44 : memref<!tpu.dma_semaphore, #tpu.memory_space<semaphore_mem>>)
    %dma_start3A_100 = arith.constant 8 : i32
    %dma_start3A_101 = arith.constant 0 : i32
    %dma_start3A_102 = tpu.memref_slice %arg3[%add3A, %dma_start3A_100, %dma_start3A_101] : memref<32x320x32xi32, #tpu.memory_space<hbm>> -> memref<1x1x32xi32, #tpu.memory_space<hbm>>
    %dma_start3A_103 = tpu.memref_squeeze %dma_start3A_102 : memref<1x1x32xi32, #tpu.memory_space<hbm>> -> memref<32xi32, #tpu.memory_space<hbm>>
    %dma_start3A_104 = arith.constant 0 : i32
    %dma_start3A_105 = tpu.memref_slice %arg3[%add3A, %dma_start3A_100, %dma_start3A_104] : memref<32x320x32xi32, #tpu.memory_space<hbm>> -> memref<1x1x32xi32, #tpu.memory_space<hbm>>
    %dma_start3A_106 = tpu.memref_squeeze %dma_start3A_105 : memref<1x1x32xi32, #tpu.memory_space<hbm>> -> memref<32xi32, #tpu.memory_space<hbm>>
    tpu.enqueue_dma source(%dma_start3A_106 : memref<32xi32, #tpu.memory_space<hbm>>) target(%arg19 : memref<32xi32, #tpu.memory_space<vmem>>) target_semaphore(%arg45 : memref<!tpu.dma_semaphore, #tpu.memory_space<semaphore_mem>>)
    %dma_start3A_107 = arith.constant 8 : i32
    %dma_start3A_108 = arith.constant 0 : i32
    %dma_start3A_109 = tpu.memref_slice %arg4[%add3A, %dma_start3A_107, %dma_start3A_108] : memref<32x320x32xi32, #tpu.memory_space<hbm>> -> memref<1x1x32xi32, #tpu.memory_space<hbm>>
    %dma_start3A_110 = tpu.memref_squeeze %dma_start3A_109 : memref<1x1x32xi32, #tpu.memory_space<hbm>> -> memref<32xi32, #tpu.memory_space<hbm>>
    %dma_start3A_111 = arith.constant 0 : i32
    %dma_start3A_112 = tpu.memref_slice %arg4[%add3A, %dma_start3A_107, %dma_start3A_111] : memref<32x320x32xi32, #tpu.memory_space<hbm>> -> memref<1x1x32xi32, #tpu.memory_space<hbm>>
    %dma_start3A_113 = tpu.memref_squeeze %dma_start3A_112 : memref<1x1x32xi32, #tpu.memory_space<hbm>> -> memref<32xi32, #tpu.memory_space<hbm>>
    tpu.enqueue_dma source(%dma_start3A_113 : memref<32xi32, #tpu.memory_space<hbm>>) target(%arg29 : memref<32xi32, #tpu.memory_space<vmem>>) target_semaphore(%arg45 : memref<!tpu.dma_semaphore, #tpu.memory_space<semaphore_mem>>)
    %dma_start3A_114 = arith.constant 4 : i32
    %dma_start3A_115 = arith.constant 0 : i32
    %dma_start3A_116 = tpu.memref_slice %arg3[%add3A, %dma_start3A_114, %dma_start3A_115] : memref<32x320x32xi32, #tpu.memory_space<hbm>> -> memref<1x1x32xi32, #tpu.memory_space<hbm>>
    %dma_start3A_117 = tpu.memref_squeeze %dma_start3A_116 : memref<1x1x32xi32, #tpu.memory_space<hbm>> -> memref<32xi32, #tpu.memory_space<hbm>>
    %dma_start3A_118 = arith.constant 0 : i32
    %dma_start3A_119 = tpu.memref_slice %arg3[%add3A, %dma_start3A_114, %dma_start3A_118] : memref<32x320x32xi32, #tpu.memory_space<hbm>> -> memref<1x1x32xi32, #tpu.memory_space<hbm>>
    %dma_start3A_120 = tpu.memref_squeeze %dma_start3A_119 : memref<1x1x32xi32, #tpu.memory_space<hbm>> -> memref<32xi32, #tpu.memory_space<hbm>>
    tpu.enqueue_dma source(%dma_start3A_120 : memref<32xi32, #tpu.memory_space<hbm>>) target(%arg20 : memref<32xi32, #tpu.memory_space<vmem>>) target_semaphore(%arg46 : memref<!tpu.dma_semaphore, #tpu.memory_space<semaphore_mem>>)
    %dma_start3A_121 = arith.constant 4 : i32
    %dma_start3A_122 = arith.constant 0 : i32
    %dma_start3A_123 = tpu.memref_slice %arg4[%add3A, %dma_start3A_121, %dma_start3A_122] : memref<32x320x32xi32, #tpu.memory_space<hbm>> -> memref<1x1x32xi32, #tpu.memory_space<hbm>>
    %dma_start3A_124 = tpu.memref_squeeze %dma_start3A_123 : memref<1x1x32xi32, #tpu.memory_space<hbm>> -> memref<32xi32, #tpu.memory_space<hbm>>
    %dma_start3A_125 = arith.constant 0 : i32
    %dma_start3A_126 = tpu.memref_slice %arg4[%add3A, %dma_start3A_121, %dma_start3A_125] : memref<32x320x32xi32, #tpu.memory_space<hbm>> -> memref<1x1x32xi32, #tpu.memory_space<hbm>>
    %dma_start3A_127 = tpu.memref_squeeze %dma_start3A_126 : memref<1x1x32xi32, #tpu.memory_space<hbm>> -> memref<32xi32, #tpu.memory_space<hbm>>
    tpu.enqueue_dma source(%dma_start3A_127 : memref<32xi32, #tpu.memory_space<hbm>>) target(%arg30 : memref<32xi32, #tpu.memory_space<vmem>>) target_semaphore(%arg46 : memref<!tpu.dma_semaphore, #tpu.memory_space<semaphore_mem>>)
    %dma_start3A_128 = arith.constant 9 : i32
    %dma_start3A_129 = arith.constant 0 : i32
    %dma_start3A_130 = tpu.memref_slice %arg3[%add3A, %dma_start3A_128, %dma_start3A_129] : memref<32x320x32xi32, #tpu.memory_space<hbm>> -> memref<1x1x32xi32, #tpu.memory_space<hbm>>
    %dma_start3A_131 = tpu.memref_squeeze %dma_start3A_130 : memref<1x1x32xi32, #tpu.memory_space<hbm>> -> memref<32xi32, #tpu.memory_space<hbm>>
    %dma_start3A_132 = arith.constant 0 : i32
    %dma_start3A_133 = tpu.memref_slice %arg3[%add3A, %dma_start3A_128, %dma_start3A_132] : memref<32x320x32xi32, #tpu.memory_space<hbm>> -> memref<1x1x32xi32, #tpu.memory_space<hbm>>
    %dma_start3A_134 = tpu.memref_squeeze %dma_start3A_133 : memref<1x1x32xi32, #tpu.memory_space<hbm>> -> memref<32xi32, #tpu.memory_space<hbm>>
    tpu.enqueue_dma source(%dma_start3A_134 : memref<32xi32, #tpu.memory_space<hbm>>) target(%arg21 : memref<32xi32, #tpu.memory_space<vmem>>) target_semaphore(%arg47 : memref<!tpu.dma_semaphore, #tpu.memory_space<semaphore_mem>>)
    %dma_start3A_135 = arith.constant 9 : i32
    %dma_start3A_136 = arith.constant 0 : i32
    %dma_start3A_137 = tpu.memref_slice %arg4[%add3A, %dma_start3A_135, %dma_start3A_136] : memref<32x320x32xi32, #tpu.memory_space<hbm>> -> memref<1x1x32xi32, #tpu.memory_space<hbm>>
    %dma_start3A_138 = tpu.memref_squeeze %dma_start3A_137 : memref<1x1x32xi32, #tpu.memory_space<hbm>> -> memref<32xi32, #tpu.memory_space<hbm>>
    %dma_start3A_139 = arith.constant 0 : i32
    %dma_start3A_140 = tpu.memref_slice %arg4[%add3A, %dma_start3A_135, %dma_start3A_139] : memref<32x320x32xi32, #tpu.memory_space<hbm>> -> memref<1x1x32xi32, #tpu.memory_space<hbm>>
    %dma_start3A_141 = tpu.memref_squeeze %dma_start3A_140 : memref<1x1x32xi32, #tpu.memory_space<hbm>> -> memref<32xi32, #tpu.memory_space<hbm>>
    tpu.enqueue_dma source(%dma_start3A_141 : memref<32xi32, #tpu.memory_space<hbm>>) target(%arg31 : memref<32xi32, #tpu.memory_space<vmem>>) target_semaphore(%arg47 : memref<!tpu.dma_semaphore, #tpu.memory_space<semaphore_mem>>)
    %dma_wait3A = arith.constant 0 : i32
    %dma_wait3A_142 = arith.constant 0 : i32
    %dma_wait3A_143 = tpu.memref_slice %arg3[%add3A, %dma_wait3A, %dma_wait3A_142] : memref<32x320x32xi32, #tpu.memory_space<hbm>> -> memref<1x1x32xi32, #tpu.memory_space<hbm>>
    %dma_wait3A_144 = tpu.memref_squeeze %dma_wait3A_143 : memref<1x1x32xi32, #tpu.memory_space<hbm>> -> memref<32xi32, #tpu.memory_space<hbm>>
    %dma_wait3A_145 = arith.constant 0 : i32
    %dma_wait3A_146 = tpu.memref_slice %arg3[%add3A, %dma_wait3A, %dma_wait3A_145] : memref<32x320x32xi32, #tpu.memory_space<hbm>> -> memref<1x1x32xi32, #tpu.memory_space<hbm>>
    %dma_wait3A_147 = tpu.memref_squeeze %dma_wait3A_146 : memref<1x1x32xi32, #tpu.memory_space<hbm>> -> memref<32xi32, #tpu.memory_space<hbm>>
    tpu.wait_dma2 semaphore(%arg38 : memref<!tpu.dma_semaphore, #tpu.memory_space<semaphore_mem>>) src(%dma_wait3A_147 : memref<32xi32, #tpu.memory_space<hbm>>) dst(%arg12 : memref<32xi32, #tpu.memory_space<vmem>>)
    %dma_wait3A_148 = arith.constant 0 : i32
    %dma_wait3A_149 = arith.constant 0 : i32
    %dma_wait3A_150 = tpu.memref_slice %arg4[%add3A, %dma_wait3A_148, %dma_wait3A_149] : memref<32x320x32xi32, #tpu.memory_space<hbm>> -> memref<1x1x32xi32, #tpu.memory_space<hbm>>
    %dma_wait3A_151 = tpu.memref_squeeze %dma_wait3A_150 : memref<1x1x32xi32, #tpu.memory_space<hbm>> -> memref<32xi32, #tpu.memory_space<hbm>>
    %dma_wait3A_152 = arith.constant 0 : i32
    %dma_wait3A_153 = tpu.memref_slice %arg4[%add3A, %dma_wait3A_148, %dma_wait3A_152] : memref<32x320x32xi32, #tpu.memory_space<hbm>> -> memref<1x1x32xi32, #tpu.memory_space<hbm>>
    %dma_wait3A_154 = tpu.memref_squeeze %dma_wait3A_153 : memref<1x1x32xi32, #tpu.memory_space<hbm>> -> memref<32xi32, #tpu.memory_space<hbm>>
    tpu.wait_dma2 semaphore(%arg38 : memref<!tpu.dma_semaphore, #tpu.memory_space<semaphore_mem>>) src(%dma_wait3A_154 : memref<32xi32, #tpu.memory_space<hbm>>) dst(%arg22 : memref<32xi32, #tpu.memory_space<vmem>>)
    %dma_start3A_155 = arith.constant 0 : i32
    %dma_start3A_156 = arith.constant 0 : i32
    %dma_start3A_157 = tpu.memref_slice %arg2[%dma_start3A_155, %dma_start3A_156] : memref<10112x128xf32, #tpu.memory_space<hbm>> -> memref<10112x128xf32, #tpu.memory_space<hbm>>
    tpu.enqueue_indirect_dma source(%dma_start3A_157 : memref<10112x128xf32, #tpu.memory_space<hbm>>) target(%arg7 : memref<32x128xf32, #tpu.memory_space<vmem>>) offsets(%arg12 : memref<32xi32, #tpu.memory_space<vmem>>) semaphore(%arg33 : memref<!tpu.dma_semaphore, #tpu.memory_space<semaphore_mem>>)
    %dma_wait3A_158 = arith.constant 1 : i32
    %dma_wait3A_159 = arith.constant 0 : i32
    %dma_wait3A_160 = tpu.memref_slice %arg3[%add3A, %dma_wait3A_158, %dma_wait3A_159] : memref<32x320x32xi32, #tpu.memory_space<hbm>> -> memref<1x1x32xi32, #tpu.memory_space<hbm>>
    %dma_wait3A_161 = tpu.memref_squeeze %dma_wait3A_160 : memref<1x1x32xi32, #tpu.memory_space<hbm>> -> memref<32xi32, #tpu.memory_space<hbm>>
    %dma_wait3A_162 = arith.constant 0 : i32
    %dma_wait3A_163 = tpu.memref_slice %arg3[%add3A, %dma_wait3A_158, %dma_wait3A_162] : memref<32x320x32xi32, #tpu.memory_space<hbm>> -> memref<1x1x32xi32, #tpu.memory_space<hbm>>
    %dma_wait3A_164 = tpu.memref_squeeze %dma_wait3A_163 : memref<1x1x32xi32, #tpu.memory_space<hbm>> -> memref<32xi32, #tpu.memory_space<hbm>>
    tpu.wait_dma2 semaphore(%arg40 : memref<!tpu.dma_semaphore, #tpu.memory_space<semaphore_mem>>) src(%dma_wait3A_164 : memref<32xi32, #tpu.memory_space<hbm>>) dst(%arg14 : memref<32xi32, #tpu.memory_space<vmem>>)
    %dma_wait3A_165 = arith.constant 1 : i32
    %dma_wait3A_166 = arith.constant 0 : i32
    %dma_wait3A_167 = tpu.memref_slice %arg4[%add3A, %dma_wait3A_165, %dma_wait3A_166] : memref<32x320x32xi32, #tpu.memory_space<hbm>> -> memref<1x1x32xi32, #tpu.memory_space<hbm>>
    %dma_wait3A_168 = tpu.memref_squeeze %dma_wait3A_167 : memref<1x1x32xi32, #tpu.memory_space<hbm>> -> memref<32xi32, #tpu.memory_space<hbm>>
    %dma_wait3A_169 = arith.constant 0 : i32
    %dma_wait3A_170 = tpu.memref_slice %arg4[%add3A, %dma_wait3A_165, %dma_wait3A_169] : memref<32x320x32xi32, #tpu.memory_space<hbm>> -> memref<1x1x32xi32, #tpu.memory_space<hbm>>
    %dma_wait3A_171 = tpu.memref_squeeze %dma_wait3A_170 : memref<1x1x32xi32, #tpu.memory_space<hbm>> -> memref<32xi32, #tpu.memory_space<hbm>>
    tpu.wait_dma2 semaphore(%arg40 : memref<!tpu.dma_semaphore, #tpu.memory_space<semaphore_mem>>) src(%dma_wait3A_171 : memref<32xi32, #tpu.memory_space<hbm>>) dst(%arg24 : memref<32xi32, #tpu.memory_space<vmem>>)
    %dma_start3A_172 = arith.constant 0 : i32
    %dma_start3A_173 = arith.constant 0 : i32
    %dma_start3A_174 = tpu.memref_slice %arg2[%dma_start3A_172, %dma_start3A_173] : memref<10112x128xf32, #tpu.memory_space<hbm>> -> memref<10112x128xf32, #tpu.memory_space<hbm>>
    tpu.enqueue_indirect_dma source(%dma_start3A_174 : memref<10112x128xf32, #tpu.memory_space<hbm>>) target(%arg8 : memref<32x128xf32, #tpu.memory_space<vmem>>) offsets(%arg14 : memref<32xi32, #tpu.memory_space<vmem>>) semaphore(%arg34 : memref<!tpu.dma_semaphore, #tpu.memory_space<semaphore_mem>>)
    %dma_wait3A_175 = arith.constant 2 : i32
    %dma_wait3A_176 = arith.constant 0 : i32
    %dma_wait3A_177 = tpu.memref_slice %arg3[%add3A, %dma_wait3A_175, %dma_wait3A_176] : memref<32x320x32xi32, #tpu.memory_space<hbm>> -> memref<1x1x32xi32, #tpu.memory_space<hbm>>
    %dma_wait3A_178 = tpu.memref_squeeze %dma_wait3A_177 : memref<1x1x32xi32, #tpu.memory_space<hbm>> -> memref<32xi32, #tpu.memory_space<hbm>>
    %dma_wait3A_179 = arith.constant 0 : i32
    %dma_wait3A_180 = tpu.memref_slice %arg3[%add3A, %dma_wait3A_175, %dma_wait3A_179] : memref<32x320x32xi32, #tpu.memory_space<hbm>> -> memref<1x1x32xi32, #tpu.memory_space<hbm>>
    %dma_wait3A_181 = tpu.memref_squeeze %dma_wait3A_180 : memref<1x1x32xi32, #tpu.memory_space<hbm>> -> memref<32xi32, #tpu.memory_space<hbm>>
    tpu.wait_dma2 semaphore(%arg42 : memref<!tpu.dma_semaphore, #tpu.memory_space<semaphore_mem>>) src(%dma_wait3A_181 : memref<32xi32, #tpu.memory_space<hbm>>) dst(%arg16 : memref<32xi32, #tpu.memory_space<vmem>>)
    %dma_wait3A_182 = arith.constant 2 : i32
    %dma_wait3A_183 = arith.constant 0 : i32
    %dma_wait3A_184 = tpu.memref_slice %arg4[%add3A, %dma_wait3A_182, %dma_wait3A_183] : memref<32x320x32xi32, #tpu.memory_space<hbm>> -> memref<1x1x32xi32, #tpu.memory_space<hbm>>
    %dma_wait3A_185 = tpu.memref_squeeze %dma_wait3A_184 : memref<1x1x32xi32, #tpu.memory_space<hbm>> -> memref<32xi32, #tpu.memory_space<hbm>>
    %dma_wait3A_186 = arith.constant 0 : i32
    %dma_wait3A_187 = tpu.memref_slice %arg4[%add3A, %dma_wait3A_182, %dma_wait3A_186] : memref<32x320x32xi32, #tpu.memory_space<hbm>> -> memref<1x1x32xi32, #tpu.memory_space<hbm>>
    %dma_wait3A_188 = tpu.memref_squeeze %dma_wait3A_187 : memref<1x1x32xi32, #tpu.memory_space<hbm>> -> memref<32xi32, #tpu.memory_space<hbm>>
    tpu.wait_dma2 semaphore(%arg42 : memref<!tpu.dma_semaphore, #tpu.memory_space<semaphore_mem>>) src(%dma_wait3A_188 : memref<32xi32, #tpu.memory_space<hbm>>) dst(%arg26 : memref<32xi32, #tpu.memory_space<vmem>>)
    %dma_start3A_189 = arith.constant 0 : i32
    %dma_start3A_190 = arith.constant 0 : i32
    %dma_start3A_191 = tpu.memref_slice %arg2[%dma_start3A_189, %dma_start3A_190] : memref<10112x128xf32, #tpu.memory_space<hbm>> -> memref<10112x128xf32, #tpu.memory_space<hbm>>
    tpu.enqueue_indirect_dma source(%dma_start3A_191 : memref<10112x128xf32, #tpu.memory_space<hbm>>) target(%arg9 : memref<32x128xf32, #tpu.memory_space<vmem>>) offsets(%arg16 : memref<32xi32, #tpu.memory_space<vmem>>) semaphore(%arg35 : memref<!tpu.dma_semaphore, #tpu.memory_space<semaphore_mem>>)
    %dma_wait3A_192 = arith.constant 3 : i32
    %dma_wait3A_193 = arith.constant 0 : i32
    %dma_wait3A_194 = tpu.memref_slice %arg3[%add3A, %dma_wait3A_192, %dma_wait3A_193] : memref<32x320x32xi32, #tpu.memory_space<hbm>> -> memref<1x1x32xi32, #tpu.memory_space<hbm>>
    %dma_wait3A_195 = tpu.memref_squeeze %dma_wait3A_194 : memref<1x1x32xi32, #tpu.memory_space<hbm>> -> memref<32xi32, #tpu.memory_space<hbm>>
    %dma_wait3A_196 = arith.constant 0 : i32
    %dma_wait3A_197 = tpu.memref_slice %arg3[%add3A, %dma_wait3A_192, %dma_wait3A_196] : memref<32x320x32xi32, #tpu.memory_space<hbm>> -> memref<1x1x32xi32, #tpu.memory_space<hbm>>
    %dma_wait3A_198 = tpu.memref_squeeze %dma_wait3A_197 : memref<1x1x32xi32, #tpu.memory_space<hbm>> -> memref<32xi32, #tpu.memory_space<hbm>>
    tpu.wait_dma2 semaphore(%arg44 : memref<!tpu.dma_semaphore, #tpu.memory_space<semaphore_mem>>) src(%dma_wait3A_198 : memref<32xi32, #tpu.memory_space<hbm>>) dst(%arg18 : memref<32xi32, #tpu.memory_space<vmem>>)
    %dma_wait3A_199 = arith.constant 3 : i32
    %dma_wait3A_200 = arith.constant 0 : i32
    %dma_wait3A_201 = tpu.memref_slice %arg4[%add3A, %dma_wait3A_199, %dma_wait3A_200] : memref<32x320x32xi32, #tpu.memory_space<hbm>> -> memref<1x1x32xi32, #tpu.memory_space<hbm>>
    %dma_wait3A_202 = tpu.memref_squeeze %dma_wait3A_201 : memref<1x1x32xi32, #tpu.memory_space<hbm>> -> memref<32xi32, #tpu.memory_space<hbm>>
    %dma_wait3A_203 = arith.constant 0 : i32
    %dma_wait3A_204 = tpu.memref_slice %arg4[%add3A, %dma_wait3A_199, %dma_wait3A_203] : memref<32x320x32xi32, #tpu.memory_space<hbm>> -> memref<1x1x32xi32, #tpu.memory_space<hbm>>
    %dma_wait3A_205 = tpu.memref_squeeze %dma_wait3A_204 : memref<1x1x32xi32, #tpu.memory_space<hbm>> -> memref<32xi32, #tpu.memory_space<hbm>>
    tpu.wait_dma2 semaphore(%arg44 : memref<!tpu.dma_semaphore, #tpu.memory_space<semaphore_mem>>) src(%dma_wait3A_205 : memref<32xi32, #tpu.memory_space<hbm>>) dst(%arg28 : memref<32xi32, #tpu.memory_space<vmem>>)
    %dma_start3A_206 = arith.constant 0 : i32
    %dma_start3A_207 = arith.constant 0 : i32
    %dma_start3A_208 = tpu.memref_slice %arg2[%dma_start3A_206, %dma_start3A_207] : memref<10112x128xf32, #tpu.memory_space<hbm>> -> memref<10112x128xf32, #tpu.memory_space<hbm>>
    tpu.enqueue_indirect_dma source(%dma_start3A_208 : memref<10112x128xf32, #tpu.memory_space<hbm>>) target(%arg10 : memref<32x128xf32, #tpu.memory_space<vmem>>) offsets(%arg18 : memref<32xi32, #tpu.memory_space<vmem>>) semaphore(%arg36 : memref<!tpu.dma_semaphore, #tpu.memory_space<semaphore_mem>>)
    %dma_wait3A_209 = arith.constant 4 : i32
    %dma_wait3A_210 = arith.constant 0 : i32
    %dma_wait3A_211 = tpu.memref_slice %arg3[%add3A, %dma_wait3A_209, %dma_wait3A_210] : memref<32x320x32xi32, #tpu.memory_space<hbm>> -> memref<1x1x32xi32, #tpu.memory_space<hbm>>
    %dma_wait3A_212 = tpu.memref_squeeze %dma_wait3A_211 : memref<1x1x32xi32, #tpu.memory_space<hbm>> -> memref<32xi32, #tpu.memory_space<hbm>>
    %dma_wait3A_213 = arith.constant 0 : i32
    %dma_wait3A_214 = tpu.memref_slice %arg3[%add3A, %dma_wait3A_209, %dma_wait3A_213] : memref<32x320x32xi32, #tpu.memory_space<hbm>> -> memref<1x1x32xi32, #tpu.memory_space<hbm>>
    %dma_wait3A_215 = tpu.memref_squeeze %dma_wait3A_214 : memref<1x1x32xi32, #tpu.memory_space<hbm>> -> memref<32xi32, #tpu.memory_space<hbm>>
    tpu.wait_dma2 semaphore(%arg46 : memref<!tpu.dma_semaphore, #tpu.memory_space<semaphore_mem>>) src(%dma_wait3A_215 : memref<32xi32, #tpu.memory_space<hbm>>) dst(%arg20 : memref<32xi32, #tpu.memory_space<vmem>>)
    %dma_wait3A_216 = arith.constant 4 : i32
    %dma_wait3A_217 = arith.constant 0 : i32
    %dma_wait3A_218 = tpu.memref_slice %arg4[%add3A, %dma_wait3A_216, %dma_wait3A_217] : memref<32x320x32xi32, #tpu.memory_space<hbm>> -> memref<1x1x32xi32, #tpu.memory_space<hbm>>
    %dma_wait3A_219 = tpu.memref_squeeze %dma_wait3A_218 : memref<1x1x32xi32, #tpu.memory_space<hbm>> -> memref<32xi32, #tpu.memory_space<hbm>>
    %dma_wait3A_220 = arith.constant 0 : i32
    %dma_wait3A_221 = tpu.memref_slice %arg4[%add3A, %dma_wait3A_216, %dma_wait3A_220] : memref<32x320x32xi32, #tpu.memory_space<hbm>> -> memref<1x1x32xi32, #tpu.memory_space<hbm>>
    %dma_wait3A_222 = tpu.memref_squeeze %dma_wait3A_221 : memref<1x1x32xi32, #tpu.memory_space<hbm>> -> memref<32xi32, #tpu.memory_space<hbm>>
    tpu.wait_dma2 semaphore(%arg46 : memref<!tpu.dma_semaphore, #tpu.memory_space<semaphore_mem>>) src(%dma_wait3A_222 : memref<32xi32, #tpu.memory_space<hbm>>) dst(%arg30 : memref<32xi32, #tpu.memory_space<vmem>>)
    %dma_start3A_223 = arith.constant 0 : i32
    %dma_start3A_224 = arith.constant 0 : i32
    %dma_start3A_225 = tpu.memref_slice %arg2[%dma_start3A_223, %dma_start3A_224] : memref<10112x128xf32, #tpu.memory_space<hbm>> -> memref<10112x128xf32, #tpu.memory_space<hbm>>
    tpu.enqueue_indirect_dma source(%dma_start3A_225 : memref<10112x128xf32, #tpu.memory_space<hbm>>) target(%arg11 : memref<32x128xf32, #tpu.memory_space<vmem>>) offsets(%arg20 : memref<32xi32, #tpu.memory_space<vmem>>) semaphore(%arg37 : memref<!tpu.dma_semaphore, #tpu.memory_space<semaphore_mem>>)
    %barrier3A = arith.constant 0 : index
    tpu.barrier barrier_id(%barrier3A)
    %scan3A = arith.constant 0 : i32
    %scan3A_226 = arith.constant 0 : i32
    %scan3A_227 = arith.constant 32 : i32
    %scan3A_228 = arith.addi %scan3A_226, %scan3A_227 : i32
    %scan3A_229 = arith.constant 1 : i32
    scf.for %scan3A_232 = %scan3A_226 to %scan3A_228 step %scan3A_229  : i32 {
      %mul3A_233 = arith.constant 2 : i32
      %mul3A_234 = arith.muli %scan3A_232, %mul3A_233 : i32
      %add3A_235 = arith.constant 0 : i32
      %add3A_236 = arith.addi %mul3A_234, %add3A_235 : i32
      %mul3A_237 = arith.constant 5 : i32
      %mul3A_238 = arith.muli %add3A_236, %mul3A_237 : i32
      %add3A_239 = arith.constant 0 : i32
      %add3A_240 = arith.addi %mul3A_238, %add3A_239 : i32
      %dma_wait3A_241 = arith.constant 0 : i32
      %dma_wait3A_242 = arith.constant 0 : i32
      %dma_wait3A_243 = tpu.memref_slice %arg2[%dma_wait3A_241, %dma_wait3A_242] : memref<10112x128xf32, #tpu.memory_space<hbm>> -> memref<10112x128xf32, #tpu.memory_space<hbm>>
      tpu.wait_indirect_dma semaphore(%arg33 : memref<!tpu.dma_semaphore, #tpu.memory_space<semaphore_mem>>) src(%dma_wait3A_243 : memref<10112x128xf32, #tpu.memory_space<hbm>>) dst(%arg7 : memref<32x128xf32, #tpu.memory_space<vmem>>)
      "tpu.region"() ({
        %run_scoped3A = tpu.sem_alloc : memref<!tpu.dma_semaphore, #tpu.memory_space<semaphore_mem>>
        %dma_start3A_448 = arith.constant 0 : i32
        %dma_start3A_449 = arith.constant 0 : i32
        %dma_start3A_450 = tpu.memref_slice %arg32[%dma_start3A_448, %dma_start3A_449] : memref<10112x128xf32, #tpu.memory_space<vmem_shared>> -> memref<10112x128xf32, #tpu.memory_space<vmem_shared>>
        tpu.enqueue_indirect_dma source(%arg7 : memref<32x128xf32, #tpu.memory_space<vmem>>) target(%dma_start3A_450 : memref<10112x128xf32, #tpu.memory_space<vmem_shared>>) offsets(%arg22 : memref<32xi32, #tpu.memory_space<vmem>>) semaphore(%run_scoped3A : memref<!tpu.dma_semaphore, #tpu.memory_space<semaphore_mem>>) {add = true}
        %dma_wait3A_451 = arith.constant 0 : i32
        %dma_wait3A_452 = arith.constant 0 : i32
        %dma_wait3A_453 = tpu.memref_slice %arg32[%dma_wait3A_451, %dma_wait3A_452] : memref<10112x128xf32, #tpu.memory_space<vmem_shared>> -> memref<10112x128xf32, #tpu.memory_space<vmem_shared>>
        tpu.wait_indirect_dma semaphore(%run_scoped3A : memref<!tpu.dma_semaphore, #tpu.memory_space<semaphore_mem>>) src(%arg7 : memref<32x128xf32, #tpu.memory_space<vmem>>) dst(%dma_wait3A_453 : memref<10112x128xf32, #tpu.memory_space<vmem_shared>>)
        tpu.yield
      }) : () -> ()
      %add3A_244 = arith.constant 10 : i32
      %add3A_245 = arith.addi %add3A_240, %add3A_244 : i32
      %lt3A = arith.constant 320 : i32
      %lt3A_246 = arith.cmpi slt, %add3A_245, %lt3A : i32
      %convert_element_type3A = arith.extui %lt3A_246 : i1 to i32
      %cond3A = arith.constant 0 : i32
      %cond3A_247 = arith.cmpi ne, %convert_element_type3A, %cond3A : i32
      scf.if %cond3A_247 {
        %add3A_448 = arith.constant 10 : i32
        %add3A_449 = arith.addi %add3A_240, %add3A_448 : i32
        %dma_start3A_450 = arith.constant 0 : i32
        %dma_start3A_451 = tpu.memref_slice %arg3[%add3A, %add3A_449, %dma_start3A_450] : memref<32x320x32xi32, #tpu.memory_space<hbm>> -> memref<1x1x32xi32, #tpu.memory_space<hbm>>
        %dma_start3A_452 = tpu.memref_squeeze %dma_start3A_451 : memref<1x1x32xi32, #tpu.memory_space<hbm>> -> memref<32xi32, #tpu.memory_space<hbm>>
        %dma_start3A_453 = arith.constant 0 : i32
        %dma_start3A_454 = tpu.memref_slice %arg3[%add3A, %add3A_449, %dma_start3A_453] : memref<32x320x32xi32, #tpu.memory_space<hbm>> -> memref<1x1x32xi32, #tpu.memory_space<hbm>>
        %dma_start3A_455 = tpu.memref_squeeze %dma_start3A_454 : memref<1x1x32xi32, #tpu.memory_space<hbm>> -> memref<32xi32, #tpu.memory_space<hbm>>
        tpu.enqueue_dma source(%dma_start3A_455 : memref<32xi32, #tpu.memory_space<hbm>>) target(%arg12 : memref<32xi32, #tpu.memory_space<vmem>>) target_semaphore(%arg38 : memref<!tpu.dma_semaphore, #tpu.memory_space<semaphore_mem>>)
        %add3A_456 = arith.constant 10 : i32
        %add3A_457 = arith.addi %add3A_240, %add3A_456 : i32
        %dma_start3A_458 = arith.constant 0 : i32
        %dma_start3A_459 = tpu.memref_slice %arg4[%add3A, %add3A_457, %dma_start3A_458] : memref<32x320x32xi32, #tpu.memory_space<hbm>> -> memref<1x1x32xi32, #tpu.memory_space<hbm>>
        %dma_start3A_460 = tpu.memref_squeeze %dma_start3A_459 : memref<1x1x32xi32, #tpu.memory_space<hbm>> -> memref<32xi32, #tpu.memory_space<hbm>>
        %dma_start3A_461 = arith.constant 0 : i32
        %dma_start3A_462 = tpu.memref_slice %arg4[%add3A, %add3A_457, %dma_start3A_461] : memref<32x320x32xi32, #tpu.memory_space<hbm>> -> memref<1x1x32xi32, #tpu.memory_space<hbm>>
        %dma_start3A_463 = tpu.memref_squeeze %dma_start3A_462 : memref<1x1x32xi32, #tpu.memory_space<hbm>> -> memref<32xi32, #tpu.memory_space<hbm>>
        tpu.enqueue_dma source(%dma_start3A_463 : memref<32xi32, #tpu.memory_space<hbm>>) target(%arg22 : memref<32xi32, #tpu.memory_space<vmem>>) target_semaphore(%arg38 : memref<!tpu.dma_semaphore, #tpu.memory_space<semaphore_mem>>)
      } else {
      }
      %add3A_248 = arith.constant 5 : i32
      %add3A_249 = arith.addi %add3A_240, %add3A_248 : i32
      %lt3A_250 = arith.constant 320 : i32
      %lt3A_251 = arith.cmpi slt, %add3A_249, %lt3A_250 : i32
      %convert_element_type3A_252 = arith.extui %lt3A_251 : i1 to i32
      %cond3A_253 = arith.constant 0 : i32
      %cond3A_254 = arith.cmpi ne, %convert_element_type3A_252, %cond3A_253 : i32
      scf.if %cond3A_254 {
        %add3A_448 = arith.constant 5 : i32
        %add3A_449 = arith.addi %add3A_240, %add3A_448 : i32
        %dma_wait3A_450 = arith.constant 0 : i32
        %dma_wait3A_451 = tpu.memref_slice %arg3[%add3A, %add3A_449, %dma_wait3A_450] : memref<32x320x32xi32, #tpu.memory_space<hbm>> -> memref<1x1x32xi32, #tpu.memory_space<hbm>>
        %dma_wait3A_452 = tpu.memref_squeeze %dma_wait3A_451 : memref<1x1x32xi32, #tpu.memory_space<hbm>> -> memref<32xi32, #tpu.memory_space<hbm>>
        %dma_wait3A_453 = arith.constant 0 : i32
        %dma_wait3A_454 = tpu.memref_slice %arg3[%add3A, %add3A_449, %dma_wait3A_453] : memref<32x320x32xi32, #tpu.memory_space<hbm>> -> memref<1x1x32xi32, #tpu.memory_space<hbm>>
        %dma_wait3A_455 = tpu.memref_squeeze %dma_wait3A_454 : memref<1x1x32xi32, #tpu.memory_space<hbm>> -> memref<32xi32, #tpu.memory_space<hbm>>
        tpu.wait_dma2 semaphore(%arg39 : memref<!tpu.dma_semaphore, #tpu.memory_space<semaphore_mem>>) src(%dma_wait3A_455 : memref<32xi32, #tpu.memory_space<hbm>>) dst(%arg13 : memref<32xi32, #tpu.memory_space<vmem>>)
        %add3A_456 = arith.constant 5 : i32
        %add3A_457 = arith.addi %add3A_240, %add3A_456 : i32
        %dma_wait3A_458 = arith.constant 0 : i32
        %dma_wait3A_459 = tpu.memref_slice %arg4[%add3A, %add3A_457, %dma_wait3A_458] : memref<32x320x32xi32, #tpu.memory_space<hbm>> -> memref<1x1x32xi32, #tpu.memory_space<hbm>>
        %dma_wait3A_460 = tpu.memref_squeeze %dma_wait3A_459 : memref<1x1x32xi32, #tpu.memory_space<hbm>> -> memref<32xi32, #tpu.memory_space<hbm>>
        %dma_wait3A_461 = arith.constant 0 : i32
        %dma_wait3A_462 = tpu.memref_slice %arg4[%add3A, %add3A_457, %dma_wait3A_461] : memref<32x320x32xi32, #tpu.memory_space<hbm>> -> memref<1x1x32xi32, #tpu.memory_space<hbm>>
        %dma_wait3A_463 = tpu.memref_squeeze %dma_wait3A_462 : memref<1x1x32xi32, #tpu.memory_space<hbm>> -> memref<32xi32, #tpu.memory_space<hbm>>
        tpu.wait_dma2 semaphore(%arg39 : memref<!tpu.dma_semaphore, #tpu.memory_space<semaphore_mem>>) src(%dma_wait3A_463 : memref<32xi32, #tpu.memory_space<hbm>>) dst(%arg23 : memref<32xi32, #tpu.memory_space<vmem>>)
        %dma_start3A_464 = arith.constant 0 : i32
        %dma_start3A_465 = arith.constant 0 : i32
        %dma_start3A_466 = tpu.memref_slice %arg2[%dma_start3A_464, %dma_start3A_465] : memref<10112x128xf32, #tpu.memory_space<hbm>> -> memref<10112x128xf32, #tpu.memory_space<hbm>>
        tpu.enqueue_indirect_dma source(%dma_start3A_466 : memref<10112x128xf32, #tpu.memory_space<hbm>>) target(%arg7 : memref<32x128xf32, #tpu.memory_space<vmem>>) offsets(%arg13 : memref<32xi32, #tpu.memory_space<vmem>>) semaphore(%arg33 : memref<!tpu.dma_semaphore, #tpu.memory_space<semaphore_mem>>)
      } else {
      }
      %mul3A_255 = arith.constant 5 : i32
      %mul3A_256 = arith.muli %add3A_236, %mul3A_255 : i32
      %add3A_257 = arith.constant 1 : i32
      %add3A_258 = arith.addi %mul3A_256, %add3A_257 : i32
      %dma_wait3A_259 = arith.constant 0 : i32
      %dma_wait3A_260 = arith.constant 0 : i32
      %dma_wait3A_261 = tpu.memref_slice %arg2[%dma_wait3A_259, %dma_wait3A_260] : memref<10112x128xf32, #tpu.memory_space<hbm>> -> memref<10112x128xf32, #tpu.memory_space<hbm>>
      tpu.wait_indirect_dma semaphore(%arg34 : memref<!tpu.dma_semaphore, #tpu.memory_space<semaphore_mem>>) src(%dma_wait3A_261 : memref<10112x128xf32, #tpu.memory_space<hbm>>) dst(%arg8 : memref<32x128xf32, #tpu.memory_space<vmem>>)
      "tpu.region"() ({
        %run_scoped3A = tpu.sem_alloc : memref<!tpu.dma_semaphore, #tpu.memory_space<semaphore_mem>>
        %dma_start3A_448 = arith.constant 0 : i32
        %dma_start3A_449 = arith.constant 0 : i32
        %dma_start3A_450 = tpu.memref_slice %arg32[%dma_start3A_448, %dma_start3A_449] : memref<10112x128xf32, #tpu.memory_space<vmem_shared>> -> memref<10112x128xf32, #tpu.memory_space<vmem_shared>>
        tpu.enqueue_indirect_dma source(%arg8 : memref<32x128xf32, #tpu.memory_space<vmem>>) target(%dma_start3A_450 : memref<10112x128xf32, #tpu.memory_space<vmem_shared>>) offsets(%arg24 : memref<32xi32, #tpu.memory_space<vmem>>) semaphore(%run_scoped3A : memref<!tpu.dma_semaphore, #tpu.memory_space<semaphore_mem>>) {add = true}
        %dma_wait3A_451 = arith.constant 0 : i32
        %dma_wait3A_452 = arith.constant 0 : i32
        %dma_wait3A_453 = tpu.memref_slice %arg32[%dma_wait3A_451, %dma_wait3A_452] : memref<10112x128xf32, #tpu.memory_space<vmem_shared>> -> memref<10112x128xf32, #tpu.memory_space<vmem_shared>>
        tpu.wait_indirect_dma semaphore(%run_scoped3A : memref<!tpu.dma_semaphore, #tpu.memory_space<semaphore_mem>>) src(%arg8 : memref<32x128xf32, #tpu.memory_space<vmem>>) dst(%dma_wait3A_453 : memref<10112x128xf32, #tpu.memory_space<vmem_shared>>)
        tpu.yield
      }) : () -> ()
      %add3A_262 = arith.constant 10 : i32
      %add3A_263 = arith.addi %add3A_258, %add3A_262 : i32
      %lt3A_264 = arith.constant 320 : i32
      %lt3A_265 = arith.cmpi slt, %add3A_263, %lt3A_264 : i32
      %convert_element_type3A_266 = arith.extui %lt3A_265 : i1 to i32
      %cond3A_267 = arith.constant 0 : i32
      %cond3A_268 = arith.cmpi ne, %convert_element_type3A_266, %cond3A_267 : i32
      scf.if %cond3A_268 {
        %add3A_448 = arith.constant 10 : i32
        %add3A_449 = arith.addi %add3A_258, %add3A_448 : i32
        %dma_start3A_450 = arith.constant 0 : i32
        %dma_start3A_451 = tpu.memref_slice %arg3[%add3A, %add3A_449, %dma_start3A_450] : memref<32x320x32xi32, #tpu.memory_space<hbm>> -> memref<1x1x32xi32, #tpu.memory_space<hbm>>
        %dma_start3A_452 = tpu.memref_squeeze %dma_start3A_451 : memref<1x1x32xi32, #tpu.memory_space<hbm>> -> memref<32xi32, #tpu.memory_space<hbm>>
        %dma_start3A_453 = arith.constant 0 : i32
        %dma_start3A_454 = tpu.memref_slice %arg3[%add3A, %add3A_449, %dma_start3A_453] : memref<32x320x32xi32, #tpu.memory_space<hbm>> -> memref<1x1x32xi32, #tpu.memory_space<hbm>>
        %dma_start3A_455 = tpu.memref_squeeze %dma_start3A_454 : memref<1x1x32xi32, #tpu.memory_space<hbm>> -> memref<32xi32, #tpu.memory_space<hbm>>
        tpu.enqueue_dma source(%dma_start3A_455 : memref<32xi32, #tpu.memory_space<hbm>>) target(%arg14 : memref<32xi32, #tpu.memory_space<vmem>>) target_semaphore(%arg40 : memref<!tpu.dma_semaphore, #tpu.memory_space<semaphore_mem>>)
        %add3A_456 = arith.constant 10 : i32
        %add3A_457 = arith.addi %add3A_258, %add3A_456 : i32
        %dma_start3A_458 = arith.constant 0 : i32
        %dma_start3A_459 = tpu.memref_slice %arg4[%add3A, %add3A_457, %dma_start3A_458] : memref<32x320x32xi32, #tpu.memory_space<hbm>> -> memref<1x1x32xi32, #tpu.memory_space<hbm>>
        %dma_start3A_460 = tpu.memref_squeeze %dma_start3A_459 : memref<1x1x32xi32, #tpu.memory_space<hbm>> -> memref<32xi32, #tpu.memory_space<hbm>>
        %dma_start3A_461 = arith.constant 0 : i32
        %dma_start3A_462 = tpu.memref_slice %arg4[%add3A, %add3A_457, %dma_start3A_461] : memref<32x320x32xi32, #tpu.memory_space<hbm>> -> memref<1x1x32xi32, #tpu.memory_space<hbm>>
        %dma_start3A_463 = tpu.memref_squeeze %dma_start3A_462 : memref<1x1x32xi32, #tpu.memory_space<hbm>> -> memref<32xi32, #tpu.memory_space<hbm>>
        tpu.enqueue_dma source(%dma_start3A_463 : memref<32xi32, #tpu.memory_space<hbm>>) target(%arg24 : memref<32xi32, #tpu.memory_space<vmem>>) target_semaphore(%arg40 : memref<!tpu.dma_semaphore, #tpu.memory_space<semaphore_mem>>)
      } else {
      }
      %add3A_269 = arith.constant 5 : i32
      %add3A_270 = arith.addi %add3A_258, %add3A_269 : i32
      %lt3A_271 = arith.constant 320 : i32
      %lt3A_272 = arith.cmpi slt, %add3A_270, %lt3A_271 : i32
      %convert_element_type3A_273 = arith.extui %lt3A_272 : i1 to i32
      %cond3A_274 = arith.constant 0 : i32
      %cond3A_275 = arith.cmpi ne, %convert_element_type3A_273, %cond3A_274 : i32
      scf.if %cond3A_275 {
        %add3A_448 = arith.constant 5 : i32
        %add3A_449 = arith.addi %add3A_258, %add3A_448 : i32
        %dma_wait3A_450 = arith.constant 0 : i32
        %dma_wait3A_451 = tpu.memref_slice %arg3[%add3A, %add3A_449, %dma_wait3A_450] : memref<32x320x32xi32, #tpu.memory_space<hbm>> -> memref<1x1x32xi32, #tpu.memory_space<hbm>>
        %dma_wait3A_452 = tpu.memref_squeeze %dma_wait3A_451 : memref<1x1x32xi32, #tpu.memory_space<hbm>> -> memref<32xi32, #tpu.memory_space<hbm>>
        %dma_wait3A_453 = arith.constant 0 : i32
        %dma_wait3A_454 = tpu.memref_slice %arg3[%add3A, %add3A_449, %dma_wait3A_453] : memref<32x320x32xi32, #tpu.memory_space<hbm>> -> memref<1x1x32xi32, #tpu.memory_space<hbm>>
        %dma_wait3A_455 = tpu.memref_squeeze %dma_wait3A_454 : memref<1x1x32xi32, #tpu.memory_space<hbm>> -> memref<32xi32, #tpu.memory_space<hbm>>
        tpu.wait_dma2 semaphore(%arg41 : memref<!tpu.dma_semaphore, #tpu.memory_space<semaphore_mem>>) src(%dma_wait3A_455 : memref<32xi32, #tpu.memory_space<hbm>>) dst(%arg15 : memref<32xi32, #tpu.memory_space<vmem>>)
        %add3A_456 = arith.constant 5 : i32
        %add3A_457 = arith.addi %add3A_258, %add3A_456 : i32
        %dma_wait3A_458 = arith.constant 0 : i32
        %dma_wait3A_459 = tpu.memref_slice %arg4[%add3A, %add3A_457, %dma_wait3A_458] : memref<32x320x32xi32, #tpu.memory_space<hbm>> -> memref<1x1x32xi32, #tpu.memory_space<hbm>>
        %dma_wait3A_460 = tpu.memref_squeeze %dma_wait3A_459 : memref<1x1x32xi32, #tpu.memory_space<hbm>> -> memref<32xi32, #tpu.memory_space<hbm>>
        %dma_wait3A_461 = arith.constant 0 : i32
        %dma_wait3A_462 = tpu.memref_slice %arg4[%add3A, %add3A_457, %dma_wait3A_461] : memref<32x320x32xi32, #tpu.memory_space<hbm>> -> memref<1x1x32xi32, #tpu.memory_space<hbm>>
        %dma_wait3A_463 = tpu.memref_squeeze %dma_wait3A_462 : memref<1x1x32xi32, #tpu.memory_space<hbm>> -> memref<32xi32, #tpu.memory_space<hbm>>
        tpu.wait_dma2 semaphore(%arg41 : memref<!tpu.dma_semaphore, #tpu.memory_space<semaphore_mem>>) src(%dma_wait3A_463 : memref<32xi32, #tpu.memory_space<hbm>>) dst(%arg25 : memref<32xi32, #tpu.memory_space<vmem>>)
        %dma_start3A_464 = arith.constant 0 : i32
        %dma_start3A_465 = arith.constant 0 : i32
        %dma_start3A_466 = tpu.memref_slice %arg2[%dma_start3A_464, %dma_start3A_465] : memref<10112x128xf32, #tpu.memory_space<hbm>> -> memref<10112x128xf32, #tpu.memory_space<hbm>>
        tpu.enqueue_indirect_dma source(%dma_start3A_466 : memref<10112x128xf32, #tpu.memory_space<hbm>>) target(%arg8 : memref<32x128xf32, #tpu.memory_space<vmem>>) offsets(%arg15 : memref<32xi32, #tpu.memory_space<vmem>>) semaphore(%arg34 : memref<!tpu.dma_semaphore, #tpu.memory_space<semaphore_mem>>)
      } else {
      }
      %mul3A_276 = arith.constant 5 : i32
      %mul3A_277 = arith.muli %add3A_236, %mul3A_276 : i32
      %add3A_278 = arith.constant 2 : i32
      %add3A_279 = arith.addi %mul3A_277, %add3A_278 : i32
      %dma_wait3A_280 = arith.constant 0 : i32
      %dma_wait3A_281 = arith.constant 0 : i32
      %dma_wait3A_282 = tpu.memref_slice %arg2[%dma_wait3A_280, %dma_wait3A_281] : memref<10112x128xf32, #tpu.memory_space<hbm>> -> memref<10112x128xf32, #tpu.memory_space<hbm>>
      tpu.wait_indirect_dma semaphore(%arg35 : memref<!tpu.dma_semaphore, #tpu.memory_space<semaphore_mem>>) src(%dma_wait3A_282 : memref<10112x128xf32, #tpu.memory_space<hbm>>) dst(%arg9 : memref<32x128xf32, #tpu.memory_space<vmem>>)
      "tpu.region"() ({
        %run_scoped3A = tpu.sem_alloc : memref<!tpu.dma_semaphore, #tpu.memory_space<semaphore_mem>>
        %dma_start3A_448 = arith.constant 0 : i32
        %dma_start3A_449 = arith.constant 0 : i32
        %dma_start3A_450 = tpu.memref_slice %arg32[%dma_start3A_448, %dma_start3A_449] : memref<10112x128xf32, #tpu.memory_space<vmem_shared>> -> memref<10112x128xf32, #tpu.memory_space<vmem_shared>>
        tpu.enqueue_indirect_dma source(%arg9 : memref<32x128xf32, #tpu.memory_space<vmem>>) target(%dma_start3A_450 : memref<10112x128xf32, #tpu.memory_space<vmem_shared>>) offsets(%arg26 : memref<32xi32, #tpu.memory_space<vmem>>) semaphore(%run_scoped3A : memref<!tpu.dma_semaphore, #tpu.memory_space<semaphore_mem>>) {add = true}
        %dma_wait3A_451 = arith.constant 0 : i32
        %dma_wait3A_452 = arith.constant 0 : i32
        %dma_wait3A_453 = tpu.memref_slice %arg32[%dma_wait3A_451, %dma_wait3A_452] : memref<10112x128xf32, #tpu.memory_space<vmem_shared>> -> memref<10112x128xf32, #tpu.memory_space<vmem_shared>>
        tpu.wait_indirect_dma semaphore(%run_scoped3A : memref<!tpu.dma_semaphore, #tpu.memory_space<semaphore_mem>>) src(%arg9 : memref<32x128xf32, #tpu.memory_space<vmem>>) dst(%dma_wait3A_453 : memref<10112x128xf32, #tpu.memory_space<vmem_shared>>)
        tpu.yield
      }) : () -> ()
      %add3A_283 = arith.constant 10 : i32
      %add3A_284 = arith.addi %add3A_279, %add3A_283 : i32
      %lt3A_285 = arith.constant 320 : i32
      %lt3A_286 = arith.cmpi slt, %add3A_284, %lt3A_285 : i32
      %convert_element_type3A_287 = arith.extui %lt3A_286 : i1 to i32
      %cond3A_288 = arith.constant 0 : i32
      %cond3A_289 = arith.cmpi ne, %convert_element_type3A_287, %cond3A_288 : i32
      scf.if %cond3A_289 {
        %add3A_448 = arith.constant 10 : i32
        %add3A_449 = arith.addi %add3A_279, %add3A_448 : i32
        %dma_start3A_450 = arith.constant 0 : i32
        %dma_start3A_451 = tpu.memref_slice %arg3[%add3A, %add3A_449, %dma_start3A_450] : memref<32x320x32xi32, #tpu.memory_space<hbm>> -> memref<1x1x32xi32, #tpu.memory_space<hbm>>
        %dma_start3A_452 = tpu.memref_squeeze %dma_start3A_451 : memref<1x1x32xi32, #tpu.memory_space<hbm>> -> memref<32xi32, #tpu.memory_space<hbm>>
        %dma_start3A_453 = arith.constant 0 : i32
        %dma_start3A_454 = tpu.memref_slice %arg3[%add3A, %add3A_449, %dma_start3A_453] : memref<32x320x32xi32, #tpu.memory_space<hbm>> -> memref<1x1x32xi32, #tpu.memory_space<hbm>>
        %dma_start3A_455 = tpu.memref_squeeze %dma_start3A_454 : memref<1x1x32xi32, #tpu.memory_space<hbm>> -> memref<32xi32, #tpu.memory_space<hbm>>
        tpu.enqueue_dma source(%dma_start3A_455 : memref<32xi32, #tpu.memory_space<hbm>>) target(%arg16 : memref<32xi32, #tpu.memory_space<vmem>>) target_semaphore(%arg42 : memref<!tpu.dma_semaphore, #tpu.memory_space<semaphore_mem>>)
        %add3A_456 = arith.constant 10 : i32
        %add3A_457 = arith.addi %add3A_279, %add3A_456 : i32
        %dma_start3A_458 = arith.constant 0 : i32
        %dma_start3A_459 = tpu.memref_slice %arg4[%add3A, %add3A_457, %dma_start3A_458] : memref<32x320x32xi32, #tpu.memory_space<hbm>> -> memref<1x1x32xi32, #tpu.memory_space<hbm>>
        %dma_start3A_460 = tpu.memref_squeeze %dma_start3A_459 : memref<1x1x32xi32, #tpu.memory_space<hbm>> -> memref<32xi32, #tpu.memory_space<hbm>>
        %dma_start3A_461 = arith.constant 0 : i32
        %dma_start3A_462 = tpu.memref_slice %arg4[%add3A, %add3A_457, %dma_start3A_461] : memref<32x320x32xi32, #tpu.memory_space<hbm>> -> memref<1x1x32xi32, #tpu.memory_space<hbm>>
        %dma_start3A_463 = tpu.memref_squeeze %dma_start3A_462 : memref<1x1x32xi32, #tpu.memory_space<hbm>> -> memref<32xi32, #tpu.memory_space<hbm>>
        tpu.enqueue_dma source(%dma_start3A_463 : memref<32xi32, #tpu.memory_space<hbm>>) target(%arg26 : memref<32xi32, #tpu.memory_space<vmem>>) target_semaphore(%arg42 : memref<!tpu.dma_semaphore, #tpu.memory_space<semaphore_mem>>)
      } else {
      }
      %add3A_290 = arith.constant 5 : i32
      %add3A_291 = arith.addi %add3A_279, %add3A_290 : i32
      %lt3A_292 = arith.constant 320 : i32
      %lt3A_293 = arith.cmpi slt, %add3A_291, %lt3A_292 : i32
      %convert_element_type3A_294 = arith.extui %lt3A_293 : i1 to i32
      %cond3A_295 = arith.constant 0 : i32
      %cond3A_296 = arith.cmpi ne, %convert_element_type3A_294, %cond3A_295 : i32
      scf.if %cond3A_296 {
        %add3A_448 = arith.constant 5 : i32
        %add3A_449 = arith.addi %add3A_279, %add3A_448 : i32
        %dma_wait3A_450 = arith.constant 0 : i32
        %dma_wait3A_451 = tpu.memref_slice %arg3[%add3A, %add3A_449, %dma_wait3A_450] : memref<32x320x32xi32, #tpu.memory_space<hbm>> -> memref<1x1x32xi32, #tpu.memory_space<hbm>>
        %dma_wait3A_452 = tpu.memref_squeeze %dma_wait3A_451 : memref<1x1x32xi32, #tpu.memory_space<hbm>> -> memref<32xi32, #tpu.memory_space<hbm>>
        %dma_wait3A_453 = arith.constant 0 : i32
        %dma_wait3A_454 = tpu.memref_slice %arg3[%add3A, %add3A_449, %dma_wait3A_453] : memref<32x320x32xi32, #tpu.memory_space<hbm>> -> memref<1x1x32xi32, #tpu.memory_space<hbm>>
        %dma_wait3A_455 = tpu.memref_squeeze %dma_wait3A_454 : memref<1x1x32xi32, #tpu.memory_space<hbm>> -> memref<32xi32, #tpu.memory_space<hbm>>
        tpu.wait_dma2 semaphore(%arg43 : memref<!tpu.dma_semaphore, #tpu.memory_space<semaphore_mem>>) src(%dma_wait3A_455 : memref<32xi32, #tpu.memory_space<hbm>>) dst(%arg17 : memref<32xi32, #tpu.memory_space<vmem>>)
        %add3A_456 = arith.constant 5 : i32
        %add3A_457 = arith.addi %add3A_279, %add3A_456 : i32
        %dma_wait3A_458 = arith.constant 0 : i32
        %dma_wait3A_459 = tpu.memref_slice %arg4[%add3A, %add3A_457, %dma_wait3A_458] : memref<32x320x32xi32, #tpu.memory_space<hbm>> -> memref<1x1x32xi32, #tpu.memory_space<hbm>>
        %dma_wait3A_460 = tpu.memref_squeeze %dma_wait3A_459 : memref<1x1x32xi32, #tpu.memory_space<hbm>> -> memref<32xi32, #tpu.memory_space<hbm>>
        %dma_wait3A_461 = arith.constant 0 : i32
        %dma_wait3A_462 = tpu.memref_slice %arg4[%add3A, %add3A_457, %dma_wait3A_461] : memref<32x320x32xi32, #tpu.memory_space<hbm>> -> memref<1x1x32xi32, #tpu.memory_space<hbm>>
        %dma_wait3A_463 = tpu.memref_squeeze %dma_wait3A_462 : memref<1x1x32xi32, #tpu.memory_space<hbm>> -> memref<32xi32, #tpu.memory_space<hbm>>
        tpu.wait_dma2 semaphore(%arg43 : memref<!tpu.dma_semaphore, #tpu.memory_space<semaphore_mem>>) src(%dma_wait3A_463 : memref<32xi32, #tpu.memory_space<hbm>>) dst(%arg27 : memref<32xi32, #tpu.memory_space<vmem>>)
        %dma_start3A_464 = arith.constant 0 : i32
        %dma_start3A_465 = arith.constant 0 : i32
        %dma_start3A_466 = tpu.memref_slice %arg2[%dma_start3A_464, %dma_start3A_465] : memref<10112x128xf32, #tpu.memory_space<hbm>> -> memref<10112x128xf32, #tpu.memory_space<hbm>>
        tpu.enqueue_indirect_dma source(%dma_start3A_466 : memref<10112x128xf32, #tpu.memory_space<hbm>>) target(%arg9 : memref<32x128xf32, #tpu.memory_space<vmem>>) offsets(%arg17 : memref<32xi32, #tpu.memory_space<vmem>>) semaphore(%arg35 : memref<!tpu.dma_semaphore, #tpu.memory_space<semaphore_mem>>)
      } else {
      }
      %mul3A_297 = arith.constant 5 : i32
      %mul3A_298 = arith.muli %add3A_236, %mul3A_297 : i32
      %add3A_299 = arith.constant 3 : i32
      %add3A_300 = arith.addi %mul3A_298, %add3A_299 : i32
      %dma_wait3A_301 = arith.constant 0 : i32
      %dma_wait3A_302 = arith.constant 0 : i32
      %dma_wait3A_303 = tpu.memref_slice %arg2[%dma_wait3A_301, %dma_wait3A_302] : memref<10112x128xf32, #tpu.memory_space<hbm>> -> memref<10112x128xf32, #tpu.memory_space<hbm>>
      tpu.wait_indirect_dma semaphore(%arg36 : memref<!tpu.dma_semaphore, #tpu.memory_space<semaphore_mem>>) src(%dma_wait3A_303 : memref<10112x128xf32, #tpu.memory_space<hbm>>) dst(%arg10 : memref<32x128xf32, #tpu.memory_space<vmem>>)
      "tpu.region"() ({
        %run_scoped3A = tpu.sem_alloc : memref<!tpu.dma_semaphore, #tpu.memory_space<semaphore_mem>>
        %dma_start3A_448 = arith.constant 0 : i32
        %dma_start3A_449 = arith.constant 0 : i32
        %dma_start3A_450 = tpu.memref_slice %arg32[%dma_start3A_448, %dma_start3A_449] : memref<10112x128xf32, #tpu.memory_space<vmem_shared>> -> memref<10112x128xf32, #tpu.memory_space<vmem_shared>>
        tpu.enqueue_indirect_dma source(%arg10 : memref<32x128xf32, #tpu.memory_space<vmem>>) target(%dma_start3A_450 : memref<10112x128xf32, #tpu.memory_space<vmem_shared>>) offsets(%arg28 : memref<32xi32, #tpu.memory_space<vmem>>) semaphore(%run_scoped3A : memref<!tpu.dma_semaphore, #tpu.memory_space<semaphore_mem>>) {add = true}
        %dma_wait3A_451 = arith.constant 0 : i32
        %dma_wait3A_452 = arith.constant 0 : i32
        %dma_wait3A_453 = tpu.memref_slice %arg32[%dma_wait3A_451, %dma_wait3A_452] : memref<10112x128xf32, #tpu.memory_space<vmem_shared>> -> memref<10112x128xf32, #tpu.memory_space<vmem_shared>>
        tpu.wait_indirect_dma semaphore(%run_scoped3A : memref<!tpu.dma_semaphore, #tpu.memory_space<semaphore_mem>>) src(%arg10 : memref<32x128xf32, #tpu.memory_space<vmem>>) dst(%dma_wait3A_453 : memref<10112x128xf32, #tpu.memory_space<vmem_shared>>)
        tpu.yield
      }) : () -> ()
      %add3A_304 = arith.constant 10 : i32
      %add3A_305 = arith.addi %add3A_300, %add3A_304 : i32
      %lt3A_306 = arith.constant 320 : i32
      %lt3A_307 = arith.cmpi slt, %add3A_305, %lt3A_306 : i32
      %convert_element_type3A_308 = arith.extui %lt3A_307 : i1 to i32
      %cond3A_309 = arith.constant 0 : i32
      %cond3A_310 = arith.cmpi ne, %convert_element_type3A_308, %cond3A_309 : i32
      scf.if %cond3A_310 {
        %add3A_448 = arith.constant 10 : i32
        %add3A_449 = arith.addi %add3A_300, %add3A_448 : i32
        %dma_start3A_450 = arith.constant 0 : i32
        %dma_start3A_451 = tpu.memref_slice %arg3[%add3A, %add3A_449, %dma_start3A_450] : memref<32x320x32xi32, #tpu.memory_space<hbm>> -> memref<1x1x32xi32, #tpu.memory_space<hbm>>
        %dma_start3A_452 = tpu.memref_squeeze %dma_start3A_451 : memref<1x1x32xi32, #tpu.memory_space<hbm>> -> memref<32xi32, #tpu.memory_space<hbm>>
        %dma_start3A_453 = arith.constant 0 : i32
        %dma_start3A_454 = tpu.memref_slice %arg3[%add3A, %add3A_449, %dma_start3A_453] : memref<32x320x32xi32, #tpu.memory_space<hbm>> -> memref<1x1x32xi32, #tpu.memory_space<hbm>>
        %dma_start3A_455 = tpu.memref_squeeze %dma_start3A_454 : memref<1x1x32xi32, #tpu.memory_space<hbm>> -> memref<32xi32, #tpu.memory_space<hbm>>
        tpu.enqueue_dma source(%dma_start3A_455 : memref<32xi32, #tpu.memory_space<hbm>>) target(%arg18 : memref<32xi32, #tpu.memory_space<vmem>>) target_semaphore(%arg44 : memref<!tpu.dma_semaphore, #tpu.memory_space<semaphore_mem>>)
        %add3A_456 = arith.constant 10 : i32
        %add3A_457 = arith.addi %add3A_300, %add3A_456 : i32
        %dma_start3A_458 = arith.constant 0 : i32
        %dma_start3A_459 = tpu.memref_slice %arg4[%add3A, %add3A_457, %dma_start3A_458] : memref<32x320x32xi32, #tpu.memory_space<hbm>> -> memref<1x1x32xi32, #tpu.memory_space<hbm>>
        %dma_start3A_460 = tpu.memref_squeeze %dma_start3A_459 : memref<1x1x32xi32, #tpu.memory_space<hbm>> -> memref<32xi32, #tpu.memory_space<hbm>>
        %dma_start3A_461 = arith.constant 0 : i32
        %dma_start3A_462 = tpu.memref_slice %arg4[%add3A, %add3A_457, %dma_start3A_461] : memref<32x320x32xi32, #tpu.memory_space<hbm>> -> memref<1x1x32xi32, #tpu.memory_space<hbm>>
        %dma_start3A_463 = tpu.memref_squeeze %dma_start3A_462 : memref<1x1x32xi32, #tpu.memory_space<hbm>> -> memref<32xi32, #tpu.memory_space<hbm>>
        tpu.enqueue_dma source(%dma_start3A_463 : memref<32xi32, #tpu.memory_space<hbm>>) target(%arg28 : memref<32xi32, #tpu.memory_space<vmem>>) target_semaphore(%arg44 : memref<!tpu.dma_semaphore, #tpu.memory_space<semaphore_mem>>)
      } else {
      }
      %add3A_311 = arith.constant 5 : i32
      %add3A_312 = arith.addi %add3A_300, %add3A_311 : i32
      %lt3A_313 = arith.constant 320 : i32
      %lt3A_314 = arith.cmpi slt, %add3A_312, %lt3A_313 : i32
      %convert_element_type3A_315 = arith.extui %lt3A_314 : i1 to i32
      %cond3A_316 = arith.constant 0 : i32
      %cond3A_317 = arith.cmpi ne, %convert_element_type3A_315, %cond3A_316 : i32
      scf.if %cond3A_317 {
        %add3A_448 = arith.constant 5 : i32
        %add3A_449 = arith.addi %add3A_300, %add3A_448 : i32
        %dma_wait3A_450 = arith.constant 0 : i32
        %dma_wait3A_451 = tpu.memref_slice %arg3[%add3A, %add3A_449, %dma_wait3A_450] : memref<32x320x32xi32, #tpu.memory_space<hbm>> -> memref<1x1x32xi32, #tpu.memory_space<hbm>>
        %dma_wait3A_452 = tpu.memref_squeeze %dma_wait3A_451 : memref<1x1x32xi32, #tpu.memory_space<hbm>> -> memref<32xi32, #tpu.memory_space<hbm>>
        %dma_wait3A_453 = arith.constant 0 : i32
        %dma_wait3A_454 = tpu.memref_slice %arg3[%add3A, %add3A_449, %dma_wait3A_453] : memref<32x320x32xi32, #tpu.memory_space<hbm>> -> memref<1x1x32xi32, #tpu.memory_space<hbm>>
        %dma_wait3A_455 = tpu.memref_squeeze %dma_wait3A_454 : memref<1x1x32xi32, #tpu.memory_space<hbm>> -> memref<32xi32, #tpu.memory_space<hbm>>
        tpu.wait_dma2 semaphore(%arg45 : memref<!tpu.dma_semaphore, #tpu.memory_space<semaphore_mem>>) src(%dma_wait3A_455 : memref<32xi32, #tpu.memory_space<hbm>>) dst(%arg19 : memref<32xi32, #tpu.memory_space<vmem>>)
        %add3A_456 = arith.constant 5 : i32
        %add3A_457 = arith.addi %add3A_300, %add3A_456 : i32
        %dma_wait3A_458 = arith.constant 0 : i32
        %dma_wait3A_459 = tpu.memref_slice %arg4[%add3A, %add3A_457, %dma_wait3A_458] : memref<32x320x32xi32, #tpu.memory_space<hbm>> -> memref<1x1x32xi32, #tpu.memory_space<hbm>>
        %dma_wait3A_460 = tpu.memref_squeeze %dma_wait3A_459 : memref<1x1x32xi32, #tpu.memory_space<hbm>> -> memref<32xi32, #tpu.memory_space<hbm>>
        %dma_wait3A_461 = arith.constant 0 : i32
        %dma_wait3A_462 = tpu.memref_slice %arg4[%add3A, %add3A_457, %dma_wait3A_461] : memref<32x320x32xi32, #tpu.memory_space<hbm>> -> memref<1x1x32xi32, #tpu.memory_space<hbm>>
        %dma_wait3A_463 = tpu.memref_squeeze %dma_wait3A_462 : memref<1x1x32xi32, #tpu.memory_space<hbm>> -> memref<32xi32, #tpu.memory_space<hbm>>
        tpu.wait_dma2 semaphore(%arg45 : memref<!tpu.dma_semaphore, #tpu.memory_space<semaphore_mem>>) src(%dma_wait3A_463 : memref<32xi32, #tpu.memory_space<hbm>>) dst(%arg29 : memref<32xi32, #tpu.memory_space<vmem>>)
        %dma_start3A_464 = arith.constant 0 : i32
        %dma_start3A_465 = arith.constant 0 : i32
        %dma_start3A_466 = tpu.memref_slice %arg2[%dma_start3A_464, %dma_start3A_465] : memref<10112x128xf32, #tpu.memory_space<hbm>> -> memref<10112x128xf32, #tpu.memory_space<hbm>>
        tpu.enqueue_indirect_dma source(%dma_start3A_466 : memref<10112x128xf32, #tpu.memory_space<hbm>>) target(%arg10 : memref<32x128xf32, #tpu.memory_space<vmem>>) offsets(%arg19 : memref<32xi32, #tpu.memory_space<vmem>>) semaphore(%arg36 : memref<!tpu.dma_semaphore, #tpu.memory_space<semaphore_mem>>)
      } else {
      }
      %mul3A_318 = arith.constant 5 : i32
      %mul3A_319 = arith.muli %add3A_236, %mul3A_318 : i32
      %add3A_320 = arith.constant 4 : i32
      %add3A_321 = arith.addi %mul3A_319, %add3A_320 : i32
      %dma_wait3A_322 = arith.constant 0 : i32
      %dma_wait3A_323 = arith.constant 0 : i32
      %dma_wait3A_324 = tpu.memref_slice %arg2[%dma_wait3A_322, %dma_wait3A_323] : memref<10112x128xf32, #tpu.memory_space<hbm>> -> memref<10112x128xf32, #tpu.memory_space<hbm>>
      tpu.wait_indirect_dma semaphore(%arg37 : memref<!tpu.dma_semaphore, #tpu.memory_space<semaphore_mem>>) src(%dma_wait3A_324 : memref<10112x128xf32, #tpu.memory_space<hbm>>) dst(%arg11 : memref<32x128xf32, #tpu.memory_space<vmem>>)
      "tpu.region"() ({
        %run_scoped3A = tpu.sem_alloc : memref<!tpu.dma_semaphore, #tpu.memory_space<semaphore_mem>>
        %dma_start3A_448 = arith.constant 0 : i32
        %dma_start3A_449 = arith.constant 0 : i32
        %dma_start3A_450 = tpu.memref_slice %arg32[%dma_start3A_448, %dma_start3A_449] : memref<10112x128xf32, #tpu.memory_space<vmem_shared>> -> memref<10112x128xf32, #tpu.memory_space<vmem_shared>>
        tpu.enqueue_indirect_dma source(%arg11 : memref<32x128xf32, #tpu.memory_space<vmem>>) target(%dma_start3A_450 : memref<10112x128xf32, #tpu.memory_space<vmem_shared>>) offsets(%arg30 : memref<32xi32, #tpu.memory_space<vmem>>) semaphore(%run_scoped3A : memref<!tpu.dma_semaphore, #tpu.memory_space<semaphore_mem>>) {add = true}
        %dma_wait3A_451 = arith.constant 0 : i32
        %dma_wait3A_452 = arith.constant 0 : i32
        %dma_wait3A_453 = tpu.memref_slice %arg32[%dma_wait3A_451, %dma_wait3A_452] : memref<10112x128xf32, #tpu.memory_space<vmem_shared>> -> memref<10112x128xf32, #tpu.memory_space<vmem_shared>>
        tpu.wait_indirect_dma semaphore(%run_scoped3A : memref<!tpu.dma_semaphore, #tpu.memory_space<semaphore_mem>>) src(%arg11 : memref<32x128xf32, #tpu.memory_space<vmem>>) dst(%dma_wait3A_453 : memref<10112x128xf32, #tpu.memory_space<vmem_shared>>)
        tpu.yield
      }) : () -> ()
      %add3A_325 = arith.constant 10 : i32
      %add3A_326 = arith.addi %add3A_321, %add3A_325 : i32
      %lt3A_327 = arith.constant 320 : i32
      %lt3A_328 = arith.cmpi slt, %add3A_326, %lt3A_327 : i32
      %convert_element_type3A_329 = arith.extui %lt3A_328 : i1 to i32
      %cond3A_330 = arith.constant 0 : i32
      %cond3A_331 = arith.cmpi ne, %convert_element_type3A_329, %cond3A_330 : i32
      scf.if %cond3A_331 {
        %add3A_448 = arith.constant 10 : i32
        %add3A_449 = arith.addi %add3A_321, %add3A_448 : i32
        %dma_start3A_450 = arith.constant 0 : i32
        %dma_start3A_451 = tpu.memref_slice %arg3[%add3A, %add3A_449, %dma_start3A_450] : memref<32x320x32xi32, #tpu.memory_space<hbm>> -> memref<1x1x32xi32, #tpu.memory_space<hbm>>
        %dma_start3A_452 = tpu.memref_squeeze %dma_start3A_451 : memref<1x1x32xi32, #tpu.memory_space<hbm>> -> memref<32xi32, #tpu.memory_space<hbm>>
        %dma_start3A_453 = arith.constant 0 : i32
        %dma_start3A_454 = tpu.memref_slice %arg3[%add3A, %add3A_449, %dma_start3A_453] : memref<32x320x32xi32, #tpu.memory_space<hbm>> -> memref<1x1x32xi32, #tpu.memory_space<hbm>>
        %dma_start3A_455 = tpu.memref_squeeze %dma_start3A_454 : memref<1x1x32xi32, #tpu.memory_space<hbm>> -> memref<32xi32, #tpu.memory_space<hbm>>
        tpu.enqueue_dma source(%dma_start3A_455 : memref<32xi32, #tpu.memory_space<hbm>>) target(%arg20 : memref<32xi32, #tpu.memory_space<vmem>>) target_semaphore(%arg46 : memref<!tpu.dma_semaphore, #tpu.memory_space<semaphore_mem>>)
        %add3A_456 = arith.constant 10 : i32
        %add3A_457 = arith.addi %add3A_321, %add3A_456 : i32
        %dma_start3A_458 = arith.constant 0 : i32
        %dma_start3A_459 = tpu.memref_slice %arg4[%add3A, %add3A_457, %dma_start3A_458] : memref<32x320x32xi32, #tpu.memory_space<hbm>> -> memref<1x1x32xi32, #tpu.memory_space<hbm>>
        %dma_start3A_460 = tpu.memref_squeeze %dma_start3A_459 : memref<1x1x32xi32, #tpu.memory_space<hbm>> -> memref<32xi32, #tpu.memory_space<hbm>>
        %dma_start3A_461 = arith.constant 0 : i32
        %dma_start3A_462 = tpu.memref_slice %arg4[%add3A, %add3A_457, %dma_start3A_461] : memref<32x320x32xi32, #tpu.memory_space<hbm>> -> memref<1x1x32xi32, #tpu.memory_space<hbm>>
        %dma_start3A_463 = tpu.memref_squeeze %dma_start3A_462 : memref<1x1x32xi32, #tpu.memory_space<hbm>> -> memref<32xi32, #tpu.memory_space<hbm>>
        tpu.enqueue_dma source(%dma_start3A_463 : memref<32xi32, #tpu.memory_space<hbm>>) target(%arg30 : memref<32xi32, #tpu.memory_space<vmem>>) target_semaphore(%arg46 : memref<!tpu.dma_semaphore, #tpu.memory_space<semaphore_mem>>)
      } else {
      }
      %add3A_332 = arith.constant 5 : i32
      %add3A_333 = arith.addi %add3A_321, %add3A_332 : i32
      %lt3A_334 = arith.constant 320 : i32
      %lt3A_335 = arith.cmpi slt, %add3A_333, %lt3A_334 : i32
      %convert_element_type3A_336 = arith.extui %lt3A_335 : i1 to i32
      %cond3A_337 = arith.constant 0 : i32
      %cond3A_338 = arith.cmpi ne, %convert_element_type3A_336, %cond3A_337 : i32
      scf.if %cond3A_338 {
        %add3A_448 = arith.constant 5 : i32
        %add3A_449 = arith.addi %add3A_321, %add3A_448 : i32
        %dma_wait3A_450 = arith.constant 0 : i32
        %dma_wait3A_451 = tpu.memref_slice %arg3[%add3A, %add3A_449, %dma_wait3A_450] : memref<32x320x32xi32, #tpu.memory_space<hbm>> -> memref<1x1x32xi32, #tpu.memory_space<hbm>>
        %dma_wait3A_452 = tpu.memref_squeeze %dma_wait3A_451 : memref<1x1x32xi32, #tpu.memory_space<hbm>> -> memref<32xi32, #tpu.memory_space<hbm>>
        %dma_wait3A_453 = arith.constant 0 : i32
        %dma_wait3A_454 = tpu.memref_slice %arg3[%add3A, %add3A_449, %dma_wait3A_453] : memref<32x320x32xi32, #tpu.memory_space<hbm>> -> memref<1x1x32xi32, #tpu.memory_space<hbm>>
        %dma_wait3A_455 = tpu.memref_squeeze %dma_wait3A_454 : memref<1x1x32xi32, #tpu.memory_space<hbm>> -> memref<32xi32, #tpu.memory_space<hbm>>
        tpu.wait_dma2 semaphore(%arg47 : memref<!tpu.dma_semaphore, #tpu.memory_space<semaphore_mem>>) src(%dma_wait3A_455 : memref<32xi32, #tpu.memory_space<hbm>>) dst(%arg21 : memref<32xi32, #tpu.memory_space<vmem>>)
        %add3A_456 = arith.constant 5 : i32
        %add3A_457 = arith.addi %add3A_321, %add3A_456 : i32
        %dma_wait3A_458 = arith.constant 0 : i32
        %dma_wait3A_459 = tpu.memref_slice %arg4[%add3A, %add3A_457, %dma_wait3A_458] : memref<32x320x32xi32, #tpu.memory_space<hbm>> -> memref<1x1x32xi32, #tpu.memory_space<hbm>>
        %dma_wait3A_460 = tpu.memref_squeeze %dma_wait3A_459 : memref<1x1x32xi32, #tpu.memory_space<hbm>> -> memref<32xi32, #tpu.memory_space<hbm>>
        %dma_wait3A_461 = arith.constant 0 : i32
        %dma_wait3A_462 = tpu.memref_slice %arg4[%add3A, %add3A_457, %dma_wait3A_461] : memref<32x320x32xi32, #tpu.memory_space<hbm>> -> memref<1x1x32xi32, #tpu.memory_space<hbm>>
        %dma_wait3A_463 = tpu.memref_squeeze %dma_wait3A_462 : memref<1x1x32xi32, #tpu.memory_space<hbm>> -> memref<32xi32, #tpu.memory_space<hbm>>
        tpu.wait_dma2 semaphore(%arg47 : memref<!tpu.dma_semaphore, #tpu.memory_space<semaphore_mem>>) src(%dma_wait3A_463 : memref<32xi32, #tpu.memory_space<hbm>>) dst(%arg31 : memref<32xi32, #tpu.memory_space<vmem>>)
        %dma_start3A_464 = arith.constant 0 : i32
        %dma_start3A_465 = arith.constant 0 : i32
        %dma_start3A_466 = tpu.memref_slice %arg2[%dma_start3A_464, %dma_start3A_465] : memref<10112x128xf32, #tpu.memory_space<hbm>> -> memref<10112x128xf32, #tpu.memory_space<hbm>>
        tpu.enqueue_indirect_dma source(%dma_start3A_466 : memref<10112x128xf32, #tpu.memory_space<hbm>>) target(%arg11 : memref<32x128xf32, #tpu.memory_space<vmem>>) offsets(%arg21 : memref<32xi32, #tpu.memory_space<vmem>>) semaphore(%arg37 : memref<!tpu.dma_semaphore, #tpu.memory_space<semaphore_mem>>)
      } else {
      }
      %mul3A_339 = arith.constant 2 : i32
      %mul3A_340 = arith.muli %scan3A_232, %mul3A_339 : i32
      %add3A_341 = arith.constant 1 : i32
      %add3A_342 = arith.addi %mul3A_340, %add3A_341 : i32
      %mul3A_343 = arith.constant 5 : i32
      %mul3A_344 = arith.muli %add3A_342, %mul3A_343 : i32
      %add3A_345 = arith.constant 0 : i32
      %add3A_346 = arith.addi %mul3A_344, %add3A_345 : i32
      %dma_wait3A_347 = arith.constant 0 : i32
      %dma_wait3A_348 = arith.constant 0 : i32
      %dma_wait3A_349 = tpu.memref_slice %arg2[%dma_wait3A_347, %dma_wait3A_348] : memref<10112x128xf32, #tpu.memory_space<hbm>> -> memref<10112x128xf32, #tpu.memory_space<hbm>>
      tpu.wait_indirect_dma semaphore(%arg33 : memref<!tpu.dma_semaphore, #tpu.memory_space<semaphore_mem>>) src(%dma_wait3A_349 : memref<10112x128xf32, #tpu.memory_space<hbm>>) dst(%arg7 : memref<32x128xf32, #tpu.memory_space<vmem>>)
      "tpu.region"() ({
        %run_scoped3A = tpu.sem_alloc : memref<!tpu.dma_semaphore, #tpu.memory_space<semaphore_mem>>
        %dma_start3A_448 = arith.constant 0 : i32
        %dma_start3A_449 = arith.constant 0 : i32
        %dma_start3A_450 = tpu.memref_slice %arg32[%dma_start3A_448, %dma_start3A_449] : memref<10112x128xf32, #tpu.memory_space<vmem_shared>> -> memref<10112x128xf32, #tpu.memory_space<vmem_shared>>
        tpu.enqueue_indirect_dma source(%arg7 : memref<32x128xf32, #tpu.memory_space<vmem>>) target(%dma_start3A_450 : memref<10112x128xf32, #tpu.memory_space<vmem_shared>>) offsets(%arg23 : memref<32xi32, #tpu.memory_space<vmem>>) semaphore(%run_scoped3A : memref<!tpu.dma_semaphore, #tpu.memory_space<semaphore_mem>>) {add = true}
        %dma_wait3A_451 = arith.constant 0 : i32
        %dma_wait3A_452 = arith.constant 0 : i32
        %dma_wait3A_453 = tpu.memref_slice %arg32[%dma_wait3A_451, %dma_wait3A_452] : memref<10112x128xf32, #tpu.memory_space<vmem_shared>> -> memref<10112x128xf32, #tpu.memory_space<vmem_shared>>
        tpu.wait_indirect_dma semaphore(%run_scoped3A : memref<!tpu.dma_semaphore, #tpu.memory_space<semaphore_mem>>) src(%arg7 : memref<32x128xf32, #tpu.memory_space<vmem>>) dst(%dma_wait3A_453 : memref<10112x128xf32, #tpu.memory_space<vmem_shared>>)
        tpu.yield
      }) : () -> ()
      %add3A_350 = arith.constant 10 : i32
      %add3A_351 = arith.addi %add3A_346, %add3A_350 : i32
      %lt3A_352 = arith.constant 320 : i32
      %lt3A_353 = arith.cmpi slt, %add3A_351, %lt3A_352 : i32
      %convert_element_type3A_354 = arith.extui %lt3A_353 : i1 to i32
      %cond3A_355 = arith.constant 0 : i32
      %cond3A_356 = arith.cmpi ne, %convert_element_type3A_354, %cond3A_355 : i32
      scf.if %cond3A_356 {
        %add3A_448 = arith.constant 10 : i32
        %add3A_449 = arith.addi %add3A_346, %add3A_448 : i32
        %dma_start3A_450 = arith.constant 0 : i32
        %dma_start3A_451 = tpu.memref_slice %arg3[%add3A, %add3A_449, %dma_start3A_450] : memref<32x320x32xi32, #tpu.memory_space<hbm>> -> memref<1x1x32xi32, #tpu.memory_space<hbm>>
        %dma_start3A_452 = tpu.memref_squeeze %dma_start3A_451 : memref<1x1x32xi32, #tpu.memory_space<hbm>> -> memref<32xi32, #tpu.memory_space<hbm>>
        %dma_start3A_453 = arith.constant 0 : i32
        %dma_start3A_454 = tpu.memref_slice %arg3[%add3A, %add3A_449, %dma_start3A_453] : memref<32x320x32xi32, #tpu.memory_space<hbm>> -> memref<1x1x32xi32, #tpu.memory_space<hbm>>
        %dma_start3A_455 = tpu.memref_squeeze %dma_start3A_454 : memref<1x1x32xi32, #tpu.memory_space<hbm>> -> memref<32xi32, #tpu.memory_space<hbm>>
        tpu.enqueue_dma source(%dma_start3A_455 : memref<32xi32, #tpu.memory_space<hbm>>) target(%arg13 : memref<32xi32, #tpu.memory_space<vmem>>) target_semaphore(%arg39 : memref<!tpu.dma_semaphore, #tpu.memory_space<semaphore_mem>>)
        %add3A_456 = arith.constant 10 : i32
        %add3A_457 = arith.addi %add3A_346, %add3A_456 : i32
        %dma_start3A_458 = arith.constant 0 : i32
        %dma_start3A_459 = tpu.memref_slice %arg4[%add3A, %add3A_457, %dma_start3A_458] : memref<32x320x32xi32, #tpu.memory_space<hbm>> -> memref<1x1x32xi32, #tpu.memory_space<hbm>>
        %dma_start3A_460 = tpu.memref_squeeze %dma_start3A_459 : memref<1x1x32xi32, #tpu.memory_space<hbm>> -> memref<32xi32, #tpu.memory_space<hbm>>
        %dma_start3A_461 = arith.constant 0 : i32
        %dma_start3A_462 = tpu.memref_slice %arg4[%add3A, %add3A_457, %dma_start3A_461] : memref<32x320x32xi32, #tpu.memory_space<hbm>> -> memref<1x1x32xi32, #tpu.memory_space<hbm>>
        %dma_start3A_463 = tpu.memref_squeeze %dma_start3A_462 : memref<1x1x32xi32, #tpu.memory_space<hbm>> -> memref<32xi32, #tpu.memory_space<hbm>>
        tpu.enqueue_dma source(%dma_start3A_463 : memref<32xi32, #tpu.memory_space<hbm>>) target(%arg23 : memref<32xi32, #tpu.memory_space<vmem>>) target_semaphore(%arg39 : memref<!tpu.dma_semaphore, #tpu.memory_space<semaphore_mem>>)
      } else {
      }
      %add3A_357 = arith.constant 5 : i32
      %add3A_358 = arith.addi %add3A_346, %add3A_357 : i32
      %lt3A_359 = arith.constant 320 : i32
      %lt3A_360 = arith.cmpi slt, %add3A_358, %lt3A_359 : i32
      %convert_element_type3A_361 = arith.extui %lt3A_360 : i1 to i32
      %cond3A_362 = arith.constant 0 : i32
      %cond3A_363 = arith.cmpi ne, %convert_element_type3A_361, %cond3A_362 : i32
      scf.if %cond3A_363 {
        %add3A_448 = arith.constant 5 : i32
        %add3A_449 = arith.addi %add3A_346, %add3A_448 : i32
        %dma_wait3A_450 = arith.constant 0 : i32
        %dma_wait3A_451 = tpu.memref_slice %arg3[%add3A, %add3A_449, %dma_wait3A_450] : memref<32x320x32xi32, #tpu.memory_space<hbm>> -> memref<1x1x32xi32, #tpu.memory_space<hbm>>
        %dma_wait3A_452 = tpu.memref_squeeze %dma_wait3A_451 : memref<1x1x32xi32, #tpu.memory_space<hbm>> -> memref<32xi32, #tpu.memory_space<hbm>>
        %dma_wait3A_453 = arith.constant 0 : i32
        %dma_wait3A_454 = tpu.memref_slice %arg3[%add3A, %add3A_449, %dma_wait3A_453] : memref<32x320x32xi32, #tpu.memory_space<hbm>> -> memref<1x1x32xi32, #tpu.memory_space<hbm>>
        %dma_wait3A_455 = tpu.memref_squeeze %dma_wait3A_454 : memref<1x1x32xi32, #tpu.memory_space<hbm>> -> memref<32xi32, #tpu.memory_space<hbm>>
        tpu.wait_dma2 semaphore(%arg38 : memref<!tpu.dma_semaphore, #tpu.memory_space<semaphore_mem>>) src(%dma_wait3A_455 : memref<32xi32, #tpu.memory_space<hbm>>) dst(%arg12 : memref<32xi32, #tpu.memory_space<vmem>>)
        %add3A_456 = arith.constant 5 : i32
        %add3A_457 = arith.addi %add3A_346, %add3A_456 : i32
        %dma_wait3A_458 = arith.constant 0 : i32
        %dma_wait3A_459 = tpu.memref_slice %arg4[%add3A, %add3A_457, %dma_wait3A_458] : memref<32x320x32xi32, #tpu.memory_space<hbm>> -> memref<1x1x32xi32, #tpu.memory_space<hbm>>
        %dma_wait3A_460 = tpu.memref_squeeze %dma_wait3A_459 : memref<1x1x32xi32, #tpu.memory_space<hbm>> -> memref<32xi32, #tpu.memory_space<hbm>>
        %dma_wait3A_461 = arith.constant 0 : i32
        %dma_wait3A_462 = tpu.memref_slice %arg4[%add3A, %add3A_457, %dma_wait3A_461] : memref<32x320x32xi32, #tpu.memory_space<hbm>> -> memref<1x1x32xi32, #tpu.memory_space<hbm>>
        %dma_wait3A_463 = tpu.memref_squeeze %dma_wait3A_462 : memref<1x1x32xi32, #tpu.memory_space<hbm>> -> memref<32xi32, #tpu.memory_space<hbm>>
        tpu.wait_dma2 semaphore(%arg38 : memref<!tpu.dma_semaphore, #tpu.memory_space<semaphore_mem>>) src(%dma_wait3A_463 : memref<32xi32, #tpu.memory_space<hbm>>) dst(%arg22 : memref<32xi32, #tpu.memory_space<vmem>>)
        %dma_start3A_464 = arith.constant 0 : i32
        %dma_start3A_465 = arith.constant 0 : i32
        %dma_start3A_466 = tpu.memref_slice %arg2[%dma_start3A_464, %dma_start3A_465] : memref<10112x128xf32, #tpu.memory_space<hbm>> -> memref<10112x128xf32, #tpu.memory_space<hbm>>
        tpu.enqueue_indirect_dma source(%dma_start3A_466 : memref<10112x128xf32, #tpu.memory_space<hbm>>) target(%arg7 : memref<32x128xf32, #tpu.memory_space<vmem>>) offsets(%arg12 : memref<32xi32, #tpu.memory_space<vmem>>) semaphore(%arg33 : memref<!tpu.dma_semaphore, #tpu.memory_space<semaphore_mem>>)
      } else {
      }
      %mul3A_364 = arith.constant 5 : i32
      %mul3A_365 = arith.muli %add3A_342, %mul3A_364 : i32
      %add3A_366 = arith.constant 1 : i32
      %add3A_367 = arith.addi %mul3A_365, %add3A_366 : i32
      %dma_wait3A_368 = arith.constant 0 : i32
      %dma_wait3A_369 = arith.constant 0 : i32
      %dma_wait3A_370 = tpu.memref_slice %arg2[%dma_wait3A_368, %dma_wait3A_369] : memref<10112x128xf32, #tpu.memory_space<hbm>> -> memref<10112x128xf32, #tpu.memory_space<hbm>>
      tpu.wait_indirect_dma semaphore(%arg34 : memref<!tpu.dma_semaphore, #tpu.memory_space<semaphore_mem>>) src(%dma_wait3A_370 : memref<10112x128xf32, #tpu.memory_space<hbm>>) dst(%arg8 : memref<32x128xf32, #tpu.memory_space<vmem>>)
      "tpu.region"() ({
        %run_scoped3A = tpu.sem_alloc : memref<!tpu.dma_semaphore, #tpu.memory_space<semaphore_mem>>
        %dma_start3A_448 = arith.constant 0 : i32
        %dma_start3A_449 = arith.constant 0 : i32
        %dma_start3A_450 = tpu.memref_slice %arg32[%dma_start3A_448, %dma_start3A_449] : memref<10112x128xf32, #tpu.memory_space<vmem_shared>> -> memref<10112x128xf32, #tpu.memory_space<vmem_shared>>
        tpu.enqueue_indirect_dma source(%arg8 : memref<32x128xf32, #tpu.memory_space<vmem>>) target(%dma_start3A_450 : memref<10112x128xf32, #tpu.memory_space<vmem_shared>>) offsets(%arg25 : memref<32xi32, #tpu.memory_space<vmem>>) semaphore(%run_scoped3A : memref<!tpu.dma_semaphore, #tpu.memory_space<semaphore_mem>>) {add = true}
        %dma_wait3A_451 = arith.constant 0 : i32
        %dma_wait3A_452 = arith.constant 0 : i32
        %dma_wait3A_453 = tpu.memref_slice %arg32[%dma_wait3A_451, %dma_wait3A_452] : memref<10112x128xf32, #tpu.memory_space<vmem_shared>> -> memref<10112x128xf32, #tpu.memory_space<vmem_shared>>
        tpu.wait_indirect_dma semaphore(%run_scoped3A : memref<!tpu.dma_semaphore, #tpu.memory_space<semaphore_mem>>) src(%arg8 : memref<32x128xf32, #tpu.memory_space<vmem>>) dst(%dma_wait3A_453 : memref<10112x128xf32, #tpu.memory_space<vmem_shared>>)
        tpu.yield
      }) : () -> ()
      %add3A_371 = arith.constant 10 : i32
      %add3A_372 = arith.addi %add3A_367, %add3A_371 : i32
      %lt3A_373 = arith.constant 320 : i32
      %lt3A_374 = arith.cmpi slt, %add3A_372, %lt3A_373 : i32
      %convert_element_type3A_375 = arith.extui %lt3A_374 : i1 to i32
      %cond3A_376 = arith.constant 0 : i32
      %cond3A_377 = arith.cmpi ne, %convert_element_type3A_375, %cond3A_376 : i32
      scf.if %cond3A_377 {
        %add3A_448 = arith.constant 10 : i32
        %add3A_449 = arith.addi %add3A_367, %add3A_448 : i32
        %dma_start3A_450 = arith.constant 0 : i32
        %dma_start3A_451 = tpu.memref_slice %arg3[%add3A, %add3A_449, %dma_start3A_450] : memref<32x320x32xi32, #tpu.memory_space<hbm>> -> memref<1x1x32xi32, #tpu.memory_space<hbm>>
        %dma_start3A_452 = tpu.memref_squeeze %dma_start3A_451 : memref<1x1x32xi32, #tpu.memory_space<hbm>> -> memref<32xi32, #tpu.memory_space<hbm>>
        %dma_start3A_453 = arith.constant 0 : i32
        %dma_start3A_454 = tpu.memref_slice %arg3[%add3A, %add3A_449, %dma_start3A_453] : memref<32x320x32xi32, #tpu.memory_space<hbm>> -> memref<1x1x32xi32, #tpu.memory_space<hbm>>
        %dma_start3A_455 = tpu.memref_squeeze %dma_start3A_454 : memref<1x1x32xi32, #tpu.memory_space<hbm>> -> memref<32xi32, #tpu.memory_space<hbm>>
        tpu.enqueue_dma source(%dma_start3A_455 : memref<32xi32, #tpu.memory_space<hbm>>) target(%arg15 : memref<32xi32, #tpu.memory_space<vmem>>) target_semaphore(%arg41 : memref<!tpu.dma_semaphore, #tpu.memory_space<semaphore_mem>>)
        %add3A_456 = arith.constant 10 : i32
        %add3A_457 = arith.addi %add3A_367, %add3A_456 : i32
        %dma_start3A_458 = arith.constant 0 : i32
        %dma_start3A_459 = tpu.memref_slice %arg4[%add3A, %add3A_457, %dma_start3A_458] : memref<32x320x32xi32, #tpu.memory_space<hbm>> -> memref<1x1x32xi32, #tpu.memory_space<hbm>>
        %dma_start3A_460 = tpu.memref_squeeze %dma_start3A_459 : memref<1x1x32xi32, #tpu.memory_space<hbm>> -> memref<32xi32, #tpu.memory_space<hbm>>
        %dma_start3A_461 = arith.constant 0 : i32
        %dma_start3A_462 = tpu.memref_slice %arg4[%add3A, %add3A_457, %dma_start3A_461] : memref<32x320x32xi32, #tpu.memory_space<hbm>> -> memref<1x1x32xi32, #tpu.memory_space<hbm>>
        %dma_start3A_463 = tpu.memref_squeeze %dma_start3A_462 : memref<1x1x32xi32, #tpu.memory_space<hbm>> -> memref<32xi32, #tpu.memory_space<hbm>>
        tpu.enqueue_dma source(%dma_start3A_463 : memref<32xi32, #tpu.memory_space<hbm>>) target(%arg25 : memref<32xi32, #tpu.memory_space<vmem>>) target_semaphore(%arg41 : memref<!tpu.dma_semaphore, #tpu.memory_space<semaphore_mem>>)
      } else {
      }
      %add3A_378 = arith.constant 5 : i32
      %add3A_379 = arith.addi %add3A_367, %add3A_378 : i32
      %lt3A_380 = arith.constant 320 : i32
      %lt3A_381 = arith.cmpi slt, %add3A_379, %lt3A_380 : i32
      %convert_element_type3A_382 = arith.extui %lt3A_381 : i1 to i32
      %cond3A_383 = arith.constant 0 : i32
      %cond3A_384 = arith.cmpi ne, %convert_element_type3A_382, %cond3A_383 : i32
      scf.if %cond3A_384 {
        %add3A_448 = arith.constant 5 : i32
        %add3A_449 = arith.addi %add3A_367, %add3A_448 : i32
        %dma_wait3A_450 = arith.constant 0 : i32
        %dma_wait3A_451 = tpu.memref_slice %arg3[%add3A, %add3A_449, %dma_wait3A_450] : memref<32x320x32xi32, #tpu.memory_space<hbm>> -> memref<1x1x32xi32, #tpu.memory_space<hbm>>
        %dma_wait3A_452 = tpu.memref_squeeze %dma_wait3A_451 : memref<1x1x32xi32, #tpu.memory_space<hbm>> -> memref<32xi32, #tpu.memory_space<hbm>>
        %dma_wait3A_453 = arith.constant 0 : i32
        %dma_wait3A_454 = tpu.memref_slice %arg3[%add3A, %add3A_449, %dma_wait3A_453] : memref<32x320x32xi32, #tpu.memory_space<hbm>> -> memref<1x1x32xi32, #tpu.memory_space<hbm>>
        %dma_wait3A_455 = tpu.memref_squeeze %dma_wait3A_454 : memref<1x1x32xi32, #tpu.memory_space<hbm>> -> memref<32xi32, #tpu.memory_space<hbm>>
        tpu.wait_dma2 semaphore(%arg40 : memref<!tpu.dma_semaphore, #tpu.memory_space<semaphore_mem>>) src(%dma_wait3A_455 : memref<32xi32, #tpu.memory_space<hbm>>) dst(%arg14 : memref<32xi32, #tpu.memory_space<vmem>>)
        %add3A_456 = arith.constant 5 : i32
        %add3A_457 = arith.addi %add3A_367, %add3A_456 : i32
        %dma_wait3A_458 = arith.constant 0 : i32
        %dma_wait3A_459 = tpu.memref_slice %arg4[%add3A, %add3A_457, %dma_wait3A_458] : memref<32x320x32xi32, #tpu.memory_space<hbm>> -> memref<1x1x32xi32, #tpu.memory_space<hbm>>
        %dma_wait3A_460 = tpu.memref_squeeze %dma_wait3A_459 : memref<1x1x32xi32, #tpu.memory_space<hbm>> -> memref<32xi32, #tpu.memory_space<hbm>>
        %dma_wait3A_461 = arith.constant 0 : i32
        %dma_wait3A_462 = tpu.memref_slice %arg4[%add3A, %add3A_457, %dma_wait3A_461] : memref<32x320x32xi32, #tpu.memory_space<hbm>> -> memref<1x1x32xi32, #tpu.memory_space<hbm>>
        %dma_wait3A_463 = tpu.memref_squeeze %dma_wait3A_462 : memref<1x1x32xi32, #tpu.memory_space<hbm>> -> memref<32xi32, #tpu.memory_space<hbm>>
        tpu.wait_dma2 semaphore(%arg40 : memref<!tpu.dma_semaphore, #tpu.memory_space<semaphore_mem>>) src(%dma_wait3A_463 : memref<32xi32, #tpu.memory_space<hbm>>) dst(%arg24 : memref<32xi32, #tpu.memory_space<vmem>>)
        %dma_start3A_464 = arith.constant 0 : i32
        %dma_start3A_465 = arith.constant 0 : i32
        %dma_start3A_466 = tpu.memref_slice %arg2[%dma_start3A_464, %dma_start3A_465] : memref<10112x128xf32, #tpu.memory_space<hbm>> -> memref<10112x128xf32, #tpu.memory_space<hbm>>
        tpu.enqueue_indirect_dma source(%dma_start3A_466 : memref<10112x128xf32, #tpu.memory_space<hbm>>) target(%arg8 : memref<32x128xf32, #tpu.memory_space<vmem>>) offsets(%arg14 : memref<32xi32, #tpu.memory_space<vmem>>) semaphore(%arg34 : memref<!tpu.dma_semaphore, #tpu.memory_space<semaphore_mem>>)
      } else {
      }
      %mul3A_385 = arith.constant 5 : i32
      %mul3A_386 = arith.muli %add3A_342, %mul3A_385 : i32
      %add3A_387 = arith.constant 2 : i32
      %add3A_388 = arith.addi %mul3A_386, %add3A_387 : i32
      %dma_wait3A_389 = arith.constant 0 : i32
      %dma_wait3A_390 = arith.constant 0 : i32
      %dma_wait3A_391 = tpu.memref_slice %arg2[%dma_wait3A_389, %dma_wait3A_390] : memref<10112x128xf32, #tpu.memory_space<hbm>> -> memref<10112x128xf32, #tpu.memory_space<hbm>>
      tpu.wait_indirect_dma semaphore(%arg35 : memref<!tpu.dma_semaphore, #tpu.memory_space<semaphore_mem>>) src(%dma_wait3A_391 : memref<10112x128xf32, #tpu.memory_space<hbm>>) dst(%arg9 : memref<32x128xf32, #tpu.memory_space<vmem>>)
      "tpu.region"() ({
        %run_scoped3A = tpu.sem_alloc : memref<!tpu.dma_semaphore, #tpu.memory_space<semaphore_mem>>
        %dma_start3A_448 = arith.constant 0 : i32
        %dma_start3A_449 = arith.constant 0 : i32
        %dma_start3A_450 = tpu.memref_slice %arg32[%dma_start3A_448, %dma_start3A_449] : memref<10112x128xf32, #tpu.memory_space<vmem_shared>> -> memref<10112x128xf32, #tpu.memory_space<vmem_shared>>
        tpu.enqueue_indirect_dma source(%arg9 : memref<32x128xf32, #tpu.memory_space<vmem>>) target(%dma_start3A_450 : memref<10112x128xf32, #tpu.memory_space<vmem_shared>>) offsets(%arg27 : memref<32xi32, #tpu.memory_space<vmem>>) semaphore(%run_scoped3A : memref<!tpu.dma_semaphore, #tpu.memory_space<semaphore_mem>>) {add = true}
        %dma_wait3A_451 = arith.constant 0 : i32
        %dma_wait3A_452 = arith.constant 0 : i32
        %dma_wait3A_453 = tpu.memref_slice %arg32[%dma_wait3A_451, %dma_wait3A_452] : memref<10112x128xf32, #tpu.memory_space<vmem_shared>> -> memref<10112x128xf32, #tpu.memory_space<vmem_shared>>
        tpu.wait_indirect_dma semaphore(%run_scoped3A : memref<!tpu.dma_semaphore, #tpu.memory_space<semaphore_mem>>) src(%arg9 : memref<32x128xf32, #tpu.memory_space<vmem>>) dst(%dma_wait3A_453 : memref<10112x128xf32, #tpu.memory_space<vmem_shared>>)
        tpu.yield
      }) : () -> ()
      %add3A_392 = arith.constant 10 : i32
      %add3A_393 = arith.addi %add3A_388, %add3A_392 : i32
      %lt3A_394 = arith.constant 320 : i32
      %lt3A_395 = arith.cmpi slt, %add3A_393, %lt3A_394 : i32
      %convert_element_type3A_396 = arith.extui %lt3A_395 : i1 to i32
      %cond3A_397 = arith.constant 0 : i32
      %cond3A_398 = arith.cmpi ne, %convert_element_type3A_396, %cond3A_397 : i32
      scf.if %cond3A_398 {
        %add3A_448 = arith.constant 10 : i32
        %add3A_449 = arith.addi %add3A_388, %add3A_448 : i32
        %dma_start3A_450 = arith.constant 0 : i32
        %dma_start3A_451 = tpu.memref_slice %arg3[%add3A, %add3A_449, %dma_start3A_450] : memref<32x320x32xi32, #tpu.memory_space<hbm>> -> memref<1x1x32xi32, #tpu.memory_space<hbm>>
        %dma_start3A_452 = tpu.memref_squeeze %dma_start3A_451 : memref<1x1x32xi32, #tpu.memory_space<hbm>> -> memref<32xi32, #tpu.memory_space<hbm>>
        %dma_start3A_453 = arith.constant 0 : i32
        %dma_start3A_454 = tpu.memref_slice %arg3[%add3A, %add3A_449, %dma_start3A_453] : memref<32x320x32xi32, #tpu.memory_space<hbm>> -> memref<1x1x32xi32, #tpu.memory_space<hbm>>
        %dma_start3A_455 = tpu.memref_squeeze %dma_start3A_454 : memref<1x1x32xi32, #tpu.memory_space<hbm>> -> memref<32xi32, #tpu.memory_space<hbm>>
        tpu.enqueue_dma source(%dma_start3A_455 : memref<32xi32, #tpu.memory_space<hbm>>) target(%arg17 : memref<32xi32, #tpu.memory_space<vmem>>) target_semaphore(%arg43 : memref<!tpu.dma_semaphore, #tpu.memory_space<semaphore_mem>>)
        %add3A_456 = arith.constant 10 : i32
        %add3A_457 = arith.addi %add3A_388, %add3A_456 : i32
        %dma_start3A_458 = arith.constant 0 : i32
        %dma_start3A_459 = tpu.memref_slice %arg4[%add3A, %add3A_457, %dma_start3A_458] : memref<32x320x32xi32, #tpu.memory_space<hbm>> -> memref<1x1x32xi32, #tpu.memory_space<hbm>>
        %dma_start3A_460 = tpu.memref_squeeze %dma_start3A_459 : memref<1x1x32xi32, #tpu.memory_space<hbm>> -> memref<32xi32, #tpu.memory_space<hbm>>
        %dma_start3A_461 = arith.constant 0 : i32
        %dma_start3A_462 = tpu.memref_slice %arg4[%add3A, %add3A_457, %dma_start3A_461] : memref<32x320x32xi32, #tpu.memory_space<hbm>> -> memref<1x1x32xi32, #tpu.memory_space<hbm>>
        %dma_start3A_463 = tpu.memref_squeeze %dma_start3A_462 : memref<1x1x32xi32, #tpu.memory_space<hbm>> -> memref<32xi32, #tpu.memory_space<hbm>>
        tpu.enqueue_dma source(%dma_start3A_463 : memref<32xi32, #tpu.memory_space<hbm>>) target(%arg27 : memref<32xi32, #tpu.memory_space<vmem>>) target_semaphore(%arg43 : memref<!tpu.dma_semaphore, #tpu.memory_space<semaphore_mem>>)
      } else {
      }
      %add3A_399 = arith.constant 5 : i32
      %add3A_400 = arith.addi %add3A_388, %add3A_399 : i32
      %lt3A_401 = arith.constant 320 : i32
      %lt3A_402 = arith.cmpi slt, %add3A_400, %lt3A_401 : i32
      %convert_element_type3A_403 = arith.extui %lt3A_402 : i1 to i32
      %cond3A_404 = arith.constant 0 : i32
      %cond3A_405 = arith.cmpi ne, %convert_element_type3A_403, %cond3A_404 : i32
      scf.if %cond3A_405 {
        %add3A_448 = arith.constant 5 : i32
        %add3A_449 = arith.addi %add3A_388, %add3A_448 : i32
        %dma_wait3A_450 = arith.constant 0 : i32
        %dma_wait3A_451 = tpu.memref_slice %arg3[%add3A, %add3A_449, %dma_wait3A_450] : memref<32x320x32xi32, #tpu.memory_space<hbm>> -> memref<1x1x32xi32, #tpu.memory_space<hbm>>
        %dma_wait3A_452 = tpu.memref_squeeze %dma_wait3A_451 : memref<1x1x32xi32, #tpu.memory_space<hbm>> -> memref<32xi32, #tpu.memory_space<hbm>>
        %dma_wait3A_453 = arith.constant 0 : i32
        %dma_wait3A_454 = tpu.memref_slice %arg3[%add3A, %add3A_449, %dma_wait3A_453] : memref<32x320x32xi32, #tpu.memory_space<hbm>> -> memref<1x1x32xi32, #tpu.memory_space<hbm>>
        %dma_wait3A_455 = tpu.memref_squeeze %dma_wait3A_454 : memref<1x1x32xi32, #tpu.memory_space<hbm>> -> memref<32xi32, #tpu.memory_space<hbm>>
        tpu.wait_dma2 semaphore(%arg42 : memref<!tpu.dma_semaphore, #tpu.memory_space<semaphore_mem>>) src(%dma_wait3A_455 : memref<32xi32, #tpu.memory_space<hbm>>) dst(%arg16 : memref<32xi32, #tpu.memory_space<vmem>>)
        %add3A_456 = arith.constant 5 : i32
        %add3A_457 = arith.addi %add3A_388, %add3A_456 : i32
        %dma_wait3A_458 = arith.constant 0 : i32
        %dma_wait3A_459 = tpu.memref_slice %arg4[%add3A, %add3A_457, %dma_wait3A_458] : memref<32x320x32xi32, #tpu.memory_space<hbm>> -> memref<1x1x32xi32, #tpu.memory_space<hbm>>
        %dma_wait3A_460 = tpu.memref_squeeze %dma_wait3A_459 : memref<1x1x32xi32, #tpu.memory_space<hbm>> -> memref<32xi32, #tpu.memory_space<hbm>>
        %dma_wait3A_461 = arith.constant 0 : i32
        %dma_wait3A_462 = tpu.memref_slice %arg4[%add3A, %add3A_457, %dma_wait3A_461] : memref<32x320x32xi32, #tpu.memory_space<hbm>> -> memref<1x1x32xi32, #tpu.memory_space<hbm>>
        %dma_wait3A_463 = tpu.memref_squeeze %dma_wait3A_462 : memref<1x1x32xi32, #tpu.memory_space<hbm>> -> memref<32xi32, #tpu.memory_space<hbm>>
        tpu.wait_dma2 semaphore(%arg42 : memref<!tpu.dma_semaphore, #tpu.memory_space<semaphore_mem>>) src(%dma_wait3A_463 : memref<32xi32, #tpu.memory_space<hbm>>) dst(%arg26 : memref<32xi32, #tpu.memory_space<vmem>>)
        %dma_start3A_464 = arith.constant 0 : i32
        %dma_start3A_465 = arith.constant 0 : i32
        %dma_start3A_466 = tpu.memref_slice %arg2[%dma_start3A_464, %dma_start3A_465] : memref<10112x128xf32, #tpu.memory_space<hbm>> -> memref<10112x128xf32, #tpu.memory_space<hbm>>
        tpu.enqueue_indirect_dma source(%dma_start3A_466 : memref<10112x128xf32, #tpu.memory_space<hbm>>) target(%arg9 : memref<32x128xf32, #tpu.memory_space<vmem>>) offsets(%arg16 : memref<32xi32, #tpu.memory_space<vmem>>) semaphore(%arg35 : memref<!tpu.dma_semaphore, #tpu.memory_space<semaphore_mem>>)
      } else {
      }
      %mul3A_406 = arith.constant 5 : i32
      %mul3A_407 = arith.muli %add3A_342, %mul3A_406 : i32
      %add3A_408 = arith.constant 3 : i32
      %add3A_409 = arith.addi %mul3A_407, %add3A_408 : i32
      %dma_wait3A_410 = arith.constant 0 : i32
      %dma_wait3A_411 = arith.constant 0 : i32
      %dma_wait3A_412 = tpu.memref_slice %arg2[%dma_wait3A_410, %dma_wait3A_411] : memref<10112x128xf32, #tpu.memory_space<hbm>> -> memref<10112x128xf32, #tpu.memory_space<hbm>>
      tpu.wait_indirect_dma semaphore(%arg36 : memref<!tpu.dma_semaphore, #tpu.memory_space<semaphore_mem>>) src(%dma_wait3A_412 : memref<10112x128xf32, #tpu.memory_space<hbm>>) dst(%arg10 : memref<32x128xf32, #tpu.memory_space<vmem>>)
      "tpu.region"() ({
        %run_scoped3A = tpu.sem_alloc : memref<!tpu.dma_semaphore, #tpu.memory_space<semaphore_mem>>
        %dma_start3A_448 = arith.constant 0 : i32
        %dma_start3A_449 = arith.constant 0 : i32
        %dma_start3A_450 = tpu.memref_slice %arg32[%dma_start3A_448, %dma_start3A_449] : memref<10112x128xf32, #tpu.memory_space<vmem_shared>> -> memref<10112x128xf32, #tpu.memory_space<vmem_shared>>
        tpu.enqueue_indirect_dma source(%arg10 : memref<32x128xf32, #tpu.memory_space<vmem>>) target(%dma_start3A_450 : memref<10112x128xf32, #tpu.memory_space<vmem_shared>>) offsets(%arg29 : memref<32xi32, #tpu.memory_space<vmem>>) semaphore(%run_scoped3A : memref<!tpu.dma_semaphore, #tpu.memory_space<semaphore_mem>>) {add = true}
        %dma_wait3A_451 = arith.constant 0 : i32
        %dma_wait3A_452 = arith.constant 0 : i32
        %dma_wait3A_453 = tpu.memref_slice %arg32[%dma_wait3A_451, %dma_wait3A_452] : memref<10112x128xf32, #tpu.memory_space<vmem_shared>> -> memref<10112x128xf32, #tpu.memory_space<vmem_shared>>
        tpu.wait_indirect_dma semaphore(%run_scoped3A : memref<!tpu.dma_semaphore, #tpu.memory_space<semaphore_mem>>) src(%arg10 : memref<32x128xf32, #tpu.memory_space<vmem>>) dst(%dma_wait3A_453 : memref<10112x128xf32, #tpu.memory_space<vmem_shared>>)
        tpu.yield
      }) : () -> ()
      %add3A_413 = arith.constant 10 : i32
      %add3A_414 = arith.addi %add3A_409, %add3A_413 : i32
      %lt3A_415 = arith.constant 320 : i32
      %lt3A_416 = arith.cmpi slt, %add3A_414, %lt3A_415 : i32
      %convert_element_type3A_417 = arith.extui %lt3A_416 : i1 to i32
      %cond3A_418 = arith.constant 0 : i32
      %cond3A_419 = arith.cmpi ne, %convert_element_type3A_417, %cond3A_418 : i32
      scf.if %cond3A_419 {
        %add3A_448 = arith.constant 10 : i32
        %add3A_449 = arith.addi %add3A_409, %add3A_448 : i32
        %dma_start3A_450 = arith.constant 0 : i32
        %dma_start3A_451 = tpu.memref_slice %arg3[%add3A, %add3A_449, %dma_start3A_450] : memref<32x320x32xi32, #tpu.memory_space<hbm>> -> memref<1x1x32xi32, #tpu.memory_space<hbm>>
        %dma_start3A_452 = tpu.memref_squeeze %dma_start3A_451 : memref<1x1x32xi32, #tpu.memory_space<hbm>> -> memref<32xi32, #tpu.memory_space<hbm>>
        %dma_start3A_453 = arith.constant 0 : i32
        %dma_start3A_454 = tpu.memref_slice %arg3[%add3A, %add3A_449, %dma_start3A_453] : memref<32x320x32xi32, #tpu.memory_space<hbm>> -> memref<1x1x32xi32, #tpu.memory_space<hbm>>
        %dma_start3A_455 = tpu.memref_squeeze %dma_start3A_454 : memref<1x1x32xi32, #tpu.memory_space<hbm>> -> memref<32xi32, #tpu.memory_space<hbm>>
        tpu.enqueue_dma source(%dma_start3A_455 : memref<32xi32, #tpu.memory_space<hbm>>) target(%arg19 : memref<32xi32, #tpu.memory_space<vmem>>) target_semaphore(%arg45 : memref<!tpu.dma_semaphore, #tpu.memory_space<semaphore_mem>>)
        %add3A_456 = arith.constant 10 : i32
        %add3A_457 = arith.addi %add3A_409, %add3A_456 : i32
        %dma_start3A_458 = arith.constant 0 : i32
        %dma_start3A_459 = tpu.memref_slice %arg4[%add3A, %add3A_457, %dma_start3A_458] : memref<32x320x32xi32, #tpu.memory_space<hbm>> -> memref<1x1x32xi32, #tpu.memory_space<hbm>>
        %dma_start3A_460 = tpu.memref_squeeze %dma_start3A_459 : memref<1x1x32xi32, #tpu.memory_space<hbm>> -> memref<32xi32, #tpu.memory_space<hbm>>
        %dma_start3A_461 = arith.constant 0 : i32
        %dma_start3A_462 = tpu.memref_slice %arg4[%add3A, %add3A_457, %dma_start3A_461] : memref<32x320x32xi32, #tpu.memory_space<hbm>> -> memref<1x1x32xi32, #tpu.memory_space<hbm>>
        %dma_start3A_463 = tpu.memref_squeeze %dma_start3A_462 : memref<1x1x32xi32, #tpu.memory_space<hbm>> -> memref<32xi32, #tpu.memory_space<hbm>>
        tpu.enqueue_dma source(%dma_start3A_463 : memref<32xi32, #tpu.memory_space<hbm>>) target(%arg29 : memref<32xi32, #tpu.memory_space<vmem>>) target_semaphore(%arg45 : memref<!tpu.dma_semaphore, #tpu.memory_space<semaphore_mem>>)
      } else {
      }
      %add3A_420 = arith.constant 5 : i32
      %add3A_421 = arith.addi %add3A_409, %add3A_420 : i32
      %lt3A_422 = arith.constant 320 : i32
      %lt3A_423 = arith.cmpi slt, %add3A_421, %lt3A_422 : i32
      %convert_element_type3A_424 = arith.extui %lt3A_423 : i1 to i32
      %cond3A_425 = arith.constant 0 : i32
      %cond3A_426 = arith.cmpi ne, %convert_element_type3A_424, %cond3A_425 : i32
      scf.if %cond3A_426 {
        %add3A_448 = arith.constant 5 : i32
        %add3A_449 = arith.addi %add3A_409, %add3A_448 : i32
        %dma_wait3A_450 = arith.constant 0 : i32
        %dma_wait3A_451 = tpu.memref_slice %arg3[%add3A, %add3A_449, %dma_wait3A_450] : memref<32x320x32xi32, #tpu.memory_space<hbm>> -> memref<1x1x32xi32, #tpu.memory_space<hbm>>
        %dma_wait3A_452 = tpu.memref_squeeze %dma_wait3A_451 : memref<1x1x32xi32, #tpu.memory_space<hbm>> -> memref<32xi32, #tpu.memory_space<hbm>>
        %dma_wait3A_453 = arith.constant 0 : i32
        %dma_wait3A_454 = tpu.memref_slice %arg3[%add3A, %add3A_449, %dma_wait3A_453] : memref<32x320x32xi32, #tpu.memory_space<hbm>> -> memref<1x1x32xi32, #tpu.memory_space<hbm>>
        %dma_wait3A_455 = tpu.memref_squeeze %dma_wait3A_454 : memref<1x1x32xi32, #tpu.memory_space<hbm>> -> memref<32xi32, #tpu.memory_space<hbm>>
        tpu.wait_dma2 semaphore(%arg44 : memref<!tpu.dma_semaphore, #tpu.memory_space<semaphore_mem>>) src(%dma_wait3A_455 : memref<32xi32, #tpu.memory_space<hbm>>) dst(%arg18 : memref<32xi32, #tpu.memory_space<vmem>>)
        %add3A_456 = arith.constant 5 : i32
        %add3A_457 = arith.addi %add3A_409, %add3A_456 : i32
        %dma_wait3A_458 = arith.constant 0 : i32
        %dma_wait3A_459 = tpu.memref_slice %arg4[%add3A, %add3A_457, %dma_wait3A_458] : memref<32x320x32xi32, #tpu.memory_space<hbm>> -> memref<1x1x32xi32, #tpu.memory_space<hbm>>
        %dma_wait3A_460 = tpu.memref_squeeze %dma_wait3A_459 : memref<1x1x32xi32, #tpu.memory_space<hbm>> -> memref<32xi32, #tpu.memory_space<hbm>>
        %dma_wait3A_461 = arith.constant 0 : i32
        %dma_wait3A_462 = tpu.memref_slice %arg4[%add3A, %add3A_457, %dma_wait3A_461] : memref<32x320x32xi32, #tpu.memory_space<hbm>> -> memref<1x1x32xi32, #tpu.memory_space<hbm>>
        %dma_wait3A_463 = tpu.memref_squeeze %dma_wait3A_462 : memref<1x1x32xi32, #tpu.memory_space<hbm>> -> memref<32xi32, #tpu.memory_space<hbm>>
        tpu.wait_dma2 semaphore(%arg44 : memref<!tpu.dma_semaphore, #tpu.memory_space<semaphore_mem>>) src(%dma_wait3A_463 : memref<32xi32, #tpu.memory_space<hbm>>) dst(%arg28 : memref<32xi32, #tpu.memory_space<vmem>>)
        %dma_start3A_464 = arith.constant 0 : i32
        %dma_start3A_465 = arith.constant 0 : i32
        %dma_start3A_466 = tpu.memref_slice %arg2[%dma_start3A_464, %dma_start3A_465] : memref<10112x128xf32, #tpu.memory_space<hbm>> -> memref<10112x128xf32, #tpu.memory_space<hbm>>
        tpu.enqueue_indirect_dma source(%dma_start3A_466 : memref<10112x128xf32, #tpu.memory_space<hbm>>) target(%arg10 : memref<32x128xf32, #tpu.memory_space<vmem>>) offsets(%arg18 : memref<32xi32, #tpu.memory_space<vmem>>) semaphore(%arg36 : memref<!tpu.dma_semaphore, #tpu.memory_space<semaphore_mem>>)
      } else {
      }
      %mul3A_427 = arith.constant 5 : i32
      %mul3A_428 = arith.muli %add3A_342, %mul3A_427 : i32
      %add3A_429 = arith.constant 4 : i32
      %add3A_430 = arith.addi %mul3A_428, %add3A_429 : i32
      %dma_wait3A_431 = arith.constant 0 : i32
      %dma_wait3A_432 = arith.constant 0 : i32
      %dma_wait3A_433 = tpu.memref_slice %arg2[%dma_wait3A_431, %dma_wait3A_432] : memref<10112x128xf32, #tpu.memory_space<hbm>> -> memref<10112x128xf32, #tpu.memory_space<hbm>>
      tpu.wait_indirect_dma semaphore(%arg37 : memref<!tpu.dma_semaphore, #tpu.memory_space<semaphore_mem>>) src(%dma_wait3A_433 : memref<10112x128xf32, #tpu.memory_space<hbm>>) dst(%arg11 : memref<32x128xf32, #tpu.memory_space<vmem>>)
      "tpu.region"() ({
        %run_scoped3A = tpu.sem_alloc : memref<!tpu.dma_semaphore, #tpu.memory_space<semaphore_mem>>
        %dma_start3A_448 = arith.constant 0 : i32
        %dma_start3A_449 = arith.constant 0 : i32
        %dma_start3A_450 = tpu.memref_slice %arg32[%dma_start3A_448, %dma_start3A_449] : memref<10112x128xf32, #tpu.memory_space<vmem_shared>> -> memref<10112x128xf32, #tpu.memory_space<vmem_shared>>
        tpu.enqueue_indirect_dma source(%arg11 : memref<32x128xf32, #tpu.memory_space<vmem>>) target(%dma_start3A_450 : memref<10112x128xf32, #tpu.memory_space<vmem_shared>>) offsets(%arg31 : memref<32xi32, #tpu.memory_space<vmem>>) semaphore(%run_scoped3A : memref<!tpu.dma_semaphore, #tpu.memory_space<semaphore_mem>>) {add = true}
        %dma_wait3A_451 = arith.constant 0 : i32
        %dma_wait3A_452 = arith.constant 0 : i32
        %dma_wait3A_453 = tpu.memref_slice %arg32[%dma_wait3A_451, %dma_wait3A_452] : memref<10112x128xf32, #tpu.memory_space<vmem_shared>> -> memref<10112x128xf32, #tpu.memory_space<vmem_shared>>
        tpu.wait_indirect_dma semaphore(%run_scoped3A : memref<!tpu.dma_semaphore, #tpu.memory_space<semaphore_mem>>) src(%arg11 : memref<32x128xf32, #tpu.memory_space<vmem>>) dst(%dma_wait3A_453 : memref<10112x128xf32, #tpu.memory_space<vmem_shared>>)
        tpu.yield
      }) : () -> ()
      %add3A_434 = arith.constant 10 : i32
      %add3A_435 = arith.addi %add3A_430, %add3A_434 : i32
      %lt3A_436 = arith.constant 320 : i32
      %lt3A_437 = arith.cmpi slt, %add3A_435, %lt3A_436 : i32
      %convert_element_type3A_438 = arith.extui %lt3A_437 : i1 to i32
      %cond3A_439 = arith.constant 0 : i32
      %cond3A_440 = arith.cmpi ne, %convert_element_type3A_438, %cond3A_439 : i32
      scf.if %cond3A_440 {
        %add3A_448 = arith.constant 10 : i32
        %add3A_449 = arith.addi %add3A_430, %add3A_448 : i32
        %dma_start3A_450 = arith.constant 0 : i32
        %dma_start3A_451 = tpu.memref_slice %arg3[%add3A, %add3A_449, %dma_start3A_450] : memref<32x320x32xi32, #tpu.memory_space<hbm>> -> memref<1x1x32xi32, #tpu.memory_space<hbm>>
        %dma_start3A_452 = tpu.memref_squeeze %dma_start3A_451 : memref<1x1x32xi32, #tpu.memory_space<hbm>> -> memref<32xi32, #tpu.memory_space<hbm>>
        %dma_start3A_453 = arith.constant 0 : i32
        %dma_start3A_454 = tpu.memref_slice %arg3[%add3A, %add3A_449, %dma_start3A_453] : memref<32x320x32xi32, #tpu.memory_space<hbm>> -> memref<1x1x32xi32, #tpu.memory_space<hbm>>
        %dma_start3A_455 = tpu.memref_squeeze %dma_start3A_454 : memref<1x1x32xi32, #tpu.memory_space<hbm>> -> memref<32xi32, #tpu.memory_space<hbm>>
        tpu.enqueue_dma source(%dma_start3A_455 : memref<32xi32, #tpu.memory_space<hbm>>) target(%arg21 : memref<32xi32, #tpu.memory_space<vmem>>) target_semaphore(%arg47 : memref<!tpu.dma_semaphore, #tpu.memory_space<semaphore_mem>>)
        %add3A_456 = arith.constant 10 : i32
        %add3A_457 = arith.addi %add3A_430, %add3A_456 : i32
        %dma_start3A_458 = arith.constant 0 : i32
        %dma_start3A_459 = tpu.memref_slice %arg4[%add3A, %add3A_457, %dma_start3A_458] : memref<32x320x32xi32, #tpu.memory_space<hbm>> -> memref<1x1x32xi32, #tpu.memory_space<hbm>>
        %dma_start3A_460 = tpu.memref_squeeze %dma_start3A_459 : memref<1x1x32xi32, #tpu.memory_space<hbm>> -> memref<32xi32, #tpu.memory_space<hbm>>
        %dma_start3A_461 = arith.constant 0 : i32
        %dma_start3A_462 = tpu.memref_slice %arg4[%add3A, %add3A_457, %dma_start3A_461] : memref<32x320x32xi32, #tpu.memory_space<hbm>> -> memref<1x1x32xi32, #tpu.memory_space<hbm>>
        %dma_start3A_463 = tpu.memref_squeeze %dma_start3A_462 : memref<1x1x32xi32, #tpu.memory_space<hbm>> -> memref<32xi32, #tpu.memory_space<hbm>>
        tpu.enqueue_dma source(%dma_start3A_463 : memref<32xi32, #tpu.memory_space<hbm>>) target(%arg31 : memref<32xi32, #tpu.memory_space<vmem>>) target_semaphore(%arg47 : memref<!tpu.dma_semaphore, #tpu.memory_space<semaphore_mem>>)
      } else {
      }
      %add3A_441 = arith.constant 5 : i32
      %add3A_442 = arith.addi %add3A_430, %add3A_441 : i32
      %lt3A_443 = arith.constant 320 : i32
      %lt3A_444 = arith.cmpi slt, %add3A_442, %lt3A_443 : i32
      %convert_element_type3A_445 = arith.extui %lt3A_444 : i1 to i32
      %cond3A_446 = arith.constant 0 : i32
      %cond3A_447 = arith.cmpi ne, %convert_element_type3A_445, %cond3A_446 : i32
      scf.if %cond3A_447 {
        %add3A_448 = arith.constant 5 : i32
        %add3A_449 = arith.addi %add3A_430, %add3A_448 : i32
        %dma_wait3A_450 = arith.constant 0 : i32
        %dma_wait3A_451 = tpu.memref_slice %arg3[%add3A, %add3A_449, %dma_wait3A_450] : memref<32x320x32xi32, #tpu.memory_space<hbm>> -> memref<1x1x32xi32, #tpu.memory_space<hbm>>
        %dma_wait3A_452 = tpu.memref_squeeze %dma_wait3A_451 : memref<1x1x32xi32, #tpu.memory_space<hbm>> -> memref<32xi32, #tpu.memory_space<hbm>>
        %dma_wait3A_453 = arith.constant 0 : i32
        %dma_wait3A_454 = tpu.memref_slice %arg3[%add3A, %add3A_449, %dma_wait3A_453] : memref<32x320x32xi32, #tpu.memory_space<hbm>> -> memref<1x1x32xi32, #tpu.memory_space<hbm>>
        %dma_wait3A_455 = tpu.memref_squeeze %dma_wait3A_454 : memref<1x1x32xi32, #tpu.memory_space<hbm>> -> memref<32xi32, #tpu.memory_space<hbm>>
        tpu.wait_dma2 semaphore(%arg46 : memref<!tpu.dma_semaphore, #tpu.memory_space<semaphore_mem>>) src(%dma_wait3A_455 : memref<32xi32, #tpu.memory_space<hbm>>) dst(%arg20 : memref<32xi32, #tpu.memory_space<vmem>>)
        %add3A_456 = arith.constant 5 : i32
        %add3A_457 = arith.addi %add3A_430, %add3A_456 : i32
        %dma_wait3A_458 = arith.constant 0 : i32
        %dma_wait3A_459 = tpu.memref_slice %arg4[%add3A, %add3A_457, %dma_wait3A_458] : memref<32x320x32xi32, #tpu.memory_space<hbm>> -> memref<1x1x32xi32, #tpu.memory_space<hbm>>
        %dma_wait3A_460 = tpu.memref_squeeze %dma_wait3A_459 : memref<1x1x32xi32, #tpu.memory_space<hbm>> -> memref<32xi32, #tpu.memory_space<hbm>>
        %dma_wait3A_461 = arith.constant 0 : i32
        %dma_wait3A_462 = tpu.memref_slice %arg4[%add3A, %add3A_457, %dma_wait3A_461] : memref<32x320x32xi32, #tpu.memory_space<hbm>> -> memref<1x1x32xi32, #tpu.memory_space<hbm>>
        %dma_wait3A_463 = tpu.memref_squeeze %dma_wait3A_462 : memref<1x1x32xi32, #tpu.memory_space<hbm>> -> memref<32xi32, #tpu.memory_space<hbm>>
        tpu.wait_dma2 semaphore(%arg46 : memref<!tpu.dma_semaphore, #tpu.memory_space<semaphore_mem>>) src(%dma_wait3A_463 : memref<32xi32, #tpu.memory_space<hbm>>) dst(%arg30 : memref<32xi32, #tpu.memory_space<vmem>>)
        %dma_start3A_464 = arith.constant 0 : i32
        %dma_start3A_465 = arith.constant 0 : i32
        %dma_start3A_466 = tpu.memref_slice %arg2[%dma_start3A_464, %dma_start3A_465] : memref<10112x128xf32, #tpu.memory_space<hbm>> -> memref<10112x128xf32, #tpu.memory_space<hbm>>
        tpu.enqueue_indirect_dma source(%dma_start3A_466 : memref<10112x128xf32, #tpu.memory_space<hbm>>) target(%arg11 : memref<32x128xf32, #tpu.memory_space<vmem>>) offsets(%arg20 : memref<32xi32, #tpu.memory_space<vmem>>) semaphore(%arg37 : memref<!tpu.dma_semaphore, #tpu.memory_space<semaphore_mem>>)
      } else {
      }
    }
    %scan3A_230 = arith.constant 32 : i32
    %barrier3A_231 = arith.constant 0 : index
    tpu.barrier barrier_id(%barrier3A_231)
    "tpu.region"() ({
      %run_scoped3A = tpu.sem_alloc : memref<!tpu.dma_semaphore, #tpu.memory_space<semaphore_mem>>
      %dma_start3A_232 = arith.constant 0 : i32
      %dma_start3A_233 = tpu.memref_slice %arg6[%arg0, %mul3A_2, %dma_start3A_232] : memref<2x10112x128xf32, #tpu.memory_space<hbm>> -> memref<1x632x128xf32, #tpu.memory_space<hbm>>
      %dma_start3A_234 = tpu.memref_squeeze %dma_start3A_233 : memref<1x632x128xf32, #tpu.memory_space<hbm>> -> memref<632x128xf32, #tpu.memory_space<hbm>>
      %dma_start3A_235 = arith.constant 0 : i32
      %dma_start3A_236 = tpu.memref_slice %arg32[%mul3A_2, %dma_start3A_235] : memref<10112x128xf32, #tpu.memory_space<vmem_shared>> -> memref<632x128xf32, #tpu.memory_space<vmem_shared>>
      tpu.enqueue_dma source(%dma_start3A_236 : memref<632x128xf32, #tpu.memory_space<vmem_shared>>) target(%dma_start3A_234 : memref<632x128xf32, #tpu.memory_space<hbm>>) target_semaphore(%run_scoped3A : memref<!tpu.dma_semaphore, #tpu.memory_space<semaphore_mem>>)
      %dma_wait3A_237 = arith.constant 0 : i32
      %dma_wait3A_238 = tpu.memref_slice %arg6[%arg0, %mul3A_2, %dma_wait3A_237] : memref<2x10112x128xf32, #tpu.memory_space<hbm>> -> memref<1x632x128xf32, #tpu.memory_space<hbm>>
      %dma_wait3A_239 = tpu.memref_squeeze %dma_wait3A_238 : memref<1x632x128xf32, #tpu.memory_space<hbm>> -> memref<632x128xf32, #tpu.memory_space<hbm>>
      %dma_wait3A_240 = arith.constant 0 : i32
      %dma_wait3A_241 = tpu.memref_slice %arg32[%mul3A_2, %dma_wait3A_240] : memref<10112x128xf32, #tpu.memory_space<vmem_shared>> -> memref<632x128xf32, #tpu.memory_space<vmem_shared>>
      tpu.wait_dma2 semaphore(%run_scoped3A : memref<!tpu.dma_semaphore, #tpu.memory_space<semaphore_mem>>) src(%dma_wait3A_241 : memref<632x128xf32, #tpu.memory_space<vmem_shared>>) dst(%dma_wait3A_239 : memref<632x128xf32, #tpu.memory_space<hbm>>)
      tpu.yield
    }) : () -> ()
    return
  }
}

#map = affine_map<(d0, d1) -> (0, 0)>
#map1 = affine_map<(d0, d1) -> (0, 0, 0)>
module attributes {stable_mosaic.version = 14 : i64} {
  func.func @body(%arg0: i32, %arg1: i32, %arg2: memref<10112x128xf32, #tpu.memory_space<hbm>>, %arg3: memref<32x320x32xi32, #tpu.memory_space<hbm>>, %arg4: memref<32x320x32xi32, #tpu.memory_space<hbm>>, %arg5: memref<10112x128xf32, #tpu.memory_space<hbm>>, %arg6: memref<2x10112x128xf32, #tpu.memory_space<hbm>>, %arg7: memref<32x128xf32, #tpu.memory_space<vmem>>, %arg8: memref<32x128xf32, #tpu.memory_space<vmem>>, %arg9: memref<32x128xf32, #tpu.memory_space<vmem>>, %arg10: memref<32x128xf32, #tpu.memory_space<vmem>>, %arg11: memref<32x128xf32, #tpu.memory_space<vmem>>, %arg12: memref<32xi32, #tpu.memory_space<vmem>>, %arg13: memref<32xi32, #tpu.memory_space<vmem>>, %arg14: memref<32xi32, #tpu.memory_space<vmem>>, %arg15: memref<32xi32, #tpu.memory_space<vmem>>, %arg16: memref<32xi32, #tpu.memory_space<vmem>>, %arg17: memref<32xi32, #tpu.memory_space<vmem>>, %arg18: memref<32xi32, #tpu.memory_space<vmem>>, %arg19: memref<32xi32, #tpu.memory_space<vmem>>, %arg20: memref<32xi32, #tpu.memory_space<vmem>>, %arg21: memref<32xi32, #tpu.memory_space<vmem>>, %arg22: memref<32xi32, #tpu.memory_space<vmem>>, %arg23: memref<32xi32, #tpu.memory_space<vmem>>, %arg24: memref<32xi32, #tpu.memory_space<vmem>>, %arg25: memref<32xi32, #tpu.memory_space<vmem>>, %arg26: memref<32xi32, #tpu.memory_space<vmem>>, %arg27: memref<32xi32, #tpu.memory_space<vmem>>, %arg28: memref<32xi32, #tpu.memory_space<vmem>>, %arg29: memref<32xi32, #tpu.memory_space<vmem>>, %arg30: memref<32xi32, #tpu.memory_space<vmem>>, %arg31: memref<32xi32, #tpu.memory_space<vmem>>, %arg32: memref<10112x128xf32, #tpu.memory_space<vmem_shared>>, %arg33: memref<!tpu.dma_semaphore, #tpu.memory_space<semaphore_mem>>, %arg34: memref<!tpu.dma_semaphore, #tpu.memory_space<semaphore_mem>>, %arg35: memref<!tpu.dma_semaphore, #tpu.memory_space<semaphore_mem>>, %arg36: memref<!tpu.dma_semaphore, #tpu.memory_space<semaphore_mem>>, %arg37: memref<!tpu.dma_semaphore, #tpu.memory_space<semaphore_mem>>, %arg38: memref<!tpu.dma_semaphore, #tpu.memory_space<semaphore_mem>>, %arg39: memref<!tpu.dma_semaphore, #tpu.memory_space<semaphore_mem>>, %arg40: memref<!tpu.dma_semaphore, #tpu.memory_space<semaphore_mem>>, %arg41: memref<!tpu.dma_semaphore, #tpu.memory_space<semaphore_mem>>, %arg42: memref<!tpu.dma_semaphore, #tpu.memory_space<semaphore_mem>>, %arg43: memref<!tpu.dma_semaphore, #tpu.memory_space<semaphore_mem>>, %arg44: memref<!tpu.dma_semaphore, #tpu.memory_space<semaphore_mem>>, %arg45: memref<!tpu.dma_semaphore, #tpu.memory_space<semaphore_mem>>, %arg46: memref<!tpu.dma_semaphore, #tpu.memory_space<semaphore_mem>>, %arg47: memref<!tpu.dma_semaphore, #tpu.memory_space<semaphore_mem>>) attributes {dimension_semantics = [#tpu.dimension_semantics<core_parallel>, #tpu.dimension_semantics<subcore_parallel>], iteration_bounds = array<i64: 2, 16>, scalar_prefetch = 0 : i64, scratch_operands = 41 : i64, tpu.core_type = #tpu.core_type<sc_vector_subcore>, window_params = [{transform_indices = #map}, {transform_indices = #map1}, {transform_indices = #map1}, {transform_indices = #map}, {transform_indices = #map1}]} {
    %mul3A = arith.constant 2 : i32
    %mul3A_0 = arith.muli %arg1, %mul3A : i32
    %add3A = arith.addi %mul3A_0, %arg0 : i32
    %mul3A_1 = arith.constant 632 : i32
    %mul3A_2 = arith.muli %arg1, %mul3A_1 : i32
    "tpu.region"() ({
      %run_scoped3A = tpu.sem_alloc : memref<!tpu.dma_semaphore, #tpu.memory_space<semaphore_mem>>
      %dma_start3A_232 = arith.constant 0 : i32
      %dma_start3A_233 = tpu.memref_slice %arg32[%mul3A_2, %dma_start3A_232] : memref<10112x128xf32, #tpu.memory_space<vmem_shared>> -> memref<632x128xf32, #tpu.memory_space<vmem_shared>>
      %dma_start3A_234 = arith.constant 0 : i32
      %dma_start3A_235 = tpu.memref_slice %arg5[%mul3A_2, %dma_start3A_234] : memref<10112x128xf32, #tpu.memory_space<hbm>> -> memref<632x128xf32, #tpu.memory_space<hbm>>
      tpu.enqueue_dma source(%dma_start3A_235 : memref<632x128xf32, #tpu.memory_space<hbm>>) target(%dma_start3A_233 : memref<632x128xf32, #tpu.memory_space<vmem_shared>>) target_semaphore(%run_scoped3A : memref<!tpu.dma_semaphore, #tpu.memory_space<semaphore_mem>>)
      %dma_wait3A_236 = arith.constant 0 : i32
      %dma_wait3A_237 = tpu.memref_slice %arg32[%mul3A_2, %dma_wait3A_236] : memref<10112x128xf32, #tpu.memory_space<vmem_shared>> -> memref<632x128xf32, #tpu.memory_space<vmem_shared>>
      %dma_wait3A_238 = arith.constant 0 : i32
      %dma_wait3A_239 = tpu.memref_slice %arg5[%mul3A_2, %dma_wait3A_238] : memref<10112x128xf32, #tpu.memory_space<hbm>> -> memref<632x128xf32, #tpu.memory_space<hbm>>
      tpu.wait_dma2 semaphore(%run_scoped3A : memref<!tpu.dma_semaphore, #tpu.memory_space<semaphore_mem>>) src(%dma_wait3A_239 : memref<632x128xf32, #tpu.memory_space<hbm>>) dst(%dma_wait3A_237 : memref<632x128xf32, #tpu.memory_space<vmem_shared>>)
      tpu.yield
    }) : () -> ()
    %dma_start3A = arith.constant 0 : i32
    %dma_start3A_3 = arith.constant 0 : i32
    %dma_start3A_4 = tpu.memref_slice %arg3[%add3A, %dma_start3A, %dma_start3A_3] : memref<32x320x32xi32, #tpu.memory_space<hbm>> -> memref<1x1x32xi32, #tpu.memory_space<hbm>>
    %dma_start3A_5 = tpu.memref_squeeze %dma_start3A_4 : memref<1x1x32xi32, #tpu.memory_space<hbm>> -> memref<32xi32, #tpu.memory_space<hbm>>
    %dma_start3A_6 = arith.constant 0 : i32
    %dma_start3A_7 = tpu.memref_slice %arg3[%add3A, %dma_start3A, %dma_start3A_6] : memref<32x320x32xi32, #tpu.memory_space<hbm>> -> memref<1x1x32xi32, #tpu.memory_space<hbm>>
    %dma_start3A_8 = tpu.memref_squeeze %dma_start3A_7 : memref<1x1x32xi32, #tpu.memory_space<hbm>> -> memref<32xi32, #tpu.memory_space<hbm>>
    tpu.enqueue_dma source(%dma_start3A_8 : memref<32xi32, #tpu.memory_space<hbm>>) target(%arg12 : memref<32xi32, #tpu.memory_space<vmem>>) target_semaphore(%arg38 : memref<!tpu.dma_semaphore, #tpu.memory_space<semaphore_mem>>)
    %dma_start3A_9 = arith.constant 0 : i32
    %dma_start3A_10 = arith.constant 0 : i32
    %dma_start3A_11 = tpu.memref_slice %arg4[%add3A, %dma_start3A_9, %dma_start3A_10] : memref<32x320x32xi32, #tpu.memory_space<hbm>> -> memref<1x1x32xi32, #tpu.memory_space<hbm>>
    %dma_start3A_12 = tpu.memref_squeeze %dma_start3A_11 : memref<1x1x32xi32, #tpu.memory_space<hbm>> -> memref<32xi32, #tpu.memory_space<hbm>>
    %dma_start3A_13 = arith.constant 0 : i32
    %dma_start3A_14 = tpu.memref_slice %arg4[%add3A, %dma_start3A_9, %dma_start3A_13] : memref<32x320x32xi32, #tpu.memory_space<hbm>> -> memref<1x1x32xi32, #tpu.memory_space<hbm>>
    %dma_start3A_15 = tpu.memref_squeeze %dma_start3A_14 : memref<1x1x32xi32, #tpu.memory_space<hbm>> -> memref<32xi32, #tpu.memory_space<hbm>>
    tpu.enqueue_dma source(%dma_start3A_15 : memref<32xi32, #tpu.memory_space<hbm>>) target(%arg22 : memref<32xi32, #tpu.memory_space<vmem>>) target_semaphore(%arg38 : memref<!tpu.dma_semaphore, #tpu.memory_space<semaphore_mem>>)
    %dma_start3A_16 = arith.constant 5 : i32
    %dma_start3A_17 = arith.constant 0 : i32
    %dma_start3A_18 = tpu.memref_slice %arg3[%add3A, %dma_start3A_16, %dma_start3A_17] : memref<32x320x32xi32, #tpu.memory_space<hbm>> -> memref<1x1x32xi32, #tpu.memory_space<hbm>>
    %dma_start3A_19 = tpu.memref_squeeze %dma_start3A_18 : memref<1x1x32xi32, #tpu.memory_space<hbm>> -> memref<32xi32, #tpu.memory_space<hbm>>
    %dma_start3A_20 = arith.constant 0 : i32
    %dma_start3A_21 = tpu.memref_slice %arg3[%add3A, %dma_start3A_16, %dma_start3A_20] : memref<32x320x32xi32, #tpu.memory_space<hbm>> -> memref<1x1x32xi32, #tpu.memory_space<hbm>>
    %dma_start3A_22 = tpu.memref_squeeze %dma_start3A_21 : memref<1x1x32xi32, #tpu.memory_space<hbm>> -> memref<32xi32, #tpu.memory_space<hbm>>
    tpu.enqueue_dma source(%dma_start3A_22 : memref<32xi32, #tpu.memory_space<hbm>>) target(%arg13 : memref<32xi32, #tpu.memory_space<vmem>>) target_semaphore(%arg39 : memref<!tpu.dma_semaphore, #tpu.memory_space<semaphore_mem>>)
    %dma_start3A_23 = arith.constant 5 : i32
    %dma_start3A_24 = arith.constant 0 : i32
    %dma_start3A_25 = tpu.memref_slice %arg4[%add3A, %dma_start3A_23, %dma_start3A_24] : memref<32x320x32xi32, #tpu.memory_space<hbm>> -> memref<1x1x32xi32, #tpu.memory_space<hbm>>
    %dma_start3A_26 = tpu.memref_squeeze %dma_start3A_25 : memref<1x1x32xi32, #tpu.memory_space<hbm>> -> memref<32xi32, #tpu.memory_space<hbm>>
    %dma_start3A_27 = arith.constant 0 : i32
    %dma_start3A_28 = tpu.memref_slice %arg4[%add3A, %dma_start3A_23, %dma_start3A_27] : memref<32x320x32xi32, #tpu.memory_space<hbm>> -> memref<1x1x32xi32, #tpu.memory_space<hbm>>
    %dma_start3A_29 = tpu.memref_squeeze %dma_start3A_28 : memref<1x1x32xi32, #tpu.memory_space<hbm>> -> memref<32xi32, #tpu.memory_space<hbm>>
    tpu.enqueue_dma source(%dma_start3A_29 : memref<32xi32, #tpu.memory_space<hbm>>) target(%arg23 : memref<32xi32, #tpu.memory_space<vmem>>) target_semaphore(%arg39 : memref<!tpu.dma_semaphore, #tpu.memory_space<semaphore_mem>>)
    %dma_start3A_30 = arith.constant 1 : i32
    %dma_start3A_31 = arith.constant 0 : i32
    %dma_start3A_32 = tpu.memref_slice %arg3[%add3A, %dma_start3A_30, %dma_start3A_31] : memref<32x320x32xi32, #tpu.memory_space<hbm>> -> memref<1x1x32xi32, #tpu.memory_space<hbm>>
    %dma_start3A_33 = tpu.memref_squeeze %dma_start3A_32 : memref<1x1x32xi32, #tpu.memory_space<hbm>> -> memref<32xi32, #tpu.memory_space<hbm>>
    %dma_start3A_34 = arith.constant 0 : i32
    %dma_start3A_35 = tpu.memref_slice %arg3[%add3A, %dma_start3A_30, %dma_start3A_34] : memref<32x320x32xi32, #tpu.memory_space<hbm>> -> memref<1x1x32xi32, #tpu.memory_space<hbm>>
    %dma_start3A_36 = tpu.memref_squeeze %dma_start3A_35 : memref<1x1x32xi32, #tpu.memory_space<hbm>> -> memref<32xi32, #tpu.memory_space<hbm>>
    tpu.enqueue_dma source(%dma_start3A_36 : memref<32xi32, #tpu.memory_space<hbm>>) target(%arg14 : memref<32xi32, #tpu.memory_space<vmem>>) target_semaphore(%arg40 : memref<!tpu.dma_semaphore, #tpu.memory_space<semaphore_mem>>)
    %dma_start3A_37 = arith.constant 1 : i32
    %dma_start3A_38 = arith.constant 0 : i32
    %dma_start3A_39 = tpu.memref_slice %arg4[%add3A, %dma_start3A_37, %dma_start3A_38] : memref<32x320x32xi32, #tpu.memory_space<hbm>> -> memref<1x1x32xi32, #tpu.memory_space<hbm>>
    %dma_start3A_40 = tpu.memref_squeeze %dma_start3A_39 : memref<1x1x32xi32, #tpu.memory_space<hbm>> -> memref<32xi32, #tpu.memory_space<hbm>>
    %dma_start3A_41 = arith.constant 0 : i32
    %dma_start3A_42 = tpu.memref_slice %arg4[%add3A, %dma_start3A_37, %dma_start3A_41] : memref<32x320x32xi32, #tpu.memory_space<hbm>> -> memref<1x1x32xi32, #tpu.memory_space<hbm>>
    %dma_start3A_43 = tpu.memref_squeeze %dma_start3A_42 : memref<1x1x32xi32, #tpu.memory_space<hbm>> -> memref<32xi32, #tpu.memory_space<hbm>>
    tpu.enqueue_dma source(%dma_start3A_43 : memref<32xi32, #tpu.memory_space<hbm>>) target(%arg24 : memref<32xi32, #tpu.memory_space<vmem>>) target_semaphore(%arg40 : memref<!tpu.dma_semaphore, #tpu.memory_space<semaphore_mem>>)
    %dma_start3A_44 = arith.constant 6 : i32
    %dma_start3A_45 = arith.constant 0 : i32
    %dma_start3A_46 = tpu.memref_slice %arg3[%add3A, %dma_start3A_44, %dma_start3A_45] : memref<32x320x32xi32, #tpu.memory_space<hbm>> -> memref<1x1x32xi32, #tpu.memory_space<hbm>>
    %dma_start3A_47 = tpu.memref_squeeze %dma_start3A_46 : memref<1x1x32xi32, #tpu.memory_space<hbm>> -> memref<32xi32, #tpu.memory_space<hbm>>
    %dma_start3A_48 = arith.constant 0 : i32
    %dma_start3A_49 = tpu.memref_slice %arg3[%add3A, %dma_start3A_44, %dma_start3A_48] : memref<32x320x32xi32, #tpu.memory_space<hbm>> -> memref<1x1x32xi32, #tpu.memory_space<hbm>>
    %dma_start3A_50 = tpu.memref_squeeze %dma_start3A_49 : memref<1x1x32xi32, #tpu.memory_space<hbm>> -> memref<32xi32, #tpu.memory_space<hbm>>
    tpu.enqueue_dma source(%dma_start3A_50 : memref<32xi32, #tpu.memory_space<hbm>>) target(%arg15 : memref<32xi32, #tpu.memory_space<vmem>>) target_semaphore(%arg41 : memref<!tpu.dma_semaphore, #tpu.memory_space<semaphore_mem>>)
    %dma_start3A_51 = arith.constant 6 : i32
    %dma_start3A_52 = arith.constant 0 : i32
    %dma_start3A_53 = tpu.memref_slice %arg4[%add3A, %dma_start3A_51, %dma_start3A_52] : memref<32x320x32xi32, #tpu.memory_space<hbm>> -> memref<1x1x32xi32, #tpu.memory_space<hbm>>
    %dma_start3A_54 = tpu.memref_squeeze %dma_start3A_53 : memref<1x1x32xi32, #tpu.memory_space<hbm>> -> memref<32xi32, #tpu.memory_space<hbm>>
    %dma_start3A_55 = arith.constant 0 : i32
    %dma_start3A_56 = tpu.memref_slice %arg4[%add3A, %dma_start3A_51, %dma_start3A_55] : memref<32x320x32xi32, #tpu.memory_space<hbm>> -> memref<1x1x32xi32, #tpu.memory_space<hbm>>
    %dma_start3A_57 = tpu.memref_squeeze %dma_start3A_56 : memref<1x1x32xi32, #tpu.memory_space<hbm>> -> memref<32xi32, #tpu.memory_space<hbm>>
    tpu.enqueue_dma source(%dma_start3A_57 : memref<32xi32, #tpu.memory_space<hbm>>) target(%arg25 : memref<32xi32, #tpu.memory_space<vmem>>) target_semaphore(%arg41 : memref<!tpu.dma_semaphore, #tpu.memory_space<semaphore_mem>>)
    %dma_start3A_58 = arith.constant 2 : i32
    %dma_start3A_59 = arith.constant 0 : i32
    %dma_start3A_60 = tpu.memref_slice %arg3[%add3A, %dma_start3A_58, %dma_start3A_59] : memref<32x320x32xi32, #tpu.memory_space<hbm>> -> memref<1x1x32xi32, #tpu.memory_space<hbm>>
    %dma_start3A_61 = tpu.memref_squeeze %dma_start3A_60 : memref<1x1x32xi32, #tpu.memory_space<hbm>> -> memref<32xi32, #tpu.memory_space<hbm>>
    %dma_start3A_62 = arith.constant 0 : i32
    %dma_start3A_63 = tpu.memref_slice %arg3[%add3A, %dma_start3A_58, %dma_start3A_62] : memref<32x320x32xi32, #tpu.memory_space<hbm>> -> memref<1x1x32xi32, #tpu.memory_space<hbm>>
    %dma_start3A_64 = tpu.memref_squeeze %dma_start3A_63 : memref<1x1x32xi32, #tpu.memory_space<hbm>> -> memref<32xi32, #tpu.memory_space<hbm>>
    tpu.enqueue_dma source(%dma_start3A_64 : memref<32xi32, #tpu.memory_space<hbm>>) target(%arg16 : memref<32xi32, #tpu.memory_space<vmem>>) target_semaphore(%arg42 : memref<!tpu.dma_semaphore, #tpu.memory_space<semaphore_mem>>)
    %dma_start3A_65 = arith.constant 2 : i32
    %dma_start3A_66 = arith.constant 0 : i32
    %dma_start3A_67 = tpu.memref_slice %arg4[%add3A, %dma_start3A_65, %dma_start3A_66] : memref<32x320x32xi32, #tpu.memory_space<hbm>> -> memref<1x1x32xi32, #tpu.memory_space<hbm>>
    %dma_start3A_68 = tpu.memref_squeeze %dma_start3A_67 : memref<1x1x32xi32, #tpu.memory_space<hbm>> -> memref<32xi32, #tpu.memory_space<hbm>>
    %dma_start3A_69 = arith.constant 0 : i32
    %dma_start3A_70 = tpu.memref_slice %arg4[%add3A, %dma_start3A_65, %dma_start3A_69] : memref<32x320x32xi32, #tpu.memory_space<hbm>> -> memref<1x1x32xi32, #tpu.memory_space<hbm>>
    %dma_start3A_71 = tpu.memref_squeeze %dma_start3A_70 : memref<1x1x32xi32, #tpu.memory_space<hbm>> -> memref<32xi32, #tpu.memory_space<hbm>>
    tpu.enqueue_dma source(%dma_start3A_71 : memref<32xi32, #tpu.memory_space<hbm>>) target(%arg26 : memref<32xi32, #tpu.memory_space<vmem>>) target_semaphore(%arg42 : memref<!tpu.dma_semaphore, #tpu.memory_space<semaphore_mem>>)
    %dma_start3A_72 = arith.constant 7 : i32
    %dma_start3A_73 = arith.constant 0 : i32
    %dma_start3A_74 = tpu.memref_slice %arg3[%add3A, %dma_start3A_72, %dma_start3A_73] : memref<32x320x32xi32, #tpu.memory_space<hbm>> -> memref<1x1x32xi32, #tpu.memory_space<hbm>>
    %dma_start3A_75 = tpu.memref_squeeze %dma_start3A_74 : memref<1x1x32xi32, #tpu.memory_space<hbm>> -> memref<32xi32, #tpu.memory_space<hbm>>
    %dma_start3A_76 = arith.constant 0 : i32
    %dma_start3A_77 = tpu.memref_slice %arg3[%add3A, %dma_start3A_72, %dma_start3A_76] : memref<32x320x32xi32, #tpu.memory_space<hbm>> -> memref<1x1x32xi32, #tpu.memory_space<hbm>>
    %dma_start3A_78 = tpu.memref_squeeze %dma_start3A_77 : memref<1x1x32xi32, #tpu.memory_space<hbm>> -> memref<32xi32, #tpu.memory_space<hbm>>
    tpu.enqueue_dma source(%dma_start3A_78 : memref<32xi32, #tpu.memory_space<hbm>>) target(%arg17 : memref<32xi32, #tpu.memory_space<vmem>>) target_semaphore(%arg43 : memref<!tpu.dma_semaphore, #tpu.memory_space<semaphore_mem>>)
    %dma_start3A_79 = arith.constant 7 : i32
    %dma_start3A_80 = arith.constant 0 : i32
    %dma_start3A_81 = tpu.memref_slice %arg4[%add3A, %dma_start3A_79, %dma_start3A_80] : memref<32x320x32xi32, #tpu.memory_space<hbm>> -> memref<1x1x32xi32, #tpu.memory_space<hbm>>
    %dma_start3A_82 = tpu.memref_squeeze %dma_start3A_81 : memref<1x1x32xi32, #tpu.memory_space<hbm>> -> memref<32xi32, #tpu.memory_space<hbm>>
    %dma_start3A_83 = arith.constant 0 : i32
    %dma_start3A_84 = tpu.memref_slice %arg4[%add3A, %dma_start3A_79, %dma_start3A_83] : memref<32x320x32xi32, #tpu.memory_space<hbm>> -> memref<1x1x32xi32, #tpu.memory_space<hbm>>
    %dma_start3A_85 = tpu.memref_squeeze %dma_start3A_84 : memref<1x1x32xi32, #tpu.memory_space<hbm>> -> memref<32xi32, #tpu.memory_space<hbm>>
    tpu.enqueue_dma source(%dma_start3A_85 : memref<32xi32, #tpu.memory_space<hbm>>) target(%arg27 : memref<32xi32, #tpu.memory_space<vmem>>) target_semaphore(%arg43 : memref<!tpu.dma_semaphore, #tpu.memory_space<semaphore_mem>>)
    %dma_start3A_86 = arith.constant 3 : i32
    %dma_start3A_87 = arith.constant 0 : i32
    %dma_start3A_88 = tpu.memref_slice %arg3[%add3A, %dma_start3A_86, %dma_start3A_87] : memref<32x320x32xi32, #tpu.memory_space<hbm>> -> memref<1x1x32xi32, #tpu.memory_space<hbm>>
    %dma_start3A_89 = tpu.memref_squeeze %dma_start3A_88 : memref<1x1x32xi32, #tpu.memory_space<hbm>> -> memref<32xi32, #tpu.memory_space<hbm>>
    %dma_start3A_90 = arith.constant 0 : i32
    %dma_start3A_91 = tpu.memref_slice %arg3[%add3A, %dma_start3A_86, %dma_start3A_90] : memref<32x320x32xi32, #tpu.memory_space<hbm>> -> memref<1x1x32xi32, #tpu.memory_space<hbm>>
    %dma_start3A_92 = tpu.memref_squeeze %dma_start3A_91 : memref<1x1x32xi32, #tpu.memory_space<hbm>> -> memref<32xi32, #tpu.memory_space<hbm>>
    tpu.enqueue_dma source(%dma_start3A_92 : memref<32xi32, #tpu.memory_space<hbm>>) target(%arg18 : memref<32xi32, #tpu.memory_space<vmem>>) target_semaphore(%arg44 : memref<!tpu.dma_semaphore, #tpu.memory_space<semaphore_mem>>)
    %dma_start3A_93 = arith.constant 3 : i32
    %dma_start3A_94 = arith.constant 0 : i32
    %dma_start3A_95 = tpu.memref_slice %arg4[%add3A, %dma_start3A_93, %dma_start3A_94] : memref<32x320x32xi32, #tpu.memory_space<hbm>> -> memref<1x1x32xi32, #tpu.memory_space<hbm>>
    %dma_start3A_96 = tpu.memref_squeeze %dma_start3A_95 : memref<1x1x32xi32, #tpu.memory_space<hbm>> -> memref<32xi32, #tpu.memory_space<hbm>>
    %dma_start3A_97 = arith.constant 0 : i32
    %dma_start3A_98 = tpu.memref_slice %arg4[%add3A, %dma_start3A_93, %dma_start3A_97] : memref<32x320x32xi32, #tpu.memory_space<hbm>> -> memref<1x1x32xi32, #tpu.memory_space<hbm>>
    %dma_start3A_99 = tpu.memref_squeeze %dma_start3A_98 : memref<1x1x32xi32, #tpu.memory_space<hbm>> -> memref<32xi32, #tpu.memory_space<hbm>>
    tpu.enqueue_dma source(%dma_start3A_99 : memref<32xi32, #tpu.memory_space<hbm>>) target(%arg28 : memref<32xi32, #tpu.memory_space<vmem>>) target_semaphore(%arg44 : memref<!tpu.dma_semaphore, #tpu.memory_space<semaphore_mem>>)
    %dma_start3A_100 = arith.constant 8 : i32
    %dma_start3A_101 = arith.constant 0 : i32
    %dma_start3A_102 = tpu.memref_slice %arg3[%add3A, %dma_start3A_100, %dma_start3A_101] : memref<32x320x32xi32, #tpu.memory_space<hbm>> -> memref<1x1x32xi32, #tpu.memory_space<hbm>>
    %dma_start3A_103 = tpu.memref_squeeze %dma_start3A_102 : memref<1x1x32xi32, #tpu.memory_space<hbm>> -> memref<32xi32, #tpu.memory_space<hbm>>
    %dma_start3A_104 = arith.constant 0 : i32
    %dma_start3A_105 = tpu.memref_slice %arg3[%add3A, %dma_start3A_100, %dma_start3A_104] : memref<32x320x32xi32, #tpu.memory_space<hbm>> -> memref<1x1x32xi32, #tpu.memory_space<hbm>>
    %dma_start3A_106 = tpu.memref_squeeze %dma_start3A_105 : memref<1x1x32xi32, #tpu.memory_space<hbm>> -> memref<32xi32, #tpu.memory_space<hbm>>
    tpu.enqueue_dma source(%dma_start3A_106 : memref<32xi32, #tpu.memory_space<hbm>>) target(%arg19 : memref<32xi32, #tpu.memory_space<vmem>>) target_semaphore(%arg45 : memref<!tpu.dma_semaphore, #tpu.memory_space<semaphore_mem>>)
    %dma_start3A_107 = arith.constant 8 : i32
    %dma_start3A_108 = arith.constant 0 : i32
    %dma_start3A_109 = tpu.memref_slice %arg4[%add3A, %dma_start3A_107, %dma_start3A_108] : memref<32x320x32xi32, #tpu.memory_space<hbm>> -> memref<1x1x32xi32, #tpu.memory_space<hbm>>
    %dma_start3A_110 = tpu.memref_squeeze %dma_start3A_109 : memref<1x1x32xi32, #tpu.memory_space<hbm>> -> memref<32xi32, #tpu.memory_space<hbm>>
    %dma_start3A_111 = arith.constant 0 : i32
    %dma_start3A_112 = tpu.memref_slice %arg4[%add3A, %dma_start3A_107, %dma_start3A_111] : memref<32x320x32xi32, #tpu.memory_space<hbm>> -> memref<1x1x32xi32, #tpu.memory_space<hbm>>
    %dma_start3A_113 = tpu.memref_squeeze %dma_start3A_112 : memref<1x1x32xi32, #tpu.memory_space<hbm>> -> memref<32xi32, #tpu.memory_space<hbm>>
    tpu.enqueue_dma source(%dma_start3A_113 : memref<32xi32, #tpu.memory_space<hbm>>) target(%arg29 : memref<32xi32, #tpu.memory_space<vmem>>) target_semaphore(%arg45 : memref<!tpu.dma_semaphore, #tpu.memory_space<semaphore_mem>>)
    %dma_start3A_114 = arith.constant 4 : i32
    %dma_start3A_115 = arith.constant 0 : i32
    %dma_start3A_116 = tpu.memref_slice %arg3[%add3A, %dma_start3A_114, %dma_start3A_115] : memref<32x320x32xi32, #tpu.memory_space<hbm>> -> memref<1x1x32xi32, #tpu.memory_space<hbm>>
    %dma_start3A_117 = tpu.memref_squeeze %dma_start3A_116 : memref<1x1x32xi32, #tpu.memory_space<hbm>> -> memref<32xi32, #tpu.memory_space<hbm>>
    %dma_start3A_118 = arith.constant 0 : i32
    %dma_start3A_119 = tpu.memref_slice %arg3[%add3A, %dma_start3A_114, %dma_start3A_118] : memref<32x320x32xi32, #tpu.memory_space<hbm>> -> memref<1x1x32xi32, #tpu.memory_space<hbm>>
    %dma_start3A_120 = tpu.memref_squeeze %dma_start3A_119 : memref<1x1x32xi32, #tpu.memory_space<hbm>> -> memref<32xi32, #tpu.memory_space<hbm>>
    tpu.enqueue_dma source(%dma_start3A_120 : memref<32xi32, #tpu.memory_space<hbm>>) target(%arg20 : memref<32xi32, #tpu.memory_space<vmem>>) target_semaphore(%arg46 : memref<!tpu.dma_semaphore, #tpu.memory_space<semaphore_mem>>)
    %dma_start3A_121 = arith.constant 4 : i32
    %dma_start3A_122 = arith.constant 0 : i32
    %dma_start3A_123 = tpu.memref_slice %arg4[%add3A, %dma_start3A_121, %dma_start3A_122] : memref<32x320x32xi32, #tpu.memory_space<hbm>> -> memref<1x1x32xi32, #tpu.memory_space<hbm>>
    %dma_start3A_124 = tpu.memref_squeeze %dma_start3A_123 : memref<1x1x32xi32, #tpu.memory_space<hbm>> -> memref<32xi32, #tpu.memory_space<hbm>>
    %dma_start3A_125 = arith.constant 0 : i32
    %dma_start3A_126 = tpu.memref_slice %arg4[%add3A, %dma_start3A_121, %dma_start3A_125] : memref<32x320x32xi32, #tpu.memory_space<hbm>> -> memref<1x1x32xi32, #tpu.memory_space<hbm>>
    %dma_start3A_127 = tpu.memref_squeeze %dma_start3A_126 : memref<1x1x32xi32, #tpu.memory_space<hbm>> -> memref<32xi32, #tpu.memory_space<hbm>>
    tpu.enqueue_dma source(%dma_start3A_127 : memref<32xi32, #tpu.memory_space<hbm>>) target(%arg30 : memref<32xi32, #tpu.memory_space<vmem>>) target_semaphore(%arg46 : memref<!tpu.dma_semaphore, #tpu.memory_space<semaphore_mem>>)
    %dma_start3A_128 = arith.constant 9 : i32
    %dma_start3A_129 = arith.constant 0 : i32
    %dma_start3A_130 = tpu.memref_slice %arg3[%add3A, %dma_start3A_128, %dma_start3A_129] : memref<32x320x32xi32, #tpu.memory_space<hbm>> -> memref<1x1x32xi32, #tpu.memory_space<hbm>>
    %dma_start3A_131 = tpu.memref_squeeze %dma_start3A_130 : memref<1x1x32xi32, #tpu.memory_space<hbm>> -> memref<32xi32, #tpu.memory_space<hbm>>
    %dma_start3A_132 = arith.constant 0 : i32
    %dma_start3A_133 = tpu.memref_slice %arg3[%add3A, %dma_start3A_128, %dma_start3A_132] : memref<32x320x32xi32, #tpu.memory_space<hbm>> -> memref<1x1x32xi32, #tpu.memory_space<hbm>>
    %dma_start3A_134 = tpu.memref_squeeze %dma_start3A_133 : memref<1x1x32xi32, #tpu.memory_space<hbm>> -> memref<32xi32, #tpu.memory_space<hbm>>
    tpu.enqueue_dma source(%dma_start3A_134 : memref<32xi32, #tpu.memory_space<hbm>>) target(%arg21 : memref<32xi32, #tpu.memory_space<vmem>>) target_semaphore(%arg47 : memref<!tpu.dma_semaphore, #tpu.memory_space<semaphore_mem>>)
    %dma_start3A_135 = arith.constant 9 : i32
    %dma_start3A_136 = arith.constant 0 : i32
    %dma_start3A_137 = tpu.memref_slice %arg4[%add3A, %dma_start3A_135, %dma_start3A_136] : memref<32x320x32xi32, #tpu.memory_space<hbm>> -> memref<1x1x32xi32, #tpu.memory_space<hbm>>
    %dma_start3A_138 = tpu.memref_squeeze %dma_start3A_137 : memref<1x1x32xi32, #tpu.memory_space<hbm>> -> memref<32xi32, #tpu.memory_space<hbm>>
    %dma_start3A_139 = arith.constant 0 : i32
    %dma_start3A_140 = tpu.memref_slice %arg4[%add3A, %dma_start3A_135, %dma_start3A_139] : memref<32x320x32xi32, #tpu.memory_space<hbm>> -> memref<1x1x32xi32, #tpu.memory_space<hbm>>
    %dma_start3A_141 = tpu.memref_squeeze %dma_start3A_140 : memref<1x1x32xi32, #tpu.memory_space<hbm>> -> memref<32xi32, #tpu.memory_space<hbm>>
    tpu.enqueue_dma source(%dma_start3A_141 : memref<32xi32, #tpu.memory_space<hbm>>) target(%arg31 : memref<32xi32, #tpu.memory_space<vmem>>) target_semaphore(%arg47 : memref<!tpu.dma_semaphore, #tpu.memory_space<semaphore_mem>>)
    %dma_wait3A = arith.constant 0 : i32
    %dma_wait3A_142 = arith.constant 0 : i32
    %dma_wait3A_143 = tpu.memref_slice %arg3[%add3A, %dma_wait3A, %dma_wait3A_142] : memref<32x320x32xi32, #tpu.memory_space<hbm>> -> memref<1x1x32xi32, #tpu.memory_space<hbm>>
    %dma_wait3A_144 = tpu.memref_squeeze %dma_wait3A_143 : memref<1x1x32xi32, #tpu.memory_space<hbm>> -> memref<32xi32, #tpu.memory_space<hbm>>
    %dma_wait3A_145 = arith.constant 0 : i32
    %dma_wait3A_146 = tpu.memref_slice %arg3[%add3A, %dma_wait3A, %dma_wait3A_145] : memref<32x320x32xi32, #tpu.memory_space<hbm>> -> memref<1x1x32xi32, #tpu.memory_space<hbm>>
    %dma_wait3A_147 = tpu.memref_squeeze %dma_wait3A_146 : memref<1x1x32xi32, #tpu.memory_space<hbm>> -> memref<32xi32, #tpu.memory_space<hbm>>
    tpu.wait_dma2 semaphore(%arg38 : memref<!tpu.dma_semaphore, #tpu.memory_space<semaphore_mem>>) src(%dma_wait3A_147 : memref<32xi32, #tpu.memory_space<hbm>>) dst(%arg12 : memref<32xi32, #tpu.memory_space<vmem>>)
    %dma_wait3A_148 = arith.constant 0 : i32
    %dma_wait3A_149 = arith.constant 0 : i32
    %dma_wait3A_150 = tpu.memref_slice %arg4[%add3A, %dma_wait3A_148, %dma_wait3A_149] : memref<32x320x32xi32, #tpu.memory_space<hbm>> -> memref<1x1x32xi32, #tpu.memory_space<hbm>>
    %dma_wait3A_151 = tpu.memref_squeeze %dma_wait3A_150 : memref<1x1x32xi32, #tpu.memory_space<hbm>> -> memref<32xi32, #tpu.memory_space<hbm>>
    %dma_wait3A_152 = arith.constant 0 : i32
    %dma_wait3A_153 = tpu.memref_slice %arg4[%add3A, %dma_wait3A_148, %dma_wait3A_152] : memref<32x320x32xi32, #tpu.memory_space<hbm>> -> memref<1x1x32xi32, #tpu.memory_space<hbm>>
    %dma_wait3A_154 = tpu.memref_squeeze %dma_wait3A_153 : memref<1x1x32xi32, #tpu.memory_space<hbm>> -> memref<32xi32, #tpu.memory_space<hbm>>
    tpu.wait_dma2 semaphore(%arg38 : memref<!tpu.dma_semaphore, #tpu.memory_space<semaphore_mem>>) src(%dma_wait3A_154 : memref<32xi32, #tpu.memory_space<hbm>>) dst(%arg22 : memref<32xi32, #tpu.memory_space<vmem>>)
    %dma_start3A_155 = arith.constant 0 : i32
    %dma_start3A_156 = arith.constant 0 : i32
    %dma_start3A_157 = tpu.memref_slice %arg2[%dma_start3A_155, %dma_start3A_156] : memref<10112x128xf32, #tpu.memory_space<hbm>> -> memref<10112x128xf32, #tpu.memory_space<hbm>>
    tpu.enqueue_indirect_dma source(%dma_start3A_157 : memref<10112x128xf32, #tpu.memory_space<hbm>>) target(%arg7 : memref<32x128xf32, #tpu.memory_space<vmem>>) offsets(%arg12 : memref<32xi32, #tpu.memory_space<vmem>>) semaphore(%arg33 : memref<!tpu.dma_semaphore, #tpu.memory_space<semaphore_mem>>)
    %dma_wait3A_158 = arith.constant 1 : i32
    %dma_wait3A_159 = arith.constant 0 : i32
    %dma_wait3A_160 = tpu.memref_slice %arg3[%add3A, %dma_wait3A_158, %dma_wait3A_159] : memref<32x320x32xi32, #tpu.memory_space<hbm>> -> memref<1x1x32xi32, #tpu.memory_space<hbm>>
    %dma_wait3A_161 = tpu.memref_squeeze %dma_wait3A_160 : memref<1x1x32xi32, #tpu.memory_space<hbm>> -> memref<32xi32, #tpu.memory_space<hbm>>
    %dma_wait3A_162 = arith.constant 0 : i32
    %dma_wait3A_163 = tpu.memref_slice %arg3[%add3A, %dma_wait3A_158, %dma_wait3A_162] : memref<32x320x32xi32, #tpu.memory_space<hbm>> -> memref<1x1x32xi32, #tpu.memory_space<hbm>>
    %dma_wait3A_164 = tpu.memref_squeeze %dma_wait3A_163 : memref<1x1x32xi32, #tpu.memory_space<hbm>> -> memref<32xi32, #tpu.memory_space<hbm>>
    tpu.wait_dma2 semaphore(%arg40 : memref<!tpu.dma_semaphore, #tpu.memory_space<semaphore_mem>>) src(%dma_wait3A_164 : memref<32xi32, #tpu.memory_space<hbm>>) dst(%arg14 : memref<32xi32, #tpu.memory_space<vmem>>)
    %dma_wait3A_165 = arith.constant 1 : i32
    %dma_wait3A_166 = arith.constant 0 : i32
    %dma_wait3A_167 = tpu.memref_slice %arg4[%add3A, %dma_wait3A_165, %dma_wait3A_166] : memref<32x320x32xi32, #tpu.memory_space<hbm>> -> memref<1x1x32xi32, #tpu.memory_space<hbm>>
    %dma_wait3A_168 = tpu.memref_squeeze %dma_wait3A_167 : memref<1x1x32xi32, #tpu.memory_space<hbm>> -> memref<32xi32, #tpu.memory_space<hbm>>
    %dma_wait3A_169 = arith.constant 0 : i32
    %dma_wait3A_170 = tpu.memref_slice %arg4[%add3A, %dma_wait3A_165, %dma_wait3A_169] : memref<32x320x32xi32, #tpu.memory_space<hbm>> -> memref<1x1x32xi32, #tpu.memory_space<hbm>>
    %dma_wait3A_171 = tpu.memref_squeeze %dma_wait3A_170 : memref<1x1x32xi32, #tpu.memory_space<hbm>> -> memref<32xi32, #tpu.memory_space<hbm>>
    tpu.wait_dma2 semaphore(%arg40 : memref<!tpu.dma_semaphore, #tpu.memory_space<semaphore_mem>>) src(%dma_wait3A_171 : memref<32xi32, #tpu.memory_space<hbm>>) dst(%arg24 : memref<32xi32, #tpu.memory_space<vmem>>)
    %dma_start3A_172 = arith.constant 0 : i32
    %dma_start3A_173 = arith.constant 0 : i32
    %dma_start3A_174 = tpu.memref_slice %arg2[%dma_start3A_172, %dma_start3A_173] : memref<10112x128xf32, #tpu.memory_space<hbm>> -> memref<10112x128xf32, #tpu.memory_space<hbm>>
    tpu.enqueue_indirect_dma source(%dma_start3A_174 : memref<10112x128xf32, #tpu.memory_space<hbm>>) target(%arg8 : memref<32x128xf32, #tpu.memory_space<vmem>>) offsets(%arg14 : memref<32xi32, #tpu.memory_space<vmem>>) semaphore(%arg34 : memref<!tpu.dma_semaphore, #tpu.memory_space<semaphore_mem>>)
    %dma_wait3A_175 = arith.constant 2 : i32
    %dma_wait3A_176 = arith.constant 0 : i32
    %dma_wait3A_177 = tpu.memref_slice %arg3[%add3A, %dma_wait3A_175, %dma_wait3A_176] : memref<32x320x32xi32, #tpu.memory_space<hbm>> -> memref<1x1x32xi32, #tpu.memory_space<hbm>>
    %dma_wait3A_178 = tpu.memref_squeeze %dma_wait3A_177 : memref<1x1x32xi32, #tpu.memory_space<hbm>> -> memref<32xi32, #tpu.memory_space<hbm>>
    %dma_wait3A_179 = arith.constant 0 : i32
    %dma_wait3A_180 = tpu.memref_slice %arg3[%add3A, %dma_wait3A_175, %dma_wait3A_179] : memref<32x320x32xi32, #tpu.memory_space<hbm>> -> memref<1x1x32xi32, #tpu.memory_space<hbm>>
    %dma_wait3A_181 = tpu.memref_squeeze %dma_wait3A_180 : memref<1x1x32xi32, #tpu.memory_space<hbm>> -> memref<32xi32, #tpu.memory_space<hbm>>
    tpu.wait_dma2 semaphore(%arg42 : memref<!tpu.dma_semaphore, #tpu.memory_space<semaphore_mem>>) src(%dma_wait3A_181 : memref<32xi32, #tpu.memory_space<hbm>>) dst(%arg16 : memref<32xi32, #tpu.memory_space<vmem>>)
    %dma_wait3A_182 = arith.constant 2 : i32
    %dma_wait3A_183 = arith.constant 0 : i32
    %dma_wait3A_184 = tpu.memref_slice %arg4[%add3A, %dma_wait3A_182, %dma_wait3A_183] : memref<32x320x32xi32, #tpu.memory_space<hbm>> -> memref<1x1x32xi32, #tpu.memory_space<hbm>>
    %dma_wait3A_185 = tpu.memref_squeeze %dma_wait3A_184 : memref<1x1x32xi32, #tpu.memory_space<hbm>> -> memref<32xi32, #tpu.memory_space<hbm>>
    %dma_wait3A_186 = arith.constant 0 : i32
    %dma_wait3A_187 = tpu.memref_slice %arg4[%add3A, %dma_wait3A_182, %dma_wait3A_186] : memref<32x320x32xi32, #tpu.memory_space<hbm>> -> memref<1x1x32xi32, #tpu.memory_space<hbm>>
    %dma_wait3A_188 = tpu.memref_squeeze %dma_wait3A_187 : memref<1x1x32xi32, #tpu.memory_space<hbm>> -> memref<32xi32, #tpu.memory_space<hbm>>
    tpu.wait_dma2 semaphore(%arg42 : memref<!tpu.dma_semaphore, #tpu.memory_space<semaphore_mem>>) src(%dma_wait3A_188 : memref<32xi32, #tpu.memory_space<hbm>>) dst(%arg26 : memref<32xi32, #tpu.memory_space<vmem>>)
    %dma_start3A_189 = arith.constant 0 : i32
    %dma_start3A_190 = arith.constant 0 : i32
    %dma_start3A_191 = tpu.memref_slice %arg2[%dma_start3A_189, %dma_start3A_190] : memref<10112x128xf32, #tpu.memory_space<hbm>> -> memref<10112x128xf32, #tpu.memory_space<hbm>>
    tpu.enqueue_indirect_dma source(%dma_start3A_191 : memref<10112x128xf32, #tpu.memory_space<hbm>>) target(%arg9 : memref<32x128xf32, #tpu.memory_space<vmem>>) offsets(%arg16 : memref<32xi32, #tpu.memory_space<vmem>>) semaphore(%arg35 : memref<!tpu.dma_semaphore, #tpu.memory_space<semaphore_mem>>)
    %dma_wait3A_192 = arith.constant 3 : i32
    %dma_wait3A_193 = arith.constant 0 : i32
    %dma_wait3A_194 = tpu.memref_slice %arg3[%add3A, %dma_wait3A_192, %dma_wait3A_193] : memref<32x320x32xi32, #tpu.memory_space<hbm>> -> memref<1x1x32xi32, #tpu.memory_space<hbm>>
    %dma_wait3A_195 = tpu.memref_squeeze %dma_wait3A_194 : memref<1x1x32xi32, #tpu.memory_space<hbm>> -> memref<32xi32, #tpu.memory_space<hbm>>
    %dma_wait3A_196 = arith.constant 0 : i32
    %dma_wait3A_197 = tpu.memref_slice %arg3[%add3A, %dma_wait3A_192, %dma_wait3A_196] : memref<32x320x32xi32, #tpu.memory_space<hbm>> -> memref<1x1x32xi32, #tpu.memory_space<hbm>>
    %dma_wait3A_198 = tpu.memref_squeeze %dma_wait3A_197 : memref<1x1x32xi32, #tpu.memory_space<hbm>> -> memref<32xi32, #tpu.memory_space<hbm>>
    tpu.wait_dma2 semaphore(%arg44 : memref<!tpu.dma_semaphore, #tpu.memory_space<semaphore_mem>>) src(%dma_wait3A_198 : memref<32xi32, #tpu.memory_space<hbm>>) dst(%arg18 : memref<32xi32, #tpu.memory_space<vmem>>)
    %dma_wait3A_199 = arith.constant 3 : i32
    %dma_wait3A_200 = arith.constant 0 : i32
    %dma_wait3A_201 = tpu.memref_slice %arg4[%add3A, %dma_wait3A_199, %dma_wait3A_200] : memref<32x320x32xi32, #tpu.memory_space<hbm>> -> memref<1x1x32xi32, #tpu.memory_space<hbm>>
    %dma_wait3A_202 = tpu.memref_squeeze %dma_wait3A_201 : memref<1x1x32xi32, #tpu.memory_space<hbm>> -> memref<32xi32, #tpu.memory_space<hbm>>
    %dma_wait3A_203 = arith.constant 0 : i32
    %dma_wait3A_204 = tpu.memref_slice %arg4[%add3A, %dma_wait3A_199, %dma_wait3A_203] : memref<32x320x32xi32, #tpu.memory_space<hbm>> -> memref<1x1x32xi32, #tpu.memory_space<hbm>>
    %dma_wait3A_205 = tpu.memref_squeeze %dma_wait3A_204 : memref<1x1x32xi32, #tpu.memory_space<hbm>> -> memref<32xi32, #tpu.memory_space<hbm>>
    tpu.wait_dma2 semaphore(%arg44 : memref<!tpu.dma_semaphore, #tpu.memory_space<semaphore_mem>>) src(%dma_wait3A_205 : memref<32xi32, #tpu.memory_space<hbm>>) dst(%arg28 : memref<32xi32, #tpu.memory_space<vmem>>)
    %dma_start3A_206 = arith.constant 0 : i32
    %dma_start3A_207 = arith.constant 0 : i32
    %dma_start3A_208 = tpu.memref_slice %arg2[%dma_start3A_206, %dma_start3A_207] : memref<10112x128xf32, #tpu.memory_space<hbm>> -> memref<10112x128xf32, #tpu.memory_space<hbm>>
    tpu.enqueue_indirect_dma source(%dma_start3A_208 : memref<10112x128xf32, #tpu.memory_space<hbm>>) target(%arg10 : memref<32x128xf32, #tpu.memory_space<vmem>>) offsets(%arg18 : memref<32xi32, #tpu.memory_space<vmem>>) semaphore(%arg36 : memref<!tpu.dma_semaphore, #tpu.memory_space<semaphore_mem>>)
    %dma_wait3A_209 = arith.constant 4 : i32
    %dma_wait3A_210 = arith.constant 0 : i32
    %dma_wait3A_211 = tpu.memref_slice %arg3[%add3A, %dma_wait3A_209, %dma_wait3A_210] : memref<32x320x32xi32, #tpu.memory_space<hbm>> -> memref<1x1x32xi32, #tpu.memory_space<hbm>>
    %dma_wait3A_212 = tpu.memref_squeeze %dma_wait3A_211 : memref<1x1x32xi32, #tpu.memory_space<hbm>> -> memref<32xi32, #tpu.memory_space<hbm>>
    %dma_wait3A_213 = arith.constant 0 : i32
    %dma_wait3A_214 = tpu.memref_slice %arg3[%add3A, %dma_wait3A_209, %dma_wait3A_213] : memref<32x320x32xi32, #tpu.memory_space<hbm>> -> memref<1x1x32xi32, #tpu.memory_space<hbm>>
    %dma_wait3A_215 = tpu.memref_squeeze %dma_wait3A_214 : memref<1x1x32xi32, #tpu.memory_space<hbm>> -> memref<32xi32, #tpu.memory_space<hbm>>
    tpu.wait_dma2 semaphore(%arg46 : memref<!tpu.dma_semaphore, #tpu.memory_space<semaphore_mem>>) src(%dma_wait3A_215 : memref<32xi32, #tpu.memory_space<hbm>>) dst(%arg20 : memref<32xi32, #tpu.memory_space<vmem>>)
    %dma_wait3A_216 = arith.constant 4 : i32
    %dma_wait3A_217 = arith.constant 0 : i32
    %dma_wait3A_218 = tpu.memref_slice %arg4[%add3A, %dma_wait3A_216, %dma_wait3A_217] : memref<32x320x32xi32, #tpu.memory_space<hbm>> -> memref<1x1x32xi32, #tpu.memory_space<hbm>>
    %dma_wait3A_219 = tpu.memref_squeeze %dma_wait3A_218 : memref<1x1x32xi32, #tpu.memory_space<hbm>> -> memref<32xi32, #tpu.memory_space<hbm>>
    %dma_wait3A_220 = arith.constant 0 : i32
    %dma_wait3A_221 = tpu.memref_slice %arg4[%add3A, %dma_wait3A_216, %dma_wait3A_220] : memref<32x320x32xi32, #tpu.memory_space<hbm>> -> memref<1x1x32xi32, #tpu.memory_space<hbm>>
    %dma_wait3A_222 = tpu.memref_squeeze %dma_wait3A_221 : memref<1x1x32xi32, #tpu.memory_space<hbm>> -> memref<32xi32, #tpu.memory_space<hbm>>
    tpu.wait_dma2 semaphore(%arg46 : memref<!tpu.dma_semaphore, #tpu.memory_space<semaphore_mem>>) src(%dma_wait3A_222 : memref<32xi32, #tpu.memory_space<hbm>>) dst(%arg30 : memref<32xi32, #tpu.memory_space<vmem>>)
    %dma_start3A_223 = arith.constant 0 : i32
    %dma_start3A_224 = arith.constant 0 : i32
    %dma_start3A_225 = tpu.memref_slice %arg2[%dma_start3A_223, %dma_start3A_224] : memref<10112x128xf32, #tpu.memory_space<hbm>> -> memref<10112x128xf32, #tpu.memory_space<hbm>>
    tpu.enqueue_indirect_dma source(%dma_start3A_225 : memref<10112x128xf32, #tpu.memory_space<hbm>>) target(%arg11 : memref<32x128xf32, #tpu.memory_space<vmem>>) offsets(%arg20 : memref<32xi32, #tpu.memory_space<vmem>>) semaphore(%arg37 : memref<!tpu.dma_semaphore, #tpu.memory_space<semaphore_mem>>)
    %barrier3A = arith.constant 0 : index
    tpu.barrier barrier_id(%barrier3A)
    %scan3A = arith.constant 0 : i32
    %scan3A_226 = arith.constant 0 : i32
    %scan3A_227 = arith.constant 32 : i32
    %scan3A_228 = arith.addi %scan3A_226, %scan3A_227 : i32
    %scan3A_229 = arith.constant 1 : i32
    scf.for %scan3A_232 = %scan3A_226 to %scan3A_228 step %scan3A_229  : i32 {
      %mul3A_233 = arith.constant 2 : i32
      %mul3A_234 = arith.muli %scan3A_232, %mul3A_233 : i32
      %add3A_235 = arith.constant 0 : i32
      %add3A_236 = arith.addi %mul3A_234, %add3A_235 : i32
      %mul3A_237 = arith.constant 5 : i32
      %mul3A_238 = arith.muli %add3A_236, %mul3A_237 : i32
      %add3A_239 = arith.constant 0 : i32
      %add3A_240 = arith.addi %mul3A_238, %add3A_239 : i32
      %dma_wait3A_241 = arith.constant 0 : i32
      %dma_wait3A_242 = arith.constant 0 : i32
      %dma_wait3A_243 = tpu.memref_slice %arg2[%dma_wait3A_241, %dma_wait3A_242] : memref<10112x128xf32, #tpu.memory_space<hbm>> -> memref<10112x128xf32, #tpu.memory_space<hbm>>
      tpu.wait_indirect_dma semaphore(%arg33 : memref<!tpu.dma_semaphore, #tpu.memory_space<semaphore_mem>>) src(%dma_wait3A_243 : memref<10112x128xf32, #tpu.memory_space<hbm>>) dst(%arg7 : memref<32x128xf32, #tpu.memory_space<vmem>>)
      "tpu.region"() ({
        %run_scoped3A = tpu.sem_alloc : memref<!tpu.dma_semaphore, #tpu.memory_space<semaphore_mem>>
        %dma_start3A_448 = arith.constant 0 : i32
        %dma_start3A_449 = arith.constant 0 : i32
        %dma_start3A_450 = tpu.memref_slice %arg32[%dma_start3A_448, %dma_start3A_449] : memref<10112x128xf32, #tpu.memory_space<vmem_shared>> -> memref<10112x128xf32, #tpu.memory_space<vmem_shared>>
        tpu.enqueue_indirect_dma source(%arg7 : memref<32x128xf32, #tpu.memory_space<vmem>>) target(%dma_start3A_450 : memref<10112x128xf32, #tpu.memory_space<vmem_shared>>) offsets(%arg22 : memref<32xi32, #tpu.memory_space<vmem>>) semaphore(%run_scoped3A : memref<!tpu.dma_semaphore, #tpu.memory_space<semaphore_mem>>) {add = true}
        %dma_wait3A_451 = arith.constant 0 : i32
        %dma_wait3A_452 = arith.constant 0 : i32
        %dma_wait3A_453 = tpu.memref_slice %arg32[%dma_wait3A_451, %dma_wait3A_452] : memref<10112x128xf32, #tpu.memory_space<vmem_shared>> -> memref<10112x128xf32, #tpu.memory_space<vmem_shared>>
        tpu.wait_indirect_dma semaphore(%run_scoped3A : memref<!tpu.dma_semaphore, #tpu.memory_space<semaphore_mem>>) src(%arg7 : memref<32x128xf32, #tpu.memory_space<vmem>>) dst(%dma_wait3A_453 : memref<10112x128xf32, #tpu.memory_space<vmem_shared>>)
        tpu.yield
      }) : () -> ()
      %add3A_244 = arith.constant 10 : i32
      %add3A_245 = arith.addi %add3A_240, %add3A_244 : i32
      %lt3A = arith.constant 320 : i32
      %lt3A_246 = arith.cmpi slt, %add3A_245, %lt3A : i32
      %convert_element_type3A = arith.extui %lt3A_246 : i1 to i32
      %cond3A = arith.constant 0 : i32
      %cond3A_247 = arith.cmpi ne, %convert_element_type3A, %cond3A : i32
      scf.if %cond3A_247 {
        %add3A_448 = arith.constant 10 : i32
        %add3A_449 = arith.addi %add3A_240, %add3A_448 : i32
        %dma_start3A_450 = arith.constant 0 : i32
        %dma_start3A_451 = tpu.memref_slice %arg3[%add3A, %add3A_449, %dma_start3A_450] : memref<32x320x32xi32, #tpu.memory_space<hbm>> -> memref<1x1x32xi32, #tpu.memory_space<hbm>>
        %dma_start3A_452 = tpu.memref_squeeze %dma_start3A_451 : memref<1x1x32xi32, #tpu.memory_space<hbm>> -> memref<32xi32, #tpu.memory_space<hbm>>
        %dma_start3A_453 = arith.constant 0 : i32
        %dma_start3A_454 = tpu.memref_slice %arg3[%add3A, %add3A_449, %dma_start3A_453] : memref<32x320x32xi32, #tpu.memory_space<hbm>> -> memref<1x1x32xi32, #tpu.memory_space<hbm>>
        %dma_start3A_455 = tpu.memref_squeeze %dma_start3A_454 : memref<1x1x32xi32, #tpu.memory_space<hbm>> -> memref<32xi32, #tpu.memory_space<hbm>>
        tpu.enqueue_dma source(%dma_start3A_455 : memref<32xi32, #tpu.memory_space<hbm>>) target(%arg12 : memref<32xi32, #tpu.memory_space<vmem>>) target_semaphore(%arg38 : memref<!tpu.dma_semaphore, #tpu.memory_space<semaphore_mem>>)
        %add3A_456 = arith.constant 10 : i32
        %add3A_457 = arith.addi %add3A_240, %add3A_456 : i32
        %dma_start3A_458 = arith.constant 0 : i32
        %dma_start3A_459 = tpu.memref_slice %arg4[%add3A, %add3A_457, %dma_start3A_458] : memref<32x320x32xi32, #tpu.memory_space<hbm>> -> memref<1x1x32xi32, #tpu.memory_space<hbm>>
        %dma_start3A_460 = tpu.memref_squeeze %dma_start3A_459 : memref<1x1x32xi32, #tpu.memory_space<hbm>> -> memref<32xi32, #tpu.memory_space<hbm>>
        %dma_start3A_461 = arith.constant 0 : i32
        %dma_start3A_462 = tpu.memref_slice %arg4[%add3A, %add3A_457, %dma_start3A_461] : memref<32x320x32xi32, #tpu.memory_space<hbm>> -> memref<1x1x32xi32, #tpu.memory_space<hbm>>
        %dma_start3A_463 = tpu.memref_squeeze %dma_start3A_462 : memref<1x1x32xi32, #tpu.memory_space<hbm>> -> memref<32xi32, #tpu.memory_space<hbm>>
        tpu.enqueue_dma source(%dma_start3A_463 : memref<32xi32, #tpu.memory_space<hbm>>) target(%arg22 : memref<32xi32, #tpu.memory_space<vmem>>) target_semaphore(%arg38 : memref<!tpu.dma_semaphore, #tpu.memory_space<semaphore_mem>>)
      } else {
      }
      %add3A_248 = arith.constant 5 : i32
      %add3A_249 = arith.addi %add3A_240, %add3A_248 : i32
      %lt3A_250 = arith.constant 320 : i32
      %lt3A_251 = arith.cmpi slt, %add3A_249, %lt3A_250 : i32
      %convert_element_type3A_252 = arith.extui %lt3A_251 : i1 to i32
      %cond3A_253 = arith.constant 0 : i32
      %cond3A_254 = arith.cmpi ne, %convert_element_type3A_252, %cond3A_253 : i32
      scf.if %cond3A_254 {
        %add3A_448 = arith.constant 5 : i32
        %add3A_449 = arith.addi %add3A_240, %add3A_448 : i32
        %dma_wait3A_450 = arith.constant 0 : i32
        %dma_wait3A_451 = tpu.memref_slice %arg3[%add3A, %add3A_449, %dma_wait3A_450] : memref<32x320x32xi32, #tpu.memory_space<hbm>> -> memref<1x1x32xi32, #tpu.memory_space<hbm>>
        %dma_wait3A_452 = tpu.memref_squeeze %dma_wait3A_451 : memref<1x1x32xi32, #tpu.memory_space<hbm>> -> memref<32xi32, #tpu.memory_space<hbm>>
        %dma_wait3A_453 = arith.constant 0 : i32
        %dma_wait3A_454 = tpu.memref_slice %arg3[%add3A, %add3A_449, %dma_wait3A_453] : memref<32x320x32xi32, #tpu.memory_space<hbm>> -> memref<1x1x32xi32, #tpu.memory_space<hbm>>
        %dma_wait3A_455 = tpu.memref_squeeze %dma_wait3A_454 : memref<1x1x32xi32, #tpu.memory_space<hbm>> -> memref<32xi32, #tpu.memory_space<hbm>>
        tpu.wait_dma2 semaphore(%arg39 : memref<!tpu.dma_semaphore, #tpu.memory_space<semaphore_mem>>) src(%dma_wait3A_455 : memref<32xi32, #tpu.memory_space<hbm>>) dst(%arg13 : memref<32xi32, #tpu.memory_space<vmem>>)
        %add3A_456 = arith.constant 5 : i32
        %add3A_457 = arith.addi %add3A_240, %add3A_456 : i32
        %dma_wait3A_458 = arith.constant 0 : i32
        %dma_wait3A_459 = tpu.memref_slice %arg4[%add3A, %add3A_457, %dma_wait3A_458] : memref<32x320x32xi32, #tpu.memory_space<hbm>> -> memref<1x1x32xi32, #tpu.memory_space<hbm>>
        %dma_wait3A_460 = tpu.memref_squeeze %dma_wait3A_459 : memref<1x1x32xi32, #tpu.memory_space<hbm>> -> memref<32xi32, #tpu.memory_space<hbm>>
        %dma_wait3A_461 = arith.constant 0 : i32
        %dma_wait3A_462 = tpu.memref_slice %arg4[%add3A, %add3A_457, %dma_wait3A_461] : memref<32x320x32xi32, #tpu.memory_space<hbm>> -> memref<1x1x32xi32, #tpu.memory_space<hbm>>
        %dma_wait3A_463 = tpu.memref_squeeze %dma_wait3A_462 : memref<1x1x32xi32, #tpu.memory_space<hbm>> -> memref<32xi32, #tpu.memory_space<hbm>>
        tpu.wait_dma2 semaphore(%arg39 : memref<!tpu.dma_semaphore, #tpu.memory_space<semaphore_mem>>) src(%dma_wait3A_463 : memref<32xi32, #tpu.memory_space<hbm>>) dst(%arg23 : memref<32xi32, #tpu.memory_space<vmem>>)
        %dma_start3A_464 = arith.constant 0 : i32
        %dma_start3A_465 = arith.constant 0 : i32
        %dma_start3A_466 = tpu.memref_slice %arg2[%dma_start3A_464, %dma_start3A_465] : memref<10112x128xf32, #tpu.memory_space<hbm>> -> memref<10112x128xf32, #tpu.memory_space<hbm>>
        tpu.enqueue_indirect_dma source(%dma_start3A_466 : memref<10112x128xf32, #tpu.memory_space<hbm>>) target(%arg7 : memref<32x128xf32, #tpu.memory_space<vmem>>) offsets(%arg13 : memref<32xi32, #tpu.memory_space<vmem>>) semaphore(%arg33 : memref<!tpu.dma_semaphore, #tpu.memory_space<semaphore_mem>>)
      } else {
      }
      %mul3A_255 = arith.constant 5 : i32
      %mul3A_256 = arith.muli %add3A_236, %mul3A_255 : i32
      %add3A_257 = arith.constant 1 : i32
      %add3A_258 = arith.addi %mul3A_256, %add3A_257 : i32
      %dma_wait3A_259 = arith.constant 0 : i32
      %dma_wait3A_260 = arith.constant 0 : i32
      %dma_wait3A_261 = tpu.memref_slice %arg2[%dma_wait3A_259, %dma_wait3A_260] : memref<10112x128xf32, #tpu.memory_space<hbm>> -> memref<10112x128xf32, #tpu.memory_space<hbm>>
      tpu.wait_indirect_dma semaphore(%arg34 : memref<!tpu.dma_semaphore, #tpu.memory_space<semaphore_mem>>) src(%dma_wait3A_261 : memref<10112x128xf32, #tpu.memory_space<hbm>>) dst(%arg8 : memref<32x128xf32, #tpu.memory_space<vmem>>)
      "tpu.region"() ({
        %run_scoped3A = tpu.sem_alloc : memref<!tpu.dma_semaphore, #tpu.memory_space<semaphore_mem>>
        %dma_start3A_448 = arith.constant 0 : i32
        %dma_start3A_449 = arith.constant 0 : i32
        %dma_start3A_450 = tpu.memref_slice %arg32[%dma_start3A_448, %dma_start3A_449] : memref<10112x128xf32, #tpu.memory_space<vmem_shared>> -> memref<10112x128xf32, #tpu.memory_space<vmem_shared>>
        tpu.enqueue_indirect_dma source(%arg8 : memref<32x128xf32, #tpu.memory_space<vmem>>) target(%dma_start3A_450 : memref<10112x128xf32, #tpu.memory_space<vmem_shared>>) offsets(%arg24 : memref<32xi32, #tpu.memory_space<vmem>>) semaphore(%run_scoped3A : memref<!tpu.dma_semaphore, #tpu.memory_space<semaphore_mem>>) {add = true}
        %dma_wait3A_451 = arith.constant 0 : i32
        %dma_wait3A_452 = arith.constant 0 : i32
        %dma_wait3A_453 = tpu.memref_slice %arg32[%dma_wait3A_451, %dma_wait3A_452] : memref<10112x128xf32, #tpu.memory_space<vmem_shared>> -> memref<10112x128xf32, #tpu.memory_space<vmem_shared>>
        tpu.wait_indirect_dma semaphore(%run_scoped3A : memref<!tpu.dma_semaphore, #tpu.memory_space<semaphore_mem>>) src(%arg8 : memref<32x128xf32, #tpu.memory_space<vmem>>) dst(%dma_wait3A_453 : memref<10112x128xf32, #tpu.memory_space<vmem_shared>>)
        tpu.yield
      }) : () -> ()
      %add3A_262 = arith.constant 10 : i32
      %add3A_263 = arith.addi %add3A_258, %add3A_262 : i32
      %lt3A_264 = arith.constant 320 : i32
      %lt3A_265 = arith.cmpi slt, %add3A_263, %lt3A_264 : i32
      %convert_element_type3A_266 = arith.extui %lt3A_265 : i1 to i32
      %cond3A_267 = arith.constant 0 : i32
      %cond3A_268 = arith.cmpi ne, %convert_element_type3A_266, %cond3A_267 : i32
      scf.if %cond3A_268 {
        %add3A_448 = arith.constant 10 : i32
        %add3A_449 = arith.addi %add3A_258, %add3A_448 : i32
        %dma_start3A_450 = arith.constant 0 : i32
        %dma_start3A_451 = tpu.memref_slice %arg3[%add3A, %add3A_449, %dma_start3A_450] : memref<32x320x32xi32, #tpu.memory_space<hbm>> -> memref<1x1x32xi32, #tpu.memory_space<hbm>>
        %dma_start3A_452 = tpu.memref_squeeze %dma_start3A_451 : memref<1x1x32xi32, #tpu.memory_space<hbm>> -> memref<32xi32, #tpu.memory_space<hbm>>
        %dma_start3A_453 = arith.constant 0 : i32
        %dma_start3A_454 = tpu.memref_slice %arg3[%add3A, %add3A_449, %dma_start3A_453] : memref<32x320x32xi32, #tpu.memory_space<hbm>> -> memref<1x1x32xi32, #tpu.memory_space<hbm>>
        %dma_start3A_455 = tpu.memref_squeeze %dma_start3A_454 : memref<1x1x32xi32, #tpu.memory_space<hbm>> -> memref<32xi32, #tpu.memory_space<hbm>>
        tpu.enqueue_dma source(%dma_start3A_455 : memref<32xi32, #tpu.memory_space<hbm>>) target(%arg14 : memref<32xi32, #tpu.memory_space<vmem>>) target_semaphore(%arg40 : memref<!tpu.dma_semaphore, #tpu.memory_space<semaphore_mem>>)
        %add3A_456 = arith.constant 10 : i32
        %add3A_457 = arith.addi %add3A_258, %add3A_456 : i32
        %dma_start3A_458 = arith.constant 0 : i32
        %dma_start3A_459 = tpu.memref_slice %arg4[%add3A, %add3A_457, %dma_start3A_458] : memref<32x320x32xi32, #tpu.memory_space<hbm>> -> memref<1x1x32xi32, #tpu.memory_space<hbm>>
        %dma_start3A_460 = tpu.memref_squeeze %dma_start3A_459 : memref<1x1x32xi32, #tpu.memory_space<hbm>> -> memref<32xi32, #tpu.memory_space<hbm>>
        %dma_start3A_461 = arith.constant 0 : i32
        %dma_start3A_462 = tpu.memref_slice %arg4[%add3A, %add3A_457, %dma_start3A_461] : memref<32x320x32xi32, #tpu.memory_space<hbm>> -> memref<1x1x32xi32, #tpu.memory_space<hbm>>
        %dma_start3A_463 = tpu.memref_squeeze %dma_start3A_462 : memref<1x1x32xi32, #tpu.memory_space<hbm>> -> memref<32xi32, #tpu.memory_space<hbm>>
        tpu.enqueue_dma source(%dma_start3A_463 : memref<32xi32, #tpu.memory_space<hbm>>) target(%arg24 : memref<32xi32, #tpu.memory_space<vmem>>) target_semaphore(%arg40 : memref<!tpu.dma_semaphore, #tpu.memory_space<semaphore_mem>>)
      } else {
      }
      %add3A_269 = arith.constant 5 : i32
      %add3A_270 = arith.addi %add3A_258, %add3A_269 : i32
      %lt3A_271 = arith.constant 320 : i32
      %lt3A_272 = arith.cmpi slt, %add3A_270, %lt3A_271 : i32
      %convert_element_type3A_273 = arith.extui %lt3A_272 : i1 to i32
      %cond3A_274 = arith.constant 0 : i32
      %cond3A_275 = arith.cmpi ne, %convert_element_type3A_273, %cond3A_274 : i32
      scf.if %cond3A_275 {
        %add3A_448 = arith.constant 5 : i32
        %add3A_449 = arith.addi %add3A_258, %add3A_448 : i32
        %dma_wait3A_450 = arith.constant 0 : i32
        %dma_wait3A_451 = tpu.memref_slice %arg3[%add3A, %add3A_449, %dma_wait3A_450] : memref<32x320x32xi32, #tpu.memory_space<hbm>> -> memref<1x1x32xi32, #tpu.memory_space<hbm>>
        %dma_wait3A_452 = tpu.memref_squeeze %dma_wait3A_451 : memref<1x1x32xi32, #tpu.memory_space<hbm>> -> memref<32xi32, #tpu.memory_space<hbm>>
        %dma_wait3A_453 = arith.constant 0 : i32
        %dma_wait3A_454 = tpu.memref_slice %arg3[%add3A, %add3A_449, %dma_wait3A_453] : memref<32x320x32xi32, #tpu.memory_space<hbm>> -> memref<1x1x32xi32, #tpu.memory_space<hbm>>
        %dma_wait3A_455 = tpu.memref_squeeze %dma_wait3A_454 : memref<1x1x32xi32, #tpu.memory_space<hbm>> -> memref<32xi32, #tpu.memory_space<hbm>>
        tpu.wait_dma2 semaphore(%arg41 : memref<!tpu.dma_semaphore, #tpu.memory_space<semaphore_mem>>) src(%dma_wait3A_455 : memref<32xi32, #tpu.memory_space<hbm>>) dst(%arg15 : memref<32xi32, #tpu.memory_space<vmem>>)
        %add3A_456 = arith.constant 5 : i32
        %add3A_457 = arith.addi %add3A_258, %add3A_456 : i32
        %dma_wait3A_458 = arith.constant 0 : i32
        %dma_wait3A_459 = tpu.memref_slice %arg4[%add3A, %add3A_457, %dma_wait3A_458] : memref<32x320x32xi32, #tpu.memory_space<hbm>> -> memref<1x1x32xi32, #tpu.memory_space<hbm>>
        %dma_wait3A_460 = tpu.memref_squeeze %dma_wait3A_459 : memref<1x1x32xi32, #tpu.memory_space<hbm>> -> memref<32xi32, #tpu.memory_space<hbm>>
        %dma_wait3A_461 = arith.constant 0 : i32
        %dma_wait3A_462 = tpu.memref_slice %arg4[%add3A, %add3A_457, %dma_wait3A_461] : memref<32x320x32xi32, #tpu.memory_space<hbm>> -> memref<1x1x32xi32, #tpu.memory_space<hbm>>
        %dma_wait3A_463 = tpu.memref_squeeze %dma_wait3A_462 : memref<1x1x32xi32, #tpu.memory_space<hbm>> -> memref<32xi32, #tpu.memory_space<hbm>>
        tpu.wait_dma2 semaphore(%arg41 : memref<!tpu.dma_semaphore, #tpu.memory_space<semaphore_mem>>) src(%dma_wait3A_463 : memref<32xi32, #tpu.memory_space<hbm>>) dst(%arg25 : memref<32xi32, #tpu.memory_space<vmem>>)
        %dma_start3A_464 = arith.constant 0 : i32
        %dma_start3A_465 = arith.constant 0 : i32
        %dma_start3A_466 = tpu.memref_slice %arg2[%dma_start3A_464, %dma_start3A_465] : memref<10112x128xf32, #tpu.memory_space<hbm>> -> memref<10112x128xf32, #tpu.memory_space<hbm>>
        tpu.enqueue_indirect_dma source(%dma_start3A_466 : memref<10112x128xf32, #tpu.memory_space<hbm>>) target(%arg8 : memref<32x128xf32, #tpu.memory_space<vmem>>) offsets(%arg15 : memref<32xi32, #tpu.memory_space<vmem>>) semaphore(%arg34 : memref<!tpu.dma_semaphore, #tpu.memory_space<semaphore_mem>>)
      } else {
      }
      %mul3A_276 = arith.constant 5 : i32
      %mul3A_277 = arith.muli %add3A_236, %mul3A_276 : i32
      %add3A_278 = arith.constant 2 : i32
      %add3A_279 = arith.addi %mul3A_277, %add3A_278 : i32
      %dma_wait3A_280 = arith.constant 0 : i32
      %dma_wait3A_281 = arith.constant 0 : i32
      %dma_wait3A_282 = tpu.memref_slice %arg2[%dma_wait3A_280, %dma_wait3A_281] : memref<10112x128xf32, #tpu.memory_space<hbm>> -> memref<10112x128xf32, #tpu.memory_space<hbm>>
      tpu.wait_indirect_dma semaphore(%arg35 : memref<!tpu.dma_semaphore, #tpu.memory_space<semaphore_mem>>) src(%dma_wait3A_282 : memref<10112x128xf32, #tpu.memory_space<hbm>>) dst(%arg9 : memref<32x128xf32, #tpu.memory_space<vmem>>)
      "tpu.region"() ({
        %run_scoped3A = tpu.sem_alloc : memref<!tpu.dma_semaphore, #tpu.memory_space<semaphore_mem>>
        %dma_start3A_448 = arith.constant 0 : i32
        %dma_start3A_449 = arith.constant 0 : i32
        %dma_start3A_450 = tpu.memref_slice %arg32[%dma_start3A_448, %dma_start3A_449] : memref<10112x128xf32, #tpu.memory_space<vmem_shared>> -> memref<10112x128xf32, #tpu.memory_space<vmem_shared>>
        tpu.enqueue_indirect_dma source(%arg9 : memref<32x128xf32, #tpu.memory_space<vmem>>) target(%dma_start3A_450 : memref<10112x128xf32, #tpu.memory_space<vmem_shared>>) offsets(%arg26 : memref<32xi32, #tpu.memory_space<vmem>>) semaphore(%run_scoped3A : memref<!tpu.dma_semaphore, #tpu.memory_space<semaphore_mem>>) {add = true}
        %dma_wait3A_451 = arith.constant 0 : i32
        %dma_wait3A_452 = arith.constant 0 : i32
        %dma_wait3A_453 = tpu.memref_slice %arg32[%dma_wait3A_451, %dma_wait3A_452] : memref<10112x128xf32, #tpu.memory_space<vmem_shared>> -> memref<10112x128xf32, #tpu.memory_space<vmem_shared>>
        tpu.wait_indirect_dma semaphore(%run_scoped3A : memref<!tpu.dma_semaphore, #tpu.memory_space<semaphore_mem>>) src(%arg9 : memref<32x128xf32, #tpu.memory_space<vmem>>) dst(%dma_wait3A_453 : memref<10112x128xf32, #tpu.memory_space<vmem_shared>>)
        tpu.yield
      }) : () -> ()
      %add3A_283 = arith.constant 10 : i32
      %add3A_284 = arith.addi %add3A_279, %add3A_283 : i32
      %lt3A_285 = arith.constant 320 : i32
      %lt3A_286 = arith.cmpi slt, %add3A_284, %lt3A_285 : i32
      %convert_element_type3A_287 = arith.extui %lt3A_286 : i1 to i32
      %cond3A_288 = arith.constant 0 : i32
      %cond3A_289 = arith.cmpi ne, %convert_element_type3A_287, %cond3A_288 : i32
      scf.if %cond3A_289 {
        %add3A_448 = arith.constant 10 : i32
        %add3A_449 = arith.addi %add3A_279, %add3A_448 : i32
        %dma_start3A_450 = arith.constant 0 : i32
        %dma_start3A_451 = tpu.memref_slice %arg3[%add3A, %add3A_449, %dma_start3A_450] : memref<32x320x32xi32, #tpu.memory_space<hbm>> -> memref<1x1x32xi32, #tpu.memory_space<hbm>>
        %dma_start3A_452 = tpu.memref_squeeze %dma_start3A_451 : memref<1x1x32xi32, #tpu.memory_space<hbm>> -> memref<32xi32, #tpu.memory_space<hbm>>
        %dma_start3A_453 = arith.constant 0 : i32
        %dma_start3A_454 = tpu.memref_slice %arg3[%add3A, %add3A_449, %dma_start3A_453] : memref<32x320x32xi32, #tpu.memory_space<hbm>> -> memref<1x1x32xi32, #tpu.memory_space<hbm>>
        %dma_start3A_455 = tpu.memref_squeeze %dma_start3A_454 : memref<1x1x32xi32, #tpu.memory_space<hbm>> -> memref<32xi32, #tpu.memory_space<hbm>>
        tpu.enqueue_dma source(%dma_start3A_455 : memref<32xi32, #tpu.memory_space<hbm>>) target(%arg16 : memref<32xi32, #tpu.memory_space<vmem>>) target_semaphore(%arg42 : memref<!tpu.dma_semaphore, #tpu.memory_space<semaphore_mem>>)
        %add3A_456 = arith.constant 10 : i32
        %add3A_457 = arith.addi %add3A_279, %add3A_456 : i32
        %dma_start3A_458 = arith.constant 0 : i32
        %dma_start3A_459 = tpu.memref_slice %arg4[%add3A, %add3A_457, %dma_start3A_458] : memref<32x320x32xi32, #tpu.memory_space<hbm>> -> memref<1x1x32xi32, #tpu.memory_space<hbm>>
        %dma_start3A_460 = tpu.memref_squeeze %dma_start3A_459 : memref<1x1x32xi32, #tpu.memory_space<hbm>> -> memref<32xi32, #tpu.memory_space<hbm>>
        %dma_start3A_461 = arith.constant 0 : i32
        %dma_start3A_462 = tpu.memref_slice %arg4[%add3A, %add3A_457, %dma_start3A_461] : memref<32x320x32xi32, #tpu.memory_space<hbm>> -> memref<1x1x32xi32, #tpu.memory_space<hbm>>
        %dma_start3A_463 = tpu.memref_squeeze %dma_start3A_462 : memref<1x1x32xi32, #tpu.memory_space<hbm>> -> memref<32xi32, #tpu.memory_space<hbm>>
        tpu.enqueue_dma source(%dma_start3A_463 : memref<32xi32, #tpu.memory_space<hbm>>) target(%arg26 : memref<32xi32, #tpu.memory_space<vmem>>) target_semaphore(%arg42 : memref<!tpu.dma_semaphore, #tpu.memory_space<semaphore_mem>>)
      } else {
      }
      %add3A_290 = arith.constant 5 : i32
      %add3A_291 = arith.addi %add3A_279, %add3A_290 : i32
      %lt3A_292 = arith.constant 320 : i32
      %lt3A_293 = arith.cmpi slt, %add3A_291, %lt3A_292 : i32
      %convert_element_type3A_294 = arith.extui %lt3A_293 : i1 to i32
      %cond3A_295 = arith.constant 0 : i32
      %cond3A_296 = arith.cmpi ne, %convert_element_type3A_294, %cond3A_295 : i32
      scf.if %cond3A_296 {
        %add3A_448 = arith.constant 5 : i32
        %add3A_449 = arith.addi %add3A_279, %add3A_448 : i32
        %dma_wait3A_450 = arith.constant 0 : i32
        %dma_wait3A_451 = tpu.memref_slice %arg3[%add3A, %add3A_449, %dma_wait3A_450] : memref<32x320x32xi32, #tpu.memory_space<hbm>> -> memref<1x1x32xi32, #tpu.memory_space<hbm>>
        %dma_wait3A_452 = tpu.memref_squeeze %dma_wait3A_451 : memref<1x1x32xi32, #tpu.memory_space<hbm>> -> memref<32xi32, #tpu.memory_space<hbm>>
        %dma_wait3A_453 = arith.constant 0 : i32
        %dma_wait3A_454 = tpu.memref_slice %arg3[%add3A, %add3A_449, %dma_wait3A_453] : memref<32x320x32xi32, #tpu.memory_space<hbm>> -> memref<1x1x32xi32, #tpu.memory_space<hbm>>
        %dma_wait3A_455 = tpu.memref_squeeze %dma_wait3A_454 : memref<1x1x32xi32, #tpu.memory_space<hbm>> -> memref<32xi32, #tpu.memory_space<hbm>>
        tpu.wait_dma2 semaphore(%arg43 : memref<!tpu.dma_semaphore, #tpu.memory_space<semaphore_mem>>) src(%dma_wait3A_455 : memref<32xi32, #tpu.memory_space<hbm>>) dst(%arg17 : memref<32xi32, #tpu.memory_space<vmem>>)
        %add3A_456 = arith.constant 5 : i32
        %add3A_457 = arith.addi %add3A_279, %add3A_456 : i32
        %dma_wait3A_458 = arith.constant 0 : i32
        %dma_wait3A_459 = tpu.memref_slice %arg4[%add3A, %add3A_457, %dma_wait3A_458] : memref<32x320x32xi32, #tpu.memory_space<hbm>> -> memref<1x1x32xi32, #tpu.memory_space<hbm>>
        %dma_wait3A_460 = tpu.memref_squeeze %dma_wait3A_459 : memref<1x1x32xi32, #tpu.memory_space<hbm>> -> memref<32xi32, #tpu.memory_space<hbm>>
        %dma_wait3A_461 = arith.constant 0 : i32
        %dma_wait3A_462 = tpu.memref_slice %arg4[%add3A, %add3A_457, %dma_wait3A_461] : memref<32x320x32xi32, #tpu.memory_space<hbm>> -> memref<1x1x32xi32, #tpu.memory_space<hbm>>
        %dma_wait3A_463 = tpu.memref_squeeze %dma_wait3A_462 : memref<1x1x32xi32, #tpu.memory_space<hbm>> -> memref<32xi32, #tpu.memory_space<hbm>>
        tpu.wait_dma2 semaphore(%arg43 : memref<!tpu.dma_semaphore, #tpu.memory_space<semaphore_mem>>) src(%dma_wait3A_463 : memref<32xi32, #tpu.memory_space<hbm>>) dst(%arg27 : memref<32xi32, #tpu.memory_space<vmem>>)
        %dma_start3A_464 = arith.constant 0 : i32
        %dma_start3A_465 = arith.constant 0 : i32
        %dma_start3A_466 = tpu.memref_slice %arg2[%dma_start3A_464, %dma_start3A_465] : memref<10112x128xf32, #tpu.memory_space<hbm>> -> memref<10112x128xf32, #tpu.memory_space<hbm>>
        tpu.enqueue_indirect_dma source(%dma_start3A_466 : memref<10112x128xf32, #tpu.memory_space<hbm>>) target(%arg9 : memref<32x128xf32, #tpu.memory_space<vmem>>) offsets(%arg17 : memref<32xi32, #tpu.memory_space<vmem>>) semaphore(%arg35 : memref<!tpu.dma_semaphore, #tpu.memory_space<semaphore_mem>>)
      } else {
      }
      %mul3A_297 = arith.constant 5 : i32
      %mul3A_298 = arith.muli %add3A_236, %mul3A_297 : i32
      %add3A_299 = arith.constant 3 : i32
      %add3A_300 = arith.addi %mul3A_298, %add3A_299 : i32
      %dma_wait3A_301 = arith.constant 0 : i32
      %dma_wait3A_302 = arith.constant 0 : i32
      %dma_wait3A_303 = tpu.memref_slice %arg2[%dma_wait3A_301, %dma_wait3A_302] : memref<10112x128xf32, #tpu.memory_space<hbm>> -> memref<10112x128xf32, #tpu.memory_space<hbm>>
      tpu.wait_indirect_dma semaphore(%arg36 : memref<!tpu.dma_semaphore, #tpu.memory_space<semaphore_mem>>) src(%dma_wait3A_303 : memref<10112x128xf32, #tpu.memory_space<hbm>>) dst(%arg10 : memref<32x128xf32, #tpu.memory_space<vmem>>)
      "tpu.region"() ({
        %run_scoped3A = tpu.sem_alloc : memref<!tpu.dma_semaphore, #tpu.memory_space<semaphore_mem>>
        %dma_start3A_448 = arith.constant 0 : i32
        %dma_start3A_449 = arith.constant 0 : i32
        %dma_start3A_450 = tpu.memref_slice %arg32[%dma_start3A_448, %dma_start3A_449] : memref<10112x128xf32, #tpu.memory_space<vmem_shared>> -> memref<10112x128xf32, #tpu.memory_space<vmem_shared>>
        tpu.enqueue_indirect_dma source(%arg10 : memref<32x128xf32, #tpu.memory_space<vmem>>) target(%dma_start3A_450 : memref<10112x128xf32, #tpu.memory_space<vmem_shared>>) offsets(%arg28 : memref<32xi32, #tpu.memory_space<vmem>>) semaphore(%run_scoped3A : memref<!tpu.dma_semaphore, #tpu.memory_space<semaphore_mem>>) {add = true}
        %dma_wait3A_451 = arith.constant 0 : i32
        %dma_wait3A_452 = arith.constant 0 : i32
        %dma_wait3A_453 = tpu.memref_slice %arg32[%dma_wait3A_451, %dma_wait3A_452] : memref<10112x128xf32, #tpu.memory_space<vmem_shared>> -> memref<10112x128xf32, #tpu.memory_space<vmem_shared>>
        tpu.wait_indirect_dma semaphore(%run_scoped3A : memref<!tpu.dma_semaphore, #tpu.memory_space<semaphore_mem>>) src(%arg10 : memref<32x128xf32, #tpu.memory_space<vmem>>) dst(%dma_wait3A_453 : memref<10112x128xf32, #tpu.memory_space<vmem_shared>>)
        tpu.yield
      }) : () -> ()
      %add3A_304 = arith.constant 10 : i32
      %add3A_305 = arith.addi %add3A_300, %add3A_304 : i32
      %lt3A_306 = arith.constant 320 : i32
      %lt3A_307 = arith.cmpi slt, %add3A_305, %lt3A_306 : i32
      %convert_element_type3A_308 = arith.extui %lt3A_307 : i1 to i32
      %cond3A_309 = arith.constant 0 : i32
      %cond3A_310 = arith.cmpi ne, %convert_element_type3A_308, %cond3A_309 : i32
      scf.if %cond3A_310 {
        %add3A_448 = arith.constant 10 : i32
        %add3A_449 = arith.addi %add3A_300, %add3A_448 : i32
        %dma_start3A_450 = arith.constant 0 : i32
        %dma_start3A_451 = tpu.memref_slice %arg3[%add3A, %add3A_449, %dma_start3A_450] : memref<32x320x32xi32, #tpu.memory_space<hbm>> -> memref<1x1x32xi32, #tpu.memory_space<hbm>>
        %dma_start3A_452 = tpu.memref_squeeze %dma_start3A_451 : memref<1x1x32xi32, #tpu.memory_space<hbm>> -> memref<32xi32, #tpu.memory_space<hbm>>
        %dma_start3A_453 = arith.constant 0 : i32
        %dma_start3A_454 = tpu.memref_slice %arg3[%add3A, %add3A_449, %dma_start3A_453] : memref<32x320x32xi32, #tpu.memory_space<hbm>> -> memref<1x1x32xi32, #tpu.memory_space<hbm>>
        %dma_start3A_455 = tpu.memref_squeeze %dma_start3A_454 : memref<1x1x32xi32, #tpu.memory_space<hbm>> -> memref<32xi32, #tpu.memory_space<hbm>>
        tpu.enqueue_dma source(%dma_start3A_455 : memref<32xi32, #tpu.memory_space<hbm>>) target(%arg18 : memref<32xi32, #tpu.memory_space<vmem>>) target_semaphore(%arg44 : memref<!tpu.dma_semaphore, #tpu.memory_space<semaphore_mem>>)
        %add3A_456 = arith.constant 10 : i32
        %add3A_457 = arith.addi %add3A_300, %add3A_456 : i32
        %dma_start3A_458 = arith.constant 0 : i32
        %dma_start3A_459 = tpu.memref_slice %arg4[%add3A, %add3A_457, %dma_start3A_458] : memref<32x320x32xi32, #tpu.memory_space<hbm>> -> memref<1x1x32xi32, #tpu.memory_space<hbm>>
        %dma_start3A_460 = tpu.memref_squeeze %dma_start3A_459 : memref<1x1x32xi32, #tpu.memory_space<hbm>> -> memref<32xi32, #tpu.memory_space<hbm>>
        %dma_start3A_461 = arith.constant 0 : i32
        %dma_start3A_462 = tpu.memref_slice %arg4[%add3A, %add3A_457, %dma_start3A_461] : memref<32x320x32xi32, #tpu.memory_space<hbm>> -> memref<1x1x32xi32, #tpu.memory_space<hbm>>
        %dma_start3A_463 = tpu.memref_squeeze %dma_start3A_462 : memref<1x1x32xi32, #tpu.memory_space<hbm>> -> memref<32xi32, #tpu.memory_space<hbm>>
        tpu.enqueue_dma source(%dma_start3A_463 : memref<32xi32, #tpu.memory_space<hbm>>) target(%arg28 : memref<32xi32, #tpu.memory_space<vmem>>) target_semaphore(%arg44 : memref<!tpu.dma_semaphore, #tpu.memory_space<semaphore_mem>>)
      } else {
      }
      %add3A_311 = arith.constant 5 : i32
      %add3A_312 = arith.addi %add3A_300, %add3A_311 : i32
      %lt3A_313 = arith.constant 320 : i32
      %lt3A_314 = arith.cmpi slt, %add3A_312, %lt3A_313 : i32
      %convert_element_type3A_315 = arith.extui %lt3A_314 : i1 to i32
      %cond3A_316 = arith.constant 0 : i32
      %cond3A_317 = arith.cmpi ne, %convert_element_type3A_315, %cond3A_316 : i32
      scf.if %cond3A_317 {
        %add3A_448 = arith.constant 5 : i32
        %add3A_449 = arith.addi %add3A_300, %add3A_448 : i32
        %dma_wait3A_450 = arith.constant 0 : i32
        %dma_wait3A_451 = tpu.memref_slice %arg3[%add3A, %add3A_449, %dma_wait3A_450] : memref<32x320x32xi32, #tpu.memory_space<hbm>> -> memref<1x1x32xi32, #tpu.memory_space<hbm>>
        %dma_wait3A_452 = tpu.memref_squeeze %dma_wait3A_451 : memref<1x1x32xi32, #tpu.memory_space<hbm>> -> memref<32xi32, #tpu.memory_space<hbm>>
        %dma_wait3A_453 = arith.constant 0 : i32
        %dma_wait3A_454 = tpu.memref_slice %arg3[%add3A, %add3A_449, %dma_wait3A_453] : memref<32x320x32xi32, #tpu.memory_space<hbm>> -> memref<1x1x32xi32, #tpu.memory_space<hbm>>
        %dma_wait3A_455 = tpu.memref_squeeze %dma_wait3A_454 : memref<1x1x32xi32, #tpu.memory_space<hbm>> -> memref<32xi32, #tpu.memory_space<hbm>>
        tpu.wait_dma2 semaphore(%arg45 : memref<!tpu.dma_semaphore, #tpu.memory_space<semaphore_mem>>) src(%dma_wait3A_455 : memref<32xi32, #tpu.memory_space<hbm>>) dst(%arg19 : memref<32xi32, #tpu.memory_space<vmem>>)
        %add3A_456 = arith.constant 5 : i32
        %add3A_457 = arith.addi %add3A_300, %add3A_456 : i32
        %dma_wait3A_458 = arith.constant 0 : i32
        %dma_wait3A_459 = tpu.memref_slice %arg4[%add3A, %add3A_457, %dma_wait3A_458] : memref<32x320x32xi32, #tpu.memory_space<hbm>> -> memref<1x1x32xi32, #tpu.memory_space<hbm>>
        %dma_wait3A_460 = tpu.memref_squeeze %dma_wait3A_459 : memref<1x1x32xi32, #tpu.memory_space<hbm>> -> memref<32xi32, #tpu.memory_space<hbm>>
        %dma_wait3A_461 = arith.constant 0 : i32
        %dma_wait3A_462 = tpu.memref_slice %arg4[%add3A, %add3A_457, %dma_wait3A_461] : memref<32x320x32xi32, #tpu.memory_space<hbm>> -> memref<1x1x32xi32, #tpu.memory_space<hbm>>
        %dma_wait3A_463 = tpu.memref_squeeze %dma_wait3A_462 : memref<1x1x32xi32, #tpu.memory_space<hbm>> -> memref<32xi32, #tpu.memory_space<hbm>>
        tpu.wait_dma2 semaphore(%arg45 : memref<!tpu.dma_semaphore, #tpu.memory_space<semaphore_mem>>) src(%dma_wait3A_463 : memref<32xi32, #tpu.memory_space<hbm>>) dst(%arg29 : memref<32xi32, #tpu.memory_space<vmem>>)
        %dma_start3A_464 = arith.constant 0 : i32
        %dma_start3A_465 = arith.constant 0 : i32
        %dma_start3A_466 = tpu.memref_slice %arg2[%dma_start3A_464, %dma_start3A_465] : memref<10112x128xf32, #tpu.memory_space<hbm>> -> memref<10112x128xf32, #tpu.memory_space<hbm>>
        tpu.enqueue_indirect_dma source(%dma_start3A_466 : memref<10112x128xf32, #tpu.memory_space<hbm>>) target(%arg10 : memref<32x128xf32, #tpu.memory_space<vmem>>) offsets(%arg19 : memref<32xi32, #tpu.memory_space<vmem>>) semaphore(%arg36 : memref<!tpu.dma_semaphore, #tpu.memory_space<semaphore_mem>>)
      } else {
      }
      %mul3A_318 = arith.constant 5 : i32
      %mul3A_319 = arith.muli %add3A_236, %mul3A_318 : i32
      %add3A_320 = arith.constant 4 : i32
      %add3A_321 = arith.addi %mul3A_319, %add3A_320 : i32
      %dma_wait3A_322 = arith.constant 0 : i32
      %dma_wait3A_323 = arith.constant 0 : i32
      %dma_wait3A_324 = tpu.memref_slice %arg2[%dma_wait3A_322, %dma_wait3A_323] : memref<10112x128xf32, #tpu.memory_space<hbm>> -> memref<10112x128xf32, #tpu.memory_space<hbm>>
      tpu.wait_indirect_dma semaphore(%arg37 : memref<!tpu.dma_semaphore, #tpu.memory_space<semaphore_mem>>) src(%dma_wait3A_324 : memref<10112x128xf32, #tpu.memory_space<hbm>>) dst(%arg11 : memref<32x128xf32, #tpu.memory_space<vmem>>)
      "tpu.region"() ({
        %run_scoped3A = tpu.sem_alloc : memref<!tpu.dma_semaphore, #tpu.memory_space<semaphore_mem>>
        %dma_start3A_448 = arith.constant 0 : i32
        %dma_start3A_449 = arith.constant 0 : i32
        %dma_start3A_450 = tpu.memref_slice %arg32[%dma_start3A_448, %dma_start3A_449] : memref<10112x128xf32, #tpu.memory_space<vmem_shared>> -> memref<10112x128xf32, #tpu.memory_space<vmem_shared>>
        tpu.enqueue_indirect_dma source(%arg11 : memref<32x128xf32, #tpu.memory_space<vmem>>) target(%dma_start3A_450 : memref<10112x128xf32, #tpu.memory_space<vmem_shared>>) offsets(%arg30 : memref<32xi32, #tpu.memory_space<vmem>>) semaphore(%run_scoped3A : memref<!tpu.dma_semaphore, #tpu.memory_space<semaphore_mem>>) {add = true}
        %dma_wait3A_451 = arith.constant 0 : i32
        %dma_wait3A_452 = arith.constant 0 : i32
        %dma_wait3A_453 = tpu.memref_slice %arg32[%dma_wait3A_451, %dma_wait3A_452] : memref<10112x128xf32, #tpu.memory_space<vmem_shared>> -> memref<10112x128xf32, #tpu.memory_space<vmem_shared>>
        tpu.wait_indirect_dma semaphore(%run_scoped3A : memref<!tpu.dma_semaphore, #tpu.memory_space<semaphore_mem>>) src(%arg11 : memref<32x128xf32, #tpu.memory_space<vmem>>) dst(%dma_wait3A_453 : memref<10112x128xf32, #tpu.memory_space<vmem_shared>>)
        tpu.yield
      }) : () -> ()
      %add3A_325 = arith.constant 10 : i32
      %add3A_326 = arith.addi %add3A_321, %add3A_325 : i32
      %lt3A_327 = arith.constant 320 : i32
      %lt3A_328 = arith.cmpi slt, %add3A_326, %lt3A_327 : i32
      %convert_element_type3A_329 = arith.extui %lt3A_328 : i1 to i32
      %cond3A_330 = arith.constant 0 : i32
      %cond3A_331 = arith.cmpi ne, %convert_element_type3A_329, %cond3A_330 : i32
      scf.if %cond3A_331 {
        %add3A_448 = arith.constant 10 : i32
        %add3A_449 = arith.addi %add3A_321, %add3A_448 : i32
        %dma_start3A_450 = arith.constant 0 : i32
        %dma_start3A_451 = tpu.memref_slice %arg3[%add3A, %add3A_449, %dma_start3A_450] : memref<32x320x32xi32, #tpu.memory_space<hbm>> -> memref<1x1x32xi32, #tpu.memory_space<hbm>>
        %dma_start3A_452 = tpu.memref_squeeze %dma_start3A_451 : memref<1x1x32xi32, #tpu.memory_space<hbm>> -> memref<32xi32, #tpu.memory_space<hbm>>
        %dma_start3A_453 = arith.constant 0 : i32
        %dma_start3A_454 = tpu.memref_slice %arg3[%add3A, %add3A_449, %dma_start3A_453] : memref<32x320x32xi32, #tpu.memory_space<hbm>> -> memref<1x1x32xi32, #tpu.memory_space<hbm>>
        %dma_start3A_455 = tpu.memref_squeeze %dma_start3A_454 : memref<1x1x32xi32, #tpu.memory_space<hbm>> -> memref<32xi32, #tpu.memory_space<hbm>>
        tpu.enqueue_dma source(%dma_start3A_455 : memref<32xi32, #tpu.memory_space<hbm>>) target(%arg20 : memref<32xi32, #tpu.memory_space<vmem>>) target_semaphore(%arg46 : memref<!tpu.dma_semaphore, #tpu.memory_space<semaphore_mem>>)
        %add3A_456 = arith.constant 10 : i32
        %add3A_457 = arith.addi %add3A_321, %add3A_456 : i32
        %dma_start3A_458 = arith.constant 0 : i32
        %dma_start3A_459 = tpu.memref_slice %arg4[%add3A, %add3A_457, %dma_start3A_458] : memref<32x320x32xi32, #tpu.memory_space<hbm>> -> memref<1x1x32xi32, #tpu.memory_space<hbm>>
        %dma_start3A_460 = tpu.memref_squeeze %dma_start3A_459 : memref<1x1x32xi32, #tpu.memory_space<hbm>> -> memref<32xi32, #tpu.memory_space<hbm>>
        %dma_start3A_461 = arith.constant 0 : i32
        %dma_start3A_462 = tpu.memref_slice %arg4[%add3A, %add3A_457, %dma_start3A_461] : memref<32x320x32xi32, #tpu.memory_space<hbm>> -> memref<1x1x32xi32, #tpu.memory_space<hbm>>
        %dma_start3A_463 = tpu.memref_squeeze %dma_start3A_462 : memref<1x1x32xi32, #tpu.memory_space<hbm>> -> memref<32xi32, #tpu.memory_space<hbm>>
        tpu.enqueue_dma source(%dma_start3A_463 : memref<32xi32, #tpu.memory_space<hbm>>) target(%arg30 : memref<32xi32, #tpu.memory_space<vmem>>) target_semaphore(%arg46 : memref<!tpu.dma_semaphore, #tpu.memory_space<semaphore_mem>>)
      } else {
      }
      %add3A_332 = arith.constant 5 : i32
      %add3A_333 = arith.addi %add3A_321, %add3A_332 : i32
      %lt3A_334 = arith.constant 320 : i32
      %lt3A_335 = arith.cmpi slt, %add3A_333, %lt3A_334 : i32
      %convert_element_type3A_336 = arith.extui %lt3A_335 : i1 to i32
      %cond3A_337 = arith.constant 0 : i32
      %cond3A_338 = arith.cmpi ne, %convert_element_type3A_336, %cond3A_337 : i32
      scf.if %cond3A_338 {
        %add3A_448 = arith.constant 5 : i32
        %add3A_449 = arith.addi %add3A_321, %add3A_448 : i32
        %dma_wait3A_450 = arith.constant 0 : i32
        %dma_wait3A_451 = tpu.memref_slice %arg3[%add3A, %add3A_449, %dma_wait3A_450] : memref<32x320x32xi32, #tpu.memory_space<hbm>> -> memref<1x1x32xi32, #tpu.memory_space<hbm>>
        %dma_wait3A_452 = tpu.memref_squeeze %dma_wait3A_451 : memref<1x1x32xi32, #tpu.memory_space<hbm>> -> memref<32xi32, #tpu.memory_space<hbm>>
        %dma_wait3A_453 = arith.constant 0 : i32
        %dma_wait3A_454 = tpu.memref_slice %arg3[%add3A, %add3A_449, %dma_wait3A_453] : memref<32x320x32xi32, #tpu.memory_space<hbm>> -> memref<1x1x32xi32, #tpu.memory_space<hbm>>
        %dma_wait3A_455 = tpu.memref_squeeze %dma_wait3A_454 : memref<1x1x32xi32, #tpu.memory_space<hbm>> -> memref<32xi32, #tpu.memory_space<hbm>>
        tpu.wait_dma2 semaphore(%arg47 : memref<!tpu.dma_semaphore, #tpu.memory_space<semaphore_mem>>) src(%dma_wait3A_455 : memref<32xi32, #tpu.memory_space<hbm>>) dst(%arg21 : memref<32xi32, #tpu.memory_space<vmem>>)
        %add3A_456 = arith.constant 5 : i32
        %add3A_457 = arith.addi %add3A_321, %add3A_456 : i32
        %dma_wait3A_458 = arith.constant 0 : i32
        %dma_wait3A_459 = tpu.memref_slice %arg4[%add3A, %add3A_457, %dma_wait3A_458] : memref<32x320x32xi32, #tpu.memory_space<hbm>> -> memref<1x1x32xi32, #tpu.memory_space<hbm>>
        %dma_wait3A_460 = tpu.memref_squeeze %dma_wait3A_459 : memref<1x1x32xi32, #tpu.memory_space<hbm>> -> memref<32xi32, #tpu.memory_space<hbm>>
        %dma_wait3A_461 = arith.constant 0 : i32
        %dma_wait3A_462 = tpu.memref_slice %arg4[%add3A, %add3A_457, %dma_wait3A_461] : memref<32x320x32xi32, #tpu.memory_space<hbm>> -> memref<1x1x32xi32, #tpu.memory_space<hbm>>
        %dma_wait3A_463 = tpu.memref_squeeze %dma_wait3A_462 : memref<1x1x32xi32, #tpu.memory_space<hbm>> -> memref<32xi32, #tpu.memory_space<hbm>>
        tpu.wait_dma2 semaphore(%arg47 : memref<!tpu.dma_semaphore, #tpu.memory_space<semaphore_mem>>) src(%dma_wait3A_463 : memref<32xi32, #tpu.memory_space<hbm>>) dst(%arg31 : memref<32xi32, #tpu.memory_space<vmem>>)
        %dma_start3A_464 = arith.constant 0 : i32
        %dma_start3A_465 = arith.constant 0 : i32
        %dma_start3A_466 = tpu.memref_slice %arg2[%dma_start3A_464, %dma_start3A_465] : memref<10112x128xf32, #tpu.memory_space<hbm>> -> memref<10112x128xf32, #tpu.memory_space<hbm>>
        tpu.enqueue_indirect_dma source(%dma_start3A_466 : memref<10112x128xf32, #tpu.memory_space<hbm>>) target(%arg11 : memref<32x128xf32, #tpu.memory_space<vmem>>) offsets(%arg21 : memref<32xi32, #tpu.memory_space<vmem>>) semaphore(%arg37 : memref<!tpu.dma_semaphore, #tpu.memory_space<semaphore_mem>>)
      } else {
      }
      %mul3A_339 = arith.constant 2 : i32
      %mul3A_340 = arith.muli %scan3A_232, %mul3A_339 : i32
      %add3A_341 = arith.constant 1 : i32
      %add3A_342 = arith.addi %mul3A_340, %add3A_341 : i32
      %mul3A_343 = arith.constant 5 : i32
      %mul3A_344 = arith.muli %add3A_342, %mul3A_343 : i32
      %add3A_345 = arith.constant 0 : i32
      %add3A_346 = arith.addi %mul3A_344, %add3A_345 : i32
      %dma_wait3A_347 = arith.constant 0 : i32
      %dma_wait3A_348 = arith.constant 0 : i32
      %dma_wait3A_349 = tpu.memref_slice %arg2[%dma_wait3A_347, %dma_wait3A_348] : memref<10112x128xf32, #tpu.memory_space<hbm>> -> memref<10112x128xf32, #tpu.memory_space<hbm>>
      tpu.wait_indirect_dma semaphore(%arg33 : memref<!tpu.dma_semaphore, #tpu.memory_space<semaphore_mem>>) src(%dma_wait3A_349 : memref<10112x128xf32, #tpu.memory_space<hbm>>) dst(%arg7 : memref<32x128xf32, #tpu.memory_space<vmem>>)
      "tpu.region"() ({
        %run_scoped3A = tpu.sem_alloc : memref<!tpu.dma_semaphore, #tpu.memory_space<semaphore_mem>>
        %dma_start3A_448 = arith.constant 0 : i32
        %dma_start3A_449 = arith.constant 0 : i32
        %dma_start3A_450 = tpu.memref_slice %arg32[%dma_start3A_448, %dma_start3A_449] : memref<10112x128xf32, #tpu.memory_space<vmem_shared>> -> memref<10112x128xf32, #tpu.memory_space<vmem_shared>>
        tpu.enqueue_indirect_dma source(%arg7 : memref<32x128xf32, #tpu.memory_space<vmem>>) target(%dma_start3A_450 : memref<10112x128xf32, #tpu.memory_space<vmem_shared>>) offsets(%arg23 : memref<32xi32, #tpu.memory_space<vmem>>) semaphore(%run_scoped3A : memref<!tpu.dma_semaphore, #tpu.memory_space<semaphore_mem>>) {add = true}
        %dma_wait3A_451 = arith.constant 0 : i32
        %dma_wait3A_452 = arith.constant 0 : i32
        %dma_wait3A_453 = tpu.memref_slice %arg32[%dma_wait3A_451, %dma_wait3A_452] : memref<10112x128xf32, #tpu.memory_space<vmem_shared>> -> memref<10112x128xf32, #tpu.memory_space<vmem_shared>>
        tpu.wait_indirect_dma semaphore(%run_scoped3A : memref<!tpu.dma_semaphore, #tpu.memory_space<semaphore_mem>>) src(%arg7 : memref<32x128xf32, #tpu.memory_space<vmem>>) dst(%dma_wait3A_453 : memref<10112x128xf32, #tpu.memory_space<vmem_shared>>)
        tpu.yield
      }) : () -> ()
      %add3A_350 = arith.constant 10 : i32
      %add3A_351 = arith.addi %add3A_346, %add3A_350 : i32
      %lt3A_352 = arith.constant 320 : i32
      %lt3A_353 = arith.cmpi slt, %add3A_351, %lt3A_352 : i32
      %convert_element_type3A_354 = arith.extui %lt3A_353 : i1 to i32
      %cond3A_355 = arith.constant 0 : i32
      %cond3A_356 = arith.cmpi ne, %convert_element_type3A_354, %cond3A_355 : i32
      scf.if %cond3A_356 {
        %add3A_448 = arith.constant 10 : i32
        %add3A_449 = arith.addi %add3A_346, %add3A_448 : i32
        %dma_start3A_450 = arith.constant 0 : i32
        %dma_start3A_451 = tpu.memref_slice %arg3[%add3A, %add3A_449, %dma_start3A_450] : memref<32x320x32xi32, #tpu.memory_space<hbm>> -> memref<1x1x32xi32, #tpu.memory_space<hbm>>
        %dma_start3A_452 = tpu.memref_squeeze %dma_start3A_451 : memref<1x1x32xi32, #tpu.memory_space<hbm>> -> memref<32xi32, #tpu.memory_space<hbm>>
        %dma_start3A_453 = arith.constant 0 : i32
        %dma_start3A_454 = tpu.memref_slice %arg3[%add3A, %add3A_449, %dma_start3A_453] : memref<32x320x32xi32, #tpu.memory_space<hbm>> -> memref<1x1x32xi32, #tpu.memory_space<hbm>>
        %dma_start3A_455 = tpu.memref_squeeze %dma_start3A_454 : memref<1x1x32xi32, #tpu.memory_space<hbm>> -> memref<32xi32, #tpu.memory_space<hbm>>
        tpu.enqueue_dma source(%dma_start3A_455 : memref<32xi32, #tpu.memory_space<hbm>>) target(%arg13 : memref<32xi32, #tpu.memory_space<vmem>>) target_semaphore(%arg39 : memref<!tpu.dma_semaphore, #tpu.memory_space<semaphore_mem>>)
        %add3A_456 = arith.constant 10 : i32
        %add3A_457 = arith.addi %add3A_346, %add3A_456 : i32
        %dma_start3A_458 = arith.constant 0 : i32
        %dma_start3A_459 = tpu.memref_slice %arg4[%add3A, %add3A_457, %dma_start3A_458] : memref<32x320x32xi32, #tpu.memory_space<hbm>> -> memref<1x1x32xi32, #tpu.memory_space<hbm>>
        %dma_start3A_460 = tpu.memref_squeeze %dma_start3A_459 : memref<1x1x32xi32, #tpu.memory_space<hbm>> -> memref<32xi32, #tpu.memory_space<hbm>>
        %dma_start3A_461 = arith.constant 0 : i32
        %dma_start3A_462 = tpu.memref_slice %arg4[%add3A, %add3A_457, %dma_start3A_461] : memref<32x320x32xi32, #tpu.memory_space<hbm>> -> memref<1x1x32xi32, #tpu.memory_space<hbm>>
        %dma_start3A_463 = tpu.memref_squeeze %dma_start3A_462 : memref<1x1x32xi32, #tpu.memory_space<hbm>> -> memref<32xi32, #tpu.memory_space<hbm>>
        tpu.enqueue_dma source(%dma_start3A_463 : memref<32xi32, #tpu.memory_space<hbm>>) target(%arg23 : memref<32xi32, #tpu.memory_space<vmem>>) target_semaphore(%arg39 : memref<!tpu.dma_semaphore, #tpu.memory_space<semaphore_mem>>)
      } else {
      }
      %add3A_357 = arith.constant 5 : i32
      %add3A_358 = arith.addi %add3A_346, %add3A_357 : i32
      %lt3A_359 = arith.constant 320 : i32
      %lt3A_360 = arith.cmpi slt, %add3A_358, %lt3A_359 : i32
      %convert_element_type3A_361 = arith.extui %lt3A_360 : i1 to i32
      %cond3A_362 = arith.constant 0 : i32
      %cond3A_363 = arith.cmpi ne, %convert_element_type3A_361, %cond3A_362 : i32
      scf.if %cond3A_363 {
        %add3A_448 = arith.constant 5 : i32
        %add3A_449 = arith.addi %add3A_346, %add3A_448 : i32
        %dma_wait3A_450 = arith.constant 0 : i32
        %dma_wait3A_451 = tpu.memref_slice %arg3[%add3A, %add3A_449, %dma_wait3A_450] : memref<32x320x32xi32, #tpu.memory_space<hbm>> -> memref<1x1x32xi32, #tpu.memory_space<hbm>>
        %dma_wait3A_452 = tpu.memref_squeeze %dma_wait3A_451 : memref<1x1x32xi32, #tpu.memory_space<hbm>> -> memref<32xi32, #tpu.memory_space<hbm>>
        %dma_wait3A_453 = arith.constant 0 : i32
        %dma_wait3A_454 = tpu.memref_slice %arg3[%add3A, %add3A_449, %dma_wait3A_453] : memref<32x320x32xi32, #tpu.memory_space<hbm>> -> memref<1x1x32xi32, #tpu.memory_space<hbm>>
        %dma_wait3A_455 = tpu.memref_squeeze %dma_wait3A_454 : memref<1x1x32xi32, #tpu.memory_space<hbm>> -> memref<32xi32, #tpu.memory_space<hbm>>
        tpu.wait_dma2 semaphore(%arg38 : memref<!tpu.dma_semaphore, #tpu.memory_space<semaphore_mem>>) src(%dma_wait3A_455 : memref<32xi32, #tpu.memory_space<hbm>>) dst(%arg12 : memref<32xi32, #tpu.memory_space<vmem>>)
        %add3A_456 = arith.constant 5 : i32
        %add3A_457 = arith.addi %add3A_346, %add3A_456 : i32
        %dma_wait3A_458 = arith.constant 0 : i32
        %dma_wait3A_459 = tpu.memref_slice %arg4[%add3A, %add3A_457, %dma_wait3A_458] : memref<32x320x32xi32, #tpu.memory_space<hbm>> -> memref<1x1x32xi32, #tpu.memory_space<hbm>>
        %dma_wait3A_460 = tpu.memref_squeeze %dma_wait3A_459 : memref<1x1x32xi32, #tpu.memory_space<hbm>> -> memref<32xi32, #tpu.memory_space<hbm>>
        %dma_wait3A_461 = arith.constant 0 : i32
        %dma_wait3A_462 = tpu.memref_slice %arg4[%add3A, %add3A_457, %dma_wait3A_461] : memref<32x320x32xi32, #tpu.memory_space<hbm>> -> memref<1x1x32xi32, #tpu.memory_space<hbm>>
        %dma_wait3A_463 = tpu.memref_squeeze %dma_wait3A_462 : memref<1x1x32xi32, #tpu.memory_space<hbm>> -> memref<32xi32, #tpu.memory_space<hbm>>
        tpu.wait_dma2 semaphore(%arg38 : memref<!tpu.dma_semaphore, #tpu.memory_space<semaphore_mem>>) src(%dma_wait3A_463 : memref<32xi32, #tpu.memory_space<hbm>>) dst(%arg22 : memref<32xi32, #tpu.memory_space<vmem>>)
        %dma_start3A_464 = arith.constant 0 : i32
        %dma_start3A_465 = arith.constant 0 : i32
        %dma_start3A_466 = tpu.memref_slice %arg2[%dma_start3A_464, %dma_start3A_465] : memref<10112x128xf32, #tpu.memory_space<hbm>> -> memref<10112x128xf32, #tpu.memory_space<hbm>>
        tpu.enqueue_indirect_dma source(%dma_start3A_466 : memref<10112x128xf32, #tpu.memory_space<hbm>>) target(%arg7 : memref<32x128xf32, #tpu.memory_space<vmem>>) offsets(%arg12 : memref<32xi32, #tpu.memory_space<vmem>>) semaphore(%arg33 : memref<!tpu.dma_semaphore, #tpu.memory_space<semaphore_mem>>)
      } else {
      }
      %mul3A_364 = arith.constant 5 : i32
      %mul3A_365 = arith.muli %add3A_342, %mul3A_364 : i32
      %add3A_366 = arith.constant 1 : i32
      %add3A_367 = arith.addi %mul3A_365, %add3A_366 : i32
      %dma_wait3A_368 = arith.constant 0 : i32
      %dma_wait3A_369 = arith.constant 0 : i32
      %dma_wait3A_370 = tpu.memref_slice %arg2[%dma_wait3A_368, %dma_wait3A_369] : memref<10112x128xf32, #tpu.memory_space<hbm>> -> memref<10112x128xf32, #tpu.memory_space<hbm>>
      tpu.wait_indirect_dma semaphore(%arg34 : memref<!tpu.dma_semaphore, #tpu.memory_space<semaphore_mem>>) src(%dma_wait3A_370 : memref<10112x128xf32, #tpu.memory_space<hbm>>) dst(%arg8 : memref<32x128xf32, #tpu.memory_space<vmem>>)
      "tpu.region"() ({
        %run_scoped3A = tpu.sem_alloc : memref<!tpu.dma_semaphore, #tpu.memory_space<semaphore_mem>>
        %dma_start3A_448 = arith.constant 0 : i32
        %dma_start3A_449 = arith.constant 0 : i32
        %dma_start3A_450 = tpu.memref_slice %arg32[%dma_start3A_448, %dma_start3A_449] : memref<10112x128xf32, #tpu.memory_space<vmem_shared>> -> memref<10112x128xf32, #tpu.memory_space<vmem_shared>>
        tpu.enqueue_indirect_dma source(%arg8 : memref<32x128xf32, #tpu.memory_space<vmem>>) target(%dma_start3A_450 : memref<10112x128xf32, #tpu.memory_space<vmem_shared>>) offsets(%arg25 : memref<32xi32, #tpu.memory_space<vmem>>) semaphore(%run_scoped3A : memref<!tpu.dma_semaphore, #tpu.memory_space<semaphore_mem>>) {add = true}
        %dma_wait3A_451 = arith.constant 0 : i32
        %dma_wait3A_452 = arith.constant 0 : i32
        %dma_wait3A_453 = tpu.memref_slice %arg32[%dma_wait3A_451, %dma_wait3A_452] : memref<10112x128xf32, #tpu.memory_space<vmem_shared>> -> memref<10112x128xf32, #tpu.memory_space<vmem_shared>>
        tpu.wait_indirect_dma semaphore(%run_scoped3A : memref<!tpu.dma_semaphore, #tpu.memory_space<semaphore_mem>>) src(%arg8 : memref<32x128xf32, #tpu.memory_space<vmem>>) dst(%dma_wait3A_453 : memref<10112x128xf32, #tpu.memory_space<vmem_shared>>)
        tpu.yield
      }) : () -> ()
      %add3A_371 = arith.constant 10 : i32
      %add3A_372 = arith.addi %add3A_367, %add3A_371 : i32
      %lt3A_373 = arith.constant 320 : i32
      %lt3A_374 = arith.cmpi slt, %add3A_372, %lt3A_373 : i32
      %convert_element_type3A_375 = arith.extui %lt3A_374 : i1 to i32
      %cond3A_376 = arith.constant 0 : i32
      %cond3A_377 = arith.cmpi ne, %convert_element_type3A_375, %cond3A_376 : i32
      scf.if %cond3A_377 {
        %add3A_448 = arith.constant 10 : i32
        %add3A_449 = arith.addi %add3A_367, %add3A_448 : i32
        %dma_start3A_450 = arith.constant 0 : i32
        %dma_start3A_451 = tpu.memref_slice %arg3[%add3A, %add3A_449, %dma_start3A_450] : memref<32x320x32xi32, #tpu.memory_space<hbm>> -> memref<1x1x32xi32, #tpu.memory_space<hbm>>
        %dma_start3A_452 = tpu.memref_squeeze %dma_start3A_451 : memref<1x1x32xi32, #tpu.memory_space<hbm>> -> memref<32xi32, #tpu.memory_space<hbm>>
        %dma_start3A_453 = arith.constant 0 : i32
        %dma_start3A_454 = tpu.memref_slice %arg3[%add3A, %add3A_449, %dma_start3A_453] : memref<32x320x32xi32, #tpu.memory_space<hbm>> -> memref<1x1x32xi32, #tpu.memory_space<hbm>>
        %dma_start3A_455 = tpu.memref_squeeze %dma_start3A_454 : memref<1x1x32xi32, #tpu.memory_space<hbm>> -> memref<32xi32, #tpu.memory_space<hbm>>
        tpu.enqueue_dma source(%dma_start3A_455 : memref<32xi32, #tpu.memory_space<hbm>>) target(%arg15 : memref<32xi32, #tpu.memory_space<vmem>>) target_semaphore(%arg41 : memref<!tpu.dma_semaphore, #tpu.memory_space<semaphore_mem>>)
        %add3A_456 = arith.constant 10 : i32
        %add3A_457 = arith.addi %add3A_367, %add3A_456 : i32
        %dma_start3A_458 = arith.constant 0 : i32
        %dma_start3A_459 = tpu.memref_slice %arg4[%add3A, %add3A_457, %dma_start3A_458] : memref<32x320x32xi32, #tpu.memory_space<hbm>> -> memref<1x1x32xi32, #tpu.memory_space<hbm>>
        %dma_start3A_460 = tpu.memref_squeeze %dma_start3A_459 : memref<1x1x32xi32, #tpu.memory_space<hbm>> -> memref<32xi32, #tpu.memory_space<hbm>>
        %dma_start3A_461 = arith.constant 0 : i32
        %dma_start3A_462 = tpu.memref_slice %arg4[%add3A, %add3A_457, %dma_start3A_461] : memref<32x320x32xi32, #tpu.memory_space<hbm>> -> memref<1x1x32xi32, #tpu.memory_space<hbm>>
        %dma_start3A_463 = tpu.memref_squeeze %dma_start3A_462 : memref<1x1x32xi32, #tpu.memory_space<hbm>> -> memref<32xi32, #tpu.memory_space<hbm>>
        tpu.enqueue_dma source(%dma_start3A_463 : memref<32xi32, #tpu.memory_space<hbm>>) target(%arg25 : memref<32xi32, #tpu.memory_space<vmem>>) target_semaphore(%arg41 : memref<!tpu.dma_semaphore, #tpu.memory_space<semaphore_mem>>)
      } else {
      }
      %add3A_378 = arith.constant 5 : i32
      %add3A_379 = arith.addi %add3A_367, %add3A_378 : i32
      %lt3A_380 = arith.constant 320 : i32
      %lt3A_381 = arith.cmpi slt, %add3A_379, %lt3A_380 : i32
      %convert_element_type3A_382 = arith.extui %lt3A_381 : i1 to i32
      %cond3A_383 = arith.constant 0 : i32
      %cond3A_384 = arith.cmpi ne, %convert_element_type3A_382, %cond3A_383 : i32
      scf.if %cond3A_384 {
        %add3A_448 = arith.constant 5 : i32
        %add3A_449 = arith.addi %add3A_367, %add3A_448 : i32
        %dma_wait3A_450 = arith.constant 0 : i32
        %dma_wait3A_451 = tpu.memref_slice %arg3[%add3A, %add3A_449, %dma_wait3A_450] : memref<32x320x32xi32, #tpu.memory_space<hbm>> -> memref<1x1x32xi32, #tpu.memory_space<hbm>>
        %dma_wait3A_452 = tpu.memref_squeeze %dma_wait3A_451 : memref<1x1x32xi32, #tpu.memory_space<hbm>> -> memref<32xi32, #tpu.memory_space<hbm>>
        %dma_wait3A_453 = arith.constant 0 : i32
        %dma_wait3A_454 = tpu.memref_slice %arg3[%add3A, %add3A_449, %dma_wait3A_453] : memref<32x320x32xi32, #tpu.memory_space<hbm>> -> memref<1x1x32xi32, #tpu.memory_space<hbm>>
        %dma_wait3A_455 = tpu.memref_squeeze %dma_wait3A_454 : memref<1x1x32xi32, #tpu.memory_space<hbm>> -> memref<32xi32, #tpu.memory_space<hbm>>
        tpu.wait_dma2 semaphore(%arg40 : memref<!tpu.dma_semaphore, #tpu.memory_space<semaphore_mem>>) src(%dma_wait3A_455 : memref<32xi32, #tpu.memory_space<hbm>>) dst(%arg14 : memref<32xi32, #tpu.memory_space<vmem>>)
        %add3A_456 = arith.constant 5 : i32
        %add3A_457 = arith.addi %add3A_367, %add3A_456 : i32
        %dma_wait3A_458 = arith.constant 0 : i32
        %dma_wait3A_459 = tpu.memref_slice %arg4[%add3A, %add3A_457, %dma_wait3A_458] : memref<32x320x32xi32, #tpu.memory_space<hbm>> -> memref<1x1x32xi32, #tpu.memory_space<hbm>>
        %dma_wait3A_460 = tpu.memref_squeeze %dma_wait3A_459 : memref<1x1x32xi32, #tpu.memory_space<hbm>> -> memref<32xi32, #tpu.memory_space<hbm>>
        %dma_wait3A_461 = arith.constant 0 : i32
        %dma_wait3A_462 = tpu.memref_slice %arg4[%add3A, %add3A_457, %dma_wait3A_461] : memref<32x320x32xi32, #tpu.memory_space<hbm>> -> memref<1x1x32xi32, #tpu.memory_space<hbm>>
        %dma_wait3A_463 = tpu.memref_squeeze %dma_wait3A_462 : memref<1x1x32xi32, #tpu.memory_space<hbm>> -> memref<32xi32, #tpu.memory_space<hbm>>
        tpu.wait_dma2 semaphore(%arg40 : memref<!tpu.dma_semaphore, #tpu.memory_space<semaphore_mem>>) src(%dma_wait3A_463 : memref<32xi32, #tpu.memory_space<hbm>>) dst(%arg24 : memref<32xi32, #tpu.memory_space<vmem>>)
        %dma_start3A_464 = arith.constant 0 : i32
        %dma_start3A_465 = arith.constant 0 : i32
        %dma_start3A_466 = tpu.memref_slice %arg2[%dma_start3A_464, %dma_start3A_465] : memref<10112x128xf32, #tpu.memory_space<hbm>> -> memref<10112x128xf32, #tpu.memory_space<hbm>>
        tpu.enqueue_indirect_dma source(%dma_start3A_466 : memref<10112x128xf32, #tpu.memory_space<hbm>>) target(%arg8 : memref<32x128xf32, #tpu.memory_space<vmem>>) offsets(%arg14 : memref<32xi32, #tpu.memory_space<vmem>>) semaphore(%arg34 : memref<!tpu.dma_semaphore, #tpu.memory_space<semaphore_mem>>)
      } else {
      }
      %mul3A_385 = arith.constant 5 : i32
      %mul3A_386 = arith.muli %add3A_342, %mul3A_385 : i32
      %add3A_387 = arith.constant 2 : i32
      %add3A_388 = arith.addi %mul3A_386, %add3A_387 : i32
      %dma_wait3A_389 = arith.constant 0 : i32
      %dma_wait3A_390 = arith.constant 0 : i32
      %dma_wait3A_391 = tpu.memref_slice %arg2[%dma_wait3A_389, %dma_wait3A_390] : memref<10112x128xf32, #tpu.memory_space<hbm>> -> memref<10112x128xf32, #tpu.memory_space<hbm>>
      tpu.wait_indirect_dma semaphore(%arg35 : memref<!tpu.dma_semaphore, #tpu.memory_space<semaphore_mem>>) src(%dma_wait3A_391 : memref<10112x128xf32, #tpu.memory_space<hbm>>) dst(%arg9 : memref<32x128xf32, #tpu.memory_space<vmem>>)
      "tpu.region"() ({
        %run_scoped3A = tpu.sem_alloc : memref<!tpu.dma_semaphore, #tpu.memory_space<semaphore_mem>>
        %dma_start3A_448 = arith.constant 0 : i32
        %dma_start3A_449 = arith.constant 0 : i32
        %dma_start3A_450 = tpu.memref_slice %arg32[%dma_start3A_448, %dma_start3A_449] : memref<10112x128xf32, #tpu.memory_space<vmem_shared>> -> memref<10112x128xf32, #tpu.memory_space<vmem_shared>>
        tpu.enqueue_indirect_dma source(%arg9 : memref<32x128xf32, #tpu.memory_space<vmem>>) target(%dma_start3A_450 : memref<10112x128xf32, #tpu.memory_space<vmem_shared>>) offsets(%arg27 : memref<32xi32, #tpu.memory_space<vmem>>) semaphore(%run_scoped3A : memref<!tpu.dma_semaphore, #tpu.memory_space<semaphore_mem>>) {add = true}
        %dma_wait3A_451 = arith.constant 0 : i32
        %dma_wait3A_452 = arith.constant 0 : i32
        %dma_wait3A_453 = tpu.memref_slice %arg32[%dma_wait3A_451, %dma_wait3A_452] : memref<10112x128xf32, #tpu.memory_space<vmem_shared>> -> memref<10112x128xf32, #tpu.memory_space<vmem_shared>>
        tpu.wait_indirect_dma semaphore(%run_scoped3A : memref<!tpu.dma_semaphore, #tpu.memory_space<semaphore_mem>>) src(%arg9 : memref<32x128xf32, #tpu.memory_space<vmem>>) dst(%dma_wait3A_453 : memref<10112x128xf32, #tpu.memory_space<vmem_shared>>)
        tpu.yield
      }) : () -> ()
      %add3A_392 = arith.constant 10 : i32
      %add3A_393 = arith.addi %add3A_388, %add3A_392 : i32
      %lt3A_394 = arith.constant 320 : i32
      %lt3A_395 = arith.cmpi slt, %add3A_393, %lt3A_394 : i32
      %convert_element_type3A_396 = arith.extui %lt3A_395 : i1 to i32
      %cond3A_397 = arith.constant 0 : i32
      %cond3A_398 = arith.cmpi ne, %convert_element_type3A_396, %cond3A_397 : i32
      scf.if %cond3A_398 {
        %add3A_448 = arith.constant 10 : i32
        %add3A_449 = arith.addi %add3A_388, %add3A_448 : i32
        %dma_start3A_450 = arith.constant 0 : i32
        %dma_start3A_451 = tpu.memref_slice %arg3[%add3A, %add3A_449, %dma_start3A_450] : memref<32x320x32xi32, #tpu.memory_space<hbm>> -> memref<1x1x32xi32, #tpu.memory_space<hbm>>
        %dma_start3A_452 = tpu.memref_squeeze %dma_start3A_451 : memref<1x1x32xi32, #tpu.memory_space<hbm>> -> memref<32xi32, #tpu.memory_space<hbm>>
        %dma_start3A_453 = arith.constant 0 : i32
        %dma_start3A_454 = tpu.memref_slice %arg3[%add3A, %add3A_449, %dma_start3A_453] : memref<32x320x32xi32, #tpu.memory_space<hbm>> -> memref<1x1x32xi32, #tpu.memory_space<hbm>>
        %dma_start3A_455 = tpu.memref_squeeze %dma_start3A_454 : memref<1x1x32xi32, #tpu.memory_space<hbm>> -> memref<32xi32, #tpu.memory_space<hbm>>
        tpu.enqueue_dma source(%dma_start3A_455 : memref<32xi32, #tpu.memory_space<hbm>>) target(%arg17 : memref<32xi32, #tpu.memory_space<vmem>>) target_semaphore(%arg43 : memref<!tpu.dma_semaphore, #tpu.memory_space<semaphore_mem>>)
        %add3A_456 = arith.constant 10 : i32
        %add3A_457 = arith.addi %add3A_388, %add3A_456 : i32
        %dma_start3A_458 = arith.constant 0 : i32
        %dma_start3A_459 = tpu.memref_slice %arg4[%add3A, %add3A_457, %dma_start3A_458] : memref<32x320x32xi32, #tpu.memory_space<hbm>> -> memref<1x1x32xi32, #tpu.memory_space<hbm>>
        %dma_start3A_460 = tpu.memref_squeeze %dma_start3A_459 : memref<1x1x32xi32, #tpu.memory_space<hbm>> -> memref<32xi32, #tpu.memory_space<hbm>>
        %dma_start3A_461 = arith.constant 0 : i32
        %dma_start3A_462 = tpu.memref_slice %arg4[%add3A, %add3A_457, %dma_start3A_461] : memref<32x320x32xi32, #tpu.memory_space<hbm>> -> memref<1x1x32xi32, #tpu.memory_space<hbm>>
        %dma_start3A_463 = tpu.memref_squeeze %dma_start3A_462 : memref<1x1x32xi32, #tpu.memory_space<hbm>> -> memref<32xi32, #tpu.memory_space<hbm>>
        tpu.enqueue_dma source(%dma_start3A_463 : memref<32xi32, #tpu.memory_space<hbm>>) target(%arg27 : memref<32xi32, #tpu.memory_space<vmem>>) target_semaphore(%arg43 : memref<!tpu.dma_semaphore, #tpu.memory_space<semaphore_mem>>)
      } else {
      }
      %add3A_399 = arith.constant 5 : i32
      %add3A_400 = arith.addi %add3A_388, %add3A_399 : i32
      %lt3A_401 = arith.constant 320 : i32
      %lt3A_402 = arith.cmpi slt, %add3A_400, %lt3A_401 : i32
      %convert_element_type3A_403 = arith.extui %lt3A_402 : i1 to i32
      %cond3A_404 = arith.constant 0 : i32
      %cond3A_405 = arith.cmpi ne, %convert_element_type3A_403, %cond3A_404 : i32
      scf.if %cond3A_405 {
        %add3A_448 = arith.constant 5 : i32
        %add3A_449 = arith.addi %add3A_388, %add3A_448 : i32
        %dma_wait3A_450 = arith.constant 0 : i32
        %dma_wait3A_451 = tpu.memref_slice %arg3[%add3A, %add3A_449, %dma_wait3A_450] : memref<32x320x32xi32, #tpu.memory_space<hbm>> -> memref<1x1x32xi32, #tpu.memory_space<hbm>>
        %dma_wait3A_452 = tpu.memref_squeeze %dma_wait3A_451 : memref<1x1x32xi32, #tpu.memory_space<hbm>> -> memref<32xi32, #tpu.memory_space<hbm>>
        %dma_wait3A_453 = arith.constant 0 : i32
        %dma_wait3A_454 = tpu.memref_slice %arg3[%add3A, %add3A_449, %dma_wait3A_453] : memref<32x320x32xi32, #tpu.memory_space<hbm>> -> memref<1x1x32xi32, #tpu.memory_space<hbm>>
        %dma_wait3A_455 = tpu.memref_squeeze %dma_wait3A_454 : memref<1x1x32xi32, #tpu.memory_space<hbm>> -> memref<32xi32, #tpu.memory_space<hbm>>
        tpu.wait_dma2 semaphore(%arg42 : memref<!tpu.dma_semaphore, #tpu.memory_space<semaphore_mem>>) src(%dma_wait3A_455 : memref<32xi32, #tpu.memory_space<hbm>>) dst(%arg16 : memref<32xi32, #tpu.memory_space<vmem>>)
        %add3A_456 = arith.constant 5 : i32
        %add3A_457 = arith.addi %add3A_388, %add3A_456 : i32
        %dma_wait3A_458 = arith.constant 0 : i32
        %dma_wait3A_459 = tpu.memref_slice %arg4[%add3A, %add3A_457, %dma_wait3A_458] : memref<32x320x32xi32, #tpu.memory_space<hbm>> -> memref<1x1x32xi32, #tpu.memory_space<hbm>>
        %dma_wait3A_460 = tpu.memref_squeeze %dma_wait3A_459 : memref<1x1x32xi32, #tpu.memory_space<hbm>> -> memref<32xi32, #tpu.memory_space<hbm>>
        %dma_wait3A_461 = arith.constant 0 : i32
        %dma_wait3A_462 = tpu.memref_slice %arg4[%add3A, %add3A_457, %dma_wait3A_461] : memref<32x320x32xi32, #tpu.memory_space<hbm>> -> memref<1x1x32xi32, #tpu.memory_space<hbm>>
        %dma_wait3A_463 = tpu.memref_squeeze %dma_wait3A_462 : memref<1x1x32xi32, #tpu.memory_space<hbm>> -> memref<32xi32, #tpu.memory_space<hbm>>
        tpu.wait_dma2 semaphore(%arg42 : memref<!tpu.dma_semaphore, #tpu.memory_space<semaphore_mem>>) src(%dma_wait3A_463 : memref<32xi32, #tpu.memory_space<hbm>>) dst(%arg26 : memref<32xi32, #tpu.memory_space<vmem>>)
        %dma_start3A_464 = arith.constant 0 : i32
        %dma_start3A_465 = arith.constant 0 : i32
        %dma_start3A_466 = tpu.memref_slice %arg2[%dma_start3A_464, %dma_start3A_465] : memref<10112x128xf32, #tpu.memory_space<hbm>> -> memref<10112x128xf32, #tpu.memory_space<hbm>>
        tpu.enqueue_indirect_dma source(%dma_start3A_466 : memref<10112x128xf32, #tpu.memory_space<hbm>>) target(%arg9 : memref<32x128xf32, #tpu.memory_space<vmem>>) offsets(%arg16 : memref<32xi32, #tpu.memory_space<vmem>>) semaphore(%arg35 : memref<!tpu.dma_semaphore, #tpu.memory_space<semaphore_mem>>)
      } else {
      }
      %mul3A_406 = arith.constant 5 : i32
      %mul3A_407 = arith.muli %add3A_342, %mul3A_406 : i32
      %add3A_408 = arith.constant 3 : i32
      %add3A_409 = arith.addi %mul3A_407, %add3A_408 : i32
      %dma_wait3A_410 = arith.constant 0 : i32
      %dma_wait3A_411 = arith.constant 0 : i32
      %dma_wait3A_412 = tpu.memref_slice %arg2[%dma_wait3A_410, %dma_wait3A_411] : memref<10112x128xf32, #tpu.memory_space<hbm>> -> memref<10112x128xf32, #tpu.memory_space<hbm>>
      tpu.wait_indirect_dma semaphore(%arg36 : memref<!tpu.dma_semaphore, #tpu.memory_space<semaphore_mem>>) src(%dma_wait3A_412 : memref<10112x128xf32, #tpu.memory_space<hbm>>) dst(%arg10 : memref<32x128xf32, #tpu.memory_space<vmem>>)
      "tpu.region"() ({
        %run_scoped3A = tpu.sem_alloc : memref<!tpu.dma_semaphore, #tpu.memory_space<semaphore_mem>>
        %dma_start3A_448 = arith.constant 0 : i32
        %dma_start3A_449 = arith.constant 0 : i32
        %dma_start3A_450 = tpu.memref_slice %arg32[%dma_start3A_448, %dma_start3A_449] : memref<10112x128xf32, #tpu.memory_space<vmem_shared>> -> memref<10112x128xf32, #tpu.memory_space<vmem_shared>>
        tpu.enqueue_indirect_dma source(%arg10 : memref<32x128xf32, #tpu.memory_space<vmem>>) target(%dma_start3A_450 : memref<10112x128xf32, #tpu.memory_space<vmem_shared>>) offsets(%arg29 : memref<32xi32, #tpu.memory_space<vmem>>) semaphore(%run_scoped3A : memref<!tpu.dma_semaphore, #tpu.memory_space<semaphore_mem>>) {add = true}
        %dma_wait3A_451 = arith.constant 0 : i32
        %dma_wait3A_452 = arith.constant 0 : i32
        %dma_wait3A_453 = tpu.memref_slice %arg32[%dma_wait3A_451, %dma_wait3A_452] : memref<10112x128xf32, #tpu.memory_space<vmem_shared>> -> memref<10112x128xf32, #tpu.memory_space<vmem_shared>>
        tpu.wait_indirect_dma semaphore(%run_scoped3A : memref<!tpu.dma_semaphore, #tpu.memory_space<semaphore_mem>>) src(%arg10 : memref<32x128xf32, #tpu.memory_space<vmem>>) dst(%dma_wait3A_453 : memref<10112x128xf32, #tpu.memory_space<vmem_shared>>)
        tpu.yield
      }) : () -> ()
      %add3A_413 = arith.constant 10 : i32
      %add3A_414 = arith.addi %add3A_409, %add3A_413 : i32
      %lt3A_415 = arith.constant 320 : i32
      %lt3A_416 = arith.cmpi slt, %add3A_414, %lt3A_415 : i32
      %convert_element_type3A_417 = arith.extui %lt3A_416 : i1 to i32
      %cond3A_418 = arith.constant 0 : i32
      %cond3A_419 = arith.cmpi ne, %convert_element_type3A_417, %cond3A_418 : i32
      scf.if %cond3A_419 {
        %add3A_448 = arith.constant 10 : i32
        %add3A_449 = arith.addi %add3A_409, %add3A_448 : i32
        %dma_start3A_450 = arith.constant 0 : i32
        %dma_start3A_451 = tpu.memref_slice %arg3[%add3A, %add3A_449, %dma_start3A_450] : memref<32x320x32xi32, #tpu.memory_space<hbm>> -> memref<1x1x32xi32, #tpu.memory_space<hbm>>
        %dma_start3A_452 = tpu.memref_squeeze %dma_start3A_451 : memref<1x1x32xi32, #tpu.memory_space<hbm>> -> memref<32xi32, #tpu.memory_space<hbm>>
        %dma_start3A_453 = arith.constant 0 : i32
        %dma_start3A_454 = tpu.memref_slice %arg3[%add3A, %add3A_449, %dma_start3A_453] : memref<32x320x32xi32, #tpu.memory_space<hbm>> -> memref<1x1x32xi32, #tpu.memory_space<hbm>>
        %dma_start3A_455 = tpu.memref_squeeze %dma_start3A_454 : memref<1x1x32xi32, #tpu.memory_space<hbm>> -> memref<32xi32, #tpu.memory_space<hbm>>
        tpu.enqueue_dma source(%dma_start3A_455 : memref<32xi32, #tpu.memory_space<hbm>>) target(%arg19 : memref<32xi32, #tpu.memory_space<vmem>>) target_semaphore(%arg45 : memref<!tpu.dma_semaphore, #tpu.memory_space<semaphore_mem>>)
        %add3A_456 = arith.constant 10 : i32
        %add3A_457 = arith.addi %add3A_409, %add3A_456 : i32
        %dma_start3A_458 = arith.constant 0 : i32
        %dma_start3A_459 = tpu.memref_slice %arg4[%add3A, %add3A_457, %dma_start3A_458] : memref<32x320x32xi32, #tpu.memory_space<hbm>> -> memref<1x1x32xi32, #tpu.memory_space<hbm>>
        %dma_start3A_460 = tpu.memref_squeeze %dma_start3A_459 : memref<1x1x32xi32, #tpu.memory_space<hbm>> -> memref<32xi32, #tpu.memory_space<hbm>>
        %dma_start3A_461 = arith.constant 0 : i32
        %dma_start3A_462 = tpu.memref_slice %arg4[%add3A, %add3A_457, %dma_start3A_461] : memref<32x320x32xi32, #tpu.memory_space<hbm>> -> memref<1x1x32xi32, #tpu.memory_space<hbm>>
        %dma_start3A_463 = tpu.memref_squeeze %dma_start3A_462 : memref<1x1x32xi32, #tpu.memory_space<hbm>> -> memref<32xi32, #tpu.memory_space<hbm>>
        tpu.enqueue_dma source(%dma_start3A_463 : memref<32xi32, #tpu.memory_space<hbm>>) target(%arg29 : memref<32xi32, #tpu.memory_space<vmem>>) target_semaphore(%arg45 : memref<!tpu.dma_semaphore, #tpu.memory_space<semaphore_mem>>)
      } else {
      }
      %add3A_420 = arith.constant 5 : i32
      %add3A_421 = arith.addi %add3A_409, %add3A_420 : i32
      %lt3A_422 = arith.constant 320 : i32
      %lt3A_423 = arith.cmpi slt, %add3A_421, %lt3A_422 : i32
      %convert_element_type3A_424 = arith.extui %lt3A_423 : i1 to i32
      %cond3A_425 = arith.constant 0 : i32
      %cond3A_426 = arith.cmpi ne, %convert_element_type3A_424, %cond3A_425 : i32
      scf.if %cond3A_426 {
        %add3A_448 = arith.constant 5 : i32
        %add3A_449 = arith.addi %add3A_409, %add3A_448 : i32
        %dma_wait3A_450 = arith.constant 0 : i32
        %dma_wait3A_451 = tpu.memref_slice %arg3[%add3A, %add3A_449, %dma_wait3A_450] : memref<32x320x32xi32, #tpu.memory_space<hbm>> -> memref<1x1x32xi32, #tpu.memory_space<hbm>>
        %dma_wait3A_452 = tpu.memref_squeeze %dma_wait3A_451 : memref<1x1x32xi32, #tpu.memory_space<hbm>> -> memref<32xi32, #tpu.memory_space<hbm>>
        %dma_wait3A_453 = arith.constant 0 : i32
        %dma_wait3A_454 = tpu.memref_slice %arg3[%add3A, %add3A_449, %dma_wait3A_453] : memref<32x320x32xi32, #tpu.memory_space<hbm>> -> memref<1x1x32xi32, #tpu.memory_space<hbm>>
        %dma_wait3A_455 = tpu.memref_squeeze %dma_wait3A_454 : memref<1x1x32xi32, #tpu.memory_space<hbm>> -> memref<32xi32, #tpu.memory_space<hbm>>
        tpu.wait_dma2 semaphore(%arg44 : memref<!tpu.dma_semaphore, #tpu.memory_space<semaphore_mem>>) src(%dma_wait3A_455 : memref<32xi32, #tpu.memory_space<hbm>>) dst(%arg18 : memref<32xi32, #tpu.memory_space<vmem>>)
        %add3A_456 = arith.constant 5 : i32
        %add3A_457 = arith.addi %add3A_409, %add3A_456 : i32
        %dma_wait3A_458 = arith.constant 0 : i32
        %dma_wait3A_459 = tpu.memref_slice %arg4[%add3A, %add3A_457, %dma_wait3A_458] : memref<32x320x32xi32, #tpu.memory_space<hbm>> -> memref<1x1x32xi32, #tpu.memory_space<hbm>>
        %dma_wait3A_460 = tpu.memref_squeeze %dma_wait3A_459 : memref<1x1x32xi32, #tpu.memory_space<hbm>> -> memref<32xi32, #tpu.memory_space<hbm>>
        %dma_wait3A_461 = arith.constant 0 : i32
        %dma_wait3A_462 = tpu.memref_slice %arg4[%add3A, %add3A_457, %dma_wait3A_461] : memref<32x320x32xi32, #tpu.memory_space<hbm>> -> memref<1x1x32xi32, #tpu.memory_space<hbm>>
        %dma_wait3A_463 = tpu.memref_squeeze %dma_wait3A_462 : memref<1x1x32xi32, #tpu.memory_space<hbm>> -> memref<32xi32, #tpu.memory_space<hbm>>
        tpu.wait_dma2 semaphore(%arg44 : memref<!tpu.dma_semaphore, #tpu.memory_space<semaphore_mem>>) src(%dma_wait3A_463 : memref<32xi32, #tpu.memory_space<hbm>>) dst(%arg28 : memref<32xi32, #tpu.memory_space<vmem>>)
        %dma_start3A_464 = arith.constant 0 : i32
        %dma_start3A_465 = arith.constant 0 : i32
        %dma_start3A_466 = tpu.memref_slice %arg2[%dma_start3A_464, %dma_start3A_465] : memref<10112x128xf32, #tpu.memory_space<hbm>> -> memref<10112x128xf32, #tpu.memory_space<hbm>>
        tpu.enqueue_indirect_dma source(%dma_start3A_466 : memref<10112x128xf32, #tpu.memory_space<hbm>>) target(%arg10 : memref<32x128xf32, #tpu.memory_space<vmem>>) offsets(%arg18 : memref<32xi32, #tpu.memory_space<vmem>>) semaphore(%arg36 : memref<!tpu.dma_semaphore, #tpu.memory_space<semaphore_mem>>)
      } else {
      }
      %mul3A_427 = arith.constant 5 : i32
      %mul3A_428 = arith.muli %add3A_342, %mul3A_427 : i32
      %add3A_429 = arith.constant 4 : i32
      %add3A_430 = arith.addi %mul3A_428, %add3A_429 : i32
      %dma_wait3A_431 = arith.constant 0 : i32
      %dma_wait3A_432 = arith.constant 0 : i32
      %dma_wait3A_433 = tpu.memref_slice %arg2[%dma_wait3A_431, %dma_wait3A_432] : memref<10112x128xf32, #tpu.memory_space<hbm>> -> memref<10112x128xf32, #tpu.memory_space<hbm>>
      tpu.wait_indirect_dma semaphore(%arg37 : memref<!tpu.dma_semaphore, #tpu.memory_space<semaphore_mem>>) src(%dma_wait3A_433 : memref<10112x128xf32, #tpu.memory_space<hbm>>) dst(%arg11 : memref<32x128xf32, #tpu.memory_space<vmem>>)
      "tpu.region"() ({
        %run_scoped3A = tpu.sem_alloc : memref<!tpu.dma_semaphore, #tpu.memory_space<semaphore_mem>>
        %dma_start3A_448 = arith.constant 0 : i32
        %dma_start3A_449 = arith.constant 0 : i32
        %dma_start3A_450 = tpu.memref_slice %arg32[%dma_start3A_448, %dma_start3A_449] : memref<10112x128xf32, #tpu.memory_space<vmem_shared>> -> memref<10112x128xf32, #tpu.memory_space<vmem_shared>>
        tpu.enqueue_indirect_dma source(%arg11 : memref<32x128xf32, #tpu.memory_space<vmem>>) target(%dma_start3A_450 : memref<10112x128xf32, #tpu.memory_space<vmem_shared>>) offsets(%arg31 : memref<32xi32, #tpu.memory_space<vmem>>) semaphore(%run_scoped3A : memref<!tpu.dma_semaphore, #tpu.memory_space<semaphore_mem>>) {add = true}
        %dma_wait3A_451 = arith.constant 0 : i32
        %dma_wait3A_452 = arith.constant 0 : i32
        %dma_wait3A_453 = tpu.memref_slice %arg32[%dma_wait3A_451, %dma_wait3A_452] : memref<10112x128xf32, #tpu.memory_space<vmem_shared>> -> memref<10112x128xf32, #tpu.memory_space<vmem_shared>>
        tpu.wait_indirect_dma semaphore(%run_scoped3A : memref<!tpu.dma_semaphore, #tpu.memory_space<semaphore_mem>>) src(%arg11 : memref<32x128xf32, #tpu.memory_space<vmem>>) dst(%dma_wait3A_453 : memref<10112x128xf32, #tpu.memory_space<vmem_shared>>)
        tpu.yield
      }) : () -> ()
      %add3A_434 = arith.constant 10 : i32
      %add3A_435 = arith.addi %add3A_430, %add3A_434 : i32
      %lt3A_436 = arith.constant 320 : i32
      %lt3A_437 = arith.cmpi slt, %add3A_435, %lt3A_436 : i32
      %convert_element_type3A_438 = arith.extui %lt3A_437 : i1 to i32
      %cond3A_439 = arith.constant 0 : i32
      %cond3A_440 = arith.cmpi ne, %convert_element_type3A_438, %cond3A_439 : i32
      scf.if %cond3A_440 {
        %add3A_448 = arith.constant 10 : i32
        %add3A_449 = arith.addi %add3A_430, %add3A_448 : i32
        %dma_start3A_450 = arith.constant 0 : i32
        %dma_start3A_451 = tpu.memref_slice %arg3[%add3A, %add3A_449, %dma_start3A_450] : memref<32x320x32xi32, #tpu.memory_space<hbm>> -> memref<1x1x32xi32, #tpu.memory_space<hbm>>
        %dma_start3A_452 = tpu.memref_squeeze %dma_start3A_451 : memref<1x1x32xi32, #tpu.memory_space<hbm>> -> memref<32xi32, #tpu.memory_space<hbm>>
        %dma_start3A_453 = arith.constant 0 : i32
        %dma_start3A_454 = tpu.memref_slice %arg3[%add3A, %add3A_449, %dma_start3A_453] : memref<32x320x32xi32, #tpu.memory_space<hbm>> -> memref<1x1x32xi32, #tpu.memory_space<hbm>>
        %dma_start3A_455 = tpu.memref_squeeze %dma_start3A_454 : memref<1x1x32xi32, #tpu.memory_space<hbm>> -> memref<32xi32, #tpu.memory_space<hbm>>
        tpu.enqueue_dma source(%dma_start3A_455 : memref<32xi32, #tpu.memory_space<hbm>>) target(%arg21 : memref<32xi32, #tpu.memory_space<vmem>>) target_semaphore(%arg47 : memref<!tpu.dma_semaphore, #tpu.memory_space<semaphore_mem>>)
        %add3A_456 = arith.constant 10 : i32
        %add3A_457 = arith.addi %add3A_430, %add3A_456 : i32
        %dma_start3A_458 = arith.constant 0 : i32
        %dma_start3A_459 = tpu.memref_slice %arg4[%add3A, %add3A_457, %dma_start3A_458] : memref<32x320x32xi32, #tpu.memory_space<hbm>> -> memref<1x1x32xi32, #tpu.memory_space<hbm>>
        %dma_start3A_460 = tpu.memref_squeeze %dma_start3A_459 : memref<1x1x32xi32, #tpu.memory_space<hbm>> -> memref<32xi32, #tpu.memory_space<hbm>>
        %dma_start3A_461 = arith.constant 0 : i32
        %dma_start3A_462 = tpu.memref_slice %arg4[%add3A, %add3A_457, %dma_start3A_461] : memref<32x320x32xi32, #tpu.memory_space<hbm>> -> memref<1x1x32xi32, #tpu.memory_space<hbm>>
        %dma_start3A_463 = tpu.memref_squeeze %dma_start3A_462 : memref<1x1x32xi32, #tpu.memory_space<hbm>> -> memref<32xi32, #tpu.memory_space<hbm>>
        tpu.enqueue_dma source(%dma_start3A_463 : memref<32xi32, #tpu.memory_space<hbm>>) target(%arg31 : memref<32xi32, #tpu.memory_space<vmem>>) target_semaphore(%arg47 : memref<!tpu.dma_semaphore, #tpu.memory_space<semaphore_mem>>)
      } else {
      }
      %add3A_441 = arith.constant 5 : i32
      %add3A_442 = arith.addi %add3A_430, %add3A_441 : i32
      %lt3A_443 = arith.constant 320 : i32
      %lt3A_444 = arith.cmpi slt, %add3A_442, %lt3A_443 : i32
      %convert_element_type3A_445 = arith.extui %lt3A_444 : i1 to i32
      %cond3A_446 = arith.constant 0 : i32
      %cond3A_447 = arith.cmpi ne, %convert_element_type3A_445, %cond3A_446 : i32
      scf.if %cond3A_447 {
        %add3A_448 = arith.constant 5 : i32
        %add3A_449 = arith.addi %add3A_430, %add3A_448 : i32
        %dma_wait3A_450 = arith.constant 0 : i32
        %dma_wait3A_451 = tpu.memref_slice %arg3[%add3A, %add3A_449, %dma_wait3A_450] : memref<32x320x32xi32, #tpu.memory_space<hbm>> -> memref<1x1x32xi32, #tpu.memory_space<hbm>>
        %dma_wait3A_452 = tpu.memref_squeeze %dma_wait3A_451 : memref<1x1x32xi32, #tpu.memory_space<hbm>> -> memref<32xi32, #tpu.memory_space<hbm>>
        %dma_wait3A_453 = arith.constant 0 : i32
        %dma_wait3A_454 = tpu.memref_slice %arg3[%add3A, %add3A_449, %dma_wait3A_453] : memref<32x320x32xi32, #tpu.memory_space<hbm>> -> memref<1x1x32xi32, #tpu.memory_space<hbm>>
        %dma_wait3A_455 = tpu.memref_squeeze %dma_wait3A_454 : memref<1x1x32xi32, #tpu.memory_space<hbm>> -> memref<32xi32, #tpu.memory_space<hbm>>
        tpu.wait_dma2 semaphore(%arg46 : memref<!tpu.dma_semaphore, #tpu.memory_space<semaphore_mem>>) src(%dma_wait3A_455 : memref<32xi32, #tpu.memory_space<hbm>>) dst(%arg20 : memref<32xi32, #tpu.memory_space<vmem>>)
        %add3A_456 = arith.constant 5 : i32
        %add3A_457 = arith.addi %add3A_430, %add3A_456 : i32
        %dma_wait3A_458 = arith.constant 0 : i32
        %dma_wait3A_459 = tpu.memref_slice %arg4[%add3A, %add3A_457, %dma_wait3A_458] : memref<32x320x32xi32, #tpu.memory_space<hbm>> -> memref<1x1x32xi32, #tpu.memory_space<hbm>>
        %dma_wait3A_460 = tpu.memref_squeeze %dma_wait3A_459 : memref<1x1x32xi32, #tpu.memory_space<hbm>> -> memref<32xi32, #tpu.memory_space<hbm>>
        %dma_wait3A_461 = arith.constant 0 : i32
        %dma_wait3A_462 = tpu.memref_slice %arg4[%add3A, %add3A_457, %dma_wait3A_461] : memref<32x320x32xi32, #tpu.memory_space<hbm>> -> memref<1x1x32xi32, #tpu.memory_space<hbm>>
        %dma_wait3A_463 = tpu.memref_squeeze %dma_wait3A_462 : memref<1x1x32xi32, #tpu.memory_space<hbm>> -> memref<32xi32, #tpu.memory_space<hbm>>
        tpu.wait_dma2 semaphore(%arg46 : memref<!tpu.dma_semaphore, #tpu.memory_space<semaphore_mem>>) src(%dma_wait3A_463 : memref<32xi32, #tpu.memory_space<hbm>>) dst(%arg30 : memref<32xi32, #tpu.memory_space<vmem>>)
        %dma_start3A_464 = arith.constant 0 : i32
        %dma_start3A_465 = arith.constant 0 : i32
        %dma_start3A_466 = tpu.memref_slice %arg2[%dma_start3A_464, %dma_start3A_465] : memref<10112x128xf32, #tpu.memory_space<hbm>> -> memref<10112x128xf32, #tpu.memory_space<hbm>>
        tpu.enqueue_indirect_dma source(%dma_start3A_466 : memref<10112x128xf32, #tpu.memory_space<hbm>>) target(%arg11 : memref<32x128xf32, #tpu.memory_space<vmem>>) offsets(%arg20 : memref<32xi32, #tpu.memory_space<vmem>>) semaphore(%arg37 : memref<!tpu.dma_semaphore, #tpu.memory_space<semaphore_mem>>)
      } else {
      }
    }
    %scan3A_230 = arith.constant 32 : i32
    %barrier3A_231 = arith.constant 0 : index
    tpu.barrier barrier_id(%barrier3A_231)
    "tpu.region"() ({
      %run_scoped3A = tpu.sem_alloc : memref<!tpu.dma_semaphore, #tpu.memory_space<semaphore_mem>>
      %dma_start3A_232 = arith.constant 0 : i32
      %dma_start3A_233 = tpu.memref_slice %arg6[%arg0, %mul3A_2, %dma_start3A_232] : memref<2x10112x128xf32, #tpu.memory_space<hbm>> -> memref<1x632x128xf32, #tpu.memory_space<hbm>>
      %dma_start3A_234 = tpu.memref_squeeze %dma_start3A_233 : memref<1x632x128xf32, #tpu.memory_space<hbm>> -> memref<632x128xf32, #tpu.memory_space<hbm>>
      %dma_start3A_235 = arith.constant 0 : i32
      %dma_start3A_236 = tpu.memref_slice %arg32[%mul3A_2, %dma_start3A_235] : memref<10112x128xf32, #tpu.memory_space<vmem_shared>> -> memref<632x128xf32, #tpu.memory_space<vmem_shared>>
      tpu.enqueue_dma source(%dma_start3A_236 : memref<632x128xf32, #tpu.memory_space<vmem_shared>>) target(%dma_start3A_234 : memref<632x128xf32, #tpu.memory_space<hbm>>) target_semaphore(%run_scoped3A : memref<!tpu.dma_semaphore, #tpu.memory_space<semaphore_mem>>)
      %dma_wait3A_237 = arith.constant 0 : i32
      %dma_wait3A_238 = tpu.memref_slice %arg6[%arg0, %mul3A_2, %dma_wait3A_237] : memref<2x10112x128xf32, #tpu.memory_space<hbm>> -> memref<1x632x128xf32, #tpu.memory_space<hbm>>
      %dma_wait3A_239 = tpu.memref_squeeze %dma_wait3A_238 : memref<1x632x128xf32, #tpu.memory_space<hbm>> -> memref<632x128xf32, #tpu.memory_space<hbm>>
      %dma_wait3A_240 = arith.constant 0 : i32
      %dma_wait3A_241 = tpu.memref_slice %arg32[%mul3A_2, %dma_wait3A_240] : memref<10112x128xf32, #tpu.memory_space<vmem_shared>> -> memref<632x128xf32, #tpu.memory_space<vmem_shared>>
      tpu.wait_dma2 semaphore(%run_scoped3A : memref<!tpu.dma_semaphore, #tpu.memory_space<semaphore_mem>>) src(%dma_wait3A_241 : memref<632x128xf32, #tpu.memory_space<vmem_shared>>) dst(%dma_wait3A_239 : memref<632x128xf32, #tpu.memory_space<hbm>>)
      tpu.yield
    }) : () -> ()
    return
  }
}

#map = affine_map<(d0, d1) -> (0, 0, 0)>
#map1 = affine_map<(d0, d1) -> (0, 0)>
module attributes {stable_mosaic.version = 14 : i64} {
  func.func @body(%arg0: i32, %arg1: i32, %arg2: memref<32x116x88xi32, #tpu.memory_space<hbm>>, %arg3: memref<10112x128xf32, #tpu.memory_space<hbm>>, %arg4: memref<88x128xf32, #tpu.memory_space<hbm>>, %arg5: memref<2x10112x128xf32, #tpu.memory_space<hbm>>, %arg6: memref<116x88xi32, #tpu.memory_space<vmem>>, %arg7: memref<88x128xf32, #tpu.memory_space<vmem>>, %arg8: memref<10112x128xf32, #tpu.memory_space<vmem_shared>>, %arg9: memref<!tpu.dma_semaphore, #tpu.memory_space<semaphore_mem>>, %arg10: memref<!tpu.dma_semaphore, #tpu.memory_space<semaphore_mem>>, %arg11: memref<!tpu.dma_semaphore, #tpu.memory_space<semaphore_mem>>, %arg12: memref<!tpu.dma_semaphore, #tpu.memory_space<semaphore_mem>>) attributes {dimension_semantics = [#tpu.dimension_semantics<core_parallel>, #tpu.dimension_semantics<subcore_parallel>], iteration_bounds = array<i64: 2, 16>, scalar_prefetch = 0 : i64, scratch_operands = 7 : i64, tpu.core_type = #tpu.core_type<sc_vector_subcore>, window_params = [{transform_indices = #map}, {transform_indices = #map1}, {transform_indices = #map1}, {transform_indices = #map}]} {
    %mul3A = arith.constant 2 : i32
    %mul3A_0 = arith.muli %arg1, %mul3A : i32
    %add3A = arith.addi %mul3A_0, %arg0 : i32
    %mul3A_1 = arith.constant 632 : i32
    %mul3A_2 = arith.muli %arg1, %mul3A_1 : i32
    "tpu.region"() ({
      %run_scoped3A = tpu.sem_alloc : memref<!tpu.dma_semaphore, #tpu.memory_space<semaphore_mem>>
      %dma_start3A_36 = arith.constant 0 : i32
      %dma_start3A_37 = tpu.memref_slice %arg8[%mul3A_2, %dma_start3A_36] : memref<10112x128xf32, #tpu.memory_space<vmem_shared>> -> memref<632x128xf32, #tpu.memory_space<vmem_shared>>
      %dma_start3A_38 = arith.constant 0 : i32
      %dma_start3A_39 = tpu.memref_slice %arg3[%mul3A_2, %dma_start3A_38] : memref<10112x128xf32, #tpu.memory_space<hbm>> -> memref<632x128xf32, #tpu.memory_space<hbm>>
      tpu.enqueue_dma source(%dma_start3A_39 : memref<632x128xf32, #tpu.memory_space<hbm>>) target(%dma_start3A_37 : memref<632x128xf32, #tpu.memory_space<vmem_shared>>) target_semaphore(%run_scoped3A : memref<!tpu.dma_semaphore, #tpu.memory_space<semaphore_mem>>)
      %dma_wait3A = arith.constant 0 : i32
      %dma_wait3A_40 = tpu.memref_slice %arg8[%mul3A_2, %dma_wait3A] : memref<10112x128xf32, #tpu.memory_space<vmem_shared>> -> memref<632x128xf32, #tpu.memory_space<vmem_shared>>
      %dma_wait3A_41 = arith.constant 0 : i32
      %dma_wait3A_42 = tpu.memref_slice %arg3[%mul3A_2, %dma_wait3A_41] : memref<10112x128xf32, #tpu.memory_space<hbm>> -> memref<632x128xf32, #tpu.memory_space<hbm>>
      tpu.wait_dma2 semaphore(%run_scoped3A : memref<!tpu.dma_semaphore, #tpu.memory_space<semaphore_mem>>) src(%dma_wait3A_42 : memref<632x128xf32, #tpu.memory_space<hbm>>) dst(%dma_wait3A_40 : memref<632x128xf32, #tpu.memory_space<vmem_shared>>)
      tpu.yield
    }) : () -> ()
    "tpu.region"() ({
      %run_scoped3A = tpu.sem_alloc : memref<!tpu.dma_semaphore, #tpu.memory_space<semaphore_mem>>
      tpu.enqueue_dma source(%arg4 : memref<88x128xf32, #tpu.memory_space<hbm>>) target(%arg7 : memref<88x128xf32, #tpu.memory_space<vmem>>) target_semaphore(%run_scoped3A : memref<!tpu.dma_semaphore, #tpu.memory_space<semaphore_mem>>)
      tpu.wait_dma2 semaphore(%run_scoped3A : memref<!tpu.dma_semaphore, #tpu.memory_space<semaphore_mem>>) src(%arg4 : memref<88x128xf32, #tpu.memory_space<hbm>>) dst(%arg7 : memref<88x128xf32, #tpu.memory_space<vmem>>)
      tpu.yield
    }) : () -> ()
    "tpu.region"() ({
      %run_scoped3A = tpu.sem_alloc : memref<!tpu.dma_semaphore, #tpu.memory_space<semaphore_mem>>
      %dma_start3A_36 = arith.constant 0 : i32
      %dma_start3A_37 = arith.constant 0 : i32
      %dma_start3A_38 = tpu.memref_slice %arg2[%add3A, %dma_start3A_36, %dma_start3A_37] : memref<32x116x88xi32, #tpu.memory_space<hbm>> -> memref<1x116x88xi32, #tpu.memory_space<hbm>>
      %dma_start3A_39 = tpu.memref_squeeze %dma_start3A_38 : memref<1x116x88xi32, #tpu.memory_space<hbm>> -> memref<116x88xi32, #tpu.memory_space<hbm>>
      %dma_start3A_40 = arith.constant 0 : i32
      %dma_start3A_41 = arith.constant 0 : i32
      %dma_start3A_42 = tpu.memref_slice %arg2[%add3A, %dma_start3A_40, %dma_start3A_41] : memref<32x116x88xi32, #tpu.memory_space<hbm>> -> memref<1x116x88xi32, #tpu.memory_space<hbm>>
      %dma_start3A_43 = tpu.memref_squeeze %dma_start3A_42 : memref<1x116x88xi32, #tpu.memory_space<hbm>> -> memref<116x88xi32, #tpu.memory_space<hbm>>
      tpu.enqueue_dma source(%dma_start3A_43 : memref<116x88xi32, #tpu.memory_space<hbm>>) target(%arg6 : memref<116x88xi32, #tpu.memory_space<vmem>>) target_semaphore(%run_scoped3A : memref<!tpu.dma_semaphore, #tpu.memory_space<semaphore_mem>>)
      %dma_wait3A = arith.constant 0 : i32
      %dma_wait3A_44 = arith.constant 0 : i32
      %dma_wait3A_45 = tpu.memref_slice %arg2[%add3A, %dma_wait3A, %dma_wait3A_44] : memref<32x116x88xi32, #tpu.memory_space<hbm>> -> memref<1x116x88xi32, #tpu.memory_space<hbm>>
      %dma_wait3A_46 = tpu.memref_squeeze %dma_wait3A_45 : memref<1x116x88xi32, #tpu.memory_space<hbm>> -> memref<116x88xi32, #tpu.memory_space<hbm>>
      %dma_wait3A_47 = arith.constant 0 : i32
      %dma_wait3A_48 = arith.constant 0 : i32
      %dma_wait3A_49 = tpu.memref_slice %arg2[%add3A, %dma_wait3A_47, %dma_wait3A_48] : memref<32x116x88xi32, #tpu.memory_space<hbm>> -> memref<1x116x88xi32, #tpu.memory_space<hbm>>
      %dma_wait3A_50 = tpu.memref_squeeze %dma_wait3A_49 : memref<1x116x88xi32, #tpu.memory_space<hbm>> -> memref<116x88xi32, #tpu.memory_space<hbm>>
      tpu.wait_dma2 semaphore(%run_scoped3A : memref<!tpu.dma_semaphore, #tpu.memory_space<semaphore_mem>>) src(%dma_wait3A_50 : memref<116x88xi32, #tpu.memory_space<hbm>>) dst(%arg6 : memref<116x88xi32, #tpu.memory_space<vmem>>)
      tpu.yield
    }) : () -> ()
    %barrier3A = arith.constant 0 : index
    tpu.barrier barrier_id(%barrier3A)
    %dma_start3A = arith.constant 0 : i32
    %dma_start3A_3 = arith.constant 0 : i32
    %dma_start3A_4 = tpu.memref_slice %arg6[%dma_start3A, %dma_start3A_3] : memref<116x88xi32, #tpu.memory_space<vmem>> -> memref<1x88xi32, #tpu.memory_space<vmem>>
    %dma_start3A_5 = tpu.memref_squeeze %dma_start3A_4 : memref<1x88xi32, #tpu.memory_space<vmem>> -> memref<88xi32, #tpu.memory_space<vmem>>
    %dma_start3A_6 = arith.constant 0 : i32
    %dma_start3A_7 = arith.constant 0 : i32
    %dma_start3A_8 = tpu.memref_slice %arg8[%dma_start3A_6, %dma_start3A_7] : memref<10112x128xf32, #tpu.memory_space<vmem_shared>> -> memref<10112x128xf32, #tpu.memory_space<vmem_shared>>
    tpu.enqueue_indirect_dma source(%arg7 : memref<88x128xf32, #tpu.memory_space<vmem>>) target(%dma_start3A_8 : memref<10112x128xf32, #tpu.memory_space<vmem_shared>>) offsets(%dma_start3A_5 : memref<88xi32, #tpu.memory_space<vmem>>) semaphore(%arg9 : memref<!tpu.dma_semaphore, #tpu.memory_space<semaphore_mem>>) {add = true}
    %dma_start3A_9 = arith.constant 1 : i32
    %dma_start3A_10 = arith.constant 0 : i32
    %dma_start3A_11 = tpu.memref_slice %arg6[%dma_start3A_9, %dma_start3A_10] : memref<116x88xi32, #tpu.memory_space<vmem>> -> memref<1x88xi32, #tpu.memory_space<vmem>>
    %dma_start3A_12 = tpu.memref_squeeze %dma_start3A_11 : memref<1x88xi32, #tpu.memory_space<vmem>> -> memref<88xi32, #tpu.memory_space<vmem>>
    %dma_start3A_13 = arith.constant 0 : i32
    %dma_start3A_14 = arith.constant 0 : i32
    %dma_start3A_15 = tpu.memref_slice %arg8[%dma_start3A_13, %dma_start3A_14] : memref<10112x128xf32, #tpu.memory_space<vmem_shared>> -> memref<10112x128xf32, #tpu.memory_space<vmem_shared>>
    tpu.enqueue_indirect_dma source(%arg7 : memref<88x128xf32, #tpu.memory_space<vmem>>) target(%dma_start3A_15 : memref<10112x128xf32, #tpu.memory_space<vmem_shared>>) offsets(%dma_start3A_12 : memref<88xi32, #tpu.memory_space<vmem>>) semaphore(%arg10 : memref<!tpu.dma_semaphore, #tpu.memory_space<semaphore_mem>>) {add = true}
    %dma_start3A_16 = arith.constant 2 : i32
    %dma_start3A_17 = arith.constant 0 : i32
    %dma_start3A_18 = tpu.memref_slice %arg6[%dma_start3A_16, %dma_start3A_17] : memref<116x88xi32, #tpu.memory_space<vmem>> -> memref<1x88xi32, #tpu.memory_space<vmem>>
    %dma_start3A_19 = tpu.memref_squeeze %dma_start3A_18 : memref<1x88xi32, #tpu.memory_space<vmem>> -> memref<88xi32, #tpu.memory_space<vmem>>
    %dma_start3A_20 = arith.constant 0 : i32
    %dma_start3A_21 = arith.constant 0 : i32
    %dma_start3A_22 = tpu.memref_slice %arg8[%dma_start3A_20, %dma_start3A_21] : memref<10112x128xf32, #tpu.memory_space<vmem_shared>> -> memref<10112x128xf32, #tpu.memory_space<vmem_shared>>
    tpu.enqueue_indirect_dma source(%arg7 : memref<88x128xf32, #tpu.memory_space<vmem>>) target(%dma_start3A_22 : memref<10112x128xf32, #tpu.memory_space<vmem_shared>>) offsets(%dma_start3A_19 : memref<88xi32, #tpu.memory_space<vmem>>) semaphore(%arg11 : memref<!tpu.dma_semaphore, #tpu.memory_space<semaphore_mem>>) {add = true}
    %dma_start3A_23 = arith.constant 3 : i32
    %dma_start3A_24 = arith.constant 0 : i32
    %dma_start3A_25 = tpu.memref_slice %arg6[%dma_start3A_23, %dma_start3A_24] : memref<116x88xi32, #tpu.memory_space<vmem>> -> memref<1x88xi32, #tpu.memory_space<vmem>>
    %dma_start3A_26 = tpu.memref_squeeze %dma_start3A_25 : memref<1x88xi32, #tpu.memory_space<vmem>> -> memref<88xi32, #tpu.memory_space<vmem>>
    %dma_start3A_27 = arith.constant 0 : i32
    %dma_start3A_28 = arith.constant 0 : i32
    %dma_start3A_29 = tpu.memref_slice %arg8[%dma_start3A_27, %dma_start3A_28] : memref<10112x128xf32, #tpu.memory_space<vmem_shared>> -> memref<10112x128xf32, #tpu.memory_space<vmem_shared>>
    tpu.enqueue_indirect_dma source(%arg7 : memref<88x128xf32, #tpu.memory_space<vmem>>) target(%dma_start3A_29 : memref<10112x128xf32, #tpu.memory_space<vmem_shared>>) offsets(%dma_start3A_26 : memref<88xi32, #tpu.memory_space<vmem>>) semaphore(%arg12 : memref<!tpu.dma_semaphore, #tpu.memory_space<semaphore_mem>>) {add = true}
    %scan3A = arith.constant 0 : i32
    %scan3A_30 = arith.constant 0 : i32
    %scan3A_31 = arith.constant 29 : i32
    %scan3A_32 = arith.addi %scan3A_30, %scan3A_31 : i32
    %scan3A_33 = arith.constant 1 : i32
    scf.for %scan3A_36 = %scan3A_30 to %scan3A_32 step %scan3A_33  : i32 {
      %mul3A_37 = arith.constant 4 : i32
      %mul3A_38 = arith.muli %scan3A_36, %mul3A_37 : i32
      %add3A_39 = arith.constant 0 : i32
      %add3A_40 = arith.addi %mul3A_38, %add3A_39 : i32
      %dma_wait3A = arith.constant 0 : i32
      %dma_wait3A_41 = tpu.memref_slice %arg6[%add3A_40, %dma_wait3A] : memref<116x88xi32, #tpu.memory_space<vmem>> -> memref<1x88xi32, #tpu.memory_space<vmem>>
      %dma_wait3A_42 = tpu.memref_squeeze %dma_wait3A_41 : memref<1x88xi32, #tpu.memory_space<vmem>> -> memref<88xi32, #tpu.memory_space<vmem>>
      %dma_wait3A_43 = arith.constant 0 : i32
      %dma_wait3A_44 = arith.constant 0 : i32
      %dma_wait3A_45 = tpu.memref_slice %arg8[%dma_wait3A_43, %dma_wait3A_44] : memref<10112x128xf32, #tpu.memory_space<vmem_shared>> -> memref<10112x128xf32, #tpu.memory_space<vmem_shared>>
      tpu.wait_indirect_dma semaphore(%arg9 : memref<!tpu.dma_semaphore, #tpu.memory_space<semaphore_mem>>) src(%arg7 : memref<88x128xf32, #tpu.memory_space<vmem>>) dst(%dma_wait3A_45 : memref<10112x128xf32, #tpu.memory_space<vmem_shared>>)
      %add3A_46 = arith.constant 4 : i32
      %add3A_47 = arith.addi %add3A_40, %add3A_46 : i32
      %lt3A = arith.constant 116 : i32
      %lt3A_48 = arith.cmpi slt, %add3A_47, %lt3A : i32
      %convert_element_type3A = arith.extui %lt3A_48 : i1 to i32
      %cond3A = arith.constant 0 : i32
      %cond3A_49 = arith.cmpi ne, %convert_element_type3A, %cond3A : i32
      scf.if %cond3A_49 {
        %add3A_101 = arith.constant 4 : i32
        %add3A_102 = arith.addi %add3A_40, %add3A_101 : i32
        %dma_start3A_103 = arith.constant 0 : i32
        %dma_start3A_104 = tpu.memref_slice %arg6[%add3A_102, %dma_start3A_103] : memref<116x88xi32, #tpu.memory_space<vmem>> -> memref<1x88xi32, #tpu.memory_space<vmem>>
        %dma_start3A_105 = tpu.memref_squeeze %dma_start3A_104 : memref<1x88xi32, #tpu.memory_space<vmem>> -> memref<88xi32, #tpu.memory_space<vmem>>
        %dma_start3A_106 = arith.constant 0 : i32
        %dma_start3A_107 = arith.constant 0 : i32
        %dma_start3A_108 = tpu.memref_slice %arg8[%dma_start3A_106, %dma_start3A_107] : memref<10112x128xf32, #tpu.memory_space<vmem_shared>> -> memref<10112x128xf32, #tpu.memory_space<vmem_shared>>
        tpu.enqueue_indirect_dma source(%arg7 : memref<88x128xf32, #tpu.memory_space<vmem>>) target(%dma_start3A_108 : memref<10112x128xf32, #tpu.memory_space<vmem_shared>>) offsets(%dma_start3A_105 : memref<88xi32, #tpu.memory_space<vmem>>) semaphore(%arg9 : memref<!tpu.dma_semaphore, #tpu.memory_space<semaphore_mem>>) {add = true}
      } else {
      }
      %mul3A_50 = arith.constant 4 : i32
      %mul3A_51 = arith.muli %scan3A_36, %mul3A_50 : i32
      %add3A_52 = arith.constant 1 : i32
      %add3A_53 = arith.addi %mul3A_51, %add3A_52 : i32
      %dma_wait3A_54 = arith.constant 0 : i32
      %dma_wait3A_55 = tpu.memref_slice %arg6[%add3A_53, %dma_wait3A_54] : memref<116x88xi32, #tpu.memory_space<vmem>> -> memref<1x88xi32, #tpu.memory_space<vmem>>
      %dma_wait3A_56 = tpu.memref_squeeze %dma_wait3A_55 : memref<1x88xi32, #tpu.memory_space<vmem>> -> memref<88xi32, #tpu.memory_space<vmem>>
      %dma_wait3A_57 = arith.constant 0 : i32
      %dma_wait3A_58 = arith.constant 0 : i32
      %dma_wait3A_59 = tpu.memref_slice %arg8[%dma_wait3A_57, %dma_wait3A_58] : memref<10112x128xf32, #tpu.memory_space<vmem_shared>> -> memref<10112x128xf32, #tpu.memory_space<vmem_shared>>
      tpu.wait_indirect_dma semaphore(%arg10 : memref<!tpu.dma_semaphore, #tpu.memory_space<semaphore_mem>>) src(%arg7 : memref<88x128xf32, #tpu.memory_space<vmem>>) dst(%dma_wait3A_59 : memref<10112x128xf32, #tpu.memory_space<vmem_shared>>)
      %add3A_60 = arith.constant 4 : i32
      %add3A_61 = arith.addi %add3A_53, %add3A_60 : i32
      %lt3A_62 = arith.constant 116 : i32
      %lt3A_63 = arith.cmpi slt, %add3A_61, %lt3A_62 : i32
      %convert_element_type3A_64 = arith.extui %lt3A_63 : i1 to i32
      %cond3A_65 = arith.constant 0 : i32
      %cond3A_66 = arith.cmpi ne, %convert_element_type3A_64, %cond3A_65 : i32
      scf.if %cond3A_66 {
        %add3A_101 = arith.constant 4 : i32
        %add3A_102 = arith.addi %add3A_53, %add3A_101 : i32
        %dma_start3A_103 = arith.constant 0 : i32
        %dma_start3A_104 = tpu.memref_slice %arg6[%add3A_102, %dma_start3A_103] : memref<116x88xi32, #tpu.memory_space<vmem>> -> memref<1x88xi32, #tpu.memory_space<vmem>>
        %dma_start3A_105 = tpu.memref_squeeze %dma_start3A_104 : memref<1x88xi32, #tpu.memory_space<vmem>> -> memref<88xi32, #tpu.memory_space<vmem>>
        %dma_start3A_106 = arith.constant 0 : i32
        %dma_start3A_107 = arith.constant 0 : i32
        %dma_start3A_108 = tpu.memref_slice %arg8[%dma_start3A_106, %dma_start3A_107] : memref<10112x128xf32, #tpu.memory_space<vmem_shared>> -> memref<10112x128xf32, #tpu.memory_space<vmem_shared>>
        tpu.enqueue_indirect_dma source(%arg7 : memref<88x128xf32, #tpu.memory_space<vmem>>) target(%dma_start3A_108 : memref<10112x128xf32, #tpu.memory_space<vmem_shared>>) offsets(%dma_start3A_105 : memref<88xi32, #tpu.memory_space<vmem>>) semaphore(%arg10 : memref<!tpu.dma_semaphore, #tpu.memory_space<semaphore_mem>>) {add = true}
      } else {
      }
      %mul3A_67 = arith.constant 4 : i32
      %mul3A_68 = arith.muli %scan3A_36, %mul3A_67 : i32
      %add3A_69 = arith.constant 2 : i32
      %add3A_70 = arith.addi %mul3A_68, %add3A_69 : i32
      %dma_wait3A_71 = arith.constant 0 : i32
      %dma_wait3A_72 = tpu.memref_slice %arg6[%add3A_70, %dma_wait3A_71] : memref<116x88xi32, #tpu.memory_space<vmem>> -> memref<1x88xi32, #tpu.memory_space<vmem>>
      %dma_wait3A_73 = tpu.memref_squeeze %dma_wait3A_72 : memref<1x88xi32, #tpu.memory_space<vmem>> -> memref<88xi32, #tpu.memory_space<vmem>>
      %dma_wait3A_74 = arith.constant 0 : i32
      %dma_wait3A_75 = arith.constant 0 : i32
      %dma_wait3A_76 = tpu.memref_slice %arg8[%dma_wait3A_74, %dma_wait3A_75] : memref<10112x128xf32, #tpu.memory_space<vmem_shared>> -> memref<10112x128xf32, #tpu.memory_space<vmem_shared>>
      tpu.wait_indirect_dma semaphore(%arg11 : memref<!tpu.dma_semaphore, #tpu.memory_space<semaphore_mem>>) src(%arg7 : memref<88x128xf32, #tpu.memory_space<vmem>>) dst(%dma_wait3A_76 : memref<10112x128xf32, #tpu.memory_space<vmem_shared>>)
      %add3A_77 = arith.constant 4 : i32
      %add3A_78 = arith.addi %add3A_70, %add3A_77 : i32
      %lt3A_79 = arith.constant 116 : i32
      %lt3A_80 = arith.cmpi slt, %add3A_78, %lt3A_79 : i32
      %convert_element_type3A_81 = arith.extui %lt3A_80 : i1 to i32
      %cond3A_82 = arith.constant 0 : i32
      %cond3A_83 = arith.cmpi ne, %convert_element_type3A_81, %cond3A_82 : i32
      scf.if %cond3A_83 {
        %add3A_101 = arith.constant 4 : i32
        %add3A_102 = arith.addi %add3A_70, %add3A_101 : i32
        %dma_start3A_103 = arith.constant 0 : i32
        %dma_start3A_104 = tpu.memref_slice %arg6[%add3A_102, %dma_start3A_103] : memref<116x88xi32, #tpu.memory_space<vmem>> -> memref<1x88xi32, #tpu.memory_space<vmem>>
        %dma_start3A_105 = tpu.memref_squeeze %dma_start3A_104 : memref<1x88xi32, #tpu.memory_space<vmem>> -> memref<88xi32, #tpu.memory_space<vmem>>
        %dma_start3A_106 = arith.constant 0 : i32
        %dma_start3A_107 = arith.constant 0 : i32
        %dma_start3A_108 = tpu.memref_slice %arg8[%dma_start3A_106, %dma_start3A_107] : memref<10112x128xf32, #tpu.memory_space<vmem_shared>> -> memref<10112x128xf32, #tpu.memory_space<vmem_shared>>
        tpu.enqueue_indirect_dma source(%arg7 : memref<88x128xf32, #tpu.memory_space<vmem>>) target(%dma_start3A_108 : memref<10112x128xf32, #tpu.memory_space<vmem_shared>>) offsets(%dma_start3A_105 : memref<88xi32, #tpu.memory_space<vmem>>) semaphore(%arg11 : memref<!tpu.dma_semaphore, #tpu.memory_space<semaphore_mem>>) {add = true}
      } else {
      }
      %mul3A_84 = arith.constant 4 : i32
      %mul3A_85 = arith.muli %scan3A_36, %mul3A_84 : i32
      %add3A_86 = arith.constant 3 : i32
      %add3A_87 = arith.addi %mul3A_85, %add3A_86 : i32
      %dma_wait3A_88 = arith.constant 0 : i32
      %dma_wait3A_89 = tpu.memref_slice %arg6[%add3A_87, %dma_wait3A_88] : memref<116x88xi32, #tpu.memory_space<vmem>> -> memref<1x88xi32, #tpu.memory_space<vmem>>
      %dma_wait3A_90 = tpu.memref_squeeze %dma_wait3A_89 : memref<1x88xi32, #tpu.memory_space<vmem>> -> memref<88xi32, #tpu.memory_space<vmem>>
      %dma_wait3A_91 = arith.constant 0 : i32
      %dma_wait3A_92 = arith.constant 0 : i32
      %dma_wait3A_93 = tpu.memref_slice %arg8[%dma_wait3A_91, %dma_wait3A_92] : memref<10112x128xf32, #tpu.memory_space<vmem_shared>> -> memref<10112x128xf32, #tpu.memory_space<vmem_shared>>
      tpu.wait_indirect_dma semaphore(%arg12 : memref<!tpu.dma_semaphore, #tpu.memory_space<semaphore_mem>>) src(%arg7 : memref<88x128xf32, #tpu.memory_space<vmem>>) dst(%dma_wait3A_93 : memref<10112x128xf32, #tpu.memory_space<vmem_shared>>)
      %add3A_94 = arith.constant 4 : i32
      %add3A_95 = arith.addi %add3A_87, %add3A_94 : i32
      %lt3A_96 = arith.constant 116 : i32
      %lt3A_97 = arith.cmpi slt, %add3A_95, %lt3A_96 : i32
      %convert_element_type3A_98 = arith.extui %lt3A_97 : i1 to i32
      %cond3A_99 = arith.constant 0 : i32
      %cond3A_100 = arith.cmpi ne, %convert_element_type3A_98, %cond3A_99 : i32
      scf.if %cond3A_100 {
        %add3A_101 = arith.constant 4 : i32
        %add3A_102 = arith.addi %add3A_87, %add3A_101 : i32
        %dma_start3A_103 = arith.constant 0 : i32
        %dma_start3A_104 = tpu.memref_slice %arg6[%add3A_102, %dma_start3A_103] : memref<116x88xi32, #tpu.memory_space<vmem>> -> memref<1x88xi32, #tpu.memory_space<vmem>>
        %dma_start3A_105 = tpu.memref_squeeze %dma_start3A_104 : memref<1x88xi32, #tpu.memory_space<vmem>> -> memref<88xi32, #tpu.memory_space<vmem>>
        %dma_start3A_106 = arith.constant 0 : i32
        %dma_start3A_107 = arith.constant 0 : i32
        %dma_start3A_108 = tpu.memref_slice %arg8[%dma_start3A_106, %dma_start3A_107] : memref<10112x128xf32, #tpu.memory_space<vmem_shared>> -> memref<10112x128xf32, #tpu.memory_space<vmem_shared>>
        tpu.enqueue_indirect_dma source(%arg7 : memref<88x128xf32, #tpu.memory_space<vmem>>) target(%dma_start3A_108 : memref<10112x128xf32, #tpu.memory_space<vmem_shared>>) offsets(%dma_start3A_105 : memref<88xi32, #tpu.memory_space<vmem>>) semaphore(%arg12 : memref<!tpu.dma_semaphore, #tpu.memory_space<semaphore_mem>>) {add = true}
      } else {
      }
    }
    %scan3A_34 = arith.constant 29 : i32
    %barrier3A_35 = arith.constant 0 : index
    tpu.barrier barrier_id(%barrier3A_35)
    "tpu.region"() ({
      %run_scoped3A = tpu.sem_alloc : memref<!tpu.dma_semaphore, #tpu.memory_space<semaphore_mem>>
      %dma_start3A_36 = arith.constant 0 : i32
      %dma_start3A_37 = tpu.memref_slice %arg5[%arg0, %mul3A_2, %dma_start3A_36] : memref<2x10112x128xf32, #tpu.memory_space<hbm>> -> memref<1x632x128xf32, #tpu.memory_space<hbm>>
      %dma_start3A_38 = tpu.memref_squeeze %dma_start3A_37 : memref<1x632x128xf32, #tpu.memory_space<hbm>> -> memref<632x128xf32, #tpu.memory_space<hbm>>
      %dma_start3A_39 = arith.constant 0 : i32
      %dma_start3A_40 = tpu.memref_slice %arg8[%mul3A_2, %dma_start3A_39] : memref<10112x128xf32, #tpu.memory_space<vmem_shared>> -> memref<632x128xf32, #tpu.memory_space<vmem_shared>>
      tpu.enqueue_dma source(%dma_start3A_40 : memref<632x128xf32, #tpu.memory_space<vmem_shared>>) target(%dma_start3A_38 : memref<632x128xf32, #tpu.memory_space<hbm>>) target_semaphore(%run_scoped3A : memref<!tpu.dma_semaphore, #tpu.memory_space<semaphore_mem>>)
      %dma_wait3A = arith.constant 0 : i32
      %dma_wait3A_41 = tpu.memref_slice %arg5[%arg0, %mul3A_2, %dma_wait3A] : memref<2x10112x128xf32, #tpu.memory_space<hbm>> -> memref<1x632x128xf32, #tpu.memory_space<hbm>>
      %dma_wait3A_42 = tpu.memref_squeeze %dma_wait3A_41 : memref<1x632x128xf32, #tpu.memory_space<hbm>> -> memref<632x128xf32, #tpu.memory_space<hbm>>
      %dma_wait3A_43 = arith.constant 0 : i32
      %dma_wait3A_44 = tpu.memref_slice %arg8[%mul3A_2, %dma_wait3A_43] : memref<10112x128xf32, #tpu.memory_space<vmem_shared>> -> memref<632x128xf32, #tpu.memory_space<vmem_shared>>
      tpu.wait_dma2 semaphore(%run_scoped3A : memref<!tpu.dma_semaphore, #tpu.memory_space<semaphore_mem>>) src(%dma_wait3A_44 : memref<632x128xf32, #tpu.memory_space<vmem_shared>>) dst(%dma_wait3A_42 : memref<632x128xf32, #tpu.memory_space<hbm>>)
      tpu.yield
    }) : () -> ()
    return
  }
}

module attributes {stable_mosaic.version = 14 : i64} {
  func.func @body(%arg0: i32, %arg1: memref<1000x383xf32, #tpu.memory_space<vmem>>, %arg2: memref<383x128xf32, #tpu.memory_space<vmem>>, %arg3: memref<128xf32, #tpu.memory_space<vmem>>, %arg4: memref<1000x128xf32, #tpu.memory_space<vmem>>) attributes {dimension_semantics = [#tpu.dimension_semantics<arbitrary>], iteration_bounds = array<i64: 5>, scalar_prefetch = 0 : i64, scratch_operands = 0 : i64, tpu.core_type = #tpu.core_type<tc>, window_params = [{transform_indices = @transform_0, window_bounds = array<i64: 1000, 383>}, {pipeline_mode = #tpu.pipeline_mode<synchronous>, transform_indices = @transform_1, window_bounds = array<i64: 383, 128>}, {pipeline_mode = #tpu.pipeline_mode<synchronous>, transform_indices = @transform_2, window_bounds = array<i64: 128>}, {transform_indices = @transform_3, window_bounds = array<i64: 1000, 128>}]} {
    %get3A = arith.constant 0 : index
    %get3A_0 = arith.constant 0 : index
    %get3A_1 = vector.load %arg1[%get3A, %get3A_0] : memref<1000x383xf32, #tpu.memory_space<vmem>>, vector<1000x383xf32>
    %get3A_2 = arith.constant 0 : index
    %get3A_3 = arith.constant 0 : index
    %get3A_4 = vector.load %arg2[%get3A_2, %get3A_3] : memref<383x128xf32, #tpu.memory_space<vmem>>, vector<383x128xf32>
    %dot_general3A = arith.constant dense<0.000000e+00> : vector<1000x128xf32>
    %dot_general3A_5 = tpu.matmul %get3A_1, %get3A_4, %dot_general3A {dimension_numbers = #tpu.dot_dimension_numbers<[1], [0], [0], [1], [0, 0, 1, 1], [], []>, transpose_lhs_hint = false} : vector<1000x383xf32>, vector<383x128xf32>, vector<1000x128xf32> -> vector<1000x128xf32>
    %get3A_6 = arith.constant 0 : index
    %get3A_7 = vector.load %arg3[%get3A_6] : memref<128xf32, #tpu.memory_space<vmem>>, vector<128xf32>
    %broadcast_in_dim3A = vector.shape_cast %get3A_7 : vector<128xf32> to vector<1x128xf32>
    %add3A = vector.broadcast %broadcast_in_dim3A : vector<1x128xf32> to vector<1000x128xf32>
    %add3A_8 = arith.addf %dot_general3A_5, %add3A : vector<1000x128xf32>
    %swap3A = arith.constant 0 : index
    %swap3A_9 = arith.constant 0 : index
    %swap3A_10 = vector.load %arg4[%swap3A, %swap3A_9] : memref<1000x128xf32, #tpu.memory_space<vmem>>, vector<1000x128xf32>
    tpu.vector_store %arg4[%swap3A, %swap3A_9], %add3A_8 {strides = array<i32>} : memref<1000x128xf32, #tpu.memory_space<vmem>>, vector<1000x128xf32>,
    return
  }
  func.func @transform_0(%arg0: i32) -> (i32, i32) {
    %c0_i32 = arith.constant 0 : i32
    %c0_i32_0 = arith.constant 0 : i32
    return %arg0, %c0_i32 : i32, i32
  }
  func.func @transform_1(%arg0: i32) -> (i32, i32) {
    %c0_i32 = arith.constant 0 : i32
    %c0_i32_0 = arith.constant 0 : i32
    %c0_i32_1 = arith.constant 0 : i32
    return %c0_i32, %c0_i32_0 : i32, i32
  }
  func.func @transform_2(%arg0: i32) -> i32 {
    %c0_i32 = arith.constant 0 : i32
    %c0_i32_0 = arith.constant 0 : i32
    return %c0_i32 : i32
  }
  func.func @transform_3(%arg0: i32) -> (i32, i32) {
    %c0_i32 = arith.constant 0 : i32
    %c0_i32_0 = arith.constant 0 : i32
    return %arg0, %c0_i32 : i32, i32
  }
}

module attributes {stable_mosaic.version = 14 : i64} {
  func.func @body(%arg0: i32, %arg1: memref<1000x495xf32, #tpu.memory_space<vmem>>, %arg2: memref<495x128xf32, #tpu.memory_space<vmem>>, %arg3: memref<128xf32, #tpu.memory_space<vmem>>, %arg4: memref<1000x128xf32, #tpu.memory_space<vmem>>) attributes {dimension_semantics = [#tpu.dimension_semantics<arbitrary>], iteration_bounds = array<i64: 5>, scalar_prefetch = 0 : i64, scratch_operands = 0 : i64, tpu.core_type = #tpu.core_type<tc>, window_params = [{transform_indices = @transform_0, window_bounds = array<i64: 1000, 495>}, {pipeline_mode = #tpu.pipeline_mode<synchronous>, transform_indices = @transform_1, window_bounds = array<i64: 495, 128>}, {pipeline_mode = #tpu.pipeline_mode<synchronous>, transform_indices = @transform_2, window_bounds = array<i64: 128>}, {transform_indices = @transform_3, window_bounds = array<i64: 1000, 128>}]} {
    %get3A = arith.constant 0 : index
    %get3A_0 = arith.constant 0 : index
    %get3A_1 = vector.load %arg1[%get3A, %get3A_0] : memref<1000x495xf32, #tpu.memory_space<vmem>>, vector<1000x495xf32>
    %get3A_2 = arith.constant 0 : index
    %get3A_3 = arith.constant 0 : index
    %get3A_4 = vector.load %arg2[%get3A_2, %get3A_3] : memref<495x128xf32, #tpu.memory_space<vmem>>, vector<495x128xf32>
    %dot_general3A = arith.constant dense<0.000000e+00> : vector<1000x128xf32>
    %dot_general3A_5 = tpu.matmul %get3A_1, %get3A_4, %dot_general3A {dimension_numbers = #tpu.dot_dimension_numbers<[1], [0], [0], [1], [0, 0, 1, 1], [], []>, transpose_lhs_hint = false} : vector<1000x495xf32>, vector<495x128xf32>, vector<1000x128xf32> -> vector<1000x128xf32>
    %get3A_6 = arith.constant 0 : index
    %get3A_7 = vector.load %arg3[%get3A_6] : memref<128xf32, #tpu.memory_space<vmem>>, vector<128xf32>
    %broadcast_in_dim3A = vector.shape_cast %get3A_7 : vector<128xf32> to vector<1x128xf32>
    %add3A = vector.broadcast %broadcast_in_dim3A : vector<1x128xf32> to vector<1000x128xf32>
    %add3A_8 = arith.addf %dot_general3A_5, %add3A : vector<1000x128xf32>
    %swap3A = arith.constant 0 : index
    %swap3A_9 = arith.constant 0 : index
    %swap3A_10 = vector.load %arg4[%swap3A, %swap3A_9] : memref<1000x128xf32, #tpu.memory_space<vmem>>, vector<1000x128xf32>
    tpu.vector_store %arg4[%swap3A, %swap3A_9], %add3A_8 {strides = array<i32>} : memref<1000x128xf32, #tpu.memory_space<vmem>>, vector<1000x128xf32>,
    return
  }
  func.func @transform_0(%arg0: i32) -> (i32, i32) {
    %c0_i32 = arith.constant 0 : i32
    %c0_i32_0 = arith.constant 0 : i32
    return %arg0, %c0_i32 : i32, i32
  }
  func.func @transform_1(%arg0: i32) -> (i32, i32) {
    %c0_i32 = arith.constant 0 : i32
    %c0_i32_0 = arith.constant 0 : i32
    %c0_i32_1 = arith.constant 0 : i32
    return %c0_i32, %c0_i32_0 : i32, i32
  }
  func.func @transform_2(%arg0: i32) -> i32 {
    %c0_i32 = arith.constant 0 : i32
    %c0_i32_0 = arith.constant 0 : i32
    return %c0_i32 : i32
  }
  func.func @transform_3(%arg0: i32) -> (i32, i32) {
    %c0_i32 = arith.constant 0 : i32
    %c0_i32_0 = arith.constant 0 : i32
    return %arg0, %c0_i32 : i32, i32
  }
}

module attributes {stable_mosaic.version = 14 : i64} {
  func.func @body(%arg0: i32, %arg1: memref<1264x128xf32, #tpu.memory_space<vmem>>, %arg2: memref<2x1264x128xf32, #tpu.memory_space<vmem>>, %arg3: memref<2x1264x1xf32, #tpu.memory_space<vmem>>, %arg4: memref<128x128xf32, #tpu.memory_space<vmem>>, %arg5: memref<128x128xf32, #tpu.memory_space<vmem>>, %arg6: memref<128xf32, #tpu.memory_space<vmem>>, %arg7: memref<1264x128xf32, #tpu.memory_space<vmem>>) attributes {dimension_semantics = [#tpu.dimension_semantics<arbitrary>], iteration_bounds = array<i64: 8>, scalar_prefetch = 0 : i64, scratch_operands = 0 : i64, tpu.core_type = #tpu.core_type<tc>, window_params = [{transform_indices = @transform_0, window_bounds = array<i64: 1264, 128>}, {transform_indices = @transform_1, window_bounds = array<i64: 2, 1264, 128>}, {transform_indices = @transform_2, window_bounds = array<i64: 2, 1264, 1>}, {pipeline_mode = #tpu.pipeline_mode<synchronous>, transform_indices = @transform_3, window_bounds = array<i64: 128, 128>}, {pipeline_mode = #tpu.pipeline_mode<synchronous>, transform_indices = @transform_4, window_bounds = array<i64: 128, 128>}, {pipeline_mode = #tpu.pipeline_mode<synchronous>, transform_indices = @transform_5, window_bounds = array<i64: 128>}, {transform_indices = @transform_6, window_bounds = array<i64: 1264, 128>}]} {
    %get3A = arith.constant 0 : index
    %get3A_0 = arith.constant 0 : index
    %get3A_1 = arith.constant 0 : index
    %get3A_2 = vector.load %arg3[%get3A, %get3A_0, %get3A_1] : memref<2x1264x1xf32, #tpu.memory_space<vmem>>, vector<1x1264x1xf32>
    %get3A_3 = vector.shape_cast %get3A_2 : vector<1x1264x1xf32> to vector<1264x1xf32>
    %get3A_4 = arith.constant 1 : index
    %get3A_5 = arith.constant 0 : index
    %get3A_6 = arith.constant 0 : index
    %get3A_7 = vector.load %arg3[%get3A_4, %get3A_5, %get3A_6] : memref<2x1264x1xf32, #tpu.memory_space<vmem>>, vector<1x1264x1xf32>
    %get3A_8 = vector.shape_cast %get3A_7 : vector<1x1264x1xf32> to vector<1264x1xf32>
    %add3A = arith.addf %get3A_3, %get3A_8 : vector<1264x1xf32>
    %max3A = arith.constant 1.000000e+00 : f32
    %max3A_9 = vector.broadcast %max3A : f32 to vector<1264x1xf32>
    %max3A_10 = arith.maximumf %add3A, %max3A_9 : vector<1264x1xf32>
    %div3A = arith.constant 1.000000e+00 : f32
    %div3A_11 = vector.broadcast %div3A : f32 to vector<1264x1xf32>
    %div3A_12 = arith.divf %div3A_11, %max3A_10 : vector<1264x1xf32>
    %get3A_13 = arith.constant 0 : index
    %get3A_14 = arith.constant 0 : index
    %get3A_15 = arith.constant 0 : index
    %get3A_16 = vector.load %arg2[%get3A_13, %get3A_14, %get3A_15] : memref<2x1264x128xf32, #tpu.memory_space<vmem>>, vector<1x1264x128xf32>
    %get3A_17 = vector.shape_cast %get3A_16 : vector<1x1264x128xf32> to vector<1264x128xf32>
    %get3A_18 = arith.constant 1 : index
    %get3A_19 = arith.constant 0 : index
    %get3A_20 = arith.constant 0 : index
    %get3A_21 = vector.load %arg2[%get3A_18, %get3A_19, %get3A_20] : memref<2x1264x128xf32, #tpu.memory_space<vmem>>, vector<1x1264x128xf32>
    %get3A_22 = vector.shape_cast %get3A_21 : vector<1x1264x128xf32> to vector<1264x128xf32>
    %add3A_23 = arith.addf %get3A_17, %get3A_22 : vector<1264x128xf32>
    %mul3A = vector.broadcast %div3A_12 : vector<1264x1xf32> to vector<1264x128xf32>
    %mul3A_24 = arith.mulf %add3A_23, %mul3A : vector<1264x128xf32>
    %get3A_25 = arith.constant 0 : index
    %get3A_26 = arith.constant 0 : index
    %get3A_27 = vector.load %arg1[%get3A_25, %get3A_26] : memref<1264x128xf32, #tpu.memory_space<vmem>>, vector<1264x128xf32>
    %get3A_28 = arith.constant 0 : index
    %get3A_29 = arith.constant 0 : index
    %get3A_30 = vector.load %arg4[%get3A_28, %get3A_29] : memref<128x128xf32, #tpu.memory_space<vmem>>, vector<128x128xf32>
    %dot_general3A = arith.constant dense<0.000000e+00> : vector<1264x128xf32>
    %dot_general3A_31 = tpu.matmul %get3A_27, %get3A_30, %dot_general3A {dimension_numbers = #tpu.dot_dimension_numbers<[1], [0], [0], [1], [0, 0, 1, 1], [], []>, transpose_lhs_hint = false} : vector<1264x128xf32>, vector<128x128xf32>, vector<1264x128xf32> -> vector<1264x128xf32>
    %get3A_32 = arith.constant 0 : index
    %get3A_33 = arith.constant 0 : index
    %get3A_34 = vector.load %arg5[%get3A_32, %get3A_33] : memref<128x128xf32, #tpu.memory_space<vmem>>, vector<128x128xf32>
    %dot_general3A_35 = arith.constant dense<0.000000e+00> : vector<1264x128xf32>
    %dot_general3A_36 = tpu.matmul %mul3A_24, %get3A_34, %dot_general3A_35 {dimension_numbers = #tpu.dot_dimension_numbers<[1], [0], [0], [1], [0, 0, 1, 1], [], []>, transpose_lhs_hint = false} : vector<1264x128xf32>, vector<128x128xf32>, vector<1264x128xf32> -> vector<1264x128xf32>
    %add3A_37 = arith.addf %dot_general3A_31, %dot_general3A_36 : vector<1264x128xf32>
    %get3A_38 = arith.constant 0 : index
    %get3A_39 = vector.load %arg6[%get3A_38] : memref<128xf32, #tpu.memory_space<vmem>>, vector<128xf32>
    %broadcast_in_dim3A = vector.shape_cast %get3A_39 : vector<128xf32> to vector<1x128xf32>
    %add3A_40 = vector.broadcast %broadcast_in_dim3A : vector<1x128xf32> to vector<1264x128xf32>
    %add3A_41 = arith.addf %add3A_37, %add3A_40 : vector<1264x128xf32>
    %max3A_42 = arith.constant 0.000000e+00 : f32
    %max3A_43 = vector.broadcast %max3A_42 : f32 to vector<1264x128xf32>
    %max3A_44 = arith.maximumf %add3A_41, %max3A_43 : vector<1264x128xf32>
    %swap3A = arith.constant 0 : index
    %swap3A_45 = arith.constant 0 : index
    %swap3A_46 = vector.load %arg7[%swap3A, %swap3A_45] : memref<1264x128xf32, #tpu.memory_space<vmem>>, vector<1264x128xf32>
    tpu.vector_store %arg7[%swap3A, %swap3A_45], %max3A_44 {strides = array<i32>} : memref<1264x128xf32, #tpu.memory_space<vmem>>, vector<1264x128xf32>,
    return
  }
  func.func @transform_0(%arg0: i32) -> (i32, i32) {
    %c0_i32 = arith.constant 0 : i32
    %c0_i32_0 = arith.constant 0 : i32
    return %arg0, %c0_i32 : i32, i32
  }
  func.func @transform_1(%arg0: i32) -> (i32, i32, i32) {
    %c0_i32 = arith.constant 0 : i32
    %c0_i32_0 = arith.constant 0 : i32
    %c0_i32_1 = arith.constant 0 : i32
    return %c0_i32, %arg0, %c0_i32_0 : i32, i32, i32
  }
  func.func @transform_2(%arg0: i32) -> (i32, i32, i32) {
    %c0_i32 = arith.constant 0 : i32
    %c0_i32_0 = arith.constant 0 : i32
    %c0_i32_1 = arith.constant 0 : i32
    return %c0_i32, %arg0, %c0_i32_0 : i32, i32, i32
  }
  func.func @transform_3(%arg0: i32) -> (i32, i32) {
    %c0_i32 = arith.constant 0 : i32
    %c0_i32_0 = arith.constant 0 : i32
    %c0_i32_1 = arith.constant 0 : i32
    return %c0_i32, %c0_i32_0 : i32, i32
  }
  func.func @transform_4(%arg0: i32) -> (i32, i32) {
    %c0_i32 = arith.constant 0 : i32
    %c0_i32_0 = arith.constant 0 : i32
    %c0_i32_1 = arith.constant 0 : i32
    return %c0_i32, %c0_i32_0 : i32, i32
  }
  func.func @transform_5(%arg0: i32) -> i32 {
    %c0_i32 = arith.constant 0 : i32
    %c0_i32_0 = arith.constant 0 : i32
    return %c0_i32 : i32
  }
  func.func @transform_6(%arg0: i32) -> (i32, i32) {
    %c0_i32 = arith.constant 0 : i32
    %c0_i32_0 = arith.constant 0 : i32
    return %arg0, %c0_i32 : i32, i32
  }
}

module attributes {stable_mosaic.version = 14 : i64} {
  func.func @body(%arg0: i32, %arg1: memref<1264x128xf32, #tpu.memory_space<vmem>>, %arg2: memref<2x1264x128xf32, #tpu.memory_space<vmem>>, %arg3: memref<2x1264x1xf32, #tpu.memory_space<vmem>>, %arg4: memref<128x128xf32, #tpu.memory_space<vmem>>, %arg5: memref<128x128xf32, #tpu.memory_space<vmem>>, %arg6: memref<128xf32, #tpu.memory_space<vmem>>, %arg7: memref<1264x128xf32, #tpu.memory_space<vmem>>) attributes {dimension_semantics = [#tpu.dimension_semantics<arbitrary>], iteration_bounds = array<i64: 8>, scalar_prefetch = 0 : i64, scratch_operands = 0 : i64, tpu.core_type = #tpu.core_type<tc>, window_params = [{transform_indices = @transform_0, window_bounds = array<i64: 1264, 128>}, {transform_indices = @transform_1, window_bounds = array<i64: 2, 1264, 128>}, {transform_indices = @transform_2, window_bounds = array<i64: 2, 1264, 1>}, {pipeline_mode = #tpu.pipeline_mode<synchronous>, transform_indices = @transform_3, window_bounds = array<i64: 128, 128>}, {pipeline_mode = #tpu.pipeline_mode<synchronous>, transform_indices = @transform_4, window_bounds = array<i64: 128, 128>}, {pipeline_mode = #tpu.pipeline_mode<synchronous>, transform_indices = @transform_5, window_bounds = array<i64: 128>}, {transform_indices = @transform_6, window_bounds = array<i64: 1264, 128>}]} {
    %get3A = arith.constant 0 : index
    %get3A_0 = arith.constant 0 : index
    %get3A_1 = arith.constant 0 : index
    %get3A_2 = vector.load %arg3[%get3A, %get3A_0, %get3A_1] : memref<2x1264x1xf32, #tpu.memory_space<vmem>>, vector<1x1264x1xf32>
    %get3A_3 = vector.shape_cast %get3A_2 : vector<1x1264x1xf32> to vector<1264x1xf32>
    %get3A_4 = arith.constant 1 : index
    %get3A_5 = arith.constant 0 : index
    %get3A_6 = arith.constant 0 : index
    %get3A_7 = vector.load %arg3[%get3A_4, %get3A_5, %get3A_6] : memref<2x1264x1xf32, #tpu.memory_space<vmem>>, vector<1x1264x1xf32>
    %get3A_8 = vector.shape_cast %get3A_7 : vector<1x1264x1xf32> to vector<1264x1xf32>
    %add3A = arith.addf %get3A_3, %get3A_8 : vector<1264x1xf32>
    %max3A = arith.constant 1.000000e+00 : f32
    %max3A_9 = vector.broadcast %max3A : f32 to vector<1264x1xf32>
    %max3A_10 = arith.maximumf %add3A, %max3A_9 : vector<1264x1xf32>
    %div3A = arith.constant 1.000000e+00 : f32
    %div3A_11 = vector.broadcast %div3A : f32 to vector<1264x1xf32>
    %div3A_12 = arith.divf %div3A_11, %max3A_10 : vector<1264x1xf32>
    %get3A_13 = arith.constant 0 : index
    %get3A_14 = arith.constant 0 : index
    %get3A_15 = arith.constant 0 : index
    %get3A_16 = vector.load %arg2[%get3A_13, %get3A_14, %get3A_15] : memref<2x1264x128xf32, #tpu.memory_space<vmem>>, vector<1x1264x128xf32>
    %get3A_17 = vector.shape_cast %get3A_16 : vector<1x1264x128xf32> to vector<1264x128xf32>
    %get3A_18 = arith.constant 1 : index
    %get3A_19 = arith.constant 0 : index
    %get3A_20 = arith.constant 0 : index
    %get3A_21 = vector.load %arg2[%get3A_18, %get3A_19, %get3A_20] : memref<2x1264x128xf32, #tpu.memory_space<vmem>>, vector<1x1264x128xf32>
    %get3A_22 = vector.shape_cast %get3A_21 : vector<1x1264x128xf32> to vector<1264x128xf32>
    %add3A_23 = arith.addf %get3A_17, %get3A_22 : vector<1264x128xf32>
    %mul3A = vector.broadcast %div3A_12 : vector<1264x1xf32> to vector<1264x128xf32>
    %mul3A_24 = arith.mulf %add3A_23, %mul3A : vector<1264x128xf32>
    %get3A_25 = arith.constant 0 : index
    %get3A_26 = arith.constant 0 : index
    %get3A_27 = vector.load %arg1[%get3A_25, %get3A_26] : memref<1264x128xf32, #tpu.memory_space<vmem>>, vector<1264x128xf32>
    %get3A_28 = arith.constant 0 : index
    %get3A_29 = arith.constant 0 : index
    %get3A_30 = vector.load %arg4[%get3A_28, %get3A_29] : memref<128x128xf32, #tpu.memory_space<vmem>>, vector<128x128xf32>
    %dot_general3A = arith.constant dense<0.000000e+00> : vector<1264x128xf32>
    %dot_general3A_31 = tpu.matmul %get3A_27, %get3A_30, %dot_general3A {dimension_numbers = #tpu.dot_dimension_numbers<[1], [0], [0], [1], [0, 0, 1, 1], [], []>, transpose_lhs_hint = false} : vector<1264x128xf32>, vector<128x128xf32>, vector<1264x128xf32> -> vector<1264x128xf32>
    %get3A_32 = arith.constant 0 : index
    %get3A_33 = arith.constant 0 : index
    %get3A_34 = vector.load %arg5[%get3A_32, %get3A_33] : memref<128x128xf32, #tpu.memory_space<vmem>>, vector<128x128xf32>
    %dot_general3A_35 = arith.constant dense<0.000000e+00> : vector<1264x128xf32>
    %dot_general3A_36 = tpu.matmul %mul3A_24, %get3A_34, %dot_general3A_35 {dimension_numbers = #tpu.dot_dimension_numbers<[1], [0], [0], [1], [0, 0, 1, 1], [], []>, transpose_lhs_hint = false} : vector<1264x128xf32>, vector<128x128xf32>, vector<1264x128xf32> -> vector<1264x128xf32>
    %add3A_37 = arith.addf %dot_general3A_31, %dot_general3A_36 : vector<1264x128xf32>
    %get3A_38 = arith.constant 0 : index
    %get3A_39 = vector.load %arg6[%get3A_38] : memref<128xf32, #tpu.memory_space<vmem>>, vector<128xf32>
    %broadcast_in_dim3A = vector.shape_cast %get3A_39 : vector<128xf32> to vector<1x128xf32>
    %add3A_40 = vector.broadcast %broadcast_in_dim3A : vector<1x128xf32> to vector<1264x128xf32>
    %add3A_41 = arith.addf %add3A_37, %add3A_40 : vector<1264x128xf32>
    %swap3A = arith.constant 0 : index
    %swap3A_42 = arith.constant 0 : index
    %swap3A_43 = vector.load %arg7[%swap3A, %swap3A_42] : memref<1264x128xf32, #tpu.memory_space<vmem>>, vector<1264x128xf32>
    tpu.vector_store %arg7[%swap3A, %swap3A_42], %add3A_41 {strides = array<i32>} : memref<1264x128xf32, #tpu.memory_space<vmem>>, vector<1264x128xf32>,
    return
  }
  func.func @transform_0(%arg0: i32) -> (i32, i32) {
    %c0_i32 = arith.constant 0 : i32
    %c0_i32_0 = arith.constant 0 : i32
    return %arg0, %c0_i32 : i32, i32
  }
  func.func @transform_1(%arg0: i32) -> (i32, i32, i32) {
    %c0_i32 = arith.constant 0 : i32
    %c0_i32_0 = arith.constant 0 : i32
    %c0_i32_1 = arith.constant 0 : i32
    return %c0_i32, %arg0, %c0_i32_0 : i32, i32, i32
  }
  func.func @transform_2(%arg0: i32) -> (i32, i32, i32) {
    %c0_i32 = arith.constant 0 : i32
    %c0_i32_0 = arith.constant 0 : i32
    %c0_i32_1 = arith.constant 0 : i32
    return %c0_i32, %arg0, %c0_i32_0 : i32, i32, i32
  }
  func.func @transform_3(%arg0: i32) -> (i32, i32) {
    %c0_i32 = arith.constant 0 : i32
    %c0_i32_0 = arith.constant 0 : i32
    %c0_i32_1 = arith.constant 0 : i32
    return %c0_i32, %c0_i32_0 : i32, i32
  }
  func.func @transform_4(%arg0: i32) -> (i32, i32) {
    %c0_i32 = arith.constant 0 : i32
    %c0_i32_0 = arith.constant 0 : i32
    %c0_i32_1 = arith.constant 0 : i32
    return %c0_i32, %c0_i32_0 : i32, i32
  }
  func.func @transform_5(%arg0: i32) -> i32 {
    %c0_i32 = arith.constant 0 : i32
    %c0_i32_0 = arith.constant 0 : i32
    return %c0_i32 : i32
  }
  func.func @transform_6(%arg0: i32) -> (i32, i32) {
    %c0_i32 = arith.constant 0 : i32
    %c0_i32_0 = arith.constant 0 : i32
    return %arg0, %c0_i32 : i32, i32
  }
}

</mosaic_0001>

<sc_bundles>
// kernel: kernel.12.cloned.1.call-start
scs
__scs_entry_jumppad:
0x0: {  	(pc) =	sbr.rel $0x88, $3  }
0x1: {  	(tag) =	ssettag $0x0;
	lr =	simm.s32 $0x1  }
0x2: {  	[smem:$0x3F94] =	sst lr;
	_ =	strace $0xD0000000  }
0x3: {  	_ = 	snop  }
0x4: {  	_ = 	snop  }
0x5: {  	_ = 	snop  }
0x6: {  	_ = 	snop  }
0x7: {  	_ = 	snop  }
__scs_overlays_trampoline_lowered:
0x8: {  	[smem:$0x3FA3] =	sst s0  }
0x9: {  	[smem:$0x3FA4] =	sst s1  }
0xa: {  	[smem:$0x3FA5] =	sst s2  }
0xb: {  	[smem:$0x3FA6] =	sst s3  }
0xc: {  	[smem:$0x3FA7] =	sst s4  }
0xd: {  	[smem:$0x3FA8] =	sst s5  }
0xe: {  	[smem:$0x3FA9] =	sst s6  }
0xf: {  	[smem:$0x3FAA] =	sst s7  }
0x10: {  	[smem:$0x3FAB] =	sst s8  }
0x11: {  	[smem:$0x3FAC] =	sst s9;
	s0 =	simm.s32 @!p0 $0x0  }
0x12: {  	s1 =	sld [smem:$0x3F92];
	s0 =	simm.s32 @p0 $0x1  }
0x13: {  	[smem:$0x3FAD] =	sst s0;
	s0 =	simm.s32 @!p1 $0x0  }
0x14: {  	s2 =	sld [smem:$0x3F91];
	s0 =	simm.s32 @p1 $0x1  }
0x15: {  	[smem:$0x3FAE] =	sst s0;
	s0 =	simm.s32 @!p2 $0x0  }
0x16: {  	s3 =	sld [smem:$0x3FDB];
	s0 =	simm.s32 @p2 $0x1  }
0x17: {  	s4 =	simm.s32 $0x1BF5;
	[smem:$0x3FB0] =	sst s0  }
0x18: {  	s0 =	sld [smem:$0x3F93];
	_ =	swait.ge [sflag:s4], $0x0  }
0x19: {  	s7 =	sld [smem:$0x3F94]  }
0x1a: {  	s8 =	sadd.s32 $0xFFFFE003, lr  }
0x1b: {  	s9 =	sadd.s32 $0xFFFFFEF7, lr;
	s5 =	simm.s32 $0xFFFFFFFF;
	p2 =	slt.u32 s8, $0xFFFFF086  }
0x1c: {  	p1 =	slt.u32 s9, $0xF7A;
	s5 =	simm.s32 @!p2 $0x0  }
0x1d: {  	s5 =	simm.s32 @p1 $0x1;
	p0 =	seq.s32 s7, s2  }
0x1e: {  	s7 =	smul.u32 @!p0 $0xF7A, s2;
	p2 =	seq.s32 @!p0 s5, $0x0  }
0x1f: {  	s9 =	smul.u32 $0xF7A, s1;
	s8 =	simm.s32 @!p0 $0x1BF5;
	p2 =	por !p2, p0  }
0x20: {  	[sflag:s8] =	ssyncset.s32 @!p0 $0xFFFFF086;
	s6 =	sadd.s32 @!p0 s3, s7;
	s7 =	simm.s32 @!p0 $0x108  }
0x21: {  	s3 =	sadd.s32 s3, s9;
	s6 =	sadd.s32 @!p0 $0x88, s6;
	s7 =	simm.s32 @p2 $0x1082  }
0x22: {  	[simem:s7], [sflag:s8] =	dma.local @!p0 [hbm:s6], $0xF7A  }
0x23: {  	s9 =	sor.u32 $0xD0000000, s2;
	s6 =	simm.s32 $0x108;
	_ =	swait.ge @!p0 [sflag:s8], $0x0  }
0x24: {  	s3 =	sadd.s32 $0x88, s3;
	s6 =	simm.s32 @!p1 $0x1082;
	[sflag:s4] =	ssyncset.s32 $0xFFFFF086  }
0x25: {  	[simem:s6], [sflag:s4] =	dma.local [hbm:s3], $0xF7A  }
0x26: {  	[smem:$0x3F94] =	sst s1;
	(tag) =	ssettag s2;
	_ =	strace s9  }
0x27: {  	s1 =	sld [smem:$0x3FA4]  }
0x28: {  	s2 =	sld [smem:$0x3FA5]  }
0x29: {  	s4 =	sld [smem:$0x3FA7]  }
0x2a: {  	p0 =	seq.s32 s5, $0x0;
	s5 =	sld [smem:$0x3FA8]  }
0x2b: {  	s6 =	sld [smem:$0x3FA9]  }
0x2c: {  	s7 =	sld [smem:$0x3FAA]  }
0x2d: {  	s3 =	simm.s32 $0x108;
	s8 =	sld [smem:$0x3FAB]  }
0x2e: {  	s3 =	simm.s32 @!p0 $0x1082;
	s9 =	sld [smem:$0x3FAC]  }
0x2f: {  	lr =	sadd.s32 s0, s3;
	s0 =	sld [smem:$0x3FA3]  }
0x30: {  	s3 =	sld [smem:$0x3FA6]  }
0x31: {  	[smem:$0x3FAF] =	sst s10  }
0x32: {  	s10 =	sld [smem:$0x3FAD];
	_ =	sdelay $0x3  }
0x33: {  	p0 =	seq.s32 s10, $0x1;
	s10 =	sld [smem:$0x3FAF];
	_ =	sdelay $0x3  }
0x34: {  	[smem:$0x3FAF] =	sst s10  }
0x35: {  	s10 =	sld [smem:$0x3FAE];
	_ =	sdelay $0x3  }
0x36: {  	p1 =	seq.s32 s10, $0x1;
	s10 =	sld [smem:$0x3FAF];
	_ =	sdelay $0x3  }
0x37: {  	[smem:$0x3FAF] =	sst s10  }
0x38: {  	s10 =	sld [smem:$0x3FB0]  }
0x39: {  	_ = 	snop;
	(pc) =	sbr.ind lr, $3  }
0x3a: {  	_ = 	snop  }
0x3b: {  	_ = 	snop  }
0x3c: {  	p2 =	seq.s32 s10, $0x1;
	s10 =	sld [smem:$0x3FAF]  }
0x3d: {  	_ =	shalt  }
0x3e: {  	_ =	shalt  }
0x3f: {  	_ =	shalt  }
0x40: {  	_ =	shalt  }
0x41: {  	_ =	shalt  }
0x42: {  	_ =	shalt  }
0x43: {  	_ =	shalt  }
0x44: {  	_ =	shalt  }
0x45: {  	_ =	shalt  }
0x46: {  	_ =	shalt  }
0x47: {  	_ =	shalt  }
0x48: {  	_ =	shalt  }
0x49: {  	_ =	shalt  }
0x4a: {  	_ =	shalt  }
0x4b: {  	_ =	shalt  }
0x4c: {  	_ =	shalt  }
0x4d: {  	_ =	shalt  }
0x4e: {  	_ =	shalt  }
0x4f: {  	_ =	shalt  }
0x50: {  	_ =	shalt  }
0x51: {  	_ =	shalt  }
0x52: {  	_ =	shalt  }
0x53: {  	_ =	shalt  }
0x54: {  	_ =	shalt  }
0x55: {  	_ =	shalt  }
0x56: {  	_ =	shalt  }
0x57: {  	_ =	shalt  }
0x58: {  	_ =	shalt  }
0x59: {  	_ =	shalt  }
0x5a: {  	_ =	shalt  }
0x5b: {  	_ =	shalt  }
0x5c: {  	_ =	shalt  }
0x5d: {  	_ =	shalt  }
0x5e: {  	_ =	shalt  }
0x5f: {  	_ =	shalt  }
0x60: {  	_ =	shalt  }
0x61: {  	_ =	shalt  }
0x62: {  	_ =	shalt  }
0x63: {  	_ =	shalt  }
0x64: {  	_ =	shalt  }
0x65: {  	_ =	shalt  }
0x66: {  	_ =	shalt  }
0x67: {  	_ =	shalt  }
0x68: {  	_ =	shalt  }
0x69: {  	_ =	shalt  }
0x6a: {  	_ =	shalt  }
0x6b: {  	_ =	shalt  }
0x6c: {  	_ =	shalt  }
0x6d: {  	_ =	shalt  }
0x6e: {  	_ =	shalt  }
0x6f: {  	_ =	shalt  }
0x70: {  	_ =	shalt  }
0x71: {  	_ =	shalt  }
0x72: {  	_ =	shalt  }
0x73: {  	_ =	shalt  }
0x74: {  	_ =	shalt  }
0x75: {  	_ =	shalt  }
0x76: {  	_ =	shalt  }
0x77: {  	_ =	shalt  }
0x78: {  	_ =	shalt  }
0x79: {  	_ =	shalt  }
0x7a: {  	_ =	shalt  }
0x7b: {  	_ =	shalt  }
0x7c: {  	_ =	shalt  }
0x7d: {  	_ =	shalt  }
0x7e: {  	_ =	shalt  }
0x7f: {  	_ =	shalt  }
0x80: {  	_ =	shalt  }
0x81: {  	_ =	shalt  }
0x82: {  	_ =	shalt  }
0x83: {  	_ =	shalt  }
0x84: {  	_ =	shalt  }
0x85: {  	_ =	shalt  }
0x86: {  	_ =	shalt  }
0x87: {  	_ =	shalt  }
.Lfunc_end0:
.L_simem_size_0:
called_computation.1_lowered:
.L_overlay_start_0:
0x88: {  	s2 =	sld [smem:$0x3FD9]  }
0x89: {  	s3 =	sld [smem:$0x3FFE];
	_ =	sdelay $0x1  }
0x8a: {  	s1 =	srdreg.scid  }
0x8b: {  	s0 =	sand.u32 $0x1, s1  }
0x8c: {  	s16 =	sshll.u32 s0, $0xA;
	s2 =	sadd.s32 s3, s2  }
0x8d: {  	s2 =	sadd.s32 s2, s16  }
0x8e: {  	[smem:$0x3FBB] =	sst s2  }
0x8f: {  	_ = 	snop  }
0x90: {  	(tm) =	ssettm $0x1  }
0x91: {  	s17 =	sld [smem:$0x3FFB];
	_ =	sdelay $0x3  }
0x92: {  	_ =	strace s17  }
0x93: {  	s2 =	sld [smem:$0x3FFC];
	_ =	sdelay $0x3  }
0x94: {  	_ =	strace s2  }
0x95: {  	s2 =	sld [smem:$0x3FFD];
	_ =	sdelay $0x3  }
0x96: {  	_ =	strace s2  }
0x97: {  	_ =	strace $0x8FFFFFFF  }
0x98: {  	s18 =	sld [smem:$0x3FDB];
	_ =	sdelay $0x1  }
0x99: {  	s19 =	simm.s32 $_scs_section_size  }
0x9a: {  	s4 =	simm.s32 $_size__tile_overlayer_lowered;
	s5 =	simm.s32 $_tile_overlayer_lowered  }
0x9b: {  	s22 =	simm.s32 $0x1BFF;
	s21 =	sshll.u32 s5, $0x1;
	s2 =	sadd.s32 s19, s18  }
0x9c: {  	s6 =	simm.s32 $0x0;
	s20 =	sshll.u32 s4, $0x1;
	s4 =	sadd.s32 s21, s2  }
0x9d: {  	[timem:s6], [sflag:s22] =	dma.local [hbm:s4], s20  }
0x9e: {  	_ =	swait.ge [sflag:s22], s20  }
0x9f: {  	s3 =	ssub.s32 $0x0, s20;
	[sflag:s22] =	ssyncset.done $0x0  }
0xa0: {  	[sflag:s22] =	ssyncadd.s32 s3;
	_ =	sdelay $0x1  }
0xa1: {  	s23 =	simm.s32 $0x1B8B  }
0xa2: {  	_ =	swait.ge [sflag:s23], $0x1  }
0xa3: {  	[sflag:s23] =	ssyncset.done $0x0  }
0xa4: {  	s25 =	simm.s32 $0x1B8E;
	s24 =	sld [smem:$0x3FFE];
	[sflag:s23] =	ssyncadd.s32 $0xFFFFFFFF  }
0xa5: {  	s26 =	simm.s32 $execute0_lowered;
	[smem:$0x3FD2] =	sst s25  }
0xa6: {  	s4 =	sshll.u32 s26, $0x1;
	_ =	strace $0x80000046;
	[dreg:$0x1] =	wrdreg $0xFFFFFFFF  }
0xa7: {  	s28 =	simm.s32 $_size_execute0_lowered;
	s2 =	sadd.s32 s2, s4;
	[dreg:$0x0] =	wrdreg $0x0  }
0xa8: {  	s4 =	sshll.u32 s28, $0x1;
	[dreg:$0x2] =	wrdreg s2  }
0xa9: {  	[dreg:$0x3] =	wrdreg s4  }
0xaa: {  	[dreg:$0x4] =	wrdreg $0xC0  }
0xab: {  	_ =	task [dreg:s6], $0x5FFFF  }
0xac: {  	[dreg:$0x1] =	wrdreg $0xFFFFFFFF  }
0xad: {  	[dreg:$0x0] =	wrdreg $0x60  }
0xae: {  	[dreg:$0x2] =	wrdreg s24  }
0xaf: {  	[dreg:$0x3] =	wrdreg $0x5A000  }
0xb0: {  	[dreg:$0x4] =	wrdreg $0xA  }
0xb1: {  	_ =	task.clear_ibuf [dreg:s6], $0x5FFFF;
	_ =	strace $0x90000046  }
0xb2: {  	s29 =	simm.s32 $0xA;
	_ =	strace $0x80000048  }
0xb3: {  	_ =	swait.ge [sflag:s29], $0x1  }
0xb4: {  	[sflag:s29] =	ssyncadd.s32 $0xFFFFFFFF  }
0xb5: {  	_ =	strace $0x90000048  }
0xb6: {  	_ =	sfence  }
0xb7: {  	s30 =	sld [smem:$0x0];
	_ =	sdelay $0x2  }
0xb8: {  	s31 =	sshll.u32 s1, $0xD;
	s1 =	sshrl.u32 s1, $0x2  }
0xb9: {  	s3 =	sand.u32 $0x4000, s31;
	s1 =	sadd.s32 s1, s30  }
0xba: {  	s0 =	sor.u32 s3, s0;
	s1 =	sshll.u32 s1, $0x11  }
0xbb: {  	s0 =	sor.u32 s1, s0  }
0xbc: {  	s0 =	sadd.s32 $0x8F2B, s0  }
0xbd: {  	[sflag:s0] =	ssyncadd.remote.s32 $0x1  }
0xbe: {  	_ =	sfence.sel $0xFFFF  }
0xbf: {  	[dreg:$0x0] =	wrdreg $0xFFFFFFFF;
	(pc) =	sbr.abs _section_cstart, $3  }
0xc0: {  	[dreg:$0x1] =	wrdreg $0xFFFFFFFF  }
0xc1: {  	_ =	task.clear_ibuf [dreg:s6], $0x2FFFF;
	_ =	strace $0x9FFFFFFF  }
0xc2: {  	(tm) =	ssettm $0x7FFFFFFF  }
0xc3: {  	_ =	shalt  }
tec
execute0_lowered:
.L_overlay_start_1:
0x0: {  	(tag) =	ssettag $0x1  }
0x1: {  	s0 =	rddreg [dreg:$0x0]  }
0x2: {  	s2 =	rddreg [dreg:$0x1]  }
0x3: {  	s13 =	simm.s32 $0x0;
	s3 =	stileid.u32;
	s1 =	srdreg.scid  }
0x4: {  	[smem:$0x7FF] =	sst s13;
	s7 =	smul.u32 $0x13C00, s3;
	s1 =	sand.u32 $0x1, s1  }
0x5: {  	s4 =	sadd.s32 $0x53E00, s0;
	s5 =	sadd.s32 $0x3E00, s0;
	s6 =	sadd.s32 $0x2BE00, s0  }
0x6: {  	s17 =	sshll.u32 s3, $0x1;
	s11 =	smul.u32 $0x4F000, s3;
	s20 =	sshll.u32 s3, $0x6  }
0x7: {  	_ =	strace $0x80000047;
	s8 =	smul.u32 $0x13C000, s1;
	s10 =	ssub.s32 $0x2, s1  }
0x8: {  	s1 =	sor.u32 s1, s17;
	s3 =	sor.u32 $0x1C10, s20;
	s9 =	sshrl.u32 s7, $0x3  }
0x9: {  	s12 =	sshrl.u32 s10, $0x1;
	s19 =	sshrl.u32 s11, $0x2;
	[dreg:$0x5] =	wrdreg s3  }
0xa: {  	s9 =	sadd.s32 s9, s0;
	s7 =	sadd.s32 s7, s8;
	s8 =	sadd.s32 s19, s2  }
0xb: {  	s18 =	sshrl.u32 s7, $0x3;
	s7 =	smul.u32 $0xA000, s1;
	s1 =	ssub.s32 s10, s12  }
0xc: {  	[dreg:$0x3] =	wrdreg s8;
	s21 =	sadd.s32 $0x7B600, s9;
	s0 =	sadd.s32 s18, s0  }
0xd: {  	[dreg:$0x4] =	wrdreg s21;
	s10 =	sshrl.u32 s7, $0x3;
	s0 =	sadd.s32 $0xA2E00, s0  }
0xe: {  	s29 =	simm.s32 $0x20;
	s20 =	sadd.s32 s5, s10;
	[dreg:$0x1a] =	wrdreg s0  }
0xf: {  	s22 =	sor.u32 $0x50, s10;
	s21 =	sadd.s32 s6, s10;
	[dreg:$0x14] =	wrdreg s20  }
0x10: {  	s30 =	simm.s32 $0x1000;
	s23 =	sadd.s32 s5, s22;
	[dreg:$0x15] =	wrdreg s21  }
0x11: {  	s24 =	sor.u32 $0x10, s10;
	s8 =	sadd.s32 s6, s22;
	[dreg:$0x6] =	wrdreg s23  }
0x12: {  	s26 =	sor.u32 $0x60, s10;
	s25 =	sadd.s32 s5, s24;
	[dreg:$0x7] =	wrdreg s8  }
0x13: {  	s11 =	sor.u32 $0x20, s10;
	s28 =	sadd.s32 s5, s26;
	[dreg:$0x8] =	wrdreg s25  }
0x14: {  	s14 =	sor.u32 $0x70, s10;
	s12 =	sadd.s32 s5, s11;
	[dreg:$0xa] =	wrdreg s28  }
0x15: {  	s16 =	sor.u32 $0x30, s10;
	s15 =	sadd.s32 s5, s14;
	[dreg:$0xc] =	wrdreg s12  }
0x16: {  	s18 =	sor.u32 $0x80, s10;
	s17 =	sadd.s32 s5, s16;
	[dreg:$0xe] =	wrdreg s15  }
0x17: {  	s31 =	simm.s32 $0x4000;
	s19 =	sadd.s32 s5, s18;
	[dreg:$0x10] =	wrdreg s17  }
0x18: {  	s22 =	sor.u32 $0x40, s10;
	s8 =	sadd.s32 s6, s24;
	[dreg:$0x12] =	wrdreg s19  }
0x19: {  	s21 =	simm.s32 $0x0;
	s24 =	sadd.s32 s5, s22;
	[dreg:$0x9] =	wrdreg s8  }
0x1a: {  	s23 =	sor.u32 $0x90, s10;
	s28 =	smax.u32 s1, $0x1;
	[dreg:$0x16] =	wrdreg s24  }
0x1b: {  	s15 =	simm.s32 $0xD;
	s8 =	sadd.s32 s6, s26;
	[dreg:$0x1b] =	wrdreg s28  }
0x1c: {  	s1 =	simm.s32 $0x0;
	s25 =	sadd.s32 s5, s23;
	[dreg:$0xb] =	wrdreg s8  }
0x1d: {  	s12 =	simm.s32 $0x3;
	s26 =	sadd.s32 s6, s23;
	[dreg:$0x18] =	wrdreg s25  }
0x1e: {  	s8 =	sadd.s32 s6, s11;
	[dreg:$0x19] =	wrdreg s26;
	s25 =	simm.s32 $0x2000  }
.Ltmp0:
0x1f: {  	[dreg:$0xd] =	wrdreg s8;
	s8 =	sadd.s32 s6, s14;
	(pc) =	sbr.rel .LBB2_1-.Ltmp0, $4  }
0x20: {  	s11 =	simm.s32 $0x3000;
	[dreg:$0xf] =	wrdreg s8;
	s8 =	sadd.s32 s6, s16  }
0x21: {  	s16 =	simm.s32 $0x5;
	[dreg:$0x11] =	wrdreg s8;
	s8 =	sadd.s32 s6, s18  }
0x22: {  	s18 =	simm.s32 $0xF;
	[dreg:$0x13] =	wrdreg s8;
	s8 =	sadd.s32 s6, s22  }
0x23: {  	s22 =	simm.s32 $0x5980;
	[dreg:$0x17] =	wrdreg s8;
	s8 =	simm.s32 $0x10  }
.LBB2_4:
0x24: {  	[bflag:$0x0] =	sbarrier.arrive $0xFFFF  }
0x25: {  	s3 =	rddreg [dreg:$0x5]  }
0x26: {  	s0 =	rddreg [dreg:$0x1a]  }
0x27: {  	s1 =	rddreg [dreg:$0x1d]  }
0x28: {  	[hbm:s0], [sflag:s3] =	dma.local [spmem:s1], $0x2780  }
0x29: {  	_ =	swait.ge [sflag:s8], $0x2780  }
0x2a: {  	s26 =	rddreg [dreg:$0x1c]  }
0x2b: {  	s28 =	rddreg [dreg:$0x1b];
	s1 =	sadd.s32 $0x1, s26  }
0x2c: {  	p0 =	sne.s32 s1, s28  }
.Ltmp1:
0x2d: {  	_ = 	snop;
	(pc) =	sbr.rel @!p0 .LBB2_5-.Ltmp1, $3  }
0x2e: {  	_ =	sdelay $0x1  }
0x2f: {  	[sflag:s8] =	ssyncset.done $0x0  }
0x30: {  	s13 =	simm.s32 $0x0;
	[sflag:s8] =	ssyncadd.s32 $0xFFFFD880  }
.LBB2_1:
0x31: {  	[dreg:$0x1c] =	wrdreg s1  }
0x32: {  	s0 =	rddreg [dreg:$0x3]  }
0x33: {  	s10 =	rddreg [dreg:$0x4];
	s9 =	sshrl.u32 s0, $0x3  }
0x34: {  	[dreg:$0x1d] =	wrdreg s9  }
0x35: {  	[spmem:s9], [sflag:s3] =	dma.local [hbm:s10], $0x2780  }
0x36: {  	_ =	swait.ge [sflag:s8], $0x2780  }
0x37: {  	[sflag:s8] =	ssyncset.done $0x0  }
0x38: {  	s3 =	simm.s32 $0x5000;
	s14 =	rddreg [dreg:$0x14];
	[sflag:s8] =	ssyncadd.s32 $0xFFFFD880  }
0x39: {  	[tilespmem:s3], [sflag:$0x6] =	stream.linear.gather [hbm4b:s14+s13], $0x80, $0x38;
	[tilespmem:$0x19600] =	vst v63  }
0x3a: {  	s10 =	simm.s32 $0x5500;
	s17 =	rddreg [dreg:$0x15]  }
0x3b: {  	[tilespmem:s10], [sflag:$0x6] =	stream.linear.gather [hbm4b:s17+s13], $0x80, $0x38;
	[tilespmem:$0x19600] =	vst v63  }
0x3c: {  	s20 =	simm.s32 $0x5080;
	s19 =	rddreg [dreg:$0x6]  }
0x3d: {  	[tilespmem:s20], [sflag:$0x7] =	stream.linear.gather [hbm4b:s19+s13], $0x80, $0x38;
	[tilespmem:$0x19600] =	vst v63  }
0x3e: {  	s24 =	simm.s32 $0x5580;
	s23 =	rddreg [dreg:$0x7]  }
0x3f: {  	[tilespmem:s24], [sflag:$0x7] =	stream.linear.gather [hbm4b:s23+s13], $0x80, $0x38;
	[tilespmem:$0x19600] =	vst v63  }
0x40: {  	s26 =	rddreg [dreg:$0x8];
	s10 =	simm.s32 $0x5100  }
0x41: {  	[tilespmem:s10], [sflag:$0x8] =	stream.linear.gather [hbm4b:s26+s13], $0x80, $0x38;
	[tilespmem:$0x19600] =	vst v63  }
0x42: {  	s28 =	rddreg [dreg:$0x9];
	s14 =	simm.s32 $0x5600  }
0x43: {  	[tilespmem:s14], [sflag:$0x8] =	stream.linear.gather [hbm4b:s28+s13], $0x80, $0x38;
	[tilespmem:$0x19600] =	vst v63  }
0x44: {  	s9 =	simm.s32 $0x5180;
	s1 =	rddreg [dreg:$0xa]  }
0x45: {  	[tilespmem:s9], [sflag:$0x9] =	stream.linear.gather [hbm4b:s1+s13], $0x80, $0x38;
	[tilespmem:$0x19600] =	vst v63  }
0x46: {  	s17 =	simm.s32 $0x5680;
	s14 =	rddreg [dreg:$0xb]  }
0x47: {  	[tilespmem:s17], [sflag:$0x9] =	stream.linear.gather [hbm4b:s14+s13], $0x80, $0x38;
	[tilespmem:$0x19600] =	vst v63  }
0x48: {  	s19 =	rddreg [dreg:$0xc];
	s14 =	simm.s32 $0x5200  }
0x49: {  	[tilespmem:s14], [sflag:$0xA] =	stream.linear.gather [hbm4b:s19+s13], $0x80, $0x38;
	[tilespmem:$0x19600] =	vst v63  }
0x4a: {  	s20 =	rddreg [dreg:$0xd];
	s17 =	simm.s32 $0x5700  }
0x4b: {  	[tilespmem:s17], [sflag:$0xA] =	stream.linear.gather [hbm4b:s20+s13], $0x80, $0x38;
	[tilespmem:$0x19600] =	vst v63  }
0x4c: {  	s23 =	rddreg [dreg:$0xe];
	s24 =	simm.s32 $0x5280  }
0x4d: {  	[tilespmem:s24], [sflag:$0xB] =	stream.linear.gather [hbm4b:s23+s13], $0x80, $0x38;
	[tilespmem:$0x19600] =	vst v63  }
0x4e: {  	s26 =	rddreg [dreg:$0xf];
	s28 =	simm.s32 $0x5780  }
0x4f: {  	[tilespmem:s28], [sflag:$0xB] =	stream.linear.gather [hbm4b:s26+s13], $0x80, $0x38;
	[tilespmem:$0x19600] =	vst v63  }
0x50: {  	s1 =	rddreg [dreg:$0x10];
	s17 =	simm.s32 $0x5300  }
0x51: {  	[tilespmem:s17], [sflag:$0xC] =	stream.linear.gather [hbm4b:s1+s13], $0x80, $0x38;
	[tilespmem:$0x19600] =	vst v63  }
0x52: {  	s9 =	rddreg [dreg:$0x11];
	s19 =	simm.s32 $0x5800  }
0x53: {  	[tilespmem:s19], [sflag:$0xC] =	stream.linear.gather [hbm4b:s9+s13], $0x80, $0x38;
	[tilespmem:$0x19600] =	vst v63  }
0x54: {  	s20 =	simm.s32 $0x5380;
	s19 =	rddreg [dreg:$0x12]  }
0x55: {  	[tilespmem:s20], [sflag:$0xD] =	stream.linear.gather [hbm4b:s19+s13], $0x80, $0x38;
	[tilespmem:$0x19600] =	vst v63  }
0x56: {  	s23 =	rddreg [dreg:$0x13];
	s24 =	simm.s32 $0x5880  }
0x57: {  	[tilespmem:s24], [sflag:$0xD] =	stream.linear.gather [hbm4b:s23+s13], $0x80, $0x38;
	[tilespmem:$0x19600] =	vst v63  }
0x58: {  	s26 =	rddreg [dreg:$0x16];
	s19 =	simm.s32 $0x5400  }
0x59: {  	[tilespmem:s19], [sflag:$0xE] =	stream.linear.gather [hbm4b:s26+s13], $0x80, $0x38;
	[tilespmem:$0x19600] =	vst v63  }
0x5a: {  	s28 =	rddreg [dreg:$0x17];
	s20 =	simm.s32 $0x5900  }
0x5b: {  	[tilespmem:s20], [sflag:$0xE] =	stream.linear.gather [hbm4b:s28+s13], $0x80, $0x38;
	[tilespmem:$0x19600] =	vst v63  }
0x5c: {  	s1 =	rddreg [dreg:$0x18];
	s9 =	simm.s32 $0x5480  }
0x5d: {  	[tilespmem:s9], [sflag:$0xF] =	stream.linear.gather [hbm4b:s1+s13], $0x80, $0x38;
	[tilespmem:$0x19600] =	vst v63  }
0x5e: {  	s23 =	simm.s32 $0x6;
	s20 =	rddreg [dreg:$0x19]  }
0x5f: {  	[tilespmem:s22], [sflag:$0xF] =	stream.linear.gather [hbm4b:s20+s13], $0x80, $0x38;
	[tilespmem:$0x19600] =	vst v63  }
0x60: {  	_ =	swait.ge [sflag:s23], $0x80  }
0x61: {  	[sflag:s23] =	ssyncset.done $0x0  }
0x62: {  	[sflag:s23] =	ssyncadd.s32 $0xFFFFFF80  }
0x63: {  	_ =	swait.ge [sflag:s23], $0x80  }
0x64: {  	[sflag:s23] =	ssyncset.done $0x0  }
0x65: {  	s24 =	simm.s32 $0x8;
	[sflag:s23] =	ssyncadd.s32 $0xFFFFFF80  }
0x66: {  	[tilespmem:s13], [sflag:$0x1] =	stream.indirect.gather [hbm4b:s4+s29], $0x80, s3, s29, $0xb8;
	[tilespmem:$0x19600] =	vst v63  }
0x67: {  	_ =	swait.ge [sflag:s24], $0x80  }
0x68: {  	[sflag:s24] =	ssyncset.done $0x0  }
0x69: {  	[sflag:s24] =	ssyncadd.s32 $0xFFFFFF80  }
0x6a: {  	_ =	swait.ge [sflag:s24], $0x80  }
0x6b: {  	[sflag:s24] =	ssyncset.done $0x0  }
0x6c: {  	s26 =	simm.s32 $0xA;
	[sflag:s24] =	ssyncadd.s32 $0xFFFFFF80  }
0x6d: {  	[tilespmem:s30], [sflag:$0x2] =	stream.indirect.gather [hbm4b:s4+s29], $0x80, s10, s29, $0xb8;
	[tilespmem:$0x19600] =	vst v63  }
0x6e: {  	_ =	swait.ge [sflag:s26], $0x80  }
0x6f: {  	[sflag:s26] =	ssyncset.done $0x0  }
0x70: {  	[sflag:s26] =	ssyncadd.s32 $0xFFFFFF80  }
0x71: {  	_ =	swait.ge [sflag:s26], $0x80  }
0x72: {  	[sflag:s26] =	ssyncset.done $0x0  }
0x73: {  	s28 =	simm.s32 $0xC;
	[sflag:s26] =	ssyncadd.s32 $0xFFFFFF80  }
0x74: {  	[tilespmem:s25], [sflag:$0x3] =	stream.indirect.gather [hbm4b:s4+s29], $0x80, s14, s29, $0xb8;
	[tilespmem:$0x19600] =	vst v63  }
0x75: {  	_ =	swait.ge [sflag:s28], $0x80  }
0x76: {  	[sflag:s28] =	ssyncset.done $0x0  }
0x77: {  	[sflag:s28] =	ssyncadd.s32 $0xFFFFFF80  }
0x78: {  	_ =	swait.ge [sflag:s28], $0x80  }
0x79: {  	[sflag:s28] =	ssyncset.done $0x0  }
0x7a: {  	s30 =	simm.s32 $0xE;
	[sflag:s28] =	ssyncadd.s32 $0xFFFFFF80  }
0x7b: {  	[tilespmem:s11], [sflag:$0x4] =	stream.indirect.gather [hbm4b:s4+s29], $0x80, s17, s29, $0xb8;
	[tilespmem:$0x19600] =	vst v63  }
0x7c: {  	_ =	swait.ge [sflag:s30], $0x80  }
0x7d: {  	[sflag:s30] =	ssyncset.done $0x0  }
0x7e: {  	[sflag:s30] =	ssyncadd.s32 $0xFFFFFF80  }
0x7f: {  	_ =	swait.ge [sflag:s30], $0x80  }
0x80: {  	[sflag:s30] =	ssyncset.done $0x0  }
0x81: {  	s20 =	simm.s32 $0x0;
	[sflag:s30] =	ssyncadd.s32 $0xFFFFFF80  }
0x82: {  	[tilespmem:s31], [sflag:$0x5] =	stream.indirect.gather [hbm4b:s4+s29], $0x80, s19, s29, $0xb8;
	[tilespmem:$0x19600] =	vst v63  }
0x83: {  	s3 =	simm.s32 $0x5480;
	s19 =	simm.s32 $0x980;
	[bflag:$0x0] =	sbarrier.arrive $0xFFFF  }
.LBB2_2:
0x84: {  	s10 =	simm.s32 $0x1;
	p0 =	seq.s32 s19, $0xA480  }
0x85: {  	_ =	swait.ge [sflag:s10], $0x1000;
	s17 =	sadd.s32 @!p0 $0xFFFFFB80, s19  }
0x86: {  	s0 =	simm.s32 $0x5500;
	[sflag:s10] =	ssyncset.done $0x0;
	s22 =	sand.u32 @!p0 $0x1FC00, s17  }
0x87: {  	s17 =	sand.u32 @!p0 $0x300, s17;
	[sflag:s10] =	ssyncadd.s32 $0xFFFFF000;
	s22 =	sadd.s32 @!p0 s7, s22  }
0x88: {  	[spmem:s2] =	stream.indirect.scatter.add.f32 [tilespmem:s13], [sflag:$0x10], $0x80, s0, s29, $0xb8;
	[tilespmem:$0x19600] =	vst v63  }
0x89: {  	s17 =	sor.u32 @!p0 s17, s22;
	_ =	swait.ge [sflag:s8], $0x1000  }
0x8a: {  	s26 =	simm.s32 @!p0 $0x5000;
	s17 =	sshrl.u32 @!p0 s17, $0x3;
	[sflag:s8] =	ssyncset.done $0x0  }
0x8b: {  	s22 =	simm.s32 @!p0 $0x0;
	s23 =	sadd.s32 @!p0 s5, s17;
	[sflag:s8] =	ssyncadd.s32 $0xFFFFF000  }
0x8c: {  	[tilespmem:s26], [sflag:$0x6] =	stream.linear.gather @!p0 [hbm4b:s23+s22], $0x80, $0x38;
	[tilespmem:$0x19600] =	vst v63  }
0x8d: {  	s24 =	simm.s32 $0x7;
	s17 =	sadd.s32 @!p0 s6, s17;
	s23 =	simm.s32 @!p0 $0x5500  }
0x8e: {  	[tilespmem:s23], [sflag:$0x6] =	stream.linear.gather @!p0 [hbm4b:s17+s22], $0x80, $0x38;
	[tilespmem:$0x19600] =	vst v63  }
0x8f: {  	_ =	swait.ge [sflag:s24], $0x80  }
0x90: {  	[sflag:s24] =	ssyncset.done $0x0  }
0x91: {  	[sflag:s24] =	ssyncadd.s32 $0xFFFFFF80  }
0x92: {  	_ =	swait.ge [sflag:s24], $0x80  }
0x93: {  	[sflag:s24] =	ssyncset.done $0x0  }
0x94: {  	s25 =	simm.s32 $0x5080;
	s28 =	simm.s32 $0x2;
	[sflag:s24] =	ssyncadd.s32 $0xFFFFFF80  }
0x95: {  	[tilespmem:s13], [sflag:$0x1] =	stream.indirect.gather [hbm4b:s4+s29], $0x80, s25, s29, $0xb8;
	[tilespmem:$0x19600] =	vst v63  }
0x96: {  	s1 =	simm.s32 $0x5600;
	s17 =	sadd.s32 @!p0 $0xFFFFFC00, s19;
	_ =	swait.ge [sflag:s28], $0x1000  }
0x97: {  	s9 =	simm.s32 $0x1000;
	s23 =	sand.u32 @!p0 $0x1FC00, s17;
	[sflag:s28] =	ssyncset.done $0x0  }
0x98: {  	s17 =	sand.u32 @!p0 $0x380, s17;
	s23 =	sadd.s32 @!p0 s7, s23;
	[sflag:s28] =	ssyncadd.s32 $0xFFFFF000  }
0x99: {  	[spmem:s2] =	stream.indirect.scatter.add.f32 [tilespmem:s9], [sflag:$0x10], $0x80, s1, s29, $0xb8;
	[tilespmem:$0x19600] =	vst v63  }
0x9a: {  	s17 =	sor.u32 @!p0 s17, s23;
	_ =	swait.ge [sflag:s8], $0x1000  }
0x9b: {  	s17 =	sshrl.u32 @!p0 s17, $0x3;
	[sflag:s8] =	ssyncset.done $0x0  }
0x9c: {  	s23 =	sadd.s32 @!p0 s5, s17;
	s25 =	simm.s32 @!p0 $0x5100;
	[sflag:s8] =	ssyncadd.s32 $0xFFFFF000  }
0x9d: {  	[tilespmem:s25], [sflag:$0x8] =	stream.linear.gather @!p0 [hbm4b:s23+s22], $0x80, $0x38;
	[tilespmem:$0x19600] =	vst v63  }
0x9e: {  	s11 =	simm.s32 $0x9;
	s17 =	sadd.s32 @!p0 s6, s17;
	s23 =	simm.s32 @!p0 $0x5600  }
0x9f: {  	[tilespmem:s23], [sflag:$0x8] =	stream.linear.gather @!p0 [hbm4b:s17+s22], $0x80, $0x38;
	[tilespmem:$0x19600] =	vst v63  }
0xa0: {  	_ =	swait.ge [sflag:s11], $0x80  }
0xa1: {  	[sflag:s11] =	ssyncset.done $0x0  }
0xa2: {  	[sflag:s11] =	ssyncadd.s32 $0xFFFFFF80  }
0xa3: {  	_ =	swait.ge [sflag:s11], $0x80  }
0xa4: {  	[sflag:s11] =	ssyncset.done $0x0  }
0xa5: {  	s14 =	simm.s32 $0x5180;
	[sflag:s11] =	ssyncadd.s32 $0xFFFFFF80  }
0xa6: {  	[tilespmem:s9], [sflag:$0x2] =	stream.indirect.gather [hbm4b:s4+s29], $0x80, s14, s29, $0xb8;
	[tilespmem:$0x19600] =	vst v63  }
0xa7: {  	_ =	swait.ge [sflag:s12], $0x1000  }
0xa8: {  	[sflag:s12] =	ssyncset.done $0x0  }
0xa9: {  	s1 =	simm.s32 $0x2000;
	s17 =	simm.s32 $0x5700;
	[sflag:s12] =	ssyncadd.s32 $0xFFFFF000  }
0xaa: {  	[spmem:s2] =	stream.indirect.scatter.add.f32 [tilespmem:s1], [sflag:$0x10], $0x80, s17, s29, $0xb8;
	[tilespmem:$0x19600] =	vst v63  }
0xab: {  	s17 =	sadd.s32 @!p0 $0xFFFFFC80, s19  }
0xac: {  	s23 =	sand.u32 @!p0 $0x1FC00, s17  }
0xad: {  	s17 =	sand.u32 @!p0 $0x300, s17;
	s23 =	sadd.s32 @!p0 s7, s23  }
0xae: {  	_ =	swait.ge [sflag:s8], $0x1000;
	s17 =	sor.u32 @!p0 s17, s23  }
0xaf: {  	[sflag:s8] =	ssyncset.done $0x0;
	s17 =	sshrl.u32 @!p0 s17, $0x3  }
0xb0: {  	s24 =	simm.s32 @!p0 $0x5200;
	[sflag:s8] =	ssyncadd.s32 $0xFFFFF000;
	s23 =	sadd.s32 @!p0 s5, s17  }
0xb1: {  	[tilespmem:s24], [sflag:$0xA] =	stream.linear.gather @!p0 [hbm4b:s23+s22], $0x80, $0x38;
	[tilespmem:$0x19600] =	vst v63  }
0xb2: {  	s17 =	sadd.s32 @!p0 s6, s17;
	s23 =	simm.s32 @!p0 $0x5700  }
0xb3: {  	[tilespmem:s23], [sflag:$0xA] =	stream.linear.gather @!p0 [hbm4b:s17+s22], $0x80, $0x38;
	[tilespmem:$0x19600] =	vst v63  }
0xb4: {  	s23 =	simm.s32 $0xB  }
0xb5: {  	_ =	swait.ge [sflag:s23], $0x80  }
0xb6: {  	[sflag:s23] =	ssyncset.done $0x0  }
0xb7: {  	[sflag:s23] =	ssyncadd.s32 $0xFFFFFF80  }
0xb8: {  	_ =	swait.ge [sflag:s23], $0x80  }
0xb9: {  	[sflag:s23] =	ssyncset.done $0x0  }
0xba: {  	s28 =	simm.s32 $0x5280;
	s9 =	simm.s32 $0x4;
	[sflag:s23] =	ssyncadd.s32 $0xFFFFFF80  }
0xbb: {  	[tilespmem:s1], [sflag:$0x3] =	stream.indirect.gather [hbm4b:s4+s29], $0x80, s28, s29, $0xb8;
	[tilespmem:$0x19600] =	vst v63  }
0xbc: {  	s11 =	simm.s32 $0x5800;
	s17 =	sadd.s32 @!p0 $0xFFFFFD00, s19;
	_ =	swait.ge [sflag:s9], $0x1000  }
0xbd: {  	s14 =	simm.s32 $0x3000;
	s23 =	sand.u32 @!p0 $0x1FC00, s17;
	[sflag:s9] =	ssyncset.done $0x0  }
0xbe: {  	s17 =	sand.u32 @!p0 $0x380, s17;
	s23 =	sadd.s32 @!p0 s7, s23;
	[sflag:s9] =	ssyncadd.s32 $0xFFFFF000  }
0xbf: {  	[spmem:s2] =	stream.indirect.scatter.add.f32 [tilespmem:s14], [sflag:$0x10], $0x80, s11, s29, $0xb8;
	[tilespmem:$0x19600] =	vst v63  }
0xc0: {  	s17 =	sor.u32 @!p0 s17, s23;
	_ =	swait.ge [sflag:s8], $0x1000  }
0xc1: {  	s17 =	sshrl.u32 @!p0 s17, $0x3;
	[sflag:s8] =	ssyncset.done $0x0  }
0xc2: {  	s23 =	simm.s32 @!p0 $0x5300;
	s28 =	sadd.s32 @!p0 s5, s17;
	[sflag:s8] =	ssyncadd.s32 $0xFFFFF000  }
0xc3: {  	[tilespmem:s23], [sflag:$0xC] =	stream.linear.gather @!p0 [hbm4b:s28+s22], $0x80, $0x38;
	[tilespmem:$0x19600] =	vst v63  }
0xc4: {  	s17 =	sadd.s32 @!p0 s6, s17;
	s28 =	simm.s32 @!p0 $0x5800  }
0xc5: {  	[tilespmem:s28], [sflag:$0xC] =	stream.linear.gather @!p0 [hbm4b:s17+s22], $0x80, $0x38;
	[tilespmem:$0x19600] =	vst v63  }
0xc6: {  	_ =	swait.ge [sflag:s15], $0x80  }
0xc7: {  	[sflag:s15] =	ssyncset.done $0x0  }
0xc8: {  	[sflag:s15] =	ssyncadd.s32 $0xFFFFFF80  }
0xc9: {  	_ =	swait.ge [sflag:s15], $0x80  }
0xca: {  	[sflag:s15] =	ssyncset.done $0x0  }
0xcb: {  	s17 =	simm.s32 $0x5380;
	[sflag:s15] =	ssyncadd.s32 $0xFFFFFF80  }
0xcc: {  	[tilespmem:s14], [sflag:$0x4] =	stream.indirect.gather [hbm4b:s4+s29], $0x80, s17, s29, $0xb8;
	[tilespmem:$0x19600] =	vst v63  }
0xcd: {  	_ =	swait.ge [sflag:s16], $0x1000  }
0xce: {  	[sflag:s16] =	ssyncset.done $0x0  }
0xcf: {  	s28 =	simm.s32 $0x5900;
	s17 =	sadd.s32 @!p0 $0xFFFFFD80, s19;
	[sflag:s16] =	ssyncadd.s32 $0xFFFFF000  }
0xd0: {  	[spmem:s2] =	stream.indirect.scatter.add.f32 [tilespmem:s31], [sflag:$0x10], $0x80, s28, s29, $0xb8;
	[tilespmem:$0x19600] =	vst v63  }
0xd1: {  	s28 =	sand.u32 @!p0 $0x1FC00, s17  }
0xd2: {  	s17 =	sand.u32 @!p0 $0x300, s17;
	s28 =	sadd.s32 @!p0 s7, s28  }
0xd3: {  	_ =	swait.ge [sflag:s8], $0x1000;
	s17 =	sor.u32 @!p0 s17, s28  }
0xd4: {  	[sflag:s8] =	ssyncset.done $0x0;
	s17 =	sshrl.u32 @!p0 s17, $0x3  }
0xd5: {  	s31 =	simm.s32 @!p0 $0x5400;
	[sflag:s8] =	ssyncadd.s32 $0xFFFFF000;
	s28 =	sadd.s32 @!p0 s5, s17  }
0xd6: {  	[tilespmem:s31], [sflag:$0xE] =	stream.linear.gather @!p0 [hbm4b:s28+s22], $0x80, $0x38;
	[tilespmem:$0x19600] =	vst v63  }
0xd7: {  	s17 =	sadd.s32 @!p0 s6, s17;
	s28 =	simm.s32 @!p0 $0x5900  }
0xd8: {  	[tilespmem:s28], [sflag:$0xE] =	stream.linear.gather @!p0 [hbm4b:s17+s22], $0x80, $0x38;
	[tilespmem:$0x19600] =	vst v63  }
0xd9: {  	_ =	swait.ge [sflag:s18], $0x80  }
0xda: {  	[sflag:s18] =	ssyncset.done $0x0  }
0xdb: {  	[sflag:s18] =	ssyncadd.s32 $0xFFFFFF80  }
0xdc: {  	_ =	swait.ge [sflag:s18], $0x80  }
0xdd: {  	[sflag:s18] =	ssyncset.done $0x0  }
0xde: {  	s9 =	simm.s32 $0x4000;
	[sflag:s18] =	ssyncadd.s32 $0xFFFFFF80  }
0xdf: {  	[tilespmem:s9], [sflag:$0x5] =	stream.indirect.gather [hbm4b:s4+s29], $0x80, s3, s29, $0xb8;
	[tilespmem:$0x19600] =	vst v63  }
0xe0: {  	_ =	swait.ge [sflag:s10], $0x1000  }
0xe1: {  	[sflag:s10] =	ssyncset.done $0x0  }
0xe2: {  	[sflag:s10] =	ssyncadd.s32 $0xFFFFF000;
	s10 =	simm.s32 $0x5580  }
0xe3: {  	[spmem:s2] =	stream.indirect.scatter.add.f32 [tilespmem:s13], [sflag:$0x10], $0x80, s10, s29, $0xb8;
	[tilespmem:$0x19600] =	vst v63  }
0xe4: {  	_ =	swait.ge [sflag:s8], $0x1000  }
0xe5: {  	[sflag:s8] =	ssyncset.done $0x0  }
0xe6: {  	s17 =	simm.s32 @p0 $0x2;
	[sflag:s8] =	ssyncadd.s32 $0xFFFFF000  }
0xe7: {  	_ =	swait.ge @p0 [sflag:s17], $0x1000  }
0xe8: {  	s31 =	simm.s32 @p0 $0x1000;
	[sflag:s17] =	ssyncset.done @p0 $0x0  }
0xe9: {  	s28 =	simm.s32 @p0 $0x5680;
	[sflag:s17] =	ssyncadd.s32 @p0 $0xFFFFF000;
	s17 =	simm.s32 @p0 $0x20  }
0xea: {  	[spmem:s2] =	stream.indirect.scatter.add.f32 @p0 [tilespmem:s31], [sflag:$0x10], $0x80, s28, s17, $0xb8;
	[tilespmem:$0x19600] =	vst v63  }
0xeb: {  	s28 =	sadd.s32 @!p0 $0xFFFFFE00, s19  }
0xec: {  	s14 =	sand.u32 @!p0 $0x1FC00, s28  }
0xed: {  	s31 =	simm.s32 @p0 $0x10;
	s28 =	sand.u32 @!p0 $0x380, s28;
	s14 =	sadd.s32 @!p0 s7, s14  }
0xee: {  	_ =	swait.ge @p0 [sflag:s31], $0x1000;
	s14 =	sor.u32 @!p0 s28, s14  }
0xef: {  	[sflag:s31] =	ssyncset.done @p0 $0x0;
	s14 =	sshrl.u32 @!p0 s14, $0x3  }
0xf0: {  	s0 =	simm.s32 @!p0 $0x5080;
	[sflag:s31] =	ssyncadd.s32 @p0 $0xFFFFF000;
	s28 =	sadd.s32 @!p0 s5, s14  }
0xf1: {  	[tilespmem:s0], [sflag:$0x7] =	stream.linear.gather @!p0 [hbm4b:s28+s22], $0x80, $0x38;
	[tilespmem:$0x19600] =	vst v63  }
0xf2: {  	s0 =	sadd.s32 @!p0 s6, s14;
	s14 =	simm.s32 @!p0 $0x5580  }
0xf3: {  	[tilespmem:s14], [sflag:$0x7] =	stream.linear.gather @!p0 [hbm4b:s0+s22], $0x80, $0x38;
	[tilespmem:$0x19600] =	vst v63  }
0xf4: {  	s0 =	simm.s32 @!p0 $0x6  }
0xf5: {  	_ =	swait.ge @!p0 [sflag:s0], $0x80  }
0xf6: {  	[sflag:s0] =	ssyncset.done @!p0 $0x0  }
0xf7: {  	[sflag:s0] =	ssyncadd.s32 @!p0 $0xFFFFFF80  }
0xf8: {  	_ =	swait.ge @!p0 [sflag:s0], $0x80  }
0xf9: {  	s10 =	sand.u32 @!p0 $0x300, s20;
	[sflag:s0] =	ssyncset.done @!p0 $0x0  }
0xfa: {  	s28 =	simm.s32 @!p0 $0x20;
	[sflag:s0] =	ssyncadd.s32 @!p0 $0xFFFFFF80;
	s0 =	simm.s32 @!p0 $0x2  }
0xfb: {  	[tilespmem:s22], [sflag:$0x1] =	stream.indirect.gather @!p0 [hbm4b:s4+s28], $0x80, s26, s28, $0xb8;
	[tilespmem:$0x19600] =	vst v63  }
0xfc: {  	s14 =	simm.s32 @!p0 $0x1000;
	s26 =	sadd.s32 @!p0 $0xFFFFFE80, s19;
	_ =	swait.ge @!p0 [sflag:s0], $0x1000  }
0xfd: {  	s13 =	sand.u32 @!p0 $0x1FC00, s26;
	s26 =	simm.s32 @!p0 $0x10;
	[sflag:s0] =	ssyncset.done @!p0 $0x0  }
0xfe: {  	s13 =	sadd.s32 @!p0 s7, s13;
	[sflag:s0] =	ssyncadd.s32 @!p0 $0xFFFFF000;
	s0 =	simm.s32 @!p0 $0x5680  }
0xff: {  	[spmem:s2] =	stream.indirect.scatter.add.f32 @!p0 [tilespmem:s14], [sflag:$0x10], $0x80, s0, s28, $0xb8;
	[tilespmem:$0x19600] =	vst v63  }
0x100: {  	s10 =	sor.u32 @!p0 s10, s13;
	_ =	swait.ge @!p0 [sflag:s26], $0x1000  }
0x101: {  	s10 =	sshrl.u32 @!p0 s10, $0x3;
	[sflag:s26] =	ssyncset.done @!p0 $0x0  }
0x102: {  	s3 =	simm.s32 @!p0 $0x5180;
	s13 =	sadd.s32 @!p0 s5, s10;
	[sflag:s26] =	ssyncadd.s32 @!p0 $0xFFFFF000  }
0x103: {  	[tilespmem:s3], [sflag:$0x9] =	stream.linear.gather @!p0 [hbm4b:s13+s22], $0x80, $0x38;
	[tilespmem:$0x19600] =	vst v63  }
0x104: {  	s3 =	sadd.s32 @!p0 s6, s10  }
0x105: {  	[tilespmem:s0], [sflag:$0x9] =	stream.linear.gather @!p0 [hbm4b:s3+s22], $0x80, $0x38;
	[tilespmem:$0x19600] =	vst v63  }
0x106: {  	s0 =	simm.s32 @!p0 $0x8  }
0x107: {  	_ =	swait.ge @!p0 [sflag:s0], $0x80  }
0x108: {  	[sflag:s0] =	ssyncset.done @!p0 $0x0  }
0x109: {  	[sflag:s0] =	ssyncadd.s32 @!p0 $0xFFFFFF80  }
0x10a: {  	_ =	swait.ge @!p0 [sflag:s0], $0x80  }
0x10b: {  	[sflag:s0] =	ssyncset.done @!p0 $0x0  }
0x10c: {  	[sflag:s0] =	ssyncadd.s32 @!p0 $0xFFFFFF80  }
0x10d: {  	[tilespmem:s14], [sflag:$0x2] =	stream.indirect.gather @!p0 [hbm4b:s4+s28], $0x80, s25, s28, $0xb8;
	[tilespmem:$0x19600] =	vst v63  }
0x10e: {  	_ =	swait.ge [sflag:s12], $0x1000  }
0x10f: {  	[sflag:s12] =	ssyncset.done $0x0  }
0x110: {  	s14 =	simm.s32 $0x5780;
	[sflag:s12] =	ssyncadd.s32 $0xFFFFF000  }
0x111: {  	[spmem:s2] =	stream.indirect.scatter.add.f32 [tilespmem:s1], [sflag:$0x10], $0x80, s14, s29, $0xb8;
	[tilespmem:$0x19600] =	vst v63  }
0x112: {  	_ =	swait.ge [sflag:s8], $0x1000  }
0x113: {  	[sflag:s8] =	ssyncset.done $0x0  }
0x114: {  	s0 =	simm.s32 @p0 $0x4;
	[sflag:s8] =	ssyncadd.s32 $0xFFFFF000  }
0x115: {  	_ =	swait.ge @p0 [sflag:s0], $0x1000  }
0x116: {  	[sflag:s0] =	ssyncset.done @p0 $0x0  }
0x117: {  	s3 =	simm.s32 @p0 $0x3000;
	[sflag:s0] =	ssyncadd.s32 @p0 $0xFFFFF000;
	s0 =	simm.s32 @p0 $0x5880  }
0x118: {  	[spmem:s2] =	stream.indirect.scatter.add.f32 @p0 [tilespmem:s3], [sflag:$0x10], $0x80, s0, s17, $0xb8;
	[tilespmem:$0x19600] =	vst v63  }
0x119: {  	s0 =	sadd.s32 @!p0 $0xFFFFFF00, s19  }
0x11a: {  	s3 =	sand.u32 @!p0 $0x1FC00, s0  }
0x11b: {  	s0 =	sand.u32 @!p0 $0x380, s0;
	s3 =	sadd.s32 @!p0 s7, s3  }
0x11c: {  	_ =	swait.ge @p0 [sflag:s31], $0x1000;
	s0 =	sor.u32 @!p0 s0, s3  }
0x11d: {  	[sflag:s31] =	ssyncset.done @p0 $0x0;
	s0 =	sshrl.u32 @!p0 s0, $0x3  }
0x11e: {  	s10 =	simm.s32 @!p0 $0x5280;
	[sflag:s31] =	ssyncadd.s32 @p0 $0xFFFFF000;
	s3 =	sadd.s32 @!p0 s5, s0  }
0x11f: {  	[tilespmem:s10], [sflag:$0xB] =	stream.linear.gather @!p0 [hbm4b:s3+s22], $0x80, $0x38;
	[tilespmem:$0x19600] =	vst v63  }
0x120: {  	s0 =	sadd.s32 @!p0 s6, s0;
	s3 =	simm.s32 @!p0 $0x5780  }
0x121: {  	[tilespmem:s3], [sflag:$0xB] =	stream.linear.gather @!p0 [hbm4b:s0+s22], $0x80, $0x38;
	[tilespmem:$0x19600] =	vst v63  }
0x122: {  	s0 =	simm.s32 @!p0 $0xA  }
0x123: {  	_ =	swait.ge @!p0 [sflag:s0], $0x80  }
0x124: {  	[sflag:s0] =	ssyncset.done @!p0 $0x0  }
0x125: {  	[sflag:s0] =	ssyncadd.s32 @!p0 $0xFFFFFF80  }
0x126: {  	_ =	swait.ge @!p0 [sflag:s0], $0x80  }
0x127: {  	[sflag:s0] =	ssyncset.done @!p0 $0x0  }
0x128: {  	[sflag:s0] =	ssyncadd.s32 @!p0 $0xFFFFFF80;
	s0 =	simm.s32 @!p0 $0x2000  }
0x129: {  	[tilespmem:s0], [sflag:$0x3] =	stream.indirect.gather @!p0 [hbm4b:s4+s28], $0x80, s24, s28, $0xb8;
	[tilespmem:$0x19600] =	vst v63  }
0x12a: {  	s10 =	sadd.s32 @!p0 $0xFFFFFF80, s19;
	s0 =	simm.s32 @!p0 $0x4  }
0x12b: {  	s13 =	sand.u32 @!p0 $0x1FC00, s10;
	_ =	swait.ge @!p0 [sflag:s0], $0x1000  }
0x12c: {  	s10 =	sand.u32 @!p0 $0x300, s10;
	s3 =	simm.s32 @!p0 $0x3000;
	[sflag:s0] =	ssyncset.done @!p0 $0x0  }
0x12d: {  	s13 =	sadd.s32 @!p0 s7, s13;
	[sflag:s0] =	ssyncadd.s32 @!p0 $0xFFFFF000;
	s0 =	simm.s32 @!p0 $0x5880  }
0x12e: {  	[spmem:s2] =	stream.indirect.scatter.add.f32 @!p0 [tilespmem:s3], [sflag:$0x10], $0x80, s0, s28, $0xb8;
	[tilespmem:$0x19600] =	vst v63  }
0x12f: {  	s10 =	sor.u32 @!p0 s10, s13;
	_ =	swait.ge @!p0 [sflag:s26], $0x1000  }
0x130: {  	s10 =	sshrl.u32 @!p0 s10, $0x3;
	[sflag:s26] =	ssyncset.done @!p0 $0x0  }
0x131: {  	s14 =	simm.s32 @!p0 $0x5380;
	s13 =	sadd.s32 @!p0 s5, s10;
	[sflag:s26] =	ssyncadd.s32 @!p0 $0xFFFFF000  }
0x132: {  	[tilespmem:s14], [sflag:$0xD] =	stream.linear.gather @!p0 [hbm4b:s13+s22], $0x80, $0x38;
	[tilespmem:$0x19600] =	vst v63  }
0x133: {  	s10 =	sadd.s32 @!p0 s6, s10  }
0x134: {  	[tilespmem:s0], [sflag:$0xD] =	stream.linear.gather @!p0 [hbm4b:s10+s22], $0x80, $0x38;
	[tilespmem:$0x19600] =	vst v63  }
0x135: {  	s0 =	simm.s32 @!p0 $0xC  }
0x136: {  	_ =	swait.ge @!p0 [sflag:s0], $0x80  }
0x137: {  	[sflag:s0] =	ssyncset.done @!p0 $0x0  }
0x138: {  	[sflag:s0] =	ssyncadd.s32 @!p0 $0xFFFFFF80  }
0x139: {  	_ =	swait.ge @!p0 [sflag:s0], $0x80  }
0x13a: {  	[sflag:s0] =	ssyncset.done @!p0 $0x0  }
0x13b: {  	[sflag:s0] =	ssyncadd.s32 @!p0 $0xFFFFFF80  }
0x13c: {  	[tilespmem:s3], [sflag:$0x4] =	stream.indirect.gather @!p0 [hbm4b:s4+s28], $0x80, s23, s28, $0xb8;
	[tilespmem:$0x19600] =	vst v63  }
0x13d: {  	_ =	swait.ge [sflag:s16], $0x1000  }
0x13e: {  	s31 =	simm.s32 $0x4000;
	[sflag:s16] =	ssyncset.done $0x0  }
.Ltmp2:
0x13f: {  	s28 =	simm.s32 $0x5980;
	[sflag:s16] =	ssyncadd.s32 $0xFFFFF000;
	(pc) =	sbr.rel @p0 .LBB2_4-.Ltmp2, $4  }
0x140: {  	[spmem:s2] =	stream.indirect.scatter.add.f32 [tilespmem:s31], [sflag:$0x10], $0x80, s28, s29, $0xb8;
	[tilespmem:$0x19600] =	vst v63  }
0x141: {  	s30 =	simm.s32 $0x1000;
	_ =	swait.ge [sflag:s8], $0x1000  }
0x142: {  	s11 =	simm.s32 $0x3000;
	s9 =	simm.s32 $0x5480;
	[sflag:s8] =	ssyncset.done $0x0  }
0x143: {  	s25 =	simm.s32 $0x2000;
	s22 =	simm.s32 $0x5980;
	[sflag:s8] =	ssyncadd.s32 $0xFFFFF000  }
0x144: {  	s0 =	sand.u32 $0x1FC00, s19  }
0x145: {  	s3 =	sand.u32 $0x380, s19;
	s0 =	sadd.s32 s7, s0  }
0x146: {  	s0 =	sor.u32 s3, s0  }
0x147: {  	s0 =	sshrl.u32 s0, $0x3  }
0x148: {  	s26 =	sadd.s32 s5, s0  }
0x149: {  	[tilespmem:s9], [sflag:$0xF] =	stream.linear.gather [hbm4b:s26+s21], $0x80, $0x38;
	[tilespmem:$0x19600] =	vst v63  }
0x14a: {  	s28 =	simm.s32 $0xE;
	s0 =	sadd.s32 s6, s0  }
0x14b: {  	[tilespmem:s22], [sflag:$0xF] =	stream.linear.gather [hbm4b:s0+s21], $0x80, $0x38;
	[tilespmem:$0x19600] =	vst v63  }
0x14c: {  	_ =	swait.ge [sflag:s28], $0x80  }
0x14d: {  	[sflag:s28] =	ssyncset.done $0x0  }
.Ltmp3:
0x14e: {  	[sflag:s28] =	ssyncadd.s32 $0xFFFFFF80;
	(pc) =	sbr.rel .LBB2_2-.Ltmp3, $4  }
0x14f: {  	s30 =	simm.s32 $0x5400;
	_ =	swait.ge [sflag:s28], $0x80  }
0x150: {  	s19 =	sadd.s32 $0x500, s19;
	s20 =	sadd.s32 $0x100, s20;
	[sflag:s28] =	ssyncset.done $0x0  }
0x151: {  	s13 =	simm.s32 $0x0;
	s3 =	simm.s32 $0x5480;
	[sflag:s28] =	ssyncadd.s32 $0xFFFFFF80  }
0x152: {  	[tilespmem:s31], [sflag:$0x5] =	stream.indirect.gather [hbm4b:s4+s29], $0x80, s30, s29, $0xb8;
	[tilespmem:$0x19600] =	vst v63  }
.LBB2_5:
0x153: {  	_ =	sfence.sel $0x180000  }
0x154: {  	[bflag:$0x0] =	sbarrier.arrive $0xFFFF  }
0x155: {  	_ =	strace $0x90000047  }
0x156: {  	s0 =	stileid.u32;
	[bflag:$0x2] =	sbarrier.arrive $0xFFFF  }
0x157: {  	p0 =	sne.s32 s0, $0x0;
	s0 =	rddreg [dreg:$0x2]  }
0x158: {  	s0 =	sadd.s32 @!p0 $0x100000, s0  }
0x159: {  	[sflag:s0] =	ssyncadd.tile.s32 @!p0 $0x1;
	_ =	shalt  }
.Lfunc_end2:
_tile_overlayer_lowered:
.L_overlay_start_2:
0x15a: {  	(tag) =	ssettag $0x2  }
0x15b: {  	s0 =	rddreg [dreg:$0x0];
	s2 =	stileid.u32  }
0x15c: {  	s1 =	rddreg [dreg:$0x1];
	p0 =	sne.s32 s2, $0x0  }
0x15d: {  	s3 =	rddreg [dreg:$0x2];
	[bflag:$0x3] =	sbarrier.arrive $0xFFFF;
	s2 =	simm.s32 @!p0 $0x1C10  }
0x15e: {  	[timem:s3], [sflag:s2] =	dma.local @!p0 [hbm:s0], s1  }
0x15f: {  	s0 =	simm.s32 @!p0 $0x10  }
0x160: {  	_ =	swait.ge @!p0 [sflag:s0], s1  }
0x161: {  	s1 =	ssub.s32 @!p0 $0x0, s1;
	[sflag:s0] =	ssyncset.done @!p0 $0x0  }
0x162: {  	[sflag:s0] =	ssyncadd.s32 @!p0 s1  }
0x163: {  	[bflag:$0x3] =	sbarrier.arrive $0xFFFF  }
0x164: {  	_ =	shalt  }

// kernel: kernel.15.cloned.1.call-start
scs
__scs_entry_jumppad:
0x0: {  	(pc) =	sbr.rel $0x88, $3  }
0x1: {  	(tag) =	ssettag $0x0;
	lr =	simm.s32 $0x1  }
0x2: {  	[smem:$0x3F94] =	sst lr;
	_ =	strace $0xD0000000  }
0x3: {  	_ = 	snop  }
0x4: {  	_ = 	snop  }
0x5: {  	_ = 	snop  }
0x6: {  	_ = 	snop  }
0x7: {  	_ = 	snop  }
__scs_overlays_trampoline_lowered:
0x8: {  	[smem:$0x3FA3] =	sst s0  }
0x9: {  	[smem:$0x3FA4] =	sst s1  }
0xa: {  	[smem:$0x3FA5] =	sst s2  }
0xb: {  	[smem:$0x3FA6] =	sst s3  }
0xc: {  	[smem:$0x3FA7] =	sst s4  }
0xd: {  	[smem:$0x3FA8] =	sst s5  }
0xe: {  	[smem:$0x3FA9] =	sst s6  }
0xf: {  	[smem:$0x3FAA] =	sst s7  }
0x10: {  	[smem:$0x3FAB] =	sst s8  }
0x11: {  	[smem:$0x3FAC] =	sst s9;
	s0 =	simm.s32 @!p0 $0x0  }
0x12: {  	s1 =	sld [smem:$0x3F92];
	s0 =	simm.s32 @p0 $0x1  }
0x13: {  	[smem:$0x3FAD] =	sst s0;
	s0 =	simm.s32 @!p1 $0x0  }
0x14: {  	s2 =	sld [smem:$0x3F91];
	s0 =	simm.s32 @p1 $0x1  }
0x15: {  	[smem:$0x3FAE] =	sst s0;
	s0 =	simm.s32 @!p2 $0x0  }
0x16: {  	s3 =	sld [smem:$0x3FDB];
	s0 =	simm.s32 @p2 $0x1  }
0x17: {  	s4 =	simm.s32 $0x1BF5;
	[smem:$0x3FB0] =	sst s0  }
0x18: {  	s0 =	sld [smem:$0x3F93];
	_ =	swait.ge [sflag:s4], $0x0  }
0x19: {  	s7 =	sld [smem:$0x3F94]  }
0x1a: {  	s8 =	sadd.s32 $0xFFFFE003, lr  }
0x1b: {  	s9 =	sadd.s32 $0xFFFFFEF7, lr;
	s5 =	simm.s32 $0xFFFFFFFF;
	p2 =	slt.u32 s8, $0xFFFFF086  }
0x1c: {  	p1 =	slt.u32 s9, $0xF7A;
	s5 =	simm.s32 @!p2 $0x0  }
0x1d: {  	s5 =	simm.s32 @p1 $0x1;
	p0 =	seq.s32 s7, s2  }
0x1e: {  	s7 =	smul.u32 @!p0 $0xF7A, s2;
	p2 =	seq.s32 @!p0 s5, $0x0  }
0x1f: {  	s9 =	smul.u32 $0xF7A, s1;
	s8 =	simm.s32 @!p0 $0x1BF5;
	p2 =	por !p2, p0  }
0x20: {  	[sflag:s8] =	ssyncset.s32 @!p0 $0xFFFFF086;
	s6 =	sadd.s32 @!p0 s3, s7;
	s7 =	simm.s32 @!p0 $0x108  }
0x21: {  	s3 =	sadd.s32 s3, s9;
	s6 =	sadd.s32 @!p0 $0x88, s6;
	s7 =	simm.s32 @p2 $0x1082  }
0x22: {  	[simem:s7], [sflag:s8] =	dma.local @!p0 [hbm:s6], $0xF7A  }
0x23: {  	s9 =	sor.u32 $0xD0000000, s2;
	s6 =	simm.s32 $0x108;
	_ =	swait.ge @!p0 [sflag:s8], $0x0  }
0x24: {  	s3 =	sadd.s32 $0x88, s3;
	s6 =	simm.s32 @!p1 $0x1082;
	[sflag:s4] =	ssyncset.s32 $0xFFFFF086  }
0x25: {  	[simem:s6], [sflag:s4] =	dma.local [hbm:s3], $0xF7A  }
0x26: {  	[smem:$0x3F94] =	sst s1;
	(tag) =	ssettag s2;
	_ =	strace s9  }
0x27: {  	s1 =	sld [smem:$0x3FA4]  }
0x28: {  	s2 =	sld [smem:$0x3FA5]  }
0x29: {  	s4 =	sld [smem:$0x3FA7]  }
0x2a: {  	p0 =	seq.s32 s5, $0x0;
	s5 =	sld [smem:$0x3FA8]  }
0x2b: {  	s6 =	sld [smem:$0x3FA9]  }
0x2c: {  	s7 =	sld [smem:$0x3FAA]  }
0x2d: {  	s3 =	simm.s32 $0x108;
	s8 =	sld [smem:$0x3FAB]  }
0x2e: {  	s3 =	simm.s32 @!p0 $0x1082;
	s9 =	sld [smem:$0x3FAC]  }
0x2f: {  	lr =	sadd.s32 s0, s3;
	s0 =	sld [smem:$0x3FA3]  }
0x30: {  	s3 =	sld [smem:$0x3FA6]  }
0x31: {  	[smem:$0x3FAF] =	sst s10  }
0x32: {  	s10 =	sld [smem:$0x3FAD];
	_ =	sdelay $0x3  }
0x33: {  	p0 =	seq.s32 s10, $0x1;
	s10 =	sld [smem:$0x3FAF];
	_ =	sdelay $0x3  }
0x34: {  	[smem:$0x3FAF] =	sst s10  }
0x35: {  	s10 =	sld [smem:$0x3FAE];
	_ =	sdelay $0x3  }
0x36: {  	p1 =	seq.s32 s10, $0x1;
	s10 =	sld [smem:$0x3FAF];
	_ =	sdelay $0x3  }
0x37: {  	[smem:$0x3FAF] =	sst s10  }
0x38: {  	s10 =	sld [smem:$0x3FB0]  }
0x39: {  	_ = 	snop;
	(pc) =	sbr.ind lr, $3  }
0x3a: {  	_ = 	snop  }
0x3b: {  	_ = 	snop  }
0x3c: {  	p2 =	seq.s32 s10, $0x1;
	s10 =	sld [smem:$0x3FAF]  }
0x3d: {  	_ =	shalt  }
0x3e: {  	_ =	shalt  }
0x3f: {  	_ =	shalt  }
0x40: {  	_ =	shalt  }
0x41: {  	_ =	shalt  }
0x42: {  	_ =	shalt  }
0x43: {  	_ =	shalt  }
0x44: {  	_ =	shalt  }
0x45: {  	_ =	shalt  }
0x46: {  	_ =	shalt  }
0x47: {  	_ =	shalt  }
0x48: {  	_ =	shalt  }
0x49: {  	_ =	shalt  }
0x4a: {  	_ =	shalt  }
0x4b: {  	_ =	shalt  }
0x4c: {  	_ =	shalt  }
0x4d: {  	_ =	shalt  }
0x4e: {  	_ =	shalt  }
0x4f: {  	_ =	shalt  }
0x50: {  	_ =	shalt  }
0x51: {  	_ =	shalt  }
0x52: {  	_ =	shalt  }
0x53: {  	_ =	shalt  }
0x54: {  	_ =	shalt  }
0x55: {  	_ =	shalt  }
0x56: {  	_ =	shalt  }
0x57: {  	_ =	shalt  }
0x58: {  	_ =	shalt  }
0x59: {  	_ =	shalt  }
0x5a: {  	_ =	shalt  }
0x5b: {  	_ =	shalt  }
0x5c: {  	_ =	shalt  }
0x5d: {  	_ =	shalt  }
0x5e: {  	_ =	shalt  }
0x5f: {  	_ =	shalt  }
0x60: {  	_ =	shalt  }
0x61: {  	_ =	shalt  }
0x62: {  	_ =	shalt  }
0x63: {  	_ =	shalt  }
0x64: {  	_ =	shalt  }
0x65: {  	_ =	shalt  }
0x66: {  	_ =	shalt  }
0x67: {  	_ =	shalt  }
0x68: {  	_ =	shalt  }
0x69: {  	_ =	shalt  }
0x6a: {  	_ =	shalt  }
0x6b: {  	_ =	shalt  }
0x6c: {  	_ =	shalt  }
0x6d: {  	_ =	shalt  }
0x6e: {  	_ =	shalt  }
0x6f: {  	_ =	shalt  }
0x70: {  	_ =	shalt  }
0x71: {  	_ =	shalt  }
0x72: {  	_ =	shalt  }
0x73: {  	_ =	shalt  }
0x74: {  	_ =	shalt  }
0x75: {  	_ =	shalt  }
0x76: {  	_ =	shalt  }
0x77: {  	_ =	shalt  }
0x78: {  	_ =	shalt  }
0x79: {  	_ =	shalt  }
0x7a: {  	_ =	shalt  }
0x7b: {  	_ =	shalt  }
0x7c: {  	_ =	shalt  }
0x7d: {  	_ =	shalt  }
0x7e: {  	_ =	shalt  }
0x7f: {  	_ =	shalt  }
0x80: {  	_ =	shalt  }
0x81: {  	_ =	shalt  }
0x82: {  	_ =	shalt  }
0x83: {  	_ =	shalt  }
0x84: {  	_ =	shalt  }
0x85: {  	_ =	shalt  }
0x86: {  	_ =	shalt  }
0x87: {  	_ =	shalt  }
.Lfunc_end0:
.L_simem_size_0:
called_computation.2_lowered:
.L_overlay_start_0:
0x88: {  	s2 =	sld [smem:$0x3FD9]  }
0x89: {  	s3 =	sld [smem:$0x3FFE];
	_ =	sdelay $0x1  }
0x8a: {  	s1 =	srdreg.scid  }
0x8b: {  	s0 =	sand.u32 $0x1, s1  }
0x8c: {  	s16 =	sshll.u32 s0, $0xA;
	s2 =	sadd.s32 s3, s2  }
0x8d: {  	s2 =	sadd.s32 s2, s16  }
0x8e: {  	[smem:$0x3FBB] =	sst s2  }
0x8f: {  	_ = 	snop  }
0x90: {  	(tm) =	ssettm $0x1  }
0x91: {  	s17 =	sld [smem:$0x3FFB];
	_ =	sdelay $0x3  }
0x92: {  	_ =	strace s17  }
0x93: {  	s2 =	sld [smem:$0x3FFC];
	_ =	sdelay $0x3  }
0x94: {  	_ =	strace s2  }
0x95: {  	s2 =	sld [smem:$0x3FFD];
	_ =	sdelay $0x3  }
0x96: {  	_ =	strace s2  }
0x97: {  	_ =	strace $0x8FFFFFFF  }
0x98: {  	s18 =	sld [smem:$0x3FDB];
	_ =	sdelay $0x1  }
0x99: {  	s19 =	simm.s32 $_scs_section_size  }
0x9a: {  	s4 =	simm.s32 $_size__tile_overlayer_lowered;
	s5 =	simm.s32 $_tile_overlayer_lowered  }
0x9b: {  	s22 =	simm.s32 $0x1BFF;
	s21 =	sshll.u32 s5, $0x1;
	s2 =	sadd.s32 s19, s18  }
0x9c: {  	s6 =	simm.s32 $0x0;
	s20 =	sshll.u32 s4, $0x1;
	s4 =	sadd.s32 s21, s2  }
0x9d: {  	[timem:s6], [sflag:s22] =	dma.local [hbm:s4], s20  }
0x9e: {  	_ =	swait.ge [sflag:s22], s20  }
0x9f: {  	s3 =	ssub.s32 $0x0, s20;
	[sflag:s22] =	ssyncset.done $0x0  }
0xa0: {  	[sflag:s22] =	ssyncadd.s32 s3;
	_ =	sdelay $0x1  }
0xa1: {  	s23 =	simm.s32 $0x1B8B  }
0xa2: {  	_ =	swait.ge [sflag:s23], $0x1  }
0xa3: {  	[sflag:s23] =	ssyncset.done $0x0  }
0xa4: {  	s25 =	simm.s32 $0x1B8E;
	s24 =	sld [smem:$0x3FFE];
	[sflag:s23] =	ssyncadd.s32 $0xFFFFFFFF  }
0xa5: {  	s26 =	simm.s32 $execute0_lowered;
	[smem:$0x3FD2] =	sst s25  }
0xa6: {  	s4 =	sshll.u32 s26, $0x1;
	_ =	strace $0x8000004C;
	[dreg:$0x1] =	wrdreg $0xFFFFFFFF  }
0xa7: {  	s28 =	simm.s32 $_size_execute0_lowered;
	s2 =	sadd.s32 s2, s4;
	[dreg:$0x0] =	wrdreg $0x0  }
0xa8: {  	s4 =	sshll.u32 s28, $0x1;
	[dreg:$0x2] =	wrdreg s2  }
0xa9: {  	[dreg:$0x3] =	wrdreg s4  }
0xaa: {  	[dreg:$0x4] =	wrdreg $0xC0  }
0xab: {  	_ =	task [dreg:s6], $0x5FFFF  }
0xac: {  	[dreg:$0x1] =	wrdreg $0xFFFFFFFF  }
0xad: {  	[dreg:$0x0] =	wrdreg $0x60  }
0xae: {  	[dreg:$0x2] =	wrdreg s24  }
0xaf: {  	[dreg:$0x3] =	wrdreg $0x5A000  }
0xb0: {  	[dreg:$0x4] =	wrdreg $0x9  }
0xb1: {  	_ =	task.clear_ibuf [dreg:s6], $0x5FFFF;
	_ =	strace $0x9000004C  }
0xb2: {  	s29 =	simm.s32 $0x9;
	_ =	strace $0x8000004E  }
0xb3: {  	_ =	swait.ge [sflag:s29], $0x1  }
0xb4: {  	[sflag:s29] =	ssyncadd.s32 $0xFFFFFFFF  }
0xb5: {  	_ =	strace $0x9000004E  }
0xb6: {  	_ =	sfence  }
0xb7: {  	s30 =	sld [smem:$0x0];
	_ =	sdelay $0x2  }
0xb8: {  	s31 =	sshll.u32 s1, $0xD;
	s1 =	sshrl.u32 s1, $0x2  }
0xb9: {  	s3 =	sand.u32 $0x4000, s31;
	s1 =	sadd.s32 s1, s30  }
0xba: {  	s0 =	sor.u32 s3, s0;
	s1 =	sshll.u32 s1, $0x11  }
0xbb: {  	s0 =	sor.u32 s1, s0  }
0xbc: {  	s0 =	sadd.s32 $0x8F2B, s0  }
0xbd: {  	[sflag:s0] =	ssyncadd.remote.s32 $0x1  }
0xbe: {  	_ =	sfence.sel $0xFFFF  }
0xbf: {  	[dreg:$0x0] =	wrdreg $0xFFFFFFFF;
	(pc) =	sbr.abs _section_cstart, $3  }
0xc0: {  	[dreg:$0x1] =	wrdreg $0xFFFFFFFF  }
0xc1: {  	_ =	task.clear_ibuf [dreg:s6], $0x2FFFF;
	_ =	strace $0x9FFFFFFF  }
0xc2: {  	(tm) =	ssettm $0x7FFFFFFF  }
0xc3: {  	_ =	shalt  }
tec
execute0_lowered:
.L_overlay_start_1:
0x0: {  	(tag) =	ssettag $0x1  }
0x1: {  	s0 =	rddreg [dreg:$0x0]  }
0x2: {  	s2 =	rddreg [dreg:$0x1]  }
0x3: {  	s13 =	simm.s32 $0x0;
	s3 =	stileid.u32;
	s1 =	srdreg.scid  }
0x4: {  	[smem:$0x7FF] =	sst s13;
	s7 =	smul.u32 $0x13C00, s3;
	s1 =	sand.u32 $0x1, s1  }
0x5: {  	s4 =	sadd.s32 $0x53E00, s0;
	s5 =	sadd.s32 $0x3E00, s0;
	s6 =	sadd.s32 $0x2BE00, s0  }
0x6: {  	s17 =	sshll.u32 s3, $0x1;
	s11 =	smul.u32 $0x4F000, s3;
	s20 =	sshll.u32 s3, $0x6  }
0x7: {  	_ =	strace $0x8000004D;
	s8 =	smul.u32 $0x13C000, s1;
	s10 =	ssub.s32 $0x2, s1  }
0x8: {  	s1 =	sor.u32 s1, s17;
	s3 =	sor.u32 $0x1C10, s20;
	s9 =	sshrl.u32 s7, $0x3  }
0x9: {  	s12 =	sshrl.u32 s10, $0x1;
	s19 =	sshrl.u32 s11, $0x2;
	[dreg:$0x5] =	wrdreg s3  }
0xa: {  	s9 =	sadd.s32 s9, s0;
	s7 =	sadd.s32 s7, s8;
	s8 =	sadd.s32 s19, s2  }
0xb: {  	s18 =	sshrl.u32 s7, $0x3;
	s7 =	smul.u32 $0xA000, s1;
	s1 =	ssub.s32 s10, s12  }
0xc: {  	[dreg:$0x3] =	wrdreg s8;
	s21 =	sadd.s32 $0x7B600, s9;
	s0 =	sadd.s32 s18, s0  }
0xd: {  	[dreg:$0x4] =	wrdreg s21;
	s10 =	sshrl.u32 s7, $0x3;
	s0 =	sadd.s32 $0xA2E00, s0  }
0xe: {  	s29 =	simm.s32 $0x20;
	s20 =	sadd.s32 s5, s10;
	[dreg:$0x1a] =	wrdreg s0  }
0xf: {  	s22 =	sor.u32 $0x50, s10;
	s21 =	sadd.s32 s6, s10;
	[dreg:$0x14] =	wrdreg s20  }
0x10: {  	s30 =	simm.s32 $0x1000;
	s23 =	sadd.s32 s5, s22;
	[dreg:$0x15] =	wrdreg s21  }
0x11: {  	s24 =	sor.u32 $0x10, s10;
	s8 =	sadd.s32 s6, s22;
	[dreg:$0x6] =	wrdreg s23  }
0x12: {  	s26 =	sor.u32 $0x60, s10;
	s25 =	sadd.s32 s5, s24;
	[dreg:$0x7] =	wrdreg s8  }
0x13: {  	s11 =	sor.u32 $0x20, s10;
	s28 =	sadd.s32 s5, s26;
	[dreg:$0x8] =	wrdreg s25  }
0x14: {  	s14 =	sor.u32 $0x70, s10;
	s12 =	sadd.s32 s5, s11;
	[dreg:$0xa] =	wrdreg s28  }
0x15: {  	s16 =	sor.u32 $0x30, s10;
	s15 =	sadd.s32 s5, s14;
	[dreg:$0xc] =	wrdreg s12  }
0x16: {  	s18 =	sor.u32 $0x80, s10;
	s17 =	sadd.s32 s5, s16;
	[dreg:$0xe] =	wrdreg s15  }
0x17: {  	s31 =	simm.s32 $0x4000;
	s19 =	sadd.s32 s5, s18;
	[dreg:$0x10] =	wrdreg s17  }
0x18: {  	s22 =	sor.u32 $0x40, s10;
	s8 =	sadd.s32 s6, s24;
	[dreg:$0x12] =	wrdreg s19  }
0x19: {  	s21 =	simm.s32 $0x0;
	s24 =	sadd.s32 s5, s22;
	[dreg:$0x9] =	wrdreg s8  }
0x1a: {  	s23 =	sor.u32 $0x90, s10;
	s28 =	smax.u32 s1, $0x1;
	[dreg:$0x16] =	wrdreg s24  }
0x1b: {  	s15 =	simm.s32 $0xD;
	s8 =	sadd.s32 s6, s26;
	[dreg:$0x1b] =	wrdreg s28  }
0x1c: {  	s1 =	simm.s32 $0x0;
	s25 =	sadd.s32 s5, s23;
	[dreg:$0xb] =	wrdreg s8  }
0x1d: {  	s12 =	simm.s32 $0x3;
	s26 =	sadd.s32 s6, s23;
	[dreg:$0x18] =	wrdreg s25  }
0x1e: {  	s8 =	sadd.s32 s6, s11;
	[dreg:$0x19] =	wrdreg s26;
	s25 =	simm.s32 $0x2000  }
.Ltmp0:
0x1f: {  	[dreg:$0xd] =	wrdreg s8;
	s8 =	sadd.s32 s6, s14;
	(pc) =	sbr.rel .LBB2_1-.Ltmp0, $4  }
0x20: {  	s11 =	simm.s32 $0x3000;
	[dreg:$0xf] =	wrdreg s8;
	s8 =	sadd.s32 s6, s16  }
0x21: {  	s16 =	simm.s32 $0x5;
	[dreg:$0x11] =	wrdreg s8;
	s8 =	sadd.s32 s6, s18  }
0x22: {  	s18 =	simm.s32 $0xF;
	[dreg:$0x13] =	wrdreg s8;
	s8 =	sadd.s32 s6, s22  }
0x23: {  	s22 =	simm.s32 $0x5980;
	[dreg:$0x17] =	wrdreg s8;
	s8 =	simm.s32 $0x10  }
.LBB2_4:
0x24: {  	[bflag:$0x0] =	sbarrier.arrive $0xFFFF  }
0x25: {  	s3 =	rddreg [dreg:$0x5]  }
0x26: {  	s0 =	rddreg [dreg:$0x1a]  }
0x27: {  	s1 =	rddreg [dreg:$0x1d]  }
0x28: {  	[hbm:s0], [sflag:s3] =	dma.local [spmem:s1], $0x2780  }
0x29: {  	_ =	swait.ge [sflag:s8], $0x2780  }
0x2a: {  	s26 =	rddreg [dreg:$0x1c]  }
0x2b: {  	s28 =	rddreg [dreg:$0x1b];
	s1 =	sadd.s32 $0x1, s26  }
0x2c: {  	p0 =	sne.s32 s1, s28  }
.Ltmp1:
0x2d: {  	_ = 	snop;
	(pc) =	sbr.rel @!p0 .LBB2_5-.Ltmp1, $3  }
0x2e: {  	_ =	sdelay $0x1  }
0x2f: {  	[sflag:s8] =	ssyncset.done $0x0  }
0x30: {  	s13 =	simm.s32 $0x0;
	[sflag:s8] =	ssyncadd.s32 $0xFFFFD880  }
.LBB2_1:
0x31: {  	[dreg:$0x1c] =	wrdreg s1  }
0x32: {  	s0 =	rddreg [dreg:$0x3]  }
0x33: {  	s10 =	rddreg [dreg:$0x4];
	s9 =	sshrl.u32 s0, $0x3  }
0x34: {  	[dreg:$0x1d] =	wrdreg s9  }
0x35: {  	[spmem:s9], [sflag:s3] =	dma.local [hbm:s10], $0x2780  }
0x36: {  	_ =	swait.ge [sflag:s8], $0x2780  }
0x37: {  	[sflag:s8] =	ssyncset.done $0x0  }
0x38: {  	s3 =	simm.s32 $0x5000;
	s14 =	rddreg [dreg:$0x14];
	[sflag:s8] =	ssyncadd.s32 $0xFFFFD880  }
0x39: {  	[tilespmem:s3], [sflag:$0x6] =	stream.linear.gather [hbm4b:s14+s13], $0x80, $0x38;
	[tilespmem:$0x19600] =	vst v63  }
0x3a: {  	s10 =	simm.s32 $0x5500;
	s17 =	rddreg [dreg:$0x15]  }
0x3b: {  	[tilespmem:s10], [sflag:$0x6] =	stream.linear.gather [hbm4b:s17+s13], $0x80, $0x38;
	[tilespmem:$0x19600] =	vst v63  }
0x3c: {  	s20 =	simm.s32 $0x5080;
	s19 =	rddreg [dreg:$0x6]  }
0x3d: {  	[tilespmem:s20], [sflag:$0x7] =	stream.linear.gather [hbm4b:s19+s13], $0x80, $0x38;
	[tilespmem:$0x19600] =	vst v63  }
0x3e: {  	s24 =	simm.s32 $0x5580;
	s23 =	rddreg [dreg:$0x7]  }
0x3f: {  	[tilespmem:s24], [sflag:$0x7] =	stream.linear.gather [hbm4b:s23+s13], $0x80, $0x38;
	[tilespmem:$0x19600] =	vst v63  }
0x40: {  	s26 =	rddreg [dreg:$0x8];
	s10 =	simm.s32 $0x5100  }
0x41: {  	[tilespmem:s10], [sflag:$0x8] =	stream.linear.gather [hbm4b:s26+s13], $0x80, $0x38;
	[tilespmem:$0x19600] =	vst v63  }
0x42: {  	s28 =	rddreg [dreg:$0x9];
	s14 =	simm.s32 $0x5600  }
0x43: {  	[tilespmem:s14], [sflag:$0x8] =	stream.linear.gather [hbm4b:s28+s13], $0x80, $0x38;
	[tilespmem:$0x19600] =	vst v63  }
0x44: {  	s9 =	simm.s32 $0x5180;
	s1 =	rddreg [dreg:$0xa]  }
0x45: {  	[tilespmem:s9], [sflag:$0x9] =	stream.linear.gather [hbm4b:s1+s13], $0x80, $0x38;
	[tilespmem:$0x19600] =	vst v63  }
0x46: {  	s17 =	simm.s32 $0x5680;
	s14 =	rddreg [dreg:$0xb]  }
0x47: {  	[tilespmem:s17], [sflag:$0x9] =	stream.linear.gather [hbm4b:s14+s13], $0x80, $0x38;
	[tilespmem:$0x19600] =	vst v63  }
0x48: {  	s19 =	rddreg [dreg:$0xc];
	s14 =	simm.s32 $0x5200  }
0x49: {  	[tilespmem:s14], [sflag:$0xA] =	stream.linear.gather [hbm4b:s19+s13], $0x80, $0x38;
	[tilespmem:$0x19600] =	vst v63  }
0x4a: {  	s20 =	rddreg [dreg:$0xd];
	s17 =	simm.s32 $0x5700  }
0x4b: {  	[tilespmem:s17], [sflag:$0xA] =	stream.linear.gather [hbm4b:s20+s13], $0x80, $0x38;
	[tilespmem:$0x19600] =	vst v63  }
0x4c: {  	s23 =	rddreg [dreg:$0xe];
	s24 =	simm.s32 $0x5280  }
0x4d: {  	[tilespmem:s24], [sflag:$0xB] =	stream.linear.gather [hbm4b:s23+s13], $0x80, $0x38;
	[tilespmem:$0x19600] =	vst v63  }
0x4e: {  	s26 =	rddreg [dreg:$0xf];
	s28 =	simm.s32 $0x5780  }
0x4f: {  	[tilespmem:s28], [sflag:$0xB] =	stream.linear.gather [hbm4b:s26+s13], $0x80, $0x38;
	[tilespmem:$0x19600] =	vst v63  }
0x50: {  	s1 =	rddreg [dreg:$0x10];
	s17 =	simm.s32 $0x5300  }
0x51: {  	[tilespmem:s17], [sflag:$0xC] =	stream.linear.gather [hbm4b:s1+s13], $0x80, $0x38;
	[tilespmem:$0x19600] =	vst v63  }
0x52: {  	s9 =	rddreg [dreg:$0x11];
	s19 =	simm.s32 $0x5800  }
0x53: {  	[tilespmem:s19], [sflag:$0xC] =	stream.linear.gather [hbm4b:s9+s13], $0x80, $0x38;
	[tilespmem:$0x19600] =	vst v63  }
0x54: {  	s20 =	simm.s32 $0x5380;
	s19 =	rddreg [dreg:$0x12]  }
0x55: {  	[tilespmem:s20], [sflag:$0xD] =	stream.linear.gather [hbm4b:s19+s13], $0x80, $0x38;
	[tilespmem:$0x19600] =	vst v63  }
0x56: {  	s23 =	rddreg [dreg:$0x13];
	s24 =	simm.s32 $0x5880  }
0x57: {  	[tilespmem:s24], [sflag:$0xD] =	stream.linear.gather [hbm4b:s23+s13], $0x80, $0x38;
	[tilespmem:$0x19600] =	vst v63  }
0x58: {  	s26 =	rddreg [dreg:$0x16];
	s19 =	simm.s32 $0x5400  }
0x59: {  	[tilespmem:s19], [sflag:$0xE] =	stream.linear.gather [hbm4b:s26+s13], $0x80, $0x38;
	[tilespmem:$0x19600] =	vst v63  }
0x5a: {  	s28 =	rddreg [dreg:$0x17];
	s20 =	simm.s32 $0x5900  }
0x5b: {  	[tilespmem:s20], [sflag:$0xE] =	stream.linear.gather [hbm4b:s28+s13], $0x80, $0x38;
	[tilespmem:$0x19600] =	vst v63  }
0x5c: {  	s1 =	rddreg [dreg:$0x18];
	s9 =	simm.s32 $0x5480  }
0x5d: {  	[tilespmem:s9], [sflag:$0xF] =	stream.linear.gather [hbm4b:s1+s13], $0x80, $0x38;
	[tilespmem:$0x19600] =	vst v63  }
0x5e: {  	s23 =	simm.s32 $0x6;
	s20 =	rddreg [dreg:$0x19]  }
0x5f: {  	[tilespmem:s22], [sflag:$0xF] =	stream.linear.gather [hbm4b:s20+s13], $0x80, $0x38;
	[tilespmem:$0x19600] =	vst v63  }
0x60: {  	_ =	swait.ge [sflag:s23], $0x80  }
0x61: {  	[sflag:s23] =	ssyncset.done $0x0  }
0x62: {  	[sflag:s23] =	ssyncadd.s32 $0xFFFFFF80  }
0x63: {  	_ =	swait.ge [sflag:s23], $0x80  }
0x64: {  	[sflag:s23] =	ssyncset.done $0x0  }
0x65: {  	s24 =	simm.s32 $0x8;
	[sflag:s23] =	ssyncadd.s32 $0xFFFFFF80  }
0x66: {  	[tilespmem:s13], [sflag:$0x1] =	stream.indirect.gather [hbm4b:s4+s29], $0x80, s3, s29, $0xb8;
	[tilespmem:$0x19600] =	vst v63  }
0x67: {  	_ =	swait.ge [sflag:s24], $0x80  }
0x68: {  	[sflag:s24] =	ssyncset.done $0x0  }
0x69: {  	[sflag:s24] =	ssyncadd.s32 $0xFFFFFF80  }
0x6a: {  	_ =	swait.ge [sflag:s24], $0x80  }
0x6b: {  	[sflag:s24] =	ssyncset.done $0x0  }
0x6c: {  	s26 =	simm.s32 $0xA;
	[sflag:s24] =	ssyncadd.s32 $0xFFFFFF80  }
0x6d: {  	[tilespmem:s30], [sflag:$0x2] =	stream.indirect.gather [hbm4b:s4+s29], $0x80, s10, s29, $0xb8;
	[tilespmem:$0x19600] =	vst v63  }
0x6e: {  	_ =	swait.ge [sflag:s26], $0x80  }
0x6f: {  	[sflag:s26] =	ssyncset.done $0x0  }
0x70: {  	[sflag:s26] =	ssyncadd.s32 $0xFFFFFF80  }
0x71: {  	_ =	swait.ge [sflag:s26], $0x80  }
0x72: {  	[sflag:s26] =	ssyncset.done $0x0  }
0x73: {  	s28 =	simm.s32 $0xC;
	[sflag:s26] =	ssyncadd.s32 $0xFFFFFF80  }
0x74: {  	[tilespmem:s25], [sflag:$0x3] =	stream.indirect.gather [hbm4b:s4+s29], $0x80, s14, s29, $0xb8;
	[tilespmem:$0x19600] =	vst v63  }
0x75: {  	_ =	swait.ge [sflag:s28], $0x80  }
0x76: {  	[sflag:s28] =	ssyncset.done $0x0  }
0x77: {  	[sflag:s28] =	ssyncadd.s32 $0xFFFFFF80  }
0x78: {  	_ =	swait.ge [sflag:s28], $0x80  }
0x79: {  	[sflag:s28] =	ssyncset.done $0x0  }
0x7a: {  	s30 =	simm.s32 $0xE;
	[sflag:s28] =	ssyncadd.s32 $0xFFFFFF80  }
0x7b: {  	[tilespmem:s11], [sflag:$0x4] =	stream.indirect.gather [hbm4b:s4+s29], $0x80, s17, s29, $0xb8;
	[tilespmem:$0x19600] =	vst v63  }
0x7c: {  	_ =	swait.ge [sflag:s30], $0x80  }
0x7d: {  	[sflag:s30] =	ssyncset.done $0x0  }
0x7e: {  	[sflag:s30] =	ssyncadd.s32 $0xFFFFFF80  }
0x7f: {  	_ =	swait.ge [sflag:s30], $0x80  }
0x80: {  	[sflag:s30] =	ssyncset.done $0x0  }
0x81: {  	s20 =	simm.s32 $0x0;
	[sflag:s30] =	ssyncadd.s32 $0xFFFFFF80  }
0x82: {  	[tilespmem:s31], [sflag:$0x5] =	stream.indirect.gather [hbm4b:s4+s29], $0x80, s19, s29, $0xb8;
	[tilespmem:$0x19600] =	vst v63  }
0x83: {  	s3 =	simm.s32 $0x5480;
	s19 =	simm.s32 $0x980;
	[bflag:$0x0] =	sbarrier.arrive $0xFFFF  }
.LBB2_2:
0x84: {  	s10 =	simm.s32 $0x1;
	p0 =	seq.s32 s19, $0xA480  }
0x85: {  	_ =	swait.ge [sflag:s10], $0x1000;
	s17 =	sadd.s32 @!p0 $0xFFFFFB80, s19  }
0x86: {  	s0 =	simm.s32 $0x5500;
	[sflag:s10] =	ssyncset.done $0x0;
	s22 =	sand.u32 @!p0 $0x1FC00, s17  }
0x87: {  	s17 =	sand.u32 @!p0 $0x300, s17;
	[sflag:s10] =	ssyncadd.s32 $0xFFFFF000;
	s22 =	sadd.s32 @!p0 s7, s22  }
0x88: {  	[spmem:s2] =	stream.indirect.scatter.add.f32 [tilespmem:s13], [sflag:$0x10], $0x80, s0, s29, $0xb8;
	[tilespmem:$0x19600] =	vst v63  }
0x89: {  	s17 =	sor.u32 @!p0 s17, s22;
	_ =	swait.ge [sflag:s8], $0x1000  }
0x8a: {  	s26 =	simm.s32 @!p0 $0x5000;
	s17 =	sshrl.u32 @!p0 s17, $0x3;
	[sflag:s8] =	ssyncset.done $0x0  }
0x8b: {  	s22 =	simm.s32 @!p0 $0x0;
	s23 =	sadd.s32 @!p0 s5, s17;
	[sflag:s8] =	ssyncadd.s32 $0xFFFFF000  }
0x8c: {  	[tilespmem:s26], [sflag:$0x6] =	stream.linear.gather @!p0 [hbm4b:s23+s22], $0x80, $0x38;
	[tilespmem:$0x19600] =	vst v63  }
0x8d: {  	s24 =	simm.s32 $0x7;
	s17 =	sadd.s32 @!p0 s6, s17;
	s23 =	simm.s32 @!p0 $0x5500  }
0x8e: {  	[tilespmem:s23], [sflag:$0x6] =	stream.linear.gather @!p0 [hbm4b:s17+s22], $0x80, $0x38;
	[tilespmem:$0x19600] =	vst v63  }
0x8f: {  	_ =	swait.ge [sflag:s24], $0x80  }
0x90: {  	[sflag:s24] =	ssyncset.done $0x0  }
0x91: {  	[sflag:s24] =	ssyncadd.s32 $0xFFFFFF80  }
0x92: {  	_ =	swait.ge [sflag:s24], $0x80  }
0x93: {  	[sflag:s24] =	ssyncset.done $0x0  }
0x94: {  	s25 =	simm.s32 $0x5080;
	s28 =	simm.s32 $0x2;
	[sflag:s24] =	ssyncadd.s32 $0xFFFFFF80  }
0x95: {  	[tilespmem:s13], [sflag:$0x1] =	stream.indirect.gather [hbm4b:s4+s29], $0x80, s25, s29, $0xb8;
	[tilespmem:$0x19600] =	vst v63  }
0x96: {  	s1 =	simm.s32 $0x5600;
	s17 =	sadd.s32 @!p0 $0xFFFFFC00, s19;
	_ =	swait.ge [sflag:s28], $0x1000  }
0x97: {  	s9 =	simm.s32 $0x1000;
	s23 =	sand.u32 @!p0 $0x1FC00, s17;
	[sflag:s28] =	ssyncset.done $0x0  }
0x98: {  	s17 =	sand.u32 @!p0 $0x380, s17;
	s23 =	sadd.s32 @!p0 s7, s23;
	[sflag:s28] =	ssyncadd.s32 $0xFFFFF000  }
0x99: {  	[spmem:s2] =	stream.indirect.scatter.add.f32 [tilespmem:s9], [sflag:$0x10], $0x80, s1, s29, $0xb8;
	[tilespmem:$0x19600] =	vst v63  }
0x9a: {  	s17 =	sor.u32 @!p0 s17, s23;
	_ =	swait.ge [sflag:s8], $0x1000  }
0x9b: {  	s17 =	sshrl.u32 @!p0 s17, $0x3;
	[sflag:s8] =	ssyncset.done $0x0  }
0x9c: {  	s23 =	sadd.s32 @!p0 s5, s17;
	s25 =	simm.s32 @!p0 $0x5100;
	[sflag:s8] =	ssyncadd.s32 $0xFFFFF000  }
0x9d: {  	[tilespmem:s25], [sflag:$0x8] =	stream.linear.gather @!p0 [hbm4b:s23+s22], $0x80, $0x38;
	[tilespmem:$0x19600] =	vst v63  }
0x9e: {  	s11 =	simm.s32 $0x9;
	s17 =	sadd.s32 @!p0 s6, s17;
	s23 =	simm.s32 @!p0 $0x5600  }
0x9f: {  	[tilespmem:s23], [sflag:$0x8] =	stream.linear.gather @!p0 [hbm4b:s17+s22], $0x80, $0x38;
	[tilespmem:$0x19600] =	vst v63  }
0xa0: {  	_ =	swait.ge [sflag:s11], $0x80  }
0xa1: {  	[sflag:s11] =	ssyncset.done $0x0  }
0xa2: {  	[sflag:s11] =	ssyncadd.s32 $0xFFFFFF80  }
0xa3: {  	_ =	swait.ge [sflag:s11], $0x80  }
0xa4: {  	[sflag:s11] =	ssyncset.done $0x0  }
0xa5: {  	s14 =	simm.s32 $0x5180;
	[sflag:s11] =	ssyncadd.s32 $0xFFFFFF80  }
0xa6: {  	[tilespmem:s9], [sflag:$0x2] =	stream.indirect.gather [hbm4b:s4+s29], $0x80, s14, s29, $0xb8;
	[tilespmem:$0x19600] =	vst v63  }
0xa7: {  	_ =	swait.ge [sflag:s12], $0x1000  }
0xa8: {  	[sflag:s12] =	ssyncset.done $0x0  }
0xa9: {  	s1 =	simm.s32 $0x2000;
	s17 =	simm.s32 $0x5700;
	[sflag:s12] =	ssyncadd.s32 $0xFFFFF000  }
0xaa: {  	[spmem:s2] =	stream.indirect.scatter.add.f32 [tilespmem:s1], [sflag:$0x10], $0x80, s17, s29, $0xb8;
	[tilespmem:$0x19600] =	vst v63  }
0xab: {  	s17 =	sadd.s32 @!p0 $0xFFFFFC80, s19  }
0xac: {  	s23 =	sand.u32 @!p0 $0x1FC00, s17  }
0xad: {  	s17 =	sand.u32 @!p0 $0x300, s17;
	s23 =	sadd.s32 @!p0 s7, s23  }
0xae: {  	_ =	swait.ge [sflag:s8], $0x1000;
	s17 =	sor.u32 @!p0 s17, s23  }
0xaf: {  	[sflag:s8] =	ssyncset.done $0x0;
	s17 =	sshrl.u32 @!p0 s17, $0x3  }
0xb0: {  	s24 =	simm.s32 @!p0 $0x5200;
	[sflag:s8] =	ssyncadd.s32 $0xFFFFF000;
	s23 =	sadd.s32 @!p0 s5, s17  }
0xb1: {  	[tilespmem:s24], [sflag:$0xA] =	stream.linear.gather @!p0 [hbm4b:s23+s22], $0x80, $0x38;
	[tilespmem:$0x19600] =	vst v63  }
0xb2: {  	s17 =	sadd.s32 @!p0 s6, s17;
	s23 =	simm.s32 @!p0 $0x5700  }
0xb3: {  	[tilespmem:s23], [sflag:$0xA] =	stream.linear.gather @!p0 [hbm4b:s17+s22], $0x80, $0x38;
	[tilespmem:$0x19600] =	vst v63  }
0xb4: {  	s23 =	simm.s32 $0xB  }
0xb5: {  	_ =	swait.ge [sflag:s23], $0x80  }
0xb6: {  	[sflag:s23] =	ssyncset.done $0x0  }
0xb7: {  	[sflag:s23] =	ssyncadd.s32 $0xFFFFFF80  }
0xb8: {  	_ =	swait.ge [sflag:s23], $0x80  }
0xb9: {  	[sflag:s23] =	ssyncset.done $0x0  }
0xba: {  	s28 =	simm.s32 $0x5280;
	s9 =	simm.s32 $0x4;
	[sflag:s23] =	ssyncadd.s32 $0xFFFFFF80  }
0xbb: {  	[tilespmem:s1], [sflag:$0x3] =	stream.indirect.gather [hbm4b:s4+s29], $0x80, s28, s29, $0xb8;
	[tilespmem:$0x19600] =	vst v63  }
0xbc: {  	s11 =	simm.s32 $0x5800;
	s17 =	sadd.s32 @!p0 $0xFFFFFD00, s19;
	_ =	swait.ge [sflag:s9], $0x1000  }
0xbd: {  	s14 =	simm.s32 $0x3000;
	s23 =	sand.u32 @!p0 $0x1FC00, s17;
	[sflag:s9] =	ssyncset.done $0x0  }
0xbe: {  	s17 =	sand.u32 @!p0 $0x380, s17;
	s23 =	sadd.s32 @!p0 s7, s23;
	[sflag:s9] =	ssyncadd.s32 $0xFFFFF000  }
0xbf: {  	[spmem:s2] =	stream.indirect.scatter.add.f32 [tilespmem:s14], [sflag:$0x10], $0x80, s11, s29, $0xb8;
	[tilespmem:$0x19600] =	vst v63  }
0xc0: {  	s17 =	sor.u32 @!p0 s17, s23;
	_ =	swait.ge [sflag:s8], $0x1000  }
0xc1: {  	s17 =	sshrl.u32 @!p0 s17, $0x3;
	[sflag:s8] =	ssyncset.done $0x0  }
0xc2: {  	s23 =	simm.s32 @!p0 $0x5300;
	s28 =	sadd.s32 @!p0 s5, s17;
	[sflag:s8] =	ssyncadd.s32 $0xFFFFF000  }
0xc3: {  	[tilespmem:s23], [sflag:$0xC] =	stream.linear.gather @!p0 [hbm4b:s28+s22], $0x80, $0x38;
	[tilespmem:$0x19600] =	vst v63  }
0xc4: {  	s17 =	sadd.s32 @!p0 s6, s17;
	s28 =	simm.s32 @!p0 $0x5800  }
0xc5: {  	[tilespmem:s28], [sflag:$0xC] =	stream.linear.gather @!p0 [hbm4b:s17+s22], $0x80, $0x38;
	[tilespmem:$0x19600] =	vst v63  }
0xc6: {  	_ =	swait.ge [sflag:s15], $0x80  }
0xc7: {  	[sflag:s15] =	ssyncset.done $0x0  }
0xc8: {  	[sflag:s15] =	ssyncadd.s32 $0xFFFFFF80  }
0xc9: {  	_ =	swait.ge [sflag:s15], $0x80  }
0xca: {  	[sflag:s15] =	ssyncset.done $0x0  }
0xcb: {  	s17 =	simm.s32 $0x5380;
	[sflag:s15] =	ssyncadd.s32 $0xFFFFFF80  }
0xcc: {  	[tilespmem:s14], [sflag:$0x4] =	stream.indirect.gather [hbm4b:s4+s29], $0x80, s17, s29, $0xb8;
	[tilespmem:$0x19600] =	vst v63  }
0xcd: {  	_ =	swait.ge [sflag:s16], $0x1000  }
0xce: {  	[sflag:s16] =	ssyncset.done $0x0  }
0xcf: {  	s28 =	simm.s32 $0x5900;
	s17 =	sadd.s32 @!p0 $0xFFFFFD80, s19;
	[sflag:s16] =	ssyncadd.s32 $0xFFFFF000  }
0xd0: {  	[spmem:s2] =	stream.indirect.scatter.add.f32 [tilespmem:s31], [sflag:$0x10], $0x80, s28, s29, $0xb8;
	[tilespmem:$0x19600] =	vst v63  }
0xd1: {  	s28 =	sand.u32 @!p0 $0x1FC00, s17  }
0xd2: {  	s17 =	sand.u32 @!p0 $0x300, s17;
	s28 =	sadd.s32 @!p0 s7, s28  }
0xd3: {  	_ =	swait.ge [sflag:s8], $0x1000;
	s17 =	sor.u32 @!p0 s17, s28  }
0xd4: {  	[sflag:s8] =	ssyncset.done $0x0;
	s17 =	sshrl.u32 @!p0 s17, $0x3  }
0xd5: {  	s31 =	simm.s32 @!p0 $0x5400;
	[sflag:s8] =	ssyncadd.s32 $0xFFFFF000;
	s28 =	sadd.s32 @!p0 s5, s17  }
0xd6: {  	[tilespmem:s31], [sflag:$0xE] =	stream.linear.gather @!p0 [hbm4b:s28+s22], $0x80, $0x38;
	[tilespmem:$0x19600] =	vst v63  }
0xd7: {  	s17 =	sadd.s32 @!p0 s6, s17;
	s28 =	simm.s32 @!p0 $0x5900  }
0xd8: {  	[tilespmem:s28], [sflag:$0xE] =	stream.linear.gather @!p0 [hbm4b:s17+s22], $0x80, $0x38;
	[tilespmem:$0x19600] =	vst v63  }
0xd9: {  	_ =	swait.ge [sflag:s18], $0x80  }
0xda: {  	[sflag:s18] =	ssyncset.done $0x0  }
0xdb: {  	[sflag:s18] =	ssyncadd.s32 $0xFFFFFF80  }
0xdc: {  	_ =	swait.ge [sflag:s18], $0x80  }
0xdd: {  	[sflag:s18] =	ssyncset.done $0x0  }
0xde: {  	s9 =	simm.s32 $0x4000;
	[sflag:s18] =	ssyncadd.s32 $0xFFFFFF80  }
0xdf: {  	[tilespmem:s9], [sflag:$0x5] =	stream.indirect.gather [hbm4b:s4+s29], $0x80, s3, s29, $0xb8;
	[tilespmem:$0x19600] =	vst v63  }
0xe0: {  	_ =	swait.ge [sflag:s10], $0x1000  }
0xe1: {  	[sflag:s10] =	ssyncset.done $0x0  }
0xe2: {  	[sflag:s10] =	ssyncadd.s32 $0xFFFFF000;
	s10 =	simm.s32 $0x5580  }
0xe3: {  	[spmem:s2] =	stream.indirect.scatter.add.f32 [tilespmem:s13], [sflag:$0x10], $0x80, s10, s29, $0xb8;
	[tilespmem:$0x19600] =	vst v63  }
0xe4: {  	_ =	swait.ge [sflag:s8], $0x1000  }
0xe5: {  	[sflag:s8] =	ssyncset.done $0x0  }
0xe6: {  	s17 =	simm.s32 @p0 $0x2;
	[sflag:s8] =	ssyncadd.s32 $0xFFFFF000  }
0xe7: {  	_ =	swait.ge @p0 [sflag:s17], $0x1000  }
0xe8: {  	s31 =	simm.s32 @p0 $0x1000;
	[sflag:s17] =	ssyncset.done @p0 $0x0  }
0xe9: {  	s28 =	simm.s32 @p0 $0x5680;
	[sflag:s17] =	ssyncadd.s32 @p0 $0xFFFFF000;
	s17 =	simm.s32 @p0 $0x20  }
0xea: {  	[spmem:s2] =	stream.indirect.scatter.add.f32 @p0 [tilespmem:s31], [sflag:$0x10], $0x80, s28, s17, $0xb8;
	[tilespmem:$0x19600] =	vst v63  }
0xeb: {  	s28 =	sadd.s32 @!p0 $0xFFFFFE00, s19  }
0xec: {  	s14 =	sand.u32 @!p0 $0x1FC00, s28  }
0xed: {  	s31 =	simm.s32 @p0 $0x10;
	s28 =	sand.u32 @!p0 $0x380, s28;
	s14 =	sadd.s32 @!p0 s7, s14  }
0xee: {  	_ =	swait.ge @p0 [sflag:s31], $0x1000;
	s14 =	sor.u32 @!p0 s28, s14  }
0xef: {  	[sflag:s31] =	ssyncset.done @p0 $0x0;
	s14 =	sshrl.u32 @!p0 s14, $0x3  }
0xf0: {  	s0 =	simm.s32 @!p0 $0x5080;
	[sflag:s31] =	ssyncadd.s32 @p0 $0xFFFFF000;
	s28 =	sadd.s32 @!p0 s5, s14  }
0xf1: {  	[tilespmem:s0], [sflag:$0x7] =	stream.linear.gather @!p0 [hbm4b:s28+s22], $0x80, $0x38;
	[tilespmem:$0x19600] =	vst v63  }
0xf2: {  	s0 =	sadd.s32 @!p0 s6, s14;
	s14 =	simm.s32 @!p0 $0x5580  }
0xf3: {  	[tilespmem:s14], [sflag:$0x7] =	stream.linear.gather @!p0 [hbm4b:s0+s22], $0x80, $0x38;
	[tilespmem:$0x19600] =	vst v63  }
0xf4: {  	s0 =	simm.s32 @!p0 $0x6  }
0xf5: {  	_ =	swait.ge @!p0 [sflag:s0], $0x80  }
0xf6: {  	[sflag:s0] =	ssyncset.done @!p0 $0x0  }
0xf7: {  	[sflag:s0] =	ssyncadd.s32 @!p0 $0xFFFFFF80  }
0xf8: {  	_ =	swait.ge @!p0 [sflag:s0], $0x80  }
0xf9: {  	s10 =	sand.u32 @!p0 $0x300, s20;
	[sflag:s0] =	ssyncset.done @!p0 $0x0  }
0xfa: {  	s28 =	simm.s32 @!p0 $0x20;
	[sflag:s0] =	ssyncadd.s32 @!p0 $0xFFFFFF80;
	s0 =	simm.s32 @!p0 $0x2  }
0xfb: {  	[tilespmem:s22], [sflag:$0x1] =	stream.indirect.gather @!p0 [hbm4b:s4+s28], $0x80, s26, s28, $0xb8;
	[tilespmem:$0x19600] =	vst v63  }
0xfc: {  	s14 =	simm.s32 @!p0 $0x1000;
	s26 =	sadd.s32 @!p0 $0xFFFFFE80, s19;
	_ =	swait.ge @!p0 [sflag:s0], $0x1000  }
0xfd: {  	s13 =	sand.u32 @!p0 $0x1FC00, s26;
	s26 =	simm.s32 @!p0 $0x10;
	[sflag:s0] =	ssyncset.done @!p0 $0x0  }
0xfe: {  	s13 =	sadd.s32 @!p0 s7, s13;
	[sflag:s0] =	ssyncadd.s32 @!p0 $0xFFFFF000;
	s0 =	simm.s32 @!p0 $0x5680  }
0xff: {  	[spmem:s2] =	stream.indirect.scatter.add.f32 @!p0 [tilespmem:s14], [sflag:$0x10], $0x80, s0, s28, $0xb8;
	[tilespmem:$0x19600] =	vst v63  }
0x100: {  	s10 =	sor.u32 @!p0 s10, s13;
	_ =	swait.ge @!p0 [sflag:s26], $0x1000  }
0x101: {  	s10 =	sshrl.u32 @!p0 s10, $0x3;
	[sflag:s26] =	ssyncset.done @!p0 $0x0  }
0x102: {  	s3 =	simm.s32 @!p0 $0x5180;
	s13 =	sadd.s32 @!p0 s5, s10;
	[sflag:s26] =	ssyncadd.s32 @!p0 $0xFFFFF000  }
0x103: {  	[tilespmem:s3], [sflag:$0x9] =	stream.linear.gather @!p0 [hbm4b:s13+s22], $0x80, $0x38;
	[tilespmem:$0x19600] =	vst v63  }
0x104: {  	s3 =	sadd.s32 @!p0 s6, s10  }
0x105: {  	[tilespmem:s0], [sflag:$0x9] =	stream.linear.gather @!p0 [hbm4b:s3+s22], $0x80, $0x38;
	[tilespmem:$0x19600] =	vst v63  }
0x106: {  	s0 =	simm.s32 @!p0 $0x8  }
0x107: {  	_ =	swait.ge @!p0 [sflag:s0], $0x80  }
0x108: {  	[sflag:s0] =	ssyncset.done @!p0 $0x0  }
0x109: {  	[sflag:s0] =	ssyncadd.s32 @!p0 $0xFFFFFF80  }
0x10a: {  	_ =	swait.ge @!p0 [sflag:s0], $0x80  }
0x10b: {  	[sflag:s0] =	ssyncset.done @!p0 $0x0  }
0x10c: {  	[sflag:s0] =	ssyncadd.s32 @!p0 $0xFFFFFF80  }
0x10d: {  	[tilespmem:s14], [sflag:$0x2] =	stream.indirect.gather @!p0 [hbm4b:s4+s28], $0x80, s25, s28, $0xb8;
	[tilespmem:$0x19600] =	vst v63  }
0x10e: {  	_ =	swait.ge [sflag:s12], $0x1000  }
0x10f: {  	[sflag:s12] =	ssyncset.done $0x0  }
0x110: {  	s14 =	simm.s32 $0x5780;
	[sflag:s12] =	ssyncadd.s32 $0xFFFFF000  }
0x111: {  	[spmem:s2] =	stream.indirect.scatter.add.f32 [tilespmem:s1], [sflag:$0x10], $0x80, s14, s29, $0xb8;
	[tilespmem:$0x19600] =	vst v63  }
0x112: {  	_ =	swait.ge [sflag:s8], $0x1000  }
0x113: {  	[sflag:s8] =	ssyncset.done $0x0  }
0x114: {  	s0 =	simm.s32 @p0 $0x4;
	[sflag:s8] =	ssyncadd.s32 $0xFFFFF000  }
0x115: {  	_ =	swait.ge @p0 [sflag:s0], $0x1000  }
0x116: {  	[sflag:s0] =	ssyncset.done @p0 $0x0  }
0x117: {  	s3 =	simm.s32 @p0 $0x3000;
	[sflag:s0] =	ssyncadd.s32 @p0 $0xFFFFF000;
	s0 =	simm.s32 @p0 $0x5880  }
0x118: {  	[spmem:s2] =	stream.indirect.scatter.add.f32 @p0 [tilespmem:s3], [sflag:$0x10], $0x80, s0, s17, $0xb8;
	[tilespmem:$0x19600] =	vst v63  }
0x119: {  	s0 =	sadd.s32 @!p0 $0xFFFFFF00, s19  }
0x11a: {  	s3 =	sand.u32 @!p0 $0x1FC00, s0  }
0x11b: {  	s0 =	sand.u32 @!p0 $0x380, s0;
	s3 =	sadd.s32 @!p0 s7, s3  }
0x11c: {  	_ =	swait.ge @p0 [sflag:s31], $0x1000;
	s0 =	sor.u32 @!p0 s0, s3  }
0x11d: {  	[sflag:s31] =	ssyncset.done @p0 $0x0;
	s0 =	sshrl.u32 @!p0 s0, $0x3  }
0x11e: {  	s10 =	simm.s32 @!p0 $0x5280;
	[sflag:s31] =	ssyncadd.s32 @p0 $0xFFFFF000;
	s3 =	sadd.s32 @!p0 s5, s0  }
0x11f: {  	[tilespmem:s10], [sflag:$0xB] =	stream.linear.gather @!p0 [hbm4b:s3+s22], $0x80, $0x38;
	[tilespmem:$0x19600] =	vst v63  }
0x120: {  	s0 =	sadd.s32 @!p0 s6, s0;
	s3 =	simm.s32 @!p0 $0x5780  }
0x121: {  	[tilespmem:s3], [sflag:$0xB] =	stream.linear.gather @!p0 [hbm4b:s0+s22], $0x80, $0x38;
	[tilespmem:$0x19600] =	vst v63  }
0x122: {  	s0 =	simm.s32 @!p0 $0xA  }
0x123: {  	_ =	swait.ge @!p0 [sflag:s0], $0x80  }
0x124: {  	[sflag:s0] =	ssyncset.done @!p0 $0x0  }
0x125: {  	[sflag:s0] =	ssyncadd.s32 @!p0 $0xFFFFFF80  }
0x126: {  	_ =	swait.ge @!p0 [sflag:s0], $0x80  }
0x127: {  	[sflag:s0] =	ssyncset.done @!p0 $0x0  }
0x128: {  	[sflag:s0] =	ssyncadd.s32 @!p0 $0xFFFFFF80;
	s0 =	simm.s32 @!p0 $0x2000  }
0x129: {  	[tilespmem:s0], [sflag:$0x3] =	stream.indirect.gather @!p0 [hbm4b:s4+s28], $0x80, s24, s28, $0xb8;
	[tilespmem:$0x19600] =	vst v63  }
0x12a: {  	s10 =	sadd.s32 @!p0 $0xFFFFFF80, s19;
	s0 =	simm.s32 @!p0 $0x4  }
0x12b: {  	s13 =	sand.u32 @!p0 $0x1FC00, s10;
	_ =	swait.ge @!p0 [sflag:s0], $0x1000  }
0x12c: {  	s10 =	sand.u32 @!p0 $0x300, s10;
	s3 =	simm.s32 @!p0 $0x3000;
	[sflag:s0] =	ssyncset.done @!p0 $0x0  }
0x12d: {  	s13 =	sadd.s32 @!p0 s7, s13;
	[sflag:s0] =	ssyncadd.s32 @!p0 $0xFFFFF000;
	s0 =	simm.s32 @!p0 $0x5880  }
0x12e: {  	[spmem:s2] =	stream.indirect.scatter.add.f32 @!p0 [tilespmem:s3], [sflag:$0x10], $0x80, s0, s28, $0xb8;
	[tilespmem:$0x19600] =	vst v63  }
0x12f: {  	s10 =	sor.u32 @!p0 s10, s13;
	_ =	swait.ge @!p0 [sflag:s26], $0x1000  }
0x130: {  	s10 =	sshrl.u32 @!p0 s10, $0x3;
	[sflag:s26] =	ssyncset.done @!p0 $0x0  }
0x131: {  	s14 =	simm.s32 @!p0 $0x5380;
	s13 =	sadd.s32 @!p0 s5, s10;
	[sflag:s26] =	ssyncadd.s32 @!p0 $0xFFFFF000  }
0x132: {  	[tilespmem:s14], [sflag:$0xD] =	stream.linear.gather @!p0 [hbm4b:s13+s22], $0x80, $0x38;
	[tilespmem:$0x19600] =	vst v63  }
0x133: {  	s10 =	sadd.s32 @!p0 s6, s10  }
0x134: {  	[tilespmem:s0], [sflag:$0xD] =	stream.linear.gather @!p0 [hbm4b:s10+s22], $0x80, $0x38;
	[tilespmem:$0x19600] =	vst v63  }
0x135: {  	s0 =	simm.s32 @!p0 $0xC  }
0x136: {  	_ =	swait.ge @!p0 [sflag:s0], $0x80  }
0x137: {  	[sflag:s0] =	ssyncset.done @!p0 $0x0  }
0x138: {  	[sflag:s0] =	ssyncadd.s32 @!p0 $0xFFFFFF80  }
0x139: {  	_ =	swait.ge @!p0 [sflag:s0], $0x80  }
0x13a: {  	[sflag:s0] =	ssyncset.done @!p0 $0x0  }
0x13b: {  	[sflag:s0] =	ssyncadd.s32 @!p0 $0xFFFFFF80  }
0x13c: {  	[tilespmem:s3], [sflag:$0x4] =	stream.indirect.gather @!p0 [hbm4b:s4+s28], $0x80, s23, s28, $0xb8;
	[tilespmem:$0x19600] =	vst v63  }
0x13d: {  	_ =	swait.ge [sflag:s16], $0x1000  }
0x13e: {  	s31 =	simm.s32 $0x4000;
	[sflag:s16] =	ssyncset.done $0x0  }
.Ltmp2:
0x13f: {  	s28 =	simm.s32 $0x5980;
	[sflag:s16] =	ssyncadd.s32 $0xFFFFF000;
	(pc) =	sbr.rel @p0 .LBB2_4-.Ltmp2, $4  }
0x140: {  	[spmem:s2] =	stream.indirect.scatter.add.f32 [tilespmem:s31], [sflag:$0x10], $0x80, s28, s29, $0xb8;
	[tilespmem:$0x19600] =	vst v63  }
0x141: {  	s30 =	simm.s32 $0x1000;
	_ =	swait.ge [sflag:s8], $0x1000  }
0x142: {  	s11 =	simm.s32 $0x3000;
	s9 =	simm.s32 $0x5480;
	[sflag:s8] =	ssyncset.done $0x0  }
0x143: {  	s25 =	simm.s32 $0x2000;
	s22 =	simm.s32 $0x5980;
	[sflag:s8] =	ssyncadd.s32 $0xFFFFF000  }
0x144: {  	s0 =	sand.u32 $0x1FC00, s19  }
0x145: {  	s3 =	sand.u32 $0x380, s19;
	s0 =	sadd.s32 s7, s0  }
0x146: {  	s0 =	sor.u32 s3, s0  }
0x147: {  	s0 =	sshrl.u32 s0, $0x3  }
0x148: {  	s26 =	sadd.s32 s5, s0  }
0x149: {  	[tilespmem:s9], [sflag:$0xF] =	stream.linear.gather [hbm4b:s26+s21], $0x80, $0x38;
	[tilespmem:$0x19600] =	vst v63  }
0x14a: {  	s28 =	simm.s32 $0xE;
	s0 =	sadd.s32 s6, s0  }
0x14b: {  	[tilespmem:s22], [sflag:$0xF] =	stream.linear.gather [hbm4b:s0+s21], $0x80, $0x38;
	[tilespmem:$0x19600] =	vst v63  }
0x14c: {  	_ =	swait.ge [sflag:s28], $0x80  }
0x14d: {  	[sflag:s28] =	ssyncset.done $0x0  }
.Ltmp3:
0x14e: {  	[sflag:s28] =	ssyncadd.s32 $0xFFFFFF80;
	(pc) =	sbr.rel .LBB2_2-.Ltmp3, $4  }
0x14f: {  	s30 =	simm.s32 $0x5400;
	_ =	swait.ge [sflag:s28], $0x80  }
0x150: {  	s19 =	sadd.s32 $0x500, s19;
	s20 =	sadd.s32 $0x100, s20;
	[sflag:s28] =	ssyncset.done $0x0  }
0x151: {  	s13 =	simm.s32 $0x0;
	s3 =	simm.s32 $0x5480;
	[sflag:s28] =	ssyncadd.s32 $0xFFFFFF80  }
0x152: {  	[tilespmem:s31], [sflag:$0x5] =	stream.indirect.gather [hbm4b:s4+s29], $0x80, s30, s29, $0xb8;
	[tilespmem:$0x19600] =	vst v63  }
.LBB2_5:
0x153: {  	_ =	sfence.sel $0x180000  }
0x154: {  	[bflag:$0x0] =	sbarrier.arrive $0xFFFF  }
0x155: {  	_ =	strace $0x9000004D  }
0x156: {  	s0 =	stileid.u32;
	[bflag:$0x2] =	sbarrier.arrive $0xFFFF  }
0x157: {  	p0 =	sne.s32 s0, $0x0;
	s0 =	rddreg [dreg:$0x2]  }
0x158: {  	s0 =	sadd.s32 @!p0 $0x100000, s0  }
0x159: {  	[sflag:s0] =	ssyncadd.tile.s32 @!p0 $0x1;
	_ =	shalt  }
.Lfunc_end2:
_tile_overlayer_lowered:
.L_overlay_start_2:
0x15a: {  	(tag) =	ssettag $0x2  }
0x15b: {  	s0 =	rddreg [dreg:$0x0];
	s2 =	stileid.u32  }
0x15c: {  	s1 =	rddreg [dreg:$0x1];
	p0 =	sne.s32 s2, $0x0  }
0x15d: {  	s3 =	rddreg [dreg:$0x2];
	[bflag:$0x3] =	sbarrier.arrive $0xFFFF;
	s2 =	simm.s32 @!p0 $0x1C10  }
0x15e: {  	[timem:s3], [sflag:s2] =	dma.local @!p0 [hbm:s0], s1  }
0x15f: {  	s0 =	simm.s32 @!p0 $0x10  }
0x160: {  	_ =	swait.ge @!p0 [sflag:s0], s1  }
0x161: {  	s1 =	ssub.s32 @!p0 $0x0, s1;
	[sflag:s0] =	ssyncset.done @!p0 $0x0  }
0x162: {  	[sflag:s0] =	ssyncadd.s32 @!p0 s1  }
0x163: {  	[bflag:$0x3] =	sbarrier.arrive $0xFFFF  }
0x164: {  	_ =	shalt  }

// kernel: kernel.9.cloned.1.call-start
scs
__scs_entry_jumppad:
0x0: {  	(pc) =	sbr.rel $0x88, $3  }
0x1: {  	(tag) =	ssettag $0x0;
	lr =	simm.s32 $0x1  }
0x2: {  	[smem:$0x3F94] =	sst lr;
	_ =	strace $0xD0000000  }
0x3: {  	_ = 	snop  }
0x4: {  	_ = 	snop  }
0x5: {  	_ = 	snop  }
0x6: {  	_ = 	snop  }
0x7: {  	_ = 	snop  }
__scs_overlays_trampoline_lowered:
0x8: {  	[smem:$0x3FA3] =	sst s0  }
0x9: {  	[smem:$0x3FA4] =	sst s1  }
0xa: {  	[smem:$0x3FA5] =	sst s2  }
0xb: {  	[smem:$0x3FA6] =	sst s3  }
0xc: {  	[smem:$0x3FA7] =	sst s4  }
0xd: {  	[smem:$0x3FA8] =	sst s5  }
0xe: {  	[smem:$0x3FA9] =	sst s6  }
0xf: {  	[smem:$0x3FAA] =	sst s7  }
0x10: {  	[smem:$0x3FAB] =	sst s8  }
0x11: {  	[smem:$0x3FAC] =	sst s9;
	s0 =	simm.s32 @!p0 $0x0  }
0x12: {  	s1 =	sld [smem:$0x3F92];
	s0 =	simm.s32 @p0 $0x1  }
0x13: {  	[smem:$0x3FAD] =	sst s0;
	s0 =	simm.s32 @!p1 $0x0  }
0x14: {  	s2 =	sld [smem:$0x3F91];
	s0 =	simm.s32 @p1 $0x1  }
0x15: {  	[smem:$0x3FAE] =	sst s0;
	s0 =	simm.s32 @!p2 $0x0  }
0x16: {  	s3 =	sld [smem:$0x3FDB];
	s0 =	simm.s32 @p2 $0x1  }
0x17: {  	s4 =	simm.s32 $0x1BF5;
	[smem:$0x3FB0] =	sst s0  }
0x18: {  	s0 =	sld [smem:$0x3F93];
	_ =	swait.ge [sflag:s4], $0x0  }
0x19: {  	s7 =	sld [smem:$0x3F94]  }
0x1a: {  	s8 =	sadd.s32 $0xFFFFE003, lr  }
0x1b: {  	s9 =	sadd.s32 $0xFFFFFEF7, lr;
	s5 =	simm.s32 $0xFFFFFFFF;
	p2 =	slt.u32 s8, $0xFFFFF086  }
0x1c: {  	p1 =	slt.u32 s9, $0xF7A;
	s5 =	simm.s32 @!p2 $0x0  }
0x1d: {  	s5 =	simm.s32 @p1 $0x1;
	p0 =	seq.s32 s7, s2  }
0x1e: {  	s7 =	smul.u32 @!p0 $0xF7A, s2;
	p2 =	seq.s32 @!p0 s5, $0x0  }
0x1f: {  	s9 =	smul.u32 $0xF7A, s1;
	s8 =	simm.s32 @!p0 $0x1BF5;
	p2 =	por !p2, p0  }
0x20: {  	[sflag:s8] =	ssyncset.s32 @!p0 $0xFFFFF086;
	s6 =	sadd.s32 @!p0 s3, s7;
	s7 =	simm.s32 @!p0 $0x108  }
0x21: {  	s3 =	sadd.s32 s3, s9;
	s6 =	sadd.s32 @!p0 $0x88, s6;
	s7 =	simm.s32 @p2 $0x1082  }
0x22: {  	[simem:s7], [sflag:s8] =	dma.local @!p0 [hbm:s6], $0xF7A  }
0x23: {  	s9 =	sor.u32 $0xD0000000, s2;
	s6 =	simm.s32 $0x108;
	_ =	swait.ge @!p0 [sflag:s8], $0x0  }
0x24: {  	s3 =	sadd.s32 $0x88, s3;
	s6 =	simm.s32 @!p1 $0x1082;
	[sflag:s4] =	ssyncset.s32 $0xFFFFF086  }
0x25: {  	[simem:s6], [sflag:s4] =	dma.local [hbm:s3], $0xF7A  }
0x26: {  	[smem:$0x3F94] =	sst s1;
	(tag) =	ssettag s2;
	_ =	strace s9  }
0x27: {  	s1 =	sld [smem:$0x3FA4]  }
0x28: {  	s2 =	sld [smem:$0x3FA5]  }
0x29: {  	s4 =	sld [smem:$0x3FA7]  }
0x2a: {  	p0 =	seq.s32 s5, $0x0;
	s5 =	sld [smem:$0x3FA8]  }
0x2b: {  	s6 =	sld [smem:$0x3FA9]  }
0x2c: {  	s7 =	sld [smem:$0x3FAA]  }
0x2d: {  	s3 =	simm.s32 $0x108;
	s8 =	sld [smem:$0x3FAB]  }
0x2e: {  	s3 =	simm.s32 @!p0 $0x1082;
	s9 =	sld [smem:$0x3FAC]  }
0x2f: {  	lr =	sadd.s32 s0, s3;
	s0 =	sld [smem:$0x3FA3]  }
0x30: {  	s3 =	sld [smem:$0x3FA6]  }
0x31: {  	[smem:$0x3FAF] =	sst s10  }
0x32: {  	s10 =	sld [smem:$0x3FAD];
	_ =	sdelay $0x3  }
0x33: {  	p0 =	seq.s32 s10, $0x1;
	s10 =	sld [smem:$0x3FAF];
	_ =	sdelay $0x3  }
0x34: {  	[smem:$0x3FAF] =	sst s10  }
0x35: {  	s10 =	sld [smem:$0x3FAE];
	_ =	sdelay $0x3  }
0x36: {  	p1 =	seq.s32 s10, $0x1;
	s10 =	sld [smem:$0x3FAF];
	_ =	sdelay $0x3  }
0x37: {  	[smem:$0x3FAF] =	sst s10  }
0x38: {  	s10 =	sld [smem:$0x3FB0]  }
0x39: {  	_ = 	snop;
	(pc) =	sbr.ind lr, $3  }
0x3a: {  	_ = 	snop  }
0x3b: {  	_ = 	snop  }
0x3c: {  	p2 =	seq.s32 s10, $0x1;
	s10 =	sld [smem:$0x3FAF]  }
0x3d: {  	_ =	shalt  }
0x3e: {  	_ =	shalt  }
0x3f: {  	_ =	shalt  }
0x40: {  	_ =	shalt  }
0x41: {  	_ =	shalt  }
0x42: {  	_ =	shalt  }
0x43: {  	_ =	shalt  }
0x44: {  	_ =	shalt  }
0x45: {  	_ =	shalt  }
0x46: {  	_ =	shalt  }
0x47: {  	_ =	shalt  }
0x48: {  	_ =	shalt  }
0x49: {  	_ =	shalt  }
0x4a: {  	_ =	shalt  }
0x4b: {  	_ =	shalt  }
0x4c: {  	_ =	shalt  }
0x4d: {  	_ =	shalt  }
0x4e: {  	_ =	shalt  }
0x4f: {  	_ =	shalt  }
0x50: {  	_ =	shalt  }
0x51: {  	_ =	shalt  }
0x52: {  	_ =	shalt  }
0x53: {  	_ =	shalt  }
0x54: {  	_ =	shalt  }
0x55: {  	_ =	shalt  }
0x56: {  	_ =	shalt  }
0x57: {  	_ =	shalt  }
0x58: {  	_ =	shalt  }
0x59: {  	_ =	shalt  }
0x5a: {  	_ =	shalt  }
0x5b: {  	_ =	shalt  }
0x5c: {  	_ =	shalt  }
0x5d: {  	_ =	shalt  }
0x5e: {  	_ =	shalt  }
0x5f: {  	_ =	shalt  }
0x60: {  	_ =	shalt  }
0x61: {  	_ =	shalt  }
0x62: {  	_ =	shalt  }
0x63: {  	_ =	shalt  }
0x64: {  	_ =	shalt  }
0x65: {  	_ =	shalt  }
0x66: {  	_ =	shalt  }
0x67: {  	_ =	shalt  }
0x68: {  	_ =	shalt  }
0x69: {  	_ =	shalt  }
0x6a: {  	_ =	shalt  }
0x6b: {  	_ =	shalt  }
0x6c: {  	_ =	shalt  }
0x6d: {  	_ =	shalt  }
0x6e: {  	_ =	shalt  }
0x6f: {  	_ =	shalt  }
0x70: {  	_ =	shalt  }
0x71: {  	_ =	shalt  }
0x72: {  	_ =	shalt  }
0x73: {  	_ =	shalt  }
0x74: {  	_ =	shalt  }
0x75: {  	_ =	shalt  }
0x76: {  	_ =	shalt  }
0x77: {  	_ =	shalt  }
0x78: {  	_ =	shalt  }
0x79: {  	_ =	shalt  }
0x7a: {  	_ =	shalt  }
0x7b: {  	_ =	shalt  }
0x7c: {  	_ =	shalt  }
0x7d: {  	_ =	shalt  }
0x7e: {  	_ =	shalt  }
0x7f: {  	_ =	shalt  }
0x80: {  	_ =	shalt  }
0x81: {  	_ =	shalt  }
0x82: {  	_ =	shalt  }
0x83: {  	_ =	shalt  }
0x84: {  	_ =	shalt  }
0x85: {  	_ =	shalt  }
0x86: {  	_ =	shalt  }
0x87: {  	_ =	shalt  }
.Lfunc_end0:
.L_simem_size_0:
called_computation_lowered:
.L_overlay_start_0:
0x88: {  	s2 =	sld [smem:$0x3FD9]  }
0x89: {  	s3 =	sld [smem:$0x3FFE];
	_ =	sdelay $0x1  }
0x8a: {  	s1 =	srdreg.scid  }
0x8b: {  	s0 =	sand.u32 $0x1, s1  }
0x8c: {  	s17 =	sshll.u32 s0, $0xA;
	s2 =	sadd.s32 s3, s2  }
0x8d: {  	s2 =	sadd.s32 s2, s17  }
0x8e: {  	[smem:$0x3FBB] =	sst s2  }
0x8f: {  	_ = 	snop  }
0x90: {  	s18 =	sld [smem:$0x3FD0];
	(tm) =	ssettm $0x1  }
0x91: {  	s19 =	sld [smem:$0x3FFB];
	_ =	sdelay $0x3  }
0x92: {  	_ =	strace s19  }
0x93: {  	s2 =	sld [smem:$0x3FFC];
	_ =	sdelay $0x3  }
0x94: {  	_ =	strace s2  }
0x95: {  	s2 =	sld [smem:$0x3FFD];
	_ =	sdelay $0x3  }
0x96: {  	_ =	strace s2  }
0x97: {  	_ =	strace $0x8FFFFFFF  }
0x98: {  	s20 =	sld [smem:$0x3FDB];
	_ =	sdelay $0x1  }
0x99: {  	s4 =	simm.s32 $_scs_section_size  }
0x9a: {  	s5 =	simm.s32 $_size__tile_overlayer_lowered;
	s6 =	simm.s32 $_tile_overlayer_lowered  }
0x9b: {  	s7 =	simm.s32 $0x1BFF;
	s21 =	sshll.u32 s6, $0x1;
	s4 =	sadd.s32 s4, s20  }
0x9c: {  	s22 =	simm.s32 $0x0;
	s5 =	sshll.u32 s5, $0x1;
	s6 =	sadd.s32 s21, s4  }
0x9d: {  	[timem:s22], [sflag:s7] =	dma.local [hbm:s6], s5  }
0x9e: {  	_ =	swait.ge [sflag:s7], s5  }
0x9f: {  	s5 =	ssub.s32 $0x0, s5;
	[sflag:s7] =	ssyncset.done $0x0  }
0xa0: {  	[sflag:s7] =	ssyncadd.s32 s5;
	_ =	sdelay $0x1  }
0xa1: {  	s23 =	simm.s32 $0x1B8B  }
0xa2: {  	_ =	swait.ge [sflag:s23], $0x1  }
0xa3: {  	[sflag:s23] =	ssyncset.done $0x0  }
0xa4: {  	[sflag:s23] =	ssyncadd.s32 $0xFFFFFFFF  }
0xa5: {  	s5 =	sld [smem:$0x0]  }
0xa6: {  	s6 =	sand.u32 $0xFFFFFFFE, s1  }
0xa7: {  	p0 =	sne.s32 s1, s6  }
0xa8: {  	s6 =	sshll.u32 @p0 s6, $0xE  }
0xa9: {  	s6 =	sadd.s32 @p0 $0x11B8D, s6;
	s7 =	sshll.u32 @p0 s5, $0x11  }
0xaa: {  	s6 =	sor.u32 @p0 s7, s6  }
0xab: {  	[sflag:s6] =	ssyncadd.remote.s32 @p0 $0x1;
	_ =	sdelay $0x1  }
0xac: {  	s6 =	simm.s32 @p0 $0x1B8D  }
0xad: {  	_ =	swait.eq @p0 [sflag:s6], $0x1  }
0xae: {  	[sflag:s6] =	ssyncadd.s32 @p0 $0xFFFFFFFF  }
0xaf: {  	s7 =	sshll.u32 @!p0 s1, $0xE  }
0xb0: {  	s7 =	sor.u32 @!p0 $0x4000, s7;
	s6 =	simm.s32 @!p0 $0x1B8D  }
0xb1: {  	s5 =	sshll.u32 @!p0 s5, $0x11;
	s7 =	sadd.s32 @!p0 $0x11B8D, s7;
	_ =	swait.eq @!p0 [sflag:s6], $0x1  }
0xb2: {  	s5 =	sor.u32 @!p0 s5, s7;
	[sflag:s6] =	ssyncadd.s32 @!p0 $0xFFFFFFFF  }
0xb3: {  	s25 =	simm.s32 $0x1B8E;
	s24 =	sld [smem:$0x3FFE];
	[sflag:s5] =	ssyncadd.remote.s32 @!p0 $0x1  }
0xb4: {  	s26 =	simm.s32 $execute0_lowered;
	[smem:$0x3FD2] =	sst s25  }
0xb5: {  	s6 =	sshll.u32 s26, $0x1;
	_ =	strace $0x80000049;
	[dreg:$0x1] =	wrdreg $0xFFFFFFFF  }
0xb6: {  	s28 =	simm.s32 $_size_execute0_lowered;
	s4 =	sadd.s32 s4, s6;
	[dreg:$0x0] =	wrdreg $0x0  }
0xb7: {  	s6 =	sshll.u32 s28, $0x1;
	[dreg:$0x2] =	wrdreg s4  }
0xb8: {  	[dreg:$0x3] =	wrdreg s6  }
0xb9: {  	[dreg:$0x4] =	wrdreg $0xC0  }
0xba: {  	_ =	task [dreg:s22], $0x5FFFF  }
0xbb: {  	[dreg:$0x1] =	wrdreg $0xFFFFFFFF  }
0xbc: {  	[dreg:$0x0] =	wrdreg $0x60  }
0xbd: {  	[dreg:$0x2] =	wrdreg s18  }
0xbe: {  	[dreg:$0x3] =	wrdreg s24  }
0xbf: {  	[dreg:$0x4] =	wrdreg $0x68000  }
0xc0: {  	[dreg:$0x5] =	wrdreg $0x9  }
0xc1: {  	_ =	task.clear_ibuf [dreg:s22], $0x6FFFF;
	_ =	strace $0x90000049  }
0xc2: {  	s29 =	simm.s32 $0x9;
	_ =	strace $0x8000004B  }
0xc3: {  	_ =	swait.ge [sflag:s29], $0x1  }
0xc4: {  	[sflag:s29] =	ssyncadd.s32 $0xFFFFFFFF  }
0xc5: {  	_ =	strace $0x9000004B  }
0xc6: {  	_ =	sfence  }
0xc7: {  	s30 =	sld [smem:$0x0];
	_ =	sdelay $0x2  }
0xc8: {  	s31 =	sshll.u32 s1, $0xD;
	s1 =	sshrl.u32 s1, $0x2  }
0xc9: {  	s4 =	sand.u32 $0x4000, s31;
	s1 =	sadd.s32 s1, s30  }
0xca: {  	s0 =	sor.u32 s4, s0;
	s1 =	sshll.u32 s1, $0x11  }
0xcb: {  	s0 =	sor.u32 s1, s0  }
0xcc: {  	s0 =	sadd.s32 $0x8F2B, s0  }
0xcd: {  	[sflag:s0] =	ssyncadd.remote.s32 $0x1  }
0xce: {  	_ =	sfence.sel $0xFFFF  }
0xcf: {  	[dreg:$0x0] =	wrdreg $0xFFFFFFFF;
	(pc) =	sbr.abs _section_cstart, $3  }
0xd0: {  	[dreg:$0x1] =	wrdreg $0xFFFFFFFF  }
0xd1: {  	_ =	task.clear_ibuf [dreg:s22], $0x2FFFF;
	_ =	strace $0x9FFFFFFF  }
0xd2: {  	(tm) =	ssettm $0x7FFFFFFF  }
0xd3: {  	_ =	shalt  }
tec
execute0_lowered:
.L_overlay_start_1:
0x0: {  	(tag) =	ssettag $0x1  }
0x1: {  	s7 =	rddreg [dreg:$0x0]  }
0x2: {  	s5 =	rddreg [dreg:$0x1];
	s0 =	stileid.u32  }
0x3: {  	s1 =	srdreg.scid;
	s2 =	rddreg [dreg:$0x2];
	s3 =	simm.s32 $0x0  }
0x4: {  	s14 =	simm.s32 $0x80;
	s15 =	simm.s32 $0x100;
	s16 =	simm.s32 $0x180  }
0x5: {  	s17 =	simm.s32 $0x1;
	s18 =	simm.s32 $0x2;
	s19 =	simm.s32 $0x3  }
0x6: {  	s20 =	simm.s32 $0x4;
	s6 =	sand.u32 $0x1, s1;
	s1 =	rddreg [dreg:$0x3]  }
0x7: {  	s21 =	simm.s32 $0x0;
	s4 =	smul.u32 $0x13C00, s0;
	[smem:$0x7FF] =	sst s3  }
0x8: {  	s12 =	smul.u32 $0x4F000, s0;
	s13 =	sshll.u32 s0, $0x1;
	s29 =	sshll.u32 s0, $0x6  }
0x9: {  	s8 =	smul.u32 $0x13C000, s6;
	_ =	strace $0x8000004A;
	s10 =	ssub.s32 $0x2, s6  }
0xa: {  	s26 =	sor.u32 s6, s13;
	s6 =	sor.u32 $0x1C05, s29;
	s13 =	simm.s32 $0x58  }
0xb: {  	s9 =	sshrl.u32 s4, $0x3;
	s11 =	sshrl.u32 s10, $0x1;
	s28 =	sshrl.u32 s12, $0x2  }
0xc: {  	s30 =	smul.u32 $0x780, s26;
	s12 =	simm.s32 $0x3C00;
	s9 =	sadd.s32 s9, s5  }
0xd: {  	s8 =	sadd.s32 s4, s8;
	s4 =	sadd.s32 $0xF1E00, s5;
	s10 =	ssub.s32 s10, s11  }
0xe: {  	s31 =	sadd.s32 s28, s2;
	s11 =	simm.s32 $0x5;
	s8 =	sshrl.u32 s8, $0x3  }
0xf: {  	s7 =	sadd.s32 s7, s30;
	s8 =	sadd.s32 s8, s5;
	s5 =	sadd.s32 $0x7B600, s9  }
0x10: {  	s9 =	smax.u32 s10, $0x1;
	s10 =	sshrl.u32 s31, $0x3;
	s8 =	sadd.s32 $0xF2400, s8  }
.LBB2_1:
0x11: {  	[spmem:s10], [sflag:s6] =	dma.local [hbm:s5], $0x2780  }
0x12: {  	_ =	swait.ge [sflag:s11], $0x2780  }
0x13: {  	[sflag:s11] =	ssyncset.done $0x0  }
0x14: {  	[sflag:s11] =	ssyncadd.s32 $0xFFFFD880  }
0x15: {  	[tilespmem:s12], [sflag:$0x5] =	stream.linear.gather [hbm4b:s4+s3], $0x2C00, $0x38;
	[tilespmem:$0x1A400] =	vst v63  }
0x16: {  	_ =	swait.ge [sflag:s11], $0x2C00  }
0x17: {  	[sflag:s11] =	ssyncset.done $0x0  }
0x18: {  	[sflag:s11] =	ssyncadd.s32 $0xFFFFD400  }
0x19: {  	[tilespmem:s3], [sflag:$0x5] =	stream.linear.gather [hbm4b:s7+s3], $0x3A00, $0x38;
	[tilespmem:$0x1A400] =	vst v63  }
0x1a: {  	_ =	swait.ge [sflag:s11], $0x3A00  }
0x1b: {  	[sflag:s11] =	ssyncset.done $0x0  }
0x1c: {  	[sflag:s11] =	ssyncadd.s32 $0xFFFFC600  }
0x1d: {  	[bflag:$0x0] =	sbarrier.arrive $0xFFFF  }
0x1e: {  	[spmem:s2] =	stream.indirect.scatter.add.f32 [tilespmem:s12], [sflag:$0x1], $0x80, s3, s13, $0xb8;
	[tilespmem:$0x1A400] =	vst v63  }
0x1f: {  	_ = 	snop  }
0x20: {  	[spmem:s2] =	stream.indirect.scatter.add.f32 [tilespmem:s12], [sflag:$0x2], $0x80, s14, s13, $0xb8;
	[tilespmem:$0x1A400] =	vst v63  }
0x21: {  	_ = 	snop  }
0x22: {  	[spmem:s2] =	stream.indirect.scatter.add.f32 [tilespmem:s12], [sflag:$0x3], $0x80, s15, s13, $0xb8;
	[tilespmem:$0x1A400] =	vst v63  }
0x23: {  	_ = 	snop  }
0x24: {  	[spmem:s2] =	stream.indirect.scatter.add.f32 [tilespmem:s12], [sflag:$0x4], $0x80, s16, s13, $0xb8;
	[tilespmem:$0x1A400] =	vst v63  }
0x25: {  	_ =	swait.ge [sflag:s17], $0x2C00  }
0x26: {  	[sflag:s17] =	ssyncset.done $0x0  }
0x27: {  	s22 =	simm.s32 $0x200;
	[sflag:s17] =	ssyncadd.s32 $0xFFFFD400  }
0x28: {  	[spmem:s2] =	stream.indirect.scatter.add.f32 [tilespmem:s12], [sflag:$0x1], $0x80, s22, s13, $0xb8;
	[tilespmem:$0x1A400] =	vst v63  }
0x29: {  	_ =	swait.ge [sflag:s18], $0x2C00  }
0x2a: {  	[sflag:s18] =	ssyncset.done $0x0  }
0x2b: {  	s30 =	simm.s32 $0x280;
	[sflag:s18] =	ssyncadd.s32 $0xFFFFD400  }
0x2c: {  	[spmem:s2] =	stream.indirect.scatter.add.f32 [tilespmem:s12], [sflag:$0x2], $0x80, s30, s13, $0xb8;
	[tilespmem:$0x1A400] =	vst v63  }
0x2d: {  	_ =	swait.ge [sflag:s19], $0x2C00  }
0x2e: {  	[sflag:s19] =	ssyncset.done $0x0  }
0x2f: {  	s31 =	simm.s32 $0x300;
	[sflag:s19] =	ssyncadd.s32 $0xFFFFD400  }
0x30: {  	[spmem:s2] =	stream.indirect.scatter.add.f32 [tilespmem:s12], [sflag:$0x3], $0x80, s31, s13, $0xb8;
	[tilespmem:$0x1A400] =	vst v63  }
0x31: {  	_ =	swait.ge [sflag:s20], $0x2C00  }
0x32: {  	[sflag:s20] =	ssyncset.done $0x0  }
0x33: {  	s23 =	simm.s32 $0x380;
	s22 =	simm.s32 $0xFFFF2800;
	[sflag:s20] =	ssyncadd.s32 $0xFFFFD400  }
.LBB2_2:
0x34: {  	[spmem:s2] =	stream.indirect.scatter.add.f32 [tilespmem:s12], [sflag:$0x4], $0x80, s23, s13, $0xb8;
	[tilespmem:$0x1A400] =	vst v63  }
0x35: {  	s23 =	smov.u32 s22  }
0x36: {  	p0 =	sne.s32 s22, $0xFFFFF800;
	s22 =	sadd.s32 $0x800, s22;
	_ =	swait.ge [sflag:s17], $0x2C00  }
0x37: {  	s23 =	sshra.s32 s23, $0x2;
	[sflag:s17] =	ssyncset.done $0x0  }
0x38: {  	s24 =	sadd.s32 $0x3A00, s23;
	[sflag:s17] =	ssyncadd.s32 $0xFFFFD400  }
0x39: {  	[spmem:s2] =	stream.indirect.scatter.add.f32 [tilespmem:s12], [sflag:$0x1], $0x80, s24, s13, $0xb8;
	[tilespmem:$0x1A400] =	vst v63  }
0x3a: {  	_ =	swait.ge [sflag:s18], $0x2C00  }
0x3b: {  	[sflag:s18] =	ssyncset.done $0x0  }
0x3c: {  	s24 =	sadd.s32 $0x3A80, s23;
	[sflag:s18] =	ssyncadd.s32 $0xFFFFD400  }
0x3d: {  	[spmem:s2] =	stream.indirect.scatter.add.f32 [tilespmem:s12], [sflag:$0x2], $0x80, s24, s13, $0xb8;
	[tilespmem:$0x1A400] =	vst v63  }
0x3e: {  	_ =	swait.ge [sflag:s19], $0x2C00  }
0x3f: {  	[sflag:s19] =	ssyncset.done $0x0  }
.Ltmp0:
0x40: {  	s24 =	sadd.s32 $0x3B00, s23;
	[sflag:s19] =	ssyncadd.s32 $0xFFFFD400;
	(pc) =	sbr.rel @p0 .LBB2_2-.Ltmp0, $4  }
0x41: {  	[spmem:s2] =	stream.indirect.scatter.add.f32 [tilespmem:s12], [sflag:$0x3], $0x80, s24, s13, $0xb8;
	[tilespmem:$0x1A400] =	vst v63  }
0x42: {  	_ =	swait.ge [sflag:s20], $0x2C00  }
0x43: {  	[sflag:s20] =	ssyncset.done $0x0  }
0x44: {  	s23 =	sadd.s32 $0x3B80, s23;
	[sflag:s20] =	ssyncadd.s32 $0xFFFFD400  }
0x45: {  	[spmem:s2] =	stream.indirect.scatter.add.f32 [tilespmem:s12], [sflag:$0x4], $0x80, s23, s13, $0xb8;
	[tilespmem:$0x1A400] =	vst v63  }
0x46: {  	_ =	swait.ge [sflag:s17], $0x2C00  }
0x47: {  	[sflag:s17] =	ssyncset.done $0x0  }
0x48: {  	[sflag:s17] =	ssyncadd.s32 $0xFFFFD400  }
0x49: {  	_ =	swait.ge [sflag:s18], $0x2C00  }
0x4a: {  	[sflag:s18] =	ssyncset.done $0x0  }
0x4b: {  	[sflag:s18] =	ssyncadd.s32 $0xFFFFD400  }
0x4c: {  	_ =	swait.ge [sflag:s19], $0x2C00  }
0x4d: {  	[sflag:s19] =	ssyncset.done $0x0  }
0x4e: {  	[sflag:s19] =	ssyncadd.s32 $0xFFFFD400  }
0x4f: {  	_ =	swait.ge [sflag:s20], $0x2C00  }
0x50: {  	s21 =	sadd.s32 $0x1, s21;
	[sflag:s20] =	ssyncset.done $0x0  }
0x51: {  	p0 =	sne.s32 s21, s9;
	[sflag:s20] =	ssyncadd.s32 $0xFFFFD400  }
.Ltmp1:
0x52: {  	[bflag:$0x0] =	sbarrier.arrive $0xFFFF;
	(pc) =	sbr.rel @p0 .LBB2_1-.Ltmp1, $4  }
0x53: {  	[hbm:s8], [sflag:s6] =	dma.local [spmem:s10], $0x2780  }
0x54: {  	_ =	swait.ge [sflag:s11], $0x2780  }
0x55: {  	[sflag:s11] =	ssyncset.done $0x0  }
0x56: {  	[sflag:s11] =	ssyncadd.s32 $0xFFFFD880  }
0x57: {  	_ =	sfence.sel $0x180000  }
0x58: {  	[bflag:$0x0] =	sbarrier.arrive $0xFFFF  }
0x59: {  	p0 =	sne.s32 s0, $0x0;
	_ =	strace $0x9000004A  }
0x5a: {  	s0 =	sadd.s32 @!p0 $0x100000, s1;
	[bflag:$0x2] =	sbarrier.arrive $0xFFFF  }
0x5b: {  	[sflag:s0] =	ssyncadd.tile.s32 @!p0 $0x1;
	_ =	shalt  }
.Lfunc_end2:
_tile_overlayer_lowered:
.L_overlay_start_2:
0x5c: {  	(tag) =	ssettag $0x2  }
0x5d: {  	s0 =	rddreg [dreg:$0x0];
	s2 =	stileid.u32  }
0x5e: {  	s1 =	rddreg [dreg:$0x1];
	p0 =	sne.s32 s2, $0x0  }
0x5f: {  	s3 =	rddreg [dreg:$0x2];
	[bflag:$0x3] =	sbarrier.arrive $0xFFFF;
	s2 =	simm.s32 @!p0 $0x1C05  }
0x60: {  	[timem:s3], [sflag:s2] =	dma.local @!p0 [hbm:s0], s1  }
0x61: {  	s0 =	simm.s32 @!p0 $0x5  }
0x62: {  	_ =	swait.ge @!p0 [sflag:s0], s1  }
0x63: {  	s1 =	ssub.s32 @!p0 $0x0, s1;
	[sflag:s0] =	ssyncset.done @!p0 $0x0  }
0x64: {  	[sflag:s0] =	ssyncadd.s32 @!p0 s1  }
0x65: {  	[bflag:$0x3] =	sbarrier.arrive $0xFFFF  }
0x66: {  	_ =	shalt  }

</sc_bundles>
